<compile_context>
chip_gen: v7x
topology: tpu7x:2x2x1
jax: 0.10.2.dev20260603
libtpu: 0.0.44.dev20260713+nightly
codegen_flags: <defaults>
</compile_context>

<pallas_src>
import functools

import jax
import jax.numpy as jnp
from jax import lax
from jax.experimental import pallas as pl
from jax.experimental.pallas import tpu as pltpu
from jax.experimental.pallas import tpu_sc as plsc

N = 10000
E = 320000
H = 128
G = 64
T = 8

NC = 2
NS = 16
NW = NC * NS
NPAD = 10240
EPAD = 327680
EPW = EPAD // NW
CH = 128
NCHUNK = EPW // CH
RPT = NPAD // NS
DCH = 128

_mesh = plsc.VectorSubcoreMesh(
    core_axis_name="c", subcore_axis_name="s", num_cores=NC, num_subcores=NS)



@functools.partial(
    pl.kernel,
    out_type=jax.ShapeDtypeStruct((NC, NPAD, H), jnp.float32),
    mesh=_mesh,
    scratch_types=[
        pltpu.VMEM((NCHUNK, CH), jnp.int32),
        pltpu.VMEM((CH, H), jnp.float32),
        pltpu.SemaphoreType.DMA,
        pltpu.SemaphoreType.DMA,
        pltpu.VMEM_SHARED((NPAD, H), jnp.float32),
    ],
)
def _sc_deg(dst_hbm, deg_hbm, didx, ones_v, sd0, sd1, acc):
    c = lax.axis_index("c")
    s = lax.axis_index("s")
    wid = c * NS + s

    def fill_zero(i, _):
        ones_v[i // 8, pl.ds((i % 8) * 16, 16)] = jnp.zeros((16,), jnp.float32)
        return 0
    lax.fori_loop(0, CH * (H // 16), fill_zero, 0)

    def zero_acc(j, _):
        pltpu.sync_copy(ones_v, acc.at[pl.ds(s * RPT + j * DCH, DCH)])
        return 0
    lax.fori_loop(0, RPT // DCH, zero_acc, 0)

    def fill_ones(i, _):
        ones_v[i // 8, pl.ds((i % 8) * 16, 16)] = jnp.ones((16,), jnp.float32)
        return 0
    lax.fori_loop(0, CH * (H // 16), fill_ones, 0)

    pltpu.sync_copy(dst_hbm.at[pl.ds(wid * NCHUNK, NCHUNK)], didx)
    plsc.subcore_barrier()

    sd = [sd0, sd1]

    def body(j, _):
        for k in range(2):
            ck = 2 * j + k

            @pl.when(ck >= 2)
            def _():
                pltpu.make_async_copy(ones_v, acc.at[didx.at[ck - 2]],
                                      sd[k]).wait()
            pltpu.async_copy(ones_v, acc.at[didx.at[ck]], sd[k], add=True)
        return 0
    lax.fori_loop(0, NCHUNK // 2, body, 0)

    pltpu.make_async_copy(ones_v, acc.at[didx.at[NCHUNK - 2]], sd0).wait()
    pltpu.make_async_copy(ones_v, acc.at[didx.at[NCHUNK - 1]], sd1).wait()
    plsc.subcore_barrier()

    def dump(j, _):
        r0 = s * RPT + j * DCH
        pltpu.sync_copy(acc.at[pl.ds(r0, DCH)], ones_v)
        pltpu.sync_copy(ones_v, deg_hbm.at[c, pl.ds(r0, DCH)])
        return 0
    lax.fori_loop(0, RPT // DCH, dump, 0)


@functools.partial(
    pl.kernel,
    out_type=jax.ShapeDtypeStruct((NC, NPAD, H), jnp.float32),
    mesh=_mesh,
    scratch_types=[
        pltpu.VMEM((4, CH), jnp.int32),
        pltpu.VMEM((NCHUNK, CH), jnp.int32),
        pltpu.VMEM((CH, H), jnp.float32),
        pltpu.VMEM((CH, H), jnp.float32),
        pltpu.SemaphoreType.DMA,
        pltpu.SemaphoreType.DMA,
        pltpu.SemaphoreType.DMA,
        pltpu.SemaphoreType.DMA,
        pltpu.SemaphoreType.DMA,
        pltpu.SemaphoreType.DMA,
        pltpu.VMEM_SHARED((NPAD, H), jnp.float32),
    ],
)
def _sc_agg(g_hbm, src_hbm, dst_hbm, p_hbm, sidx, didx, rows0, rows1,
            sg0, sg1, si0, si1, si2, si3, acc):
    c = lax.axis_index("c")
    s = lax.axis_index("s")
    wid = c * NS + s
    sg = [sg0, sg1]
    si = [si0, si1, si2, si3]

    def fill_zero(i, _):
        rows0[i // 8, pl.ds((i % 8) * 16, 16)] = jnp.zeros((16,), jnp.float32)
        return 0
    lax.fori_loop(0, CH * (H // 16), fill_zero, 0)

    def zero_acc(j, _):
        pltpu.sync_copy(rows0, acc.at[pl.ds(s * RPT + j * DCH, DCH)])
        return 0
    lax.fori_loop(0, RPT // DCH, zero_acc, 0)

    pltpu.sync_copy(dst_hbm.at[pl.ds(wid * NCHUNK, NCHUNK)], didx)

    rows = [rows0, rows1]
    pltpu.sync_copy(src_hbm.at[wid * NCHUNK], sidx.at[0])
    pltpu.sync_copy(src_hbm.at[wid * NCHUNK + 1], sidx.at[1])
    pltpu.async_copy(g_hbm.at[sidx.at[0]], rows0, sg0)
    pltpu.async_copy(g_hbm.at[sidx.at[1]], rows1, sg1)
    plsc.subcore_barrier()

    def body(j, _):
        c0 = 4 * j
        for k in range(4):
            ck = c0 + k
            kp = k % 2
            kn = (k + 2) % 4
            @pl.when(ck + 2 < NCHUNK)
            def _():
                pltpu.async_copy(src_hbm.at[wid * NCHUNK + ck + 2],
                                 sidx.at[kn], si[kn])
            pltpu.make_async_copy(g_hbm.at[sidx.at[k]], rows[kp], sg[kp]).wait()
            pltpu.sync_copy(rows[kp], acc.at[didx.at[ck]], add=True)
            @pl.when(ck + 2 < NCHUNK)
            def _():
                pltpu.make_async_copy(src_hbm.at[wid * NCHUNK + ck + 2],
                                      sidx.at[kn], si[kn]).wait()
                pltpu.async_copy(g_hbm.at[sidx.at[kn]], rows[kp], sg[kp])
        return 0
    lax.fori_loop(0, NCHUNK // 4, body, 0)

    plsc.subcore_barrier()

    def dump(j, _):
        r0 = s * RPT + j * DCH
        pltpu.sync_copy(acc.at[pl.ds(r0, DCH)], rows0)
        pltpu.sync_copy(rows0, p_hbm.at[c, pl.ds(r0, DCH)])
        return 0
    lax.fori_loop(0, RPT // DCH, dump, 0)



BR = 1024
GRID = NPAD // BR


def _tc_mm_body(x_ref, w_ref, t_ref):
    t_ref[...] = jnp.dot(x_ref[...], w_ref[...],
                         preferred_element_type=jnp.float32)


_tc_mm = pl.pallas_call(
    _tc_mm_body,
    grid=(GRID,),
    in_specs=[
        pl.BlockSpec((BR, H), lambda i: (i, 0)),
        pl.BlockSpec((H, H), lambda i: (0, 0)),
    ],
    out_specs=pl.BlockSpec((BR, H), lambda i: (i, 0)),
    out_shape=jax.ShapeDtypeStruct((NPAD, H), jnp.float32),
)


def _tc1_body(t_ref, d0_ref, d1_ref, g_ref, dis_ref):
    deg = d0_ref[...] + d1_ref[...] + 1.0
    dis = lax.rsqrt(deg)
    g_ref[...] = t_ref[...] * dis
    dis_ref[...] = dis


_tc1 = pl.pallas_call(
    _tc1_body,
    grid=(GRID,),
    in_specs=[
        pl.BlockSpec((BR, H), lambda i: (i, 0)),
        pl.BlockSpec((BR, 1), lambda i: (i, 0)),
        pl.BlockSpec((BR, 1), lambda i: (i, 0)),
    ],
    out_specs=[
        pl.BlockSpec((BR, H), lambda i: (i, 0)),
        pl.BlockSpec((BR, 1), lambda i: (i, 0)),
    ],
    out_shape=[
        jax.ShapeDtypeStruct((NPAD, H), jnp.float32),
        jax.ShapeDtypeStruct((NPAD, 1), jnp.float32),
    ],
)


def _tc_mid_body(p0_ref, p1_ref, g_ref, dis_ref, w_ref, b_ref, out_ref):
    d = dis_ref[...]
    h = jnp.maximum(d * (p0_ref[...] + p1_ref[...] + g_ref[...]) + b_ref[...], 0.0)
    out_ref[...] = d * jnp.dot(h, w_ref[...], preferred_element_type=jnp.float32)


_tc_mid = pl.pallas_call(
    _tc_mid_body,
    grid=(GRID,),
    in_specs=[
        pl.BlockSpec((BR, H), lambda i: (i, 0)),
        pl.BlockSpec((BR, H), lambda i: (i, 0)),
        pl.BlockSpec((BR, H), lambda i: (i, 0)),
        pl.BlockSpec((BR, 1), lambda i: (i, 0)),
        pl.BlockSpec((H, H), lambda i: (0, 0)),
        pl.BlockSpec((1, H), lambda i: (0, 0)),
    ],
    out_specs=pl.BlockSpec((BR, H), lambda i: (i, 0)),
    out_shape=jax.ShapeDtypeStruct((NPAD, H), jnp.float32),
)


def _tc_final_body(p0_ref, p1_ref, g_ref, dis_ref, b_ref, batch_ref, hw_ref,
                   hb_ref, out_ref, sums, cnts):
    i = pl.program_id(0)

    @pl.when(i == 0)
    def _():
        sums[...] = jnp.zeros_like(sums)
        cnts[...] = jnp.zeros_like(cnts)

    d = dis_ref[...]
    h3 = d * (p0_ref[...] + p1_ref[...] + g_ref[...]) + b_ref[...]
    onehot = (batch_ref[...] == lax.broadcasted_iota(jnp.int32, (BR, G), 1)
              ).astype(jnp.float32)
    sums[...] += lax.dot_general(onehot, h3, (((0,), (0,)), ((), ())),
                                 preferred_element_type=jnp.float32)
    cnts[...] += lax.dot_general(onehot, jnp.ones((BR, H), jnp.float32),
                                 (((0,), (0,)), ((), ())),
                                 preferred_element_type=jnp.float32)

    @pl.when(i == GRID - 1)
    def _():
        pooled = sums[...] / jnp.maximum(cnts[...], 1.0)
        out_ref[...] = jnp.dot(pooled, hw_ref[...],
                               preferred_element_type=jnp.float32) + hb_ref[...]


_tc_final = pl.pallas_call(
    _tc_final_body,
    grid=(GRID,),
    in_specs=[
        pl.BlockSpec((BR, H), lambda i: (i, 0)),
        pl.BlockSpec((BR, H), lambda i: (i, 0)),
        pl.BlockSpec((BR, H), lambda i: (i, 0)),
        pl.BlockSpec((BR, 1), lambda i: (i, 0)),
        pl.BlockSpec((1, H), lambda i: (0, 0)),
        pl.BlockSpec((BR, 1), lambda i: (i, 0)),
        pl.BlockSpec((H, T), lambda i: (0, 0)),
        pl.BlockSpec((1, T), lambda i: (0, 0)),
    ],
    out_specs=pl.BlockSpec((G, T), lambda i: (0, 0)),
    out_shape=jax.ShapeDtypeStruct((G, T), jnp.float32),
    scratch_shapes=[
        pltpu.VMEM((G, H), jnp.float32),
        pltpu.VMEM((G, H), jnp.float32),
    ],
)



def kernel(x, edge_index, batch, r_target, W1, b1, W2, b2, W3, b3, head_W, head_b):
    del r_target
    pad_idx = N + jnp.arange(EPAD - E, dtype=jnp.int32) % (NPAD - N)
    srcp = jnp.concatenate([edge_index[0].astype(jnp.int32), pad_idx]
                           ).reshape(EPAD // CH, CH)
    dstp = jnp.concatenate([edge_index[1].astype(jnp.int32), pad_idx]
                           ).reshape(EPAD // CH, CH)
    xp = jnp.zeros((NPAD, H), jnp.float32).at[:N].set(x)
    batchp = jnp.concatenate(
        [batch.astype(jnp.int32), jnp.full((NPAD - N,), G, jnp.int32)]
    ).reshape(NPAD, 1)

    t1 = _tc_mm(xp, W1)
    degh = _sc_deg(dstp)
    deg0 = degh[0, :, 0:1]
    deg1 = degh[1, :, 0:1]
    g1, dis = _tc1(t1, deg0, deg1)
    p = _sc_agg(g1, srcp, dstp)
    g2 = _tc_mid(p[0], p[1], g1, dis, W2, b1.reshape(1, H))
    p = _sc_agg(g2, srcp, dstp)
    g3 = _tc_mid(p[0], p[1], g2, dis, W3, b2.reshape(1, H))
    p = _sc_agg(g3, srcp, dstp)
    out = _tc_final(p[0], p[1], g3, dis, b3.reshape(1, H), batchp,
                    head_W, head_b.reshape(1, T))
    return out

# --- scband reference (transcript-rebuilt; emitter-appended) ---
"""Pipeline reference for scband-gcn-60009283060270 (READ-ONLY COPY).

The authoritative reference and input builder live on the scoring server;
editing this copy changes nothing except your own understanding.
"""

import jax, jax.numpy as jnp
import numpy as np

N = 10000
E = 320000
D_IN = 128
H = 128
G = 64
T = 8


def setup_inputs(seed: int = 0) -> dict:
    key = jax.random.key(seed)
    ks = jax.random.split(key, 12)
    x = jax.random.normal(ks[0], (N, D_IN), dtype=jnp.float32)
    edge_index = jax.random.randint(ks[1], (2, E), 0, N)
    batch = jnp.sort(jax.random.randint(ks[2], (N,), 0, G))
    r_target = jnp.zeros((N,), dtype=jnp.float32)
    s_in = 1.0 / np.sqrt(D_IN)
    s_h = 1.0 / np.sqrt(H)
    W1 = jax.random.normal(ks[3], (D_IN, H), dtype=jnp.float32) * s_in
    b1 = jnp.zeros((H,), dtype=jnp.float32)
    W2 = jax.random.normal(ks[4], (H, H), dtype=jnp.float32) * s_h
    b2 = jnp.zeros((H,), dtype=jnp.float32)
    W3 = jax.random.normal(ks[5], (H, H), dtype=jnp.float32) * s_h
    b3 = jnp.zeros((H,), dtype=jnp.float32)
    head_W = jax.random.normal(ks[6], (H, T), dtype=jnp.float32) * s_h
    head_b = jnp.zeros((T,), dtype=jnp.float32)
    return {"x": x, "edge_index": edge_index, "batch": batch, "r_target": r_target,
            "W1": W1, "b1": b1, "W2": W2, "b2": b2, "W3": W3, "b3": b3,
            "head_W": head_W, "head_b": head_b}


def gcn_conv(x, edge_index, W, b):
    # PyG GCNConv: linear transform, add self-loops, symmetric normalization, scatter-add, bias
    n = x.shape[0]
    h = x @ W
    loop = jnp.arange(n, dtype=edge_index.dtype)
    src = jnp.concatenate([edge_index[0], loop])
    dst = jnp.concatenate([edge_index[1], loop])
    deg = jnp.zeros((n,), dtype=h.dtype).at[dst].add(1.0)
    dis = jnp.where(deg > 0, jax.lax.rsqrt(jnp.maximum(deg, 1.0)), 0.0)
    norm = dis[src] * dis[dst]
    msg = h[src] * norm[:, None]
    out = jnp.zeros_like(h).at[dst].add(msg)
    return out + b


def reference(x, edge_index, batch, r_target, W1, b1, W2, b2, W3, b3, head_W, head_b):
    h = jax.nn.relu(gcn_conv(x, edge_index, W1, b1))
    h = jax.nn.relu(gcn_conv(h, edge_index, W2, b2))
    h = gcn_conv(h, edge_index, W3, b3)
    sums = jax.ops.segment_sum(h, batch, num_segments=G)
    counts = jax.ops.segment_sum(jnp.ones((h.shape[0], 1), dtype=h.dtype), batch, num_segments=G)
    pooled = sums / jnp.maximum(counts, 1.0)
    # dropout p=0.5 is identity in eval mode
    out = pooled @ head_W + head_b
    return out

if __name__ == "__main__":
    import jax
    _d = setup_inputs()
    print(jax.jit(kernel)(*tuple(_d.values())))

</pallas_src>

<mosaic_0001>
#map = affine_map<(d0, d1) -> (0, 0)>
#map1 = affine_map<(d0, d1) -> (0, 0, 0)>
module attributes {stable_mosaic.version = 14 : i64} {
  func.func @_sc_agg(%arg0: i32, %arg1: i32, %arg2: memref<10240x128xf32, #tpu.memory_space<hbm>>, %arg3: memref<2560x128xi32, #tpu.memory_space<hbm>>, %arg4: memref<2560x128xi32, #tpu.memory_space<hbm>>, %arg5: memref<2x10240x128xf32, #tpu.memory_space<hbm>>, %arg6: memref<4x128xi32, #tpu.memory_space<vmem>>, %arg7: memref<80x128xi32, #tpu.memory_space<vmem>>, %arg8: memref<128x128xf32, #tpu.memory_space<vmem>>, %arg9: memref<128x128xf32, #tpu.memory_space<vmem>>, %arg10: memref<!tpu.dma_semaphore, #tpu.memory_space<semaphore_mem>>, %arg11: memref<!tpu.dma_semaphore, #tpu.memory_space<semaphore_mem>>, %arg12: memref<!tpu.dma_semaphore, #tpu.memory_space<semaphore_mem>>, %arg13: memref<!tpu.dma_semaphore, #tpu.memory_space<semaphore_mem>>, %arg14: memref<!tpu.dma_semaphore, #tpu.memory_space<semaphore_mem>>, %arg15: memref<!tpu.dma_semaphore, #tpu.memory_space<semaphore_mem>>, %arg16: memref<10240x128xf32, #tpu.memory_space<vmem_shared>>) attributes {dimension_semantics = [#tpu.dimension_semantics<core_parallel>, #tpu.dimension_semantics<subcore_parallel>], iteration_bounds = array<i64: 2, 16>, scalar_prefetch = 0 : i64, scratch_operands = 11 : i64, tpu.core_type = #tpu.core_type<sc_vector_subcore>, window_params = [{transform_indices = #map}, {transform_indices = #map}, {transform_indices = #map}, {transform_indices = #map1}]} {
    %mul3A = arith.constant 16 : i32
    %mul3A_0 = arith.muli %arg0, %mul3A : i32
    %add3A = arith.addi %mul3A_0, %arg1 : i32
    %scan3A = arith.constant 0 : i32
    %scan3A_1 = arith.constant 0 : i32
    %scan3A_2 = arith.constant 1024 : i32
    %scan3A_3 = arith.addi %scan3A_1, %scan3A_2 : i32
    %scan3A_4 = arith.constant 1 : i32
    %scan3A_5 = scf.for %scan3A_51 = %scan3A_1 to %scan3A_3 step %scan3A_4 iter_args(%scan3A_52 = %scan3A) -> (i32)  : i32 {
      %broadcast_in_dim3A = arith.constant 0.000000e+00 : f32
      %broadcast_in_dim3A_53 = vector.broadcast %broadcast_in_dim3A : f32 to vector<16xf32>
      %jit3A = arith.constant 8 : i32
      %div3A = arith.divsi %scan3A_51, %jit3A : i32
      %sign3A = arith.constant 0 : i32
      %sign3A_54 = arith.cmpi sgt, %scan3A_51, %sign3A : i32
      %sign3A_55 = arith.extui %sign3A_54 : i1 to i32
      %sign3A_56 = arith.constant 0 : i32
      %sign3A_57 = arith.cmpi slt, %scan3A_51, %sign3A_56 : i32
      %sign3A_58 = arith.extui %sign3A_57 : i1 to i32
      %sign3A_59 = arith.subi %sign3A_55, %sign3A_58 : i32
      %sign3A_60 = arith.constant 0 : i32
      %sign3A_61 = arith.cmpi sgt, %jit3A, %sign3A_60 : i32
      %sign3A_62 = arith.extui %sign3A_61 : i1 to i32
      %sign3A_63 = arith.constant 0 : i32
      %sign3A_64 = arith.cmpi slt, %jit3A, %sign3A_63 : i32
      %sign3A_65 = arith.extui %sign3A_64 : i1 to i32
      %sign3A_66 = arith.subi %sign3A_62, %sign3A_65 : i32
      %ne3A = arith.cmpi ne, %sign3A_59, %sign3A_66 : i32
      %rem3A = arith.remsi %scan3A_51, %jit3A : i32
      %ne3A_67 = arith.constant 0 : i32
      %ne3A_68 = arith.cmpi ne, %rem3A, %ne3A_67 : i32
      %and3A = arith.andi %ne3A, %ne3A_68 : i1
      %sub3A = arith.constant 1 : i32
      %sub3A_69 = arith.subi %div3A, %sub3A : i32
      %select_n3A = arith.select %and3A, %sub3A_69, %div3A : i32
      %jit3A_70 = arith.constant 8 : i32
      %eq3A = arith.constant 0 : i32
      %eq3A_71 = arith.cmpi eq, %jit3A_70, %eq3A : i32
      %jit3A_72 = arith.constant 1 : i32
      %select_n3A_73 = arith.select %eq3A_71, %jit3A_72, %jit3A_70 : i32
      %rem3A_74 = arith.remsi %scan3A_51, %select_n3A_73 : i32
      %ne3A_75 = arith.constant 0 : i32
      %ne3A_76 = arith.cmpi ne, %rem3A_74, %ne3A_75 : i32
      %lt3A = arith.constant 0 : i32
      %lt3A_77 = arith.cmpi slt, %rem3A_74, %lt3A : i32
      %lt3A_78 = arith.constant 0 : i32
      %lt3A_79 = arith.cmpi slt, %select_n3A_73, %lt3A_78 : i32
      %ne3A_80 = arith.xori %lt3A_77, %lt3A_79 : i1
      %and3A_81 = arith.andi %ne3A_80, %ne3A_76 : i1
      %add3A_82 = arith.addi %rem3A_74, %select_n3A_73 : i32
      %select_n3A_83 = arith.select %and3A_81, %add3A_82, %rem3A_74 : i32
      %mul3A_84 = arith.constant 16 : i32
      %mul3A_85 = arith.muli %select_n3A_83, %mul3A_84 : i32
      %swap3A = arith.index_cast %select_n3A : i32 to index
      %swap3A_86 = arith.index_cast %mul3A_85 : i32 to index
      %swap3A_87 = tpu.vector_load %arg8[%swap3A, %swap3A_86] {strides = array<i32>} : memref<128x128xf32, #tpu.memory_space<vmem>>, vector<1x16xf32>,
      %swap3A_88 = vector.shape_cast %swap3A_87 : vector<1x16xf32> to vector<16xf32>
      %swap3A_89 = vector.shape_cast %broadcast_in_dim3A_53 : vector<16xf32> to vector<1x16xf32>
      tpu.vector_store %arg8[%swap3A, %swap3A_86], %swap3A_89 {strides = array<i32>} : memref<128x128xf32, #tpu.memory_space<vmem>>, vector<1x16xf32>,
      %scan3A_90 = arith.constant 0 : i32
      scf.yield %scan3A_90 : i32
    }
    %scan3A_6 = arith.constant 1024 : i32
    %scan3A_7 = arith.constant 0 : i32
    %scan3A_8 = arith.constant 0 : i32
    %scan3A_9 = arith.constant 5 : i32
    %scan3A_10 = arith.addi %scan3A_8, %scan3A_9 : i32
    %scan3A_11 = arith.constant 1 : i32
    %scan3A_12 = scf.for %scan3A_51 = %scan3A_8 to %scan3A_10 step %scan3A_11 iter_args(%scan3A_52 = %scan3A_7) -> (i32)  : i32 {
      %mul3A_53 = arith.constant 640 : i32
      %mul3A_54 = arith.muli %arg1, %mul3A_53 : i32
      %mul3A_55 = arith.constant 128 : i32
      %mul3A_56 = arith.muli %scan3A_51, %mul3A_55 : i32
      %add3A_57 = arith.addi %mul3A_54, %mul3A_56 : i32
      "tpu.region"() ({
        %run_scoped3A_59 = tpu.sem_alloc : memref<!tpu.dma_semaphore, #tpu.memory_space<semaphore_mem>>
        %dma_start3A_60 = arith.constant 0 : i32
        %dma_start3A_61 = tpu.memref_slice %arg16[%add3A_57, %dma_start3A_60] : memref<10240x128xf32, #tpu.memory_space<vmem_shared>> -> memref<128x128xf32, #tpu.memory_space<vmem_shared>>
        %dma_start3A_62 = arith.constant 0 : i32
        %dma_start3A_63 = tpu.memref_slice %arg16[%add3A_57, %dma_start3A_62] : memref<10240x128xf32, #tpu.memory_space<vmem_shared>> -> memref<128x128xf32, #tpu.memory_space<vmem_shared>>
        tpu.enqueue_dma source(%arg8 : memref<128x128xf32, #tpu.memory_space<vmem>>) target(%dma_start3A_63 : memref<128x128xf32, #tpu.memory_space<vmem_shared>>) target_semaphore(%run_scoped3A_59 : memref<!tpu.dma_semaphore, #tpu.memory_space<semaphore_mem>>)
        %dma_wait3A = arith.constant 0 : i32
        %dma_wait3A_64 = tpu.memref_slice %arg16[%add3A_57, %dma_wait3A] : memref<10240x128xf32, #tpu.memory_space<vmem_shared>> -> memref<128x128xf32, #tpu.memory_space<vmem_shared>>
        %dma_wait3A_65 = arith.constant 0 : i32
        %dma_wait3A_66 = tpu.memref_slice %arg16[%add3A_57, %dma_wait3A_65] : memref<10240x128xf32, #tpu.memory_space<vmem_shared>> -> memref<128x128xf32, #tpu.memory_space<vmem_shared>>
        tpu.wait_dma2 semaphore(%run_scoped3A_59 : memref<!tpu.dma_semaphore, #tpu.memory_space<semaphore_mem>>) src(%arg8 : memref<128x128xf32, #tpu.memory_space<vmem>>) dst(%dma_wait3A_66 : memref<128x128xf32, #tpu.memory_space<vmem_shared>>)
        tpu.yield
      }) : () -> ()
      %scan3A_58 = arith.constant 0 : i32
      scf.yield %scan3A_58 : i32
    }
    %scan3A_13 = arith.constant 5 : i32
    %mul3A_14 = arith.constant 80 : i32
    %mul3A_15 = arith.muli %add3A, %mul3A_14 : i32
    "tpu.region"() ({
      %run_scoped3A_51 = tpu.sem_alloc : memref<!tpu.dma_semaphore, #tpu.memory_space<semaphore_mem>>
      %dma_start3A_52 = arith.constant 0 : i32
      %dma_start3A_53 = tpu.memref_slice %arg4[%mul3A_15, %dma_start3A_52] : memref<2560x128xi32, #tpu.memory_space<hbm>> -> memref<80x128xi32, #tpu.memory_space<hbm>>
      %dma_start3A_54 = arith.constant 0 : i32
      %dma_start3A_55 = tpu.memref_slice %arg4[%mul3A_15, %dma_start3A_54] : memref<2560x128xi32, #tpu.memory_space<hbm>> -> memref<80x128xi32, #tpu.memory_space<hbm>>
      tpu.enqueue_dma source(%dma_start3A_55 : memref<80x128xi32, #tpu.memory_space<hbm>>) target(%arg7 : memref<80x128xi32, #tpu.memory_space<vmem>>) target_semaphore(%run_scoped3A_51 : memref<!tpu.dma_semaphore, #tpu.memory_space<semaphore_mem>>)
      %dma_wait3A = arith.constant 0 : i32
      %dma_wait3A_56 = tpu.memref_slice %arg4[%mul3A_15, %dma_wait3A] : memref<2560x128xi32, #tpu.memory_space<hbm>> -> memref<80x128xi32, #tpu.memory_space<hbm>>
      %dma_wait3A_57 = arith.constant 0 : i32
      %dma_wait3A_58 = tpu.memref_slice %arg4[%mul3A_15, %dma_wait3A_57] : memref<2560x128xi32, #tpu.memory_space<hbm>> -> memref<80x128xi32, #tpu.memory_space<hbm>>
      tpu.wait_dma2 semaphore(%run_scoped3A_51 : memref<!tpu.dma_semaphore, #tpu.memory_space<semaphore_mem>>) src(%dma_wait3A_58 : memref<80x128xi32, #tpu.memory_space<hbm>>) dst(%arg7 : memref<80x128xi32, #tpu.memory_space<vmem>>)
      tpu.yield
    }) : () -> ()
    %mul3A_16 = arith.constant 80 : i32
    %mul3A_17 = arith.muli %add3A, %mul3A_16 : i32
    %run_scoped3A = arith.constant 0 : i32
    "tpu.region"() ({
      %run_scoped3A_51 = tpu.sem_alloc : memref<!tpu.dma_semaphore, #tpu.memory_space<semaphore_mem>>
      %dma_start3A_52 = arith.constant 0 : i32
      %dma_start3A_53 = tpu.memref_slice %arg6[%run_scoped3A, %dma_start3A_52] : memref<4x128xi32, #tpu.memory_space<vmem>> -> memref<1x128xi32, #tpu.memory_space<vmem>>
      %dma_start3A_54 = tpu.memref_squeeze %dma_start3A_53 : memref<1x128xi32, #tpu.memory_space<vmem>> -> memref<128xi32, #tpu.memory_space<vmem>>
      %dma_start3A_55 = arith.constant 0 : i32
      %dma_start3A_56 = tpu.memref_slice %arg3[%mul3A_17, %dma_start3A_55] : memref<2560x128xi32, #tpu.memory_space<hbm>> -> memref<1x128xi32, #tpu.memory_space<hbm>>
      %dma_start3A_57 = tpu.memref_squeeze %dma_start3A_56 : memref<1x128xi32, #tpu.memory_space<hbm>> -> memref<128xi32, #tpu.memory_space<hbm>>
      %dma_start3A_58 = arith.constant 0 : i32
      %dma_start3A_59 = tpu.memref_slice %arg6[%run_scoped3A, %dma_start3A_58] : memref<4x128xi32, #tpu.memory_space<vmem>> -> memref<1x128xi32, #tpu.memory_space<vmem>>
      %dma_start3A_60 = tpu.memref_squeeze %dma_start3A_59 : memref<1x128xi32, #tpu.memory_space<vmem>> -> memref<128xi32, #tpu.memory_space<vmem>>
      %dma_start3A_61 = arith.constant 0 : i32
      %dma_start3A_62 = tpu.memref_slice %arg3[%mul3A_17, %dma_start3A_61] : memref<2560x128xi32, #tpu.memory_space<hbm>> -> memref<1x128xi32, #tpu.memory_space<hbm>>
      %dma_start3A_63 = tpu.memref_squeeze %dma_start3A_62 : memref<1x128xi32, #tpu.memory_space<hbm>> -> memref<128xi32, #tpu.memory_space<hbm>>
      tpu.enqueue_dma source(%dma_start3A_63 : memref<128xi32, #tpu.memory_space<hbm>>) target(%dma_start3A_60 : memref<128xi32, #tpu.memory_space<vmem>>) target_semaphore(%run_scoped3A_51 : memref<!tpu.dma_semaphore, #tpu.memory_space<semaphore_mem>>)
      %dma_wait3A = arith.constant 0 : i32
      %dma_wait3A_64 = tpu.memref_slice %arg6[%run_scoped3A, %dma_wait3A] : memref<4x128xi32, #tpu.memory_space<vmem>> -> memref<1x128xi32, #tpu.memory_space<vmem>>
      %dma_wait3A_65 = tpu.memref_squeeze %dma_wait3A_64 : memref<1x128xi32, #tpu.memory_space<vmem>> -> memref<128xi32, #tpu.memory_space<vmem>>
      %dma_wait3A_66 = arith.constant 0 : i32
      %dma_wait3A_67 = tpu.memref_slice %arg3[%mul3A_17, %dma_wait3A_66] : memref<2560x128xi32, #tpu.memory_space<hbm>> -> memref<1x128xi32, #tpu.memory_space<hbm>>
      %dma_wait3A_68 = tpu.memref_squeeze %dma_wait3A_67 : memref<1x128xi32, #tpu.memory_space<hbm>> -> memref<128xi32, #tpu.memory_space<hbm>>
      %dma_wait3A_69 = arith.constant 0 : i32
      %dma_wait3A_70 = tpu.memref_slice %arg6[%run_scoped3A, %dma_wait3A_69] : memref<4x128xi32, #tpu.memory_space<vmem>> -> memref<1x128xi32, #tpu.memory_space<vmem>>
      %dma_wait3A_71 = tpu.memref_squeeze %dma_wait3A_70 : memref<1x128xi32, #tpu.memory_space<vmem>> -> memref<128xi32, #tpu.memory_space<vmem>>
      %dma_wait3A_72 = arith.constant 0 : i32
      %dma_wait3A_73 = tpu.memref_slice %arg3[%mul3A_17, %dma_wait3A_72] : memref<2560x128xi32, #tpu.memory_space<hbm>> -> memref<1x128xi32, #tpu.memory_space<hbm>>
      %dma_wait3A_74 = tpu.memref_squeeze %dma_wait3A_73 : memref<1x128xi32, #tpu.memory_space<hbm>> -> memref<128xi32, #tpu.memory_space<hbm>>
      tpu.wait_dma2 semaphore(%run_scoped3A_51 : memref<!tpu.dma_semaphore, #tpu.memory_space<semaphore_mem>>) src(%dma_wait3A_74 : memref<128xi32, #tpu.memory_space<hbm>>) dst(%dma_wait3A_71 : memref<128xi32, #tpu.memory_space<vmem>>)
      tpu.yield
    }) : () -> ()
    %mul3A_18 = arith.constant 80 : i32
    %mul3A_19 = arith.muli %add3A, %mul3A_18 : i32
    %add3A_20 = arith.constant 1 : i32
    %add3A_21 = arith.addi %mul3A_19, %add3A_20 : i32
    %run_scoped3A_22 = arith.constant 1 : i32
    "tpu.region"() ({
      %run_scoped3A_51 = tpu.sem_alloc : memref<!tpu.dma_semaphore, #tpu.memory_space<semaphore_mem>>
      %dma_start3A_52 = arith.constant 0 : i32
      %dma_start3A_53 = tpu.memref_slice %arg6[%run_scoped3A_22, %dma_start3A_52] : memref<4x128xi32, #tpu.memory_space<vmem>> -> memref<1x128xi32, #tpu.memory_space<vmem>>
      %dma_start3A_54 = tpu.memref_squeeze %dma_start3A_53 : memref<1x128xi32, #tpu.memory_space<vmem>> -> memref<128xi32, #tpu.memory_space<vmem>>
      %dma_start3A_55 = arith.constant 0 : i32
      %dma_start3A_56 = tpu.memref_slice %arg3[%add3A_21, %dma_start3A_55] : memref<2560x128xi32, #tpu.memory_space<hbm>> -> memref<1x128xi32, #tpu.memory_space<hbm>>
      %dma_start3A_57 = tpu.memref_squeeze %dma_start3A_56 : memref<1x128xi32, #tpu.memory_space<hbm>> -> memref<128xi32, #tpu.memory_space<hbm>>
      %dma_start3A_58 = arith.constant 0 : i32
      %dma_start3A_59 = tpu.memref_slice %arg6[%run_scoped3A_22, %dma_start3A_58] : memref<4x128xi32, #tpu.memory_space<vmem>> -> memref<1x128xi32, #tpu.memory_space<vmem>>
      %dma_start3A_60 = tpu.memref_squeeze %dma_start3A_59 : memref<1x128xi32, #tpu.memory_space<vmem>> -> memref<128xi32, #tpu.memory_space<vmem>>
      %dma_start3A_61 = arith.constant 0 : i32
      %dma_start3A_62 = tpu.memref_slice %arg3[%add3A_21, %dma_start3A_61] : memref<2560x128xi32, #tpu.memory_space<hbm>> -> memref<1x128xi32, #tpu.memory_space<hbm>>
      %dma_start3A_63 = tpu.memref_squeeze %dma_start3A_62 : memref<1x128xi32, #tpu.memory_space<hbm>> -> memref<128xi32, #tpu.memory_space<hbm>>
      tpu.enqueue_dma source(%dma_start3A_63 : memref<128xi32, #tpu.memory_space<hbm>>) target(%dma_start3A_60 : memref<128xi32, #tpu.memory_space<vmem>>) target_semaphore(%run_scoped3A_51 : memref<!tpu.dma_semaphore, #tpu.memory_space<semaphore_mem>>)
      %dma_wait3A = arith.constant 0 : i32
      %dma_wait3A_64 = tpu.memref_slice %arg6[%run_scoped3A_22, %dma_wait3A] : memref<4x128xi32, #tpu.memory_space<vmem>> -> memref<1x128xi32, #tpu.memory_space<vmem>>
      %dma_wait3A_65 = tpu.memref_squeeze %dma_wait3A_64 : memref<1x128xi32, #tpu.memory_space<vmem>> -> memref<128xi32, #tpu.memory_space<vmem>>
      %dma_wait3A_66 = arith.constant 0 : i32
      %dma_wait3A_67 = tpu.memref_slice %arg3[%add3A_21, %dma_wait3A_66] : memref<2560x128xi32, #tpu.memory_space<hbm>> -> memref<1x128xi32, #tpu.memory_space<hbm>>
      %dma_wait3A_68 = tpu.memref_squeeze %dma_wait3A_67 : memref<1x128xi32, #tpu.memory_space<hbm>> -> memref<128xi32, #tpu.memory_space<hbm>>
      %dma_wait3A_69 = arith.constant 0 : i32
      %dma_wait3A_70 = tpu.memref_slice %arg6[%run_scoped3A_22, %dma_wait3A_69] : memref<4x128xi32, #tpu.memory_space<vmem>> -> memref<1x128xi32, #tpu.memory_space<vmem>>
      %dma_wait3A_71 = tpu.memref_squeeze %dma_wait3A_70 : memref<1x128xi32, #tpu.memory_space<vmem>> -> memref<128xi32, #tpu.memory_space<vmem>>
      %dma_wait3A_72 = arith.constant 0 : i32
      %dma_wait3A_73 = tpu.memref_slice %arg3[%add3A_21, %dma_wait3A_72] : memref<2560x128xi32, #tpu.memory_space<hbm>> -> memref<1x128xi32, #tpu.memory_space<hbm>>
      %dma_wait3A_74 = tpu.memref_squeeze %dma_wait3A_73 : memref<1x128xi32, #tpu.memory_space<hbm>> -> memref<128xi32, #tpu.memory_space<hbm>>
      tpu.wait_dma2 semaphore(%run_scoped3A_51 : memref<!tpu.dma_semaphore, #tpu.memory_space<semaphore_mem>>) src(%dma_wait3A_74 : memref<128xi32, #tpu.memory_space<hbm>>) dst(%dma_wait3A_71 : memref<128xi32, #tpu.memory_space<vmem>>)
      tpu.yield
    }) : () -> ()
    %dma_start3A = arith.constant 0 : i32
    %dma_start3A_23 = arith.constant 0 : i32
    %dma_start3A_24 = tpu.memref_slice %arg6[%dma_start3A, %dma_start3A_23] : memref<4x128xi32, #tpu.memory_space<vmem>> -> memref<1x128xi32, #tpu.memory_space<vmem>>
    %dma_start3A_25 = tpu.memref_squeeze %dma_start3A_24 : memref<1x128xi32, #tpu.memory_space<vmem>> -> memref<128xi32, #tpu.memory_space<vmem>>
    %dma_start3A_26 = arith.constant 0 : i32
    %dma_start3A_27 = arith.constant 0 : i32
    %dma_start3A_28 = tpu.memref_slice %arg2[%dma_start3A_26, %dma_start3A_27] : memref<10240x128xf32, #tpu.memory_space<hbm>> -> memref<10240x128xf32, #tpu.memory_space<hbm>>
    tpu.enqueue_indirect_dma source(%dma_start3A_28 : memref<10240x128xf32, #tpu.memory_space<hbm>>) target(%arg8 : memref<128x128xf32, #tpu.memory_space<vmem>>) offsets(%dma_start3A_25 : memref<128xi32, #tpu.memory_space<vmem>>) semaphore(%arg10 : memref<!tpu.dma_semaphore, #tpu.memory_space<semaphore_mem>>)
    %dma_start3A_29 = arith.constant 1 : i32
    %dma_start3A_30 = arith.constant 0 : i32
    %dma_start3A_31 = tpu.memref_slice %arg6[%dma_start3A_29, %dma_start3A_30] : memref<4x128xi32, #tpu.memory_space<vmem>> -> memref<1x128xi32, #tpu.memory_space<vmem>>
    %dma_start3A_32 = tpu.memref_squeeze %dma_start3A_31 : memref<1x128xi32, #tpu.memory_space<vmem>> -> memref<128xi32, #tpu.memory_space<vmem>>
    %dma_start3A_33 = arith.constant 0 : i32
    %dma_start3A_34 = arith.constant 0 : i32
    %dma_start3A_35 = tpu.memref_slice %arg2[%dma_start3A_33, %dma_start3A_34] : memref<10240x128xf32, #tpu.memory_space<hbm>> -> memref<10240x128xf32, #tpu.memory_space<hbm>>
    tpu.enqueue_indirect_dma source(%dma_start3A_35 : memref<10240x128xf32, #tpu.memory_space<hbm>>) target(%arg9 : memref<128x128xf32, #tpu.memory_space<vmem>>) offsets(%dma_start3A_32 : memref<128xi32, #tpu.memory_space<vmem>>) semaphore(%arg11 : memref<!tpu.dma_semaphore, #tpu.memory_space<semaphore_mem>>)
    %barrier3A = arith.constant 0 : index
    tpu.barrier barrier_id(%barrier3A)
    %scan3A_36 = arith.constant 0 : i32
    %scan3A_37 = arith.constant 0 : i32
    %scan3A_38 = arith.constant 20 : i32
    %scan3A_39 = arith.addi %scan3A_37, %scan3A_38 : i32
    %scan3A_40 = arith.constant 1 : i32
    %scan3A_41 = scf.for %scan3A_51 = %scan3A_37 to %scan3A_39 step %scan3A_40 iter_args(%scan3A_52 = %scan3A_36) -> (i32)  : i32 {
      %mul3A_53 = arith.constant 4 : i32
      %mul3A_54 = arith.muli %mul3A_53, %scan3A_51 : i32
      %add3A_55 = arith.constant 0 : i32
      %add3A_56 = arith.addi %mul3A_54, %add3A_55 : i32
      %add3A_57 = arith.constant 2 : i32
      %add3A_58 = arith.addi %add3A_56, %add3A_57 : i32
      %lt3A = arith.constant 80 : i32
      %lt3A_59 = arith.cmpi slt, %add3A_58, %lt3A : i32
      %convert_element_type3A = arith.extui %lt3A_59 : i1 to i32
      %cond3A = arith.constant 0 : i32
      %cond3A_60 = arith.cmpi ne, %convert_element_type3A, %cond3A : i32
      scf.if %cond3A_60 {
        %mul3A_144 = arith.constant 80 : i32
        %mul3A_145 = arith.muli %add3A, %mul3A_144 : i32
        %add3A_146 = arith.addi %mul3A_145, %add3A_56 : i32
        %add3A_147 = arith.constant 2 : i32
        %add3A_148 = arith.addi %add3A_146, %add3A_147 : i32
        %dma_start3A_149 = arith.constant 2 : i32
        %dma_start3A_150 = arith.constant 0 : i32
        %dma_start3A_151 = tpu.memref_slice %arg6[%dma_start3A_149, %dma_start3A_150] : memref<4x128xi32, #tpu.memory_space<vmem>> -> memref<1x128xi32, #tpu.memory_space<vmem>>
        %dma_start3A_152 = tpu.memref_squeeze %dma_start3A_151 : memref<1x128xi32, #tpu.memory_space<vmem>> -> memref<128xi32, #tpu.memory_space<vmem>>
        %dma_start3A_153 = arith.constant 0 : i32
        %dma_start3A_154 = tpu.memref_slice %arg3[%add3A_148, %dma_start3A_153] : memref<2560x128xi32, #tpu.memory_space<hbm>> -> memref<1x128xi32, #tpu.memory_space<hbm>>
        %dma_start3A_155 = tpu.memref_squeeze %dma_start3A_154 : memref<1x128xi32, #tpu.memory_space<hbm>> -> memref<128xi32, #tpu.memory_space<hbm>>
        %dma_start3A_156 = arith.constant 0 : i32
        %dma_start3A_157 = tpu.memref_slice %arg6[%dma_start3A_149, %dma_start3A_156] : memref<4x128xi32, #tpu.memory_space<vmem>> -> memref<1x128xi32, #tpu.memory_space<vmem>>
        %dma_start3A_158 = tpu.memref_squeeze %dma_start3A_157 : memref<1x128xi32, #tpu.memory_space<vmem>> -> memref<128xi32, #tpu.memory_space<vmem>>
        %dma_start3A_159 = arith.constant 0 : i32
        %dma_start3A_160 = tpu.memref_slice %arg3[%add3A_148, %dma_start3A_159] : memref<2560x128xi32, #tpu.memory_space<hbm>> -> memref<1x128xi32, #tpu.memory_space<hbm>>
        %dma_start3A_161 = tpu.memref_squeeze %dma_start3A_160 : memref<1x128xi32, #tpu.memory_space<hbm>> -> memref<128xi32, #tpu.memory_space<hbm>>
        tpu.enqueue_dma source(%dma_start3A_161 : memref<128xi32, #tpu.memory_space<hbm>>) target(%dma_start3A_158 : memref<128xi32, #tpu.memory_space<vmem>>) target_semaphore(%arg14 : memref<!tpu.dma_semaphore, #tpu.memory_space<semaphore_mem>>)
      } else {
      }
      %dma_wait3A = arith.constant 0 : i32
      %dma_wait3A_61 = arith.constant 0 : i32
      %dma_wait3A_62 = tpu.memref_slice %arg6[%dma_wait3A, %dma_wait3A_61] : memref<4x128xi32, #tpu.memory_space<vmem>> -> memref<1x128xi32, #tpu.memory_space<vmem>>
      %dma_wait3A_63 = tpu.memref_squeeze %dma_wait3A_62 : memref<1x128xi32, #tpu.memory_space<vmem>> -> memref<128xi32, #tpu.memory_space<vmem>>
      %dma_wait3A_64 = arith.constant 0 : i32
      %dma_wait3A_65 = arith.constant 0 : i32
      %dma_wait3A_66 = tpu.memref_slice %arg2[%dma_wait3A_64, %dma_wait3A_65] : memref<10240x128xf32, #tpu.memory_space<hbm>> -> memref<10240x128xf32, #tpu.memory_space<hbm>>
      tpu.wait_indirect_dma semaphore(%arg10 : memref<!tpu.dma_semaphore, #tpu.memory_space<semaphore_mem>>) src(%dma_wait3A_66 : memref<10240x128xf32, #tpu.memory_space<hbm>>) dst(%arg8 : memref<128x128xf32, #tpu.memory_space<vmem>>)
      "tpu.region"() ({
        %run_scoped3A_144 = tpu.sem_alloc : memref<!tpu.dma_semaphore, #tpu.memory_space<semaphore_mem>>
        %dma_start3A_145 = arith.constant 0 : i32
        %dma_start3A_146 = tpu.memref_slice %arg7[%add3A_56, %dma_start3A_145] : memref<80x128xi32, #tpu.memory_space<vmem>> -> memref<1x128xi32, #tpu.memory_space<vmem>>
        %dma_start3A_147 = tpu.memref_squeeze %dma_start3A_146 : memref<1x128xi32, #tpu.memory_space<vmem>> -> memref<128xi32, #tpu.memory_space<vmem>>
        %dma_start3A_148 = arith.constant 0 : i32
        %dma_start3A_149 = arith.constant 0 : i32
        %dma_start3A_150 = tpu.memref_slice %arg16[%dma_start3A_148, %dma_start3A_149] : memref<10240x128xf32, #tpu.memory_space<vmem_shared>> -> memref<10240x128xf32, #tpu.memory_space<vmem_shared>>
        tpu.enqueue_indirect_dma source(%arg8 : memref<128x128xf32, #tpu.memory_space<vmem>>) target(%dma_start3A_150 : memref<10240x128xf32, #tpu.memory_space<vmem_shared>>) offsets(%dma_start3A_147 : memref<128xi32, #tpu.memory_space<vmem>>) semaphore(%run_scoped3A_144 : memref<!tpu.dma_semaphore, #tpu.memory_space<semaphore_mem>>) {add = true}
        %dma_wait3A_151 = arith.constant 0 : i32
        %dma_wait3A_152 = tpu.memref_slice %arg7[%add3A_56, %dma_wait3A_151] : memref<80x128xi32, #tpu.memory_space<vmem>> -> memref<1x128xi32, #tpu.memory_space<vmem>>
        %dma_wait3A_153 = tpu.memref_squeeze %dma_wait3A_152 : memref<1x128xi32, #tpu.memory_space<vmem>> -> memref<128xi32, #tpu.memory_space<vmem>>
        %dma_wait3A_154 = arith.constant 0 : i32
        %dma_wait3A_155 = arith.constant 0 : i32
        %dma_wait3A_156 = tpu.memref_slice %arg16[%dma_wait3A_154, %dma_wait3A_155] : memref<10240x128xf32, #tpu.memory_space<vmem_shared>> -> memref<10240x128xf32, #tpu.memory_space<vmem_shared>>
        tpu.wait_indirect_dma semaphore(%run_scoped3A_144 : memref<!tpu.dma_semaphore, #tpu.memory_space<semaphore_mem>>) src(%arg8 : memref<128x128xf32, #tpu.memory_space<vmem>>) dst(%dma_wait3A_156 : memref<10240x128xf32, #tpu.memory_space<vmem_shared>>)
        tpu.yield
      }) : () -> ()
      %add3A_67 = arith.constant 2 : i32
      %add3A_68 = arith.addi %add3A_56, %add3A_67 : i32
      %lt3A_69 = arith.constant 80 : i32
      %lt3A_70 = arith.cmpi slt, %add3A_68, %lt3A_69 : i32
      %convert_element_type3A_71 = arith.extui %lt3A_70 : i1 to i32
      %cond3A_72 = arith.constant 0 : i32
      %cond3A_73 = arith.cmpi ne, %convert_element_type3A_71, %cond3A_72 : i32
      scf.if %cond3A_73 {
        %mul3A_144 = arith.constant 80 : i32
        %mul3A_145 = arith.muli %add3A, %mul3A_144 : i32
        %add3A_146 = arith.addi %mul3A_145, %add3A_56 : i32
        %add3A_147 = arith.constant 2 : i32
        %add3A_148 = arith.addi %add3A_146, %add3A_147 : i32
        %dma_wait3A_149 = arith.constant 2 : i32
        %dma_wait3A_150 = arith.constant 0 : i32
        %dma_wait3A_151 = tpu.memref_slice %arg6[%dma_wait3A_149, %dma_wait3A_150] : memref<4x128xi32, #tpu.memory_space<vmem>> -> memref<1x128xi32, #tpu.memory_space<vmem>>
        %dma_wait3A_152 = tpu.memref_squeeze %dma_wait3A_151 : memref<1x128xi32, #tpu.memory_space<vmem>> -> memref<128xi32, #tpu.memory_space<vmem>>
        %dma_wait3A_153 = arith.constant 0 : i32
        %dma_wait3A_154 = tpu.memref_slice %arg3[%add3A_148, %dma_wait3A_153] : memref<2560x128xi32, #tpu.memory_space<hbm>> -> memref<1x128xi32, #tpu.memory_space<hbm>>
        %dma_wait3A_155 = tpu.memref_squeeze %dma_wait3A_154 : memref<1x128xi32, #tpu.memory_space<hbm>> -> memref<128xi32, #tpu.memory_space<hbm>>
        %dma_wait3A_156 = arith.constant 0 : i32
        %dma_wait3A_157 = tpu.memref_slice %arg6[%dma_wait3A_149, %dma_wait3A_156] : memref<4x128xi32, #tpu.memory_space<vmem>> -> memref<1x128xi32, #tpu.memory_space<vmem>>
        %dma_wait3A_158 = tpu.memref_squeeze %dma_wait3A_157 : memref<1x128xi32, #tpu.memory_space<vmem>> -> memref<128xi32, #tpu.memory_space<vmem>>
        %dma_wait3A_159 = arith.constant 0 : i32
        %dma_wait3A_160 = tpu.memref_slice %arg3[%add3A_148, %dma_wait3A_159] : memref<2560x128xi32, #tpu.memory_space<hbm>> -> memref<1x128xi32, #tpu.memory_space<hbm>>
        %dma_wait3A_161 = tpu.memref_squeeze %dma_wait3A_160 : memref<1x128xi32, #tpu.memory_space<hbm>> -> memref<128xi32, #tpu.memory_space<hbm>>
        tpu.wait_dma2 semaphore(%arg14 : memref<!tpu.dma_semaphore, #tpu.memory_space<semaphore_mem>>) src(%dma_wait3A_161 : memref<128xi32, #tpu.memory_space<hbm>>) dst(%dma_wait3A_158 : memref<128xi32, #tpu.memory_space<vmem>>)
        %dma_start3A_162 = arith.constant 2 : i32
        %dma_start3A_163 = arith.constant 0 : i32
        %dma_start3A_164 = tpu.memref_slice %arg6[%dma_start3A_162, %dma_start3A_163] : memref<4x128xi32, #tpu.memory_space<vmem>> -> memref<1x128xi32, #tpu.memory_space<vmem>>
        %dma_start3A_165 = tpu.memref_squeeze %dma_start3A_164 : memref<1x128xi32, #tpu.memory_space<vmem>> -> memref<128xi32, #tpu.memory_space<vmem>>
        %dma_start3A_166 = arith.constant 0 : i32
        %dma_start3A_167 = arith.constant 0 : i32
        %dma_start3A_168 = tpu.memref_slice %arg2[%dma_start3A_166, %dma_start3A_167] : memref<10240x128xf32, #tpu.memory_space<hbm>> -> memref<10240x128xf32, #tpu.memory_space<hbm>>
        tpu.enqueue_indirect_dma source(%dma_start3A_168 : memref<10240x128xf32, #tpu.memory_space<hbm>>) target(%arg8 : memref<128x128xf32, #tpu.memory_space<vmem>>) offsets(%dma_start3A_165 : memref<128xi32, #tpu.memory_space<vmem>>) semaphore(%arg10 : memref<!tpu.dma_semaphore, #tpu.memory_space<semaphore_mem>>)
      } else {
      }
      %add3A_74 = arith.constant 1 : i32
      %add3A_75 = arith.addi %mul3A_54, %add3A_74 : i32
      %add3A_76 = arith.constant 2 : i32
      %add3A_77 = arith.addi %add3A_75, %add3A_76 : i32
      %lt3A_78 = arith.constant 80 : i32
      %lt3A_79 = arith.cmpi slt, %add3A_77, %lt3A_78 : i32
      %convert_element_type3A_80 = arith.extui %lt3A_79 : i1 to i32
      %cond3A_81 = arith.constant 0 : i32
      %cond3A_82 = arith.cmpi ne, %convert_element_type3A_80, %cond3A_81 : i32
      scf.if %cond3A_82 {
        %mul3A_144 = arith.constant 80 : i32
        %mul3A_145 = arith.muli %add3A, %mul3A_144 : i32
        %add3A_146 = arith.addi %mul3A_145, %add3A_75 : i32
        %add3A_147 = arith.constant 2 : i32
        %add3A_148 = arith.addi %add3A_146, %add3A_147 : i32
        %dma_start3A_149 = arith.constant 3 : i32
        %dma_start3A_150 = arith.constant 0 : i32
        %dma_start3A_151 = tpu.memref_slice %arg6[%dma_start3A_149, %dma_start3A_150] : memref<4x128xi32, #tpu.memory_space<vmem>> -> memref<1x128xi32, #tpu.memory_space<vmem>>
        %dma_start3A_152 = tpu.memref_squeeze %dma_start3A_151 : memref<1x128xi32, #tpu.memory_space<vmem>> -> memref<128xi32, #tpu.memory_space<vmem>>
        %dma_start3A_153 = arith.constant 0 : i32
        %dma_start3A_154 = tpu.memref_slice %arg3[%add3A_148, %dma_start3A_153] : memref<2560x128xi32, #tpu.memory_space<hbm>> -> memref<1x128xi32, #tpu.memory_space<hbm>>
        %dma_start3A_155 = tpu.memref_squeeze %dma_start3A_154 : memref<1x128xi32, #tpu.memory_space<hbm>> -> memref<128xi32, #tpu.memory_space<hbm>>
        %dma_start3A_156 = arith.constant 0 : i32
        %dma_start3A_157 = tpu.memref_slice %arg6[%dma_start3A_149, %dma_start3A_156] : memref<4x128xi32, #tpu.memory_space<vmem>> -> memref<1x128xi32, #tpu.memory_space<vmem>>
        %dma_start3A_158 = tpu.memref_squeeze %dma_start3A_157 : memref<1x128xi32, #tpu.memory_space<vmem>> -> memref<128xi32, #tpu.memory_space<vmem>>
        %dma_start3A_159 = arith.constant 0 : i32
        %dma_start3A_160 = tpu.memref_slice %arg3[%add3A_148, %dma_start3A_159] : memref<2560x128xi32, #tpu.memory_space<hbm>> -> memref<1x128xi32, #tpu.memory_space<hbm>>
        %dma_start3A_161 = tpu.memref_squeeze %dma_start3A_160 : memref<1x128xi32, #tpu.memory_space<hbm>> -> memref<128xi32, #tpu.memory_space<hbm>>
        tpu.enqueue_dma source(%dma_start3A_161 : memref<128xi32, #tpu.memory_space<hbm>>) target(%dma_start3A_158 : memref<128xi32, #tpu.memory_space<vmem>>) target_semaphore(%arg15 : memref<!tpu.dma_semaphore, #tpu.memory_space<semaphore_mem>>)
      } else {
      }
      %dma_wait3A_83 = arith.constant 1 : i32
      %dma_wait3A_84 = arith.constant 0 : i32
      %dma_wait3A_85 = tpu.memref_slice %arg6[%dma_wait3A_83, %dma_wait3A_84] : memref<4x128xi32, #tpu.memory_space<vmem>> -> memref<1x128xi32, #tpu.memory_space<vmem>>
      %dma_wait3A_86 = tpu.memref_squeeze %dma_wait3A_85 : memref<1x128xi32, #tpu.memory_space<vmem>> -> memref<128xi32, #tpu.memory_space<vmem>>
      %dma_wait3A_87 = arith.constant 0 : i32
      %dma_wait3A_88 = arith.constant 0 : i32
      %dma_wait3A_89 = tpu.memref_slice %arg2[%dma_wait3A_87, %dma_wait3A_88] : memref<10240x128xf32, #tpu.memory_space<hbm>> -> memref<10240x128xf32, #tpu.memory_space<hbm>>
      tpu.wait_indirect_dma semaphore(%arg11 : memref<!tpu.dma_semaphore, #tpu.memory_space<semaphore_mem>>) src(%dma_wait3A_89 : memref<10240x128xf32, #tpu.memory_space<hbm>>) dst(%arg9 : memref<128x128xf32, #tpu.memory_space<vmem>>)
      "tpu.region"() ({
        %run_scoped3A_144 = tpu.sem_alloc : memref<!tpu.dma_semaphore, #tpu.memory_space<semaphore_mem>>
        %dma_start3A_145 = arith.constant 0 : i32
        %dma_start3A_146 = tpu.memref_slice %arg7[%add3A_75, %dma_start3A_145] : memref<80x128xi32, #tpu.memory_space<vmem>> -> memref<1x128xi32, #tpu.memory_space<vmem>>
        %dma_start3A_147 = tpu.memref_squeeze %dma_start3A_146 : memref<1x128xi32, #tpu.memory_space<vmem>> -> memref<128xi32, #tpu.memory_space<vmem>>
        %dma_start3A_148 = arith.constant 0 : i32
        %dma_start3A_149 = arith.constant 0 : i32
        %dma_start3A_150 = tpu.memref_slice %arg16[%dma_start3A_148, %dma_start3A_149] : memref<10240x128xf32, #tpu.memory_space<vmem_shared>> -> memref<10240x128xf32, #tpu.memory_space<vmem_shared>>
        tpu.enqueue_indirect_dma source(%arg9 : memref<128x128xf32, #tpu.memory_space<vmem>>) target(%dma_start3A_150 : memref<10240x128xf32, #tpu.memory_space<vmem_shared>>) offsets(%dma_start3A_147 : memref<128xi32, #tpu.memory_space<vmem>>) semaphore(%run_scoped3A_144 : memref<!tpu.dma_semaphore, #tpu.memory_space<semaphore_mem>>) {add = true}
        %dma_wait3A_151 = arith.constant 0 : i32
        %dma_wait3A_152 = tpu.memref_slice %arg7[%add3A_75, %dma_wait3A_151] : memref<80x128xi32, #tpu.memory_space<vmem>> -> memref<1x128xi32, #tpu.memory_space<vmem>>
        %dma_wait3A_153 = tpu.memref_squeeze %dma_wait3A_152 : memref<1x128xi32, #tpu.memory_space<vmem>> -> memref<128xi32, #tpu.memory_space<vmem>>
        %dma_wait3A_154 = arith.constant 0 : i32
        %dma_wait3A_155 = arith.constant 0 : i32
        %dma_wait3A_156 = tpu.memref_slice %arg16[%dma_wait3A_154, %dma_wait3A_155] : memref<10240x128xf32, #tpu.memory_space<vmem_shared>> -> memref<10240x128xf32, #tpu.memory_space<vmem_shared>>
        tpu.wait_indirect_dma semaphore(%run_scoped3A_144 : memref<!tpu.dma_semaphore, #tpu.memory_space<semaphore_mem>>) src(%arg9 : memref<128x128xf32, #tpu.memory_space<vmem>>) dst(%dma_wait3A_156 : memref<10240x128xf32, #tpu.memory_space<vmem_shared>>)
        tpu.yield
      }) : () -> ()
      %add3A_90 = arith.constant 2 : i32
      %add3A_91 = arith.addi %add3A_75, %add3A_90 : i32
      %lt3A_92 = arith.constant 80 : i32
      %lt3A_93 = arith.cmpi slt, %add3A_91, %lt3A_92 : i32
      %convert_element_type3A_94 = arith.extui %lt3A_93 : i1 to i32
      %cond3A_95 = arith.constant 0 : i32
      %cond3A_96 = arith.cmpi ne, %convert_element_type3A_94, %cond3A_95 : i32
      scf.if %cond3A_96 {
        %mul3A_144 = arith.constant 80 : i32
        %mul3A_145 = arith.muli %add3A, %mul3A_144 : i32
        %add3A_146 = arith.addi %mul3A_145, %add3A_75 : i32
        %add3A_147 = arith.constant 2 : i32
        %add3A_148 = arith.addi %add3A_146, %add3A_147 : i32
        %dma_wait3A_149 = arith.constant 3 : i32
        %dma_wait3A_150 = arith.constant 0 : i32
        %dma_wait3A_151 = tpu.memref_slice %arg6[%dma_wait3A_149, %dma_wait3A_150] : memref<4x128xi32, #tpu.memory_space<vmem>> -> memref<1x128xi32, #tpu.memory_space<vmem>>
        %dma_wait3A_152 = tpu.memref_squeeze %dma_wait3A_151 : memref<1x128xi32, #tpu.memory_space<vmem>> -> memref<128xi32, #tpu.memory_space<vmem>>
        %dma_wait3A_153 = arith.constant 0 : i32
        %dma_wait3A_154 = tpu.memref_slice %arg3[%add3A_148, %dma_wait3A_153] : memref<2560x128xi32, #tpu.memory_space<hbm>> -> memref<1x128xi32, #tpu.memory_space<hbm>>
        %dma_wait3A_155 = tpu.memref_squeeze %dma_wait3A_154 : memref<1x128xi32, #tpu.memory_space<hbm>> -> memref<128xi32, #tpu.memory_space<hbm>>
        %dma_wait3A_156 = arith.constant 0 : i32
        %dma_wait3A_157 = tpu.memref_slice %arg6[%dma_wait3A_149, %dma_wait3A_156] : memref<4x128xi32, #tpu.memory_space<vmem>> -> memref<1x128xi32, #tpu.memory_space<vmem>>
        %dma_wait3A_158 = tpu.memref_squeeze %dma_wait3A_157 : memref<1x128xi32, #tpu.memory_space<vmem>> -> memref<128xi32, #tpu.memory_space<vmem>>
        %dma_wait3A_159 = arith.constant 0 : i32
        %dma_wait3A_160 = tpu.memref_slice %arg3[%add3A_148, %dma_wait3A_159] : memref<2560x128xi32, #tpu.memory_space<hbm>> -> memref<1x128xi32, #tpu.memory_space<hbm>>
        %dma_wait3A_161 = tpu.memref_squeeze %dma_wait3A_160 : memref<1x128xi32, #tpu.memory_space<hbm>> -> memref<128xi32, #tpu.memory_space<hbm>>
        tpu.wait_dma2 semaphore(%arg15 : memref<!tpu.dma_semaphore, #tpu.memory_space<semaphore_mem>>) src(%dma_wait3A_161 : memref<128xi32, #tpu.memory_space<hbm>>) dst(%dma_wait3A_158 : memref<128xi32, #tpu.memory_space<vmem>>)
        %dma_start3A_162 = arith.constant 3 : i32
        %dma_start3A_163 = arith.constant 0 : i32
        %dma_start3A_164 = tpu.memref_slice %arg6[%dma_start3A_162, %dma_start3A_163] : memref<4x128xi32, #tpu.memory_space<vmem>> -> memref<1x128xi32, #tpu.memory_space<vmem>>
        %dma_start3A_165 = tpu.memref_squeeze %dma_start3A_164 : memref<1x128xi32, #tpu.memory_space<vmem>> -> memref<128xi32, #tpu.memory_space<vmem>>
        %dma_start3A_166 = arith.constant 0 : i32
        %dma_start3A_167 = arith.constant 0 : i32
        %dma_start3A_168 = tpu.memref_slice %arg2[%dma_start3A_166, %dma_start3A_167] : memref<10240x128xf32, #tpu.memory_space<hbm>> -> memref<10240x128xf32, #tpu.memory_space<hbm>>
        tpu.enqueue_indirect_dma source(%dma_start3A_168 : memref<10240x128xf32, #tpu.memory_space<hbm>>) target(%arg9 : memref<128x128xf32, #tpu.memory_space<vmem>>) offsets(%dma_start3A_165 : memref<128xi32, #tpu.memory_space<vmem>>) semaphore(%arg11 : memref<!tpu.dma_semaphore, #tpu.memory_space<semaphore_mem>>)
      } else {
      }
      %add3A_97 = arith.constant 2 : i32
      %add3A_98 = arith.addi %mul3A_54, %add3A_97 : i32
      %add3A_99 = arith.constant 2 : i32
      %add3A_100 = arith.addi %add3A_98, %add3A_99 : i32
      %lt3A_101 = arith.constant 80 : i32
      %lt3A_102 = arith.cmpi slt, %add3A_100, %lt3A_101 : i32
      %convert_element_type3A_103 = arith.extui %lt3A_102 : i1 to i32
      %cond3A_104 = arith.constant 0 : i32
      %cond3A_105 = arith.cmpi ne, %convert_element_type3A_103, %cond3A_104 : i32
      scf.if %cond3A_105 {
        %mul3A_144 = arith.constant 80 : i32
        %mul3A_145 = arith.muli %add3A, %mul3A_144 : i32
        %add3A_146 = arith.addi %mul3A_145, %add3A_98 : i32
        %add3A_147 = arith.constant 2 : i32
        %add3A_148 = arith.addi %add3A_146, %add3A_147 : i32
        %dma_start3A_149 = arith.constant 0 : i32
        %dma_start3A_150 = arith.constant 0 : i32
        %dma_start3A_151 = tpu.memref_slice %arg6[%dma_start3A_149, %dma_start3A_150] : memref<4x128xi32, #tpu.memory_space<vmem>> -> memref<1x128xi32, #tpu.memory_space<vmem>>
        %dma_start3A_152 = tpu.memref_squeeze %dma_start3A_151 : memref<1x128xi32, #tpu.memory_space<vmem>> -> memref<128xi32, #tpu.memory_space<vmem>>
        %dma_start3A_153 = arith.constant 0 : i32
        %dma_start3A_154 = tpu.memref_slice %arg3[%add3A_148, %dma_start3A_153] : memref<2560x128xi32, #tpu.memory_space<hbm>> -> memref<1x128xi32, #tpu.memory_space<hbm>>
        %dma_start3A_155 = tpu.memref_squeeze %dma_start3A_154 : memref<1x128xi32, #tpu.memory_space<hbm>> -> memref<128xi32, #tpu.memory_space<hbm>>
        %dma_start3A_156 = arith.constant 0 : i32
        %dma_start3A_157 = tpu.memref_slice %arg6[%dma_start3A_149, %dma_start3A_156] : memref<4x128xi32, #tpu.memory_space<vmem>> -> memref<1x128xi32, #tpu.memory_space<vmem>>
        %dma_start3A_158 = tpu.memref_squeeze %dma_start3A_157 : memref<1x128xi32, #tpu.memory_space<vmem>> -> memref<128xi32, #tpu.memory_space<vmem>>
        %dma_start3A_159 = arith.constant 0 : i32
        %dma_start3A_160 = tpu.memref_slice %arg3[%add3A_148, %dma_start3A_159] : memref<2560x128xi32, #tpu.memory_space<hbm>> -> memref<1x128xi32, #tpu.memory_space<hbm>>
        %dma_start3A_161 = tpu.memref_squeeze %dma_start3A_160 : memref<1x128xi32, #tpu.memory_space<hbm>> -> memref<128xi32, #tpu.memory_space<hbm>>
        tpu.enqueue_dma source(%dma_start3A_161 : memref<128xi32, #tpu.memory_space<hbm>>) target(%dma_start3A_158 : memref<128xi32, #tpu.memory_space<vmem>>) target_semaphore(%arg12 : memref<!tpu.dma_semaphore, #tpu.memory_space<semaphore_mem>>)
      } else {
      }
      %dma_wait3A_106 = arith.constant 2 : i32
      %dma_wait3A_107 = arith.constant 0 : i32
      %dma_wait3A_108 = tpu.memref_slice %arg6[%dma_wait3A_106, %dma_wait3A_107] : memref<4x128xi32, #tpu.memory_space<vmem>> -> memref<1x128xi32, #tpu.memory_space<vmem>>
      %dma_wait3A_109 = tpu.memref_squeeze %dma_wait3A_108 : memref<1x128xi32, #tpu.memory_space<vmem>> -> memref<128xi32, #tpu.memory_space<vmem>>
      %dma_wait3A_110 = arith.constant 0 : i32
      %dma_wait3A_111 = arith.constant 0 : i32
      %dma_wait3A_112 = tpu.memref_slice %arg2[%dma_wait3A_110, %dma_wait3A_111] : memref<10240x128xf32, #tpu.memory_space<hbm>> -> memref<10240x128xf32, #tpu.memory_space<hbm>>
      tpu.wait_indirect_dma semaphore(%arg10 : memref<!tpu.dma_semaphore, #tpu.memory_space<semaphore_mem>>) src(%dma_wait3A_112 : memref<10240x128xf32, #tpu.memory_space<hbm>>) dst(%arg8 : memref<128x128xf32, #tpu.memory_space<vmem>>)
      "tpu.region"() ({
        %run_scoped3A_144 = tpu.sem_alloc : memref<!tpu.dma_semaphore, #tpu.memory_space<semaphore_mem>>
        %dma_start3A_145 = arith.constant 0 : i32
        %dma_start3A_146 = tpu.memref_slice %arg7[%add3A_98, %dma_start3A_145] : memref<80x128xi32, #tpu.memory_space<vmem>> -> memref<1x128xi32, #tpu.memory_space<vmem>>
        %dma_start3A_147 = tpu.memref_squeeze %dma_start3A_146 : memref<1x128xi32, #tpu.memory_space<vmem>> -> memref<128xi32, #tpu.memory_space<vmem>>
        %dma_start3A_148 = arith.constant 0 : i32
        %dma_start3A_149 = arith.constant 0 : i32
        %dma_start3A_150 = tpu.memref_slice %arg16[%dma_start3A_148, %dma_start3A_149] : memref<10240x128xf32, #tpu.memory_space<vmem_shared>> -> memref<10240x128xf32, #tpu.memory_space<vmem_shared>>
        tpu.enqueue_indirect_dma source(%arg8 : memref<128x128xf32, #tpu.memory_space<vmem>>) target(%dma_start3A_150 : memref<10240x128xf32, #tpu.memory_space<vmem_shared>>) offsets(%dma_start3A_147 : memref<128xi32, #tpu.memory_space<vmem>>) semaphore(%run_scoped3A_144 : memref<!tpu.dma_semaphore, #tpu.memory_space<semaphore_mem>>) {add = true}
        %dma_wait3A_151 = arith.constant 0 : i32
        %dma_wait3A_152 = tpu.memref_slice %arg7[%add3A_98, %dma_wait3A_151] : memref<80x128xi32, #tpu.memory_space<vmem>> -> memref<1x128xi32, #tpu.memory_space<vmem>>
        %dma_wait3A_153 = tpu.memref_squeeze %dma_wait3A_152 : memref<1x128xi32, #tpu.memory_space<vmem>> -> memref<128xi32, #tpu.memory_space<vmem>>
        %dma_wait3A_154 = arith.constant 0 : i32
        %dma_wait3A_155 = arith.constant 0 : i32
        %dma_wait3A_156 = tpu.memref_slice %arg16[%dma_wait3A_154, %dma_wait3A_155] : memref<10240x128xf32, #tpu.memory_space<vmem_shared>> -> memref<10240x128xf32, #tpu.memory_space<vmem_shared>>
        tpu.wait_indirect_dma semaphore(%run_scoped3A_144 : memref<!tpu.dma_semaphore, #tpu.memory_space<semaphore_mem>>) src(%arg8 : memref<128x128xf32, #tpu.memory_space<vmem>>) dst(%dma_wait3A_156 : memref<10240x128xf32, #tpu.memory_space<vmem_shared>>)
        tpu.yield
      }) : () -> ()
      %add3A_113 = arith.constant 2 : i32
      %add3A_114 = arith.addi %add3A_98, %add3A_113 : i32
      %lt3A_115 = arith.constant 80 : i32
      %lt3A_116 = arith.cmpi slt, %add3A_114, %lt3A_115 : i32
      %convert_element_type3A_117 = arith.extui %lt3A_116 : i1 to i32
      %cond3A_118 = arith.constant 0 : i32
      %cond3A_119 = arith.cmpi ne, %convert_element_type3A_117, %cond3A_118 : i32
      scf.if %cond3A_119 {
        %mul3A_144 = arith.constant 80 : i32
        %mul3A_145 = arith.muli %add3A, %mul3A_144 : i32
        %add3A_146 = arith.addi %mul3A_145, %add3A_98 : i32
        %add3A_147 = arith.constant 2 : i32
        %add3A_148 = arith.addi %add3A_146, %add3A_147 : i32
        %dma_wait3A_149 = arith.constant 0 : i32
        %dma_wait3A_150 = arith.constant 0 : i32
        %dma_wait3A_151 = tpu.memref_slice %arg6[%dma_wait3A_149, %dma_wait3A_150] : memref<4x128xi32, #tpu.memory_space<vmem>> -> memref<1x128xi32, #tpu.memory_space<vmem>>
        %dma_wait3A_152 = tpu.memref_squeeze %dma_wait3A_151 : memref<1x128xi32, #tpu.memory_space<vmem>> -> memref<128xi32, #tpu.memory_space<vmem>>
        %dma_wait3A_153 = arith.constant 0 : i32
        %dma_wait3A_154 = tpu.memref_slice %arg3[%add3A_148, %dma_wait3A_153] : memref<2560x128xi32, #tpu.memory_space<hbm>> -> memref<1x128xi32, #tpu.memory_space<hbm>>
        %dma_wait3A_155 = tpu.memref_squeeze %dma_wait3A_154 : memref<1x128xi32, #tpu.memory_space<hbm>> -> memref<128xi32, #tpu.memory_space<hbm>>
        %dma_wait3A_156 = arith.constant 0 : i32
        %dma_wait3A_157 = tpu.memref_slice %arg6[%dma_wait3A_149, %dma_wait3A_156] : memref<4x128xi32, #tpu.memory_space<vmem>> -> memref<1x128xi32, #tpu.memory_space<vmem>>
        %dma_wait3A_158 = tpu.memref_squeeze %dma_wait3A_157 : memref<1x128xi32, #tpu.memory_space<vmem>> -> memref<128xi32, #tpu.memory_space<vmem>>
        %dma_wait3A_159 = arith.constant 0 : i32
        %dma_wait3A_160 = tpu.memref_slice %arg3[%add3A_148, %dma_wait3A_159] : memref<2560x128xi32, #tpu.memory_space<hbm>> -> memref<1x128xi32, #tpu.memory_space<hbm>>
        %dma_wait3A_161 = tpu.memref_squeeze %dma_wait3A_160 : memref<1x128xi32, #tpu.memory_space<hbm>> -> memref<128xi32, #tpu.memory_space<hbm>>
        tpu.wait_dma2 semaphore(%arg12 : memref<!tpu.dma_semaphore, #tpu.memory_space<semaphore_mem>>) src(%dma_wait3A_161 : memref<128xi32, #tpu.memory_space<hbm>>) dst(%dma_wait3A_158 : memref<128xi32, #tpu.memory_space<vmem>>)
        %dma_start3A_162 = arith.constant 0 : i32
        %dma_start3A_163 = arith.constant 0 : i32
        %dma_start3A_164 = tpu.memref_slice %arg6[%dma_start3A_162, %dma_start3A_163] : memref<4x128xi32, #tpu.memory_space<vmem>> -> memref<1x128xi32, #tpu.memory_space<vmem>>
        %dma_start3A_165 = tpu.memref_squeeze %dma_start3A_164 : memref<1x128xi32, #tpu.memory_space<vmem>> -> memref<128xi32, #tpu.memory_space<vmem>>
        %dma_start3A_166 = arith.constant 0 : i32
        %dma_start3A_167 = arith.constant 0 : i32
        %dma_start3A_168 = tpu.memref_slice %arg2[%dma_start3A_166, %dma_start3A_167] : memref<10240x128xf32, #tpu.memory_space<hbm>> -> memref<10240x128xf32, #tpu.memory_space<hbm>>
        tpu.enqueue_indirect_dma source(%dma_start3A_168 : memref<10240x128xf32, #tpu.memory_space<hbm>>) target(%arg8 : memref<128x128xf32, #tpu.memory_space<vmem>>) offsets(%dma_start3A_165 : memref<128xi32, #tpu.memory_space<vmem>>) semaphore(%arg10 : memref<!tpu.dma_semaphore, #tpu.memory_space<semaphore_mem>>)
      } else {
      }
      %add3A_120 = arith.constant 3 : i32
      %add3A_121 = arith.addi %mul3A_54, %add3A_120 : i32
      %add3A_122 = arith.constant 2 : i32
      %add3A_123 = arith.addi %add3A_121, %add3A_122 : i32
      %lt3A_124 = arith.constant 80 : i32
      %lt3A_125 = arith.cmpi slt, %add3A_123, %lt3A_124 : i32
      %convert_element_type3A_126 = arith.extui %lt3A_125 : i1 to i32
      %cond3A_127 = arith.constant 0 : i32
      %cond3A_128 = arith.cmpi ne, %convert_element_type3A_126, %cond3A_127 : i32
      scf.if %cond3A_128 {
        %mul3A_144 = arith.constant 80 : i32
        %mul3A_145 = arith.muli %add3A, %mul3A_144 : i32
        %add3A_146 = arith.addi %mul3A_145, %add3A_121 : i32
        %add3A_147 = arith.constant 2 : i32
        %add3A_148 = arith.addi %add3A_146, %add3A_147 : i32
        %dma_start3A_149 = arith.constant 1 : i32
        %dma_start3A_150 = arith.constant 0 : i32
        %dma_start3A_151 = tpu.memref_slice %arg6[%dma_start3A_149, %dma_start3A_150] : memref<4x128xi32, #tpu.memory_space<vmem>> -> memref<1x128xi32, #tpu.memory_space<vmem>>
        %dma_start3A_152 = tpu.memref_squeeze %dma_start3A_151 : memref<1x128xi32, #tpu.memory_space<vmem>> -> memref<128xi32, #tpu.memory_space<vmem>>
        %dma_start3A_153 = arith.constant 0 : i32
        %dma_start3A_154 = tpu.memref_slice %arg3[%add3A_148, %dma_start3A_153] : memref<2560x128xi32, #tpu.memory_space<hbm>> -> memref<1x128xi32, #tpu.memory_space<hbm>>
        %dma_start3A_155 = tpu.memref_squeeze %dma_start3A_154 : memref<1x128xi32, #tpu.memory_space<hbm>> -> memref<128xi32, #tpu.memory_space<hbm>>
        %dma_start3A_156 = arith.constant 0 : i32
        %dma_start3A_157 = tpu.memref_slice %arg6[%dma_start3A_149, %dma_start3A_156] : memref<4x128xi32, #tpu.memory_space<vmem>> -> memref<1x128xi32, #tpu.memory_space<vmem>>
        %dma_start3A_158 = tpu.memref_squeeze %dma_start3A_157 : memref<1x128xi32, #tpu.memory_space<vmem>> -> memref<128xi32, #tpu.memory_space<vmem>>
        %dma_start3A_159 = arith.constant 0 : i32
        %dma_start3A_160 = tpu.memref_slice %arg3[%add3A_148, %dma_start3A_159] : memref<2560x128xi32, #tpu.memory_space<hbm>> -> memref<1x128xi32, #tpu.memory_space<hbm>>
        %dma_start3A_161 = tpu.memref_squeeze %dma_start3A_160 : memref<1x128xi32, #tpu.memory_space<hbm>> -> memref<128xi32, #tpu.memory_space<hbm>>
        tpu.enqueue_dma source(%dma_start3A_161 : memref<128xi32, #tpu.memory_space<hbm>>) target(%dma_start3A_158 : memref<128xi32, #tpu.memory_space<vmem>>) target_semaphore(%arg13 : memref<!tpu.dma_semaphore, #tpu.memory_space<semaphore_mem>>)
      } else {
      }
      %dma_wait3A_129 = arith.constant 3 : i32
      %dma_wait3A_130 = arith.constant 0 : i32
      %dma_wait3A_131 = tpu.memref_slice %arg6[%dma_wait3A_129, %dma_wait3A_130] : memref<4x128xi32, #tpu.memory_space<vmem>> -> memref<1x128xi32, #tpu.memory_space<vmem>>
      %dma_wait3A_132 = tpu.memref_squeeze %dma_wait3A_131 : memref<1x128xi32, #tpu.memory_space<vmem>> -> memref<128xi32, #tpu.memory_space<vmem>>
      %dma_wait3A_133 = arith.constant 0 : i32
      %dma_wait3A_134 = arith.constant 0 : i32
      %dma_wait3A_135 = tpu.memref_slice %arg2[%dma_wait3A_133, %dma_wait3A_134] : memref<10240x128xf32, #tpu.memory_space<hbm>> -> memref<10240x128xf32, #tpu.memory_space<hbm>>
      tpu.wait_indirect_dma semaphore(%arg11 : memref<!tpu.dma_semaphore, #tpu.memory_space<semaphore_mem>>) src(%dma_wait3A_135 : memref<10240x128xf32, #tpu.memory_space<hbm>>) dst(%arg9 : memref<128x128xf32, #tpu.memory_space<vmem>>)
      "tpu.region"() ({
        %run_scoped3A_144 = tpu.sem_alloc : memref<!tpu.dma_semaphore, #tpu.memory_space<semaphore_mem>>
        %dma_start3A_145 = arith.constant 0 : i32
        %dma_start3A_146 = tpu.memref_slice %arg7[%add3A_121, %dma_start3A_145] : memref<80x128xi32, #tpu.memory_space<vmem>> -> memref<1x128xi32, #tpu.memory_space<vmem>>
        %dma_start3A_147 = tpu.memref_squeeze %dma_start3A_146 : memref<1x128xi32, #tpu.memory_space<vmem>> -> memref<128xi32, #tpu.memory_space<vmem>>
        %dma_start3A_148 = arith.constant 0 : i32
        %dma_start3A_149 = arith.constant 0 : i32
        %dma_start3A_150 = tpu.memref_slice %arg16[%dma_start3A_148, %dma_start3A_149] : memref<10240x128xf32, #tpu.memory_space<vmem_shared>> -> memref<10240x128xf32, #tpu.memory_space<vmem_shared>>
        tpu.enqueue_indirect_dma source(%arg9 : memref<128x128xf32, #tpu.memory_space<vmem>>) target(%dma_start3A_150 : memref<10240x128xf32, #tpu.memory_space<vmem_shared>>) offsets(%dma_start3A_147 : memref<128xi32, #tpu.memory_space<vmem>>) semaphore(%run_scoped3A_144 : memref<!tpu.dma_semaphore, #tpu.memory_space<semaphore_mem>>) {add = true}
        %dma_wait3A_151 = arith.constant 0 : i32
        %dma_wait3A_152 = tpu.memref_slice %arg7[%add3A_121, %dma_wait3A_151] : memref<80x128xi32, #tpu.memory_space<vmem>> -> memref<1x128xi32, #tpu.memory_space<vmem>>
        %dma_wait3A_153 = tpu.memref_squeeze %dma_wait3A_152 : memref<1x128xi32, #tpu.memory_space<vmem>> -> memref<128xi32, #tpu.memory_space<vmem>>
        %dma_wait3A_154 = arith.constant 0 : i32
        %dma_wait3A_155 = arith.constant 0 : i32
        %dma_wait3A_156 = tpu.memref_slice %arg16[%dma_wait3A_154, %dma_wait3A_155] : memref<10240x128xf32, #tpu.memory_space<vmem_shared>> -> memref<10240x128xf32, #tpu.memory_space<vmem_shared>>
        tpu.wait_indirect_dma semaphore(%run_scoped3A_144 : memref<!tpu.dma_semaphore, #tpu.memory_space<semaphore_mem>>) src(%arg9 : memref<128x128xf32, #tpu.memory_space<vmem>>) dst(%dma_wait3A_156 : memref<10240x128xf32, #tpu.memory_space<vmem_shared>>)
        tpu.yield
      }) : () -> ()
      %add3A_136 = arith.constant 2 : i32
      %add3A_137 = arith.addi %add3A_121, %add3A_136 : i32
      %lt3A_138 = arith.constant 80 : i32
      %lt3A_139 = arith.cmpi slt, %add3A_137, %lt3A_138 : i32
      %convert_element_type3A_140 = arith.extui %lt3A_139 : i1 to i32
      %cond3A_141 = arith.constant 0 : i32
      %cond3A_142 = arith.cmpi ne, %convert_element_type3A_140, %cond3A_141 : i32
      scf.if %cond3A_142 {
        %mul3A_144 = arith.constant 80 : i32
        %mul3A_145 = arith.muli %add3A, %mul3A_144 : i32
        %add3A_146 = arith.addi %mul3A_145, %add3A_121 : i32
        %add3A_147 = arith.constant 2 : i32
        %add3A_148 = arith.addi %add3A_146, %add3A_147 : i32
        %dma_wait3A_149 = arith.constant 1 : i32
        %dma_wait3A_150 = arith.constant 0 : i32
        %dma_wait3A_151 = tpu.memref_slice %arg6[%dma_wait3A_149, %dma_wait3A_150] : memref<4x128xi32, #tpu.memory_space<vmem>> -> memref<1x128xi32, #tpu.memory_space<vmem>>
        %dma_wait3A_152 = tpu.memref_squeeze %dma_wait3A_151 : memref<1x128xi32, #tpu.memory_space<vmem>> -> memref<128xi32, #tpu.memory_space<vmem>>
        %dma_wait3A_153 = arith.constant 0 : i32
        %dma_wait3A_154 = tpu.memref_slice %arg3[%add3A_148, %dma_wait3A_153] : memref<2560x128xi32, #tpu.memory_space<hbm>> -> memref<1x128xi32, #tpu.memory_space<hbm>>
        %dma_wait3A_155 = tpu.memref_squeeze %dma_wait3A_154 : memref<1x128xi32, #tpu.memory_space<hbm>> -> memref<128xi32, #tpu.memory_space<hbm>>
        %dma_wait3A_156 = arith.constant 0 : i32
        %dma_wait3A_157 = tpu.memref_slice %arg6[%dma_wait3A_149, %dma_wait3A_156] : memref<4x128xi32, #tpu.memory_space<vmem>> -> memref<1x128xi32, #tpu.memory_space<vmem>>
        %dma_wait3A_158 = tpu.memref_squeeze %dma_wait3A_157 : memref<1x128xi32, #tpu.memory_space<vmem>> -> memref<128xi32, #tpu.memory_space<vmem>>
        %dma_wait3A_159 = arith.constant 0 : i32
        %dma_wait3A_160 = tpu.memref_slice %arg3[%add3A_148, %dma_wait3A_159] : memref<2560x128xi32, #tpu.memory_space<hbm>> -> memref<1x128xi32, #tpu.memory_space<hbm>>
        %dma_wait3A_161 = tpu.memref_squeeze %dma_wait3A_160 : memref<1x128xi32, #tpu.memory_space<hbm>> -> memref<128xi32, #tpu.memory_space<hbm>>
        tpu.wait_dma2 semaphore(%arg13 : memref<!tpu.dma_semaphore, #tpu.memory_space<semaphore_mem>>) src(%dma_wait3A_161 : memref<128xi32, #tpu.memory_space<hbm>>) dst(%dma_wait3A_158 : memref<128xi32, #tpu.memory_space<vmem>>)
        %dma_start3A_162 = arith.constant 1 : i32
        %dma_start3A_163 = arith.constant 0 : i32
        %dma_start3A_164 = tpu.memref_slice %arg6[%dma_start3A_162, %dma_start3A_163] : memref<4x128xi32, #tpu.memory_space<vmem>> -> memref<1x128xi32, #tpu.memory_space<vmem>>
        %dma_start3A_165 = tpu.memref_squeeze %dma_start3A_164 : memref<1x128xi32, #tpu.memory_space<vmem>> -> memref<128xi32, #tpu.memory_space<vmem>>
        %dma_start3A_166 = arith.constant 0 : i32
        %dma_start3A_167 = arith.constant 0 : i32
        %dma_start3A_168 = tpu.memref_slice %arg2[%dma_start3A_166, %dma_start3A_167] : memref<10240x128xf32, #tpu.memory_space<hbm>> -> memref<10240x128xf32, #tpu.memory_space<hbm>>
        tpu.enqueue_indirect_dma source(%dma_start3A_168 : memref<10240x128xf32, #tpu.memory_space<hbm>>) target(%arg9 : memref<128x128xf32, #tpu.memory_space<vmem>>) offsets(%dma_start3A_165 : memref<128xi32, #tpu.memory_space<vmem>>) semaphore(%arg11 : memref<!tpu.dma_semaphore, #tpu.memory_space<semaphore_mem>>)
      } else {
      }
      %scan3A_143 = arith.constant 0 : i32
      scf.yield %scan3A_143 : i32
    }
    %scan3A_42 = arith.constant 20 : i32
    %barrier3A_43 = arith.constant 0 : index
    tpu.barrier barrier_id(%barrier3A_43)
    %scan3A_44 = arith.constant 0 : i32
    %scan3A_45 = arith.constant 0 : i32
    %scan3A_46 = arith.constant 5 : i32
    %scan3A_47 = arith.addi %scan3A_45, %scan3A_46 : i32
    %scan3A_48 = arith.constant 1 : i32
    %scan3A_49 = scf.for %scan3A_51 = %scan3A_45 to %scan3A_47 step %scan3A_48 iter_args(%scan3A_52 = %scan3A_44) -> (i32)  : i32 {
      %mul3A_53 = arith.constant 640 : i32
      %mul3A_54 = arith.muli %arg1, %mul3A_53 : i32
      %mul3A_55 = arith.constant 128 : i32
      %mul3A_56 = arith.muli %scan3A_51, %mul3A_55 : i32
      %add3A_57 = arith.addi %mul3A_54, %mul3A_56 : i32
      "tpu.region"() ({
        %run_scoped3A_59 = tpu.sem_alloc : memref<!tpu.dma_semaphore, #tpu.memory_space<semaphore_mem>>
        %dma_start3A_60 = arith.constant 0 : i32
        %dma_start3A_61 = tpu.memref_slice %arg16[%add3A_57, %dma_start3A_60] : memref<10240x128xf32, #tpu.memory_space<vmem_shared>> -> memref<128x128xf32, #tpu.memory_space<vmem_shared>>
        %dma_start3A_62 = arith.constant 0 : i32
        %dma_start3A_63 = tpu.memref_slice %arg16[%add3A_57, %dma_start3A_62] : memref<10240x128xf32, #tpu.memory_space<vmem_shared>> -> memref<128x128xf32, #tpu.memory_space<vmem_shared>>
        tpu.enqueue_dma source(%dma_start3A_63 : memref<128x128xf32, #tpu.memory_space<vmem_shared>>) target(%arg8 : memref<128x128xf32, #tpu.memory_space<vmem>>) target_semaphore(%run_scoped3A_59 : memref<!tpu.dma_semaphore, #tpu.memory_space<semaphore_mem>>)
        %dma_wait3A = arith.constant 0 : i32
        %dma_wait3A_64 = tpu.memref_slice %arg16[%add3A_57, %dma_wait3A] : memref<10240x128xf32, #tpu.memory_space<vmem_shared>> -> memref<128x128xf32, #tpu.memory_space<vmem_shared>>
        %dma_wait3A_65 = arith.constant 0 : i32
        %dma_wait3A_66 = tpu.memref_slice %arg16[%add3A_57, %dma_wait3A_65] : memref<10240x128xf32, #tpu.memory_space<vmem_shared>> -> memref<128x128xf32, #tpu.memory_space<vmem_shared>>
        tpu.wait_dma2 semaphore(%run_scoped3A_59 : memref<!tpu.dma_semaphore, #tpu.memory_space<semaphore_mem>>) src(%dma_wait3A_66 : memref<128x128xf32, #tpu.memory_space<vmem_shared>>) dst(%arg8 : memref<128x128xf32, #tpu.memory_space<vmem>>)
        tpu.yield
      }) : () -> ()
      "tpu.region"() ({
        %run_scoped3A_59 = tpu.sem_alloc : memref<!tpu.dma_semaphore, #tpu.memory_space<semaphore_mem>>
        %dma_start3A_60 = arith.constant 0 : i32
        %dma_start3A_61 = tpu.memref_slice %arg5[%arg0, %add3A_57, %dma_start3A_60] : memref<2x10240x128xf32, #tpu.memory_space<hbm>> -> memref<1x128x128xf32, #tpu.memory_space<hbm>>
        %dma_start3A_62 = tpu.memref_squeeze %dma_start3A_61 : memref<1x128x128xf32, #tpu.memory_space<hbm>> -> memref<128x128xf32, #tpu.memory_space<hbm>>
        %dma_start3A_63 = arith.constant 0 : i32
        %dma_start3A_64 = tpu.memref_slice %arg5[%arg0, %add3A_57, %dma_start3A_63] : memref<2x10240x128xf32, #tpu.memory_space<hbm>> -> memref<1x128x128xf32, #tpu.memory_space<hbm>>
        %dma_start3A_65 = tpu.memref_squeeze %dma_start3A_64 : memref<1x128x128xf32, #tpu.memory_space<hbm>> -> memref<128x128xf32, #tpu.memory_space<hbm>>
        tpu.enqueue_dma source(%arg8 : memref<128x128xf32, #tpu.memory_space<vmem>>) target(%dma_start3A_65 : memref<128x128xf32, #tpu.memory_space<hbm>>) target_semaphore(%run_scoped3A_59 : memref<!tpu.dma_semaphore, #tpu.memory_space<semaphore_mem>>)
        %dma_wait3A = arith.constant 0 : i32
        %dma_wait3A_66 = tpu.memref_slice %arg5[%arg0, %add3A_57, %dma_wait3A] : memref<2x10240x128xf32, #tpu.memory_space<hbm>> -> memref<1x128x128xf32, #tpu.memory_space<hbm>>
        %dma_wait3A_67 = tpu.memref_squeeze %dma_wait3A_66 : memref<1x128x128xf32, #tpu.memory_space<hbm>> -> memref<128x128xf32, #tpu.memory_space<hbm>>
        %dma_wait3A_68 = arith.constant 0 : i32
        %dma_wait3A_69 = tpu.memref_slice %arg5[%arg0, %add3A_57, %dma_wait3A_68] : memref<2x10240x128xf32, #tpu.memory_space<hbm>> -> memref<1x128x128xf32, #tpu.memory_space<hbm>>
        %dma_wait3A_70 = tpu.memref_squeeze %dma_wait3A_69 : memref<1x128x128xf32, #tpu.memory_space<hbm>> -> memref<128x128xf32, #tpu.memory_space<hbm>>
        tpu.wait_dma2 semaphore(%run_scoped3A_59 : memref<!tpu.dma_semaphore, #tpu.memory_space<semaphore_mem>>) src(%arg8 : memref<128x128xf32, #tpu.memory_space<vmem>>) dst(%dma_wait3A_70 : memref<128x128xf32, #tpu.memory_space<hbm>>)
        tpu.yield
      }) : () -> ()
      %scan3A_58 = arith.constant 0 : i32
      scf.yield %scan3A_58 : i32
    }
    %scan3A_50 = arith.constant 5 : i32
    return
  }
}

#map = affine_map<(d0, d1) -> (0, 0)>
#map1 = affine_map<(d0, d1) -> (0, 0, 0)>
module attributes {stable_mosaic.version = 14 : i64} {
  func.func @_sc_agg(%arg0: i32, %arg1: i32, %arg2: memref<10240x128xf32, #tpu.memory_space<hbm>>, %arg3: memref<2560x128xi32, #tpu.memory_space<hbm>>, %arg4: memref<2560x128xi32, #tpu.memory_space<hbm>>, %arg5: memref<2x10240x128xf32, #tpu.memory_space<hbm>>, %arg6: memref<4x128xi32, #tpu.memory_space<vmem>>, %arg7: memref<80x128xi32, #tpu.memory_space<vmem>>, %arg8: memref<128x128xf32, #tpu.memory_space<vmem>>, %arg9: memref<128x128xf32, #tpu.memory_space<vmem>>, %arg10: memref<!tpu.dma_semaphore, #tpu.memory_space<semaphore_mem>>, %arg11: memref<!tpu.dma_semaphore, #tpu.memory_space<semaphore_mem>>, %arg12: memref<!tpu.dma_semaphore, #tpu.memory_space<semaphore_mem>>, %arg13: memref<!tpu.dma_semaphore, #tpu.memory_space<semaphore_mem>>, %arg14: memref<!tpu.dma_semaphore, #tpu.memory_space<semaphore_mem>>, %arg15: memref<!tpu.dma_semaphore, #tpu.memory_space<semaphore_mem>>, %arg16: memref<10240x128xf32, #tpu.memory_space<vmem_shared>>) attributes {dimension_semantics = [#tpu.dimension_semantics<core_parallel>, #tpu.dimension_semantics<subcore_parallel>], iteration_bounds = array<i64: 2, 16>, scalar_prefetch = 0 : i64, scratch_operands = 11 : i64, tpu.core_type = #tpu.core_type<sc_vector_subcore>, window_params = [{transform_indices = #map}, {transform_indices = #map}, {transform_indices = #map}, {transform_indices = #map1}]} {
    %mul3A = arith.constant 16 : i32
    %mul3A_0 = arith.muli %arg0, %mul3A : i32
    %add3A = arith.addi %mul3A_0, %arg1 : i32
    %scan3A = arith.constant 0 : i32
    %scan3A_1 = arith.constant 0 : i32
    %scan3A_2 = arith.constant 1024 : i32
    %scan3A_3 = arith.addi %scan3A_1, %scan3A_2 : i32
    %scan3A_4 = arith.constant 1 : i32
    %scan3A_5 = scf.for %scan3A_51 = %scan3A_1 to %scan3A_3 step %scan3A_4 iter_args(%scan3A_52 = %scan3A) -> (i32)  : i32 {
      %broadcast_in_dim3A = arith.constant 0.000000e+00 : f32
      %broadcast_in_dim3A_53 = vector.broadcast %broadcast_in_dim3A : f32 to vector<16xf32>
      %jit3A = arith.constant 8 : i32
      %div3A = arith.divsi %scan3A_51, %jit3A : i32
      %sign3A = arith.constant 0 : i32
      %sign3A_54 = arith.cmpi sgt, %scan3A_51, %sign3A : i32
      %sign3A_55 = arith.extui %sign3A_54 : i1 to i32
      %sign3A_56 = arith.constant 0 : i32
      %sign3A_57 = arith.cmpi slt, %scan3A_51, %sign3A_56 : i32
      %sign3A_58 = arith.extui %sign3A_57 : i1 to i32
      %sign3A_59 = arith.subi %sign3A_55, %sign3A_58 : i32
      %sign3A_60 = arith.constant 0 : i32
      %sign3A_61 = arith.cmpi sgt, %jit3A, %sign3A_60 : i32
      %sign3A_62 = arith.extui %sign3A_61 : i1 to i32
      %sign3A_63 = arith.constant 0 : i32
      %sign3A_64 = arith.cmpi slt, %jit3A, %sign3A_63 : i32
      %sign3A_65 = arith.extui %sign3A_64 : i1 to i32
      %sign3A_66 = arith.subi %sign3A_62, %sign3A_65 : i32
      %ne3A = arith.cmpi ne, %sign3A_59, %sign3A_66 : i32
      %rem3A = arith.remsi %scan3A_51, %jit3A : i32
      %ne3A_67 = arith.constant 0 : i32
      %ne3A_68 = arith.cmpi ne, %rem3A, %ne3A_67 : i32
      %and3A = arith.andi %ne3A, %ne3A_68 : i1
      %sub3A = arith.constant 1 : i32
      %sub3A_69 = arith.subi %div3A, %sub3A : i32
      %select_n3A = arith.select %and3A, %sub3A_69, %div3A : i32
      %jit3A_70 = arith.constant 8 : i32
      %eq3A = arith.constant 0 : i32
      %eq3A_71 = arith.cmpi eq, %jit3A_70, %eq3A : i32
      %jit3A_72 = arith.constant 1 : i32
      %select_n3A_73 = arith.select %eq3A_71, %jit3A_72, %jit3A_70 : i32
      %rem3A_74 = arith.remsi %scan3A_51, %select_n3A_73 : i32
      %ne3A_75 = arith.constant 0 : i32
      %ne3A_76 = arith.cmpi ne, %rem3A_74, %ne3A_75 : i32
      %lt3A = arith.constant 0 : i32
      %lt3A_77 = arith.cmpi slt, %rem3A_74, %lt3A : i32
      %lt3A_78 = arith.constant 0 : i32
      %lt3A_79 = arith.cmpi slt, %select_n3A_73, %lt3A_78 : i32
      %ne3A_80 = arith.xori %lt3A_77, %lt3A_79 : i1
      %and3A_81 = arith.andi %ne3A_80, %ne3A_76 : i1
      %add3A_82 = arith.addi %rem3A_74, %select_n3A_73 : i32
      %select_n3A_83 = arith.select %and3A_81, %add3A_82, %rem3A_74 : i32
      %mul3A_84 = arith.constant 16 : i32
      %mul3A_85 = arith.muli %select_n3A_83, %mul3A_84 : i32
      %swap3A = arith.index_cast %select_n3A : i32 to index
      %swap3A_86 = arith.index_cast %mul3A_85 : i32 to index
      %swap3A_87 = tpu.vector_load %arg8[%swap3A, %swap3A_86] {strides = array<i32>} : memref<128x128xf32, #tpu.memory_space<vmem>>, vector<1x16xf32>,
      %swap3A_88 = vector.shape_cast %swap3A_87 : vector<1x16xf32> to vector<16xf32>
      %swap3A_89 = vector.shape_cast %broadcast_in_dim3A_53 : vector<16xf32> to vector<1x16xf32>
      tpu.vector_store %arg8[%swap3A, %swap3A_86], %swap3A_89 {strides = array<i32>} : memref<128x128xf32, #tpu.memory_space<vmem>>, vector<1x16xf32>,
      %scan3A_90 = arith.constant 0 : i32
      scf.yield %scan3A_90 : i32
    }
    %scan3A_6 = arith.constant 1024 : i32
    %scan3A_7 = arith.constant 0 : i32
    %scan3A_8 = arith.constant 0 : i32
    %scan3A_9 = arith.constant 5 : i32
    %scan3A_10 = arith.addi %scan3A_8, %scan3A_9 : i32
    %scan3A_11 = arith.constant 1 : i32
    %scan3A_12 = scf.for %scan3A_51 = %scan3A_8 to %scan3A_10 step %scan3A_11 iter_args(%scan3A_52 = %scan3A_7) -> (i32)  : i32 {
      %mul3A_53 = arith.constant 640 : i32
      %mul3A_54 = arith.muli %arg1, %mul3A_53 : i32
      %mul3A_55 = arith.constant 128 : i32
      %mul3A_56 = arith.muli %scan3A_51, %mul3A_55 : i32
      %add3A_57 = arith.addi %mul3A_54, %mul3A_56 : i32
      "tpu.region"() ({
        %run_scoped3A_59 = tpu.sem_alloc : memref<!tpu.dma_semaphore, #tpu.memory_space<semaphore_mem>>
        %dma_start3A_60 = arith.constant 0 : i32
        %dma_start3A_61 = tpu.memref_slice %arg16[%add3A_57, %dma_start3A_60] : memref<10240x128xf32, #tpu.memory_space<vmem_shared>> -> memref<128x128xf32, #tpu.memory_space<vmem_shared>>
        %dma_start3A_62 = arith.constant 0 : i32
        %dma_start3A_63 = tpu.memref_slice %arg16[%add3A_57, %dma_start3A_62] : memref<10240x128xf32, #tpu.memory_space<vmem_shared>> -> memref<128x128xf32, #tpu.memory_space<vmem_shared>>
        tpu.enqueue_dma source(%arg8 : memref<128x128xf32, #tpu.memory_space<vmem>>) target(%dma_start3A_63 : memref<128x128xf32, #tpu.memory_space<vmem_shared>>) target_semaphore(%run_scoped3A_59 : memref<!tpu.dma_semaphore, #tpu.memory_space<semaphore_mem>>)
        %dma_wait3A = arith.constant 0 : i32
        %dma_wait3A_64 = tpu.memref_slice %arg16[%add3A_57, %dma_wait3A] : memref<10240x128xf32, #tpu.memory_space<vmem_shared>> -> memref<128x128xf32, #tpu.memory_space<vmem_shared>>
        %dma_wait3A_65 = arith.constant 0 : i32
        %dma_wait3A_66 = tpu.memref_slice %arg16[%add3A_57, %dma_wait3A_65] : memref<10240x128xf32, #tpu.memory_space<vmem_shared>> -> memref<128x128xf32, #tpu.memory_space<vmem_shared>>
        tpu.wait_dma2 semaphore(%run_scoped3A_59 : memref<!tpu.dma_semaphore, #tpu.memory_space<semaphore_mem>>) src(%arg8 : memref<128x128xf32, #tpu.memory_space<vmem>>) dst(%dma_wait3A_66 : memref<128x128xf32, #tpu.memory_space<vmem_shared>>)
        tpu.yield
      }) : () -> ()
      %scan3A_58 = arith.constant 0 : i32
      scf.yield %scan3A_58 : i32
    }
    %scan3A_13 = arith.constant 5 : i32
    %mul3A_14 = arith.constant 80 : i32
    %mul3A_15 = arith.muli %add3A, %mul3A_14 : i32
    "tpu.region"() ({
      %run_scoped3A_51 = tpu.sem_alloc : memref<!tpu.dma_semaphore, #tpu.memory_space<semaphore_mem>>
      %dma_start3A_52 = arith.constant 0 : i32
      %dma_start3A_53 = tpu.memref_slice %arg4[%mul3A_15, %dma_start3A_52] : memref<2560x128xi32, #tpu.memory_space<hbm>> -> memref<80x128xi32, #tpu.memory_space<hbm>>
      %dma_start3A_54 = arith.constant 0 : i32
      %dma_start3A_55 = tpu.memref_slice %arg4[%mul3A_15, %dma_start3A_54] : memref<2560x128xi32, #tpu.memory_space<hbm>> -> memref<80x128xi32, #tpu.memory_space<hbm>>
      tpu.enqueue_dma source(%dma_start3A_55 : memref<80x128xi32, #tpu.memory_space<hbm>>) target(%arg7 : memref<80x128xi32, #tpu.memory_space<vmem>>) target_semaphore(%run_scoped3A_51 : memref<!tpu.dma_semaphore, #tpu.memory_space<semaphore_mem>>)
      %dma_wait3A = arith.constant 0 : i32
      %dma_wait3A_56 = tpu.memref_slice %arg4[%mul3A_15, %dma_wait3A] : memref<2560x128xi32, #tpu.memory_space<hbm>> -> memref<80x128xi32, #tpu.memory_space<hbm>>
      %dma_wait3A_57 = arith.constant 0 : i32
      %dma_wait3A_58 = tpu.memref_slice %arg4[%mul3A_15, %dma_wait3A_57] : memref<2560x128xi32, #tpu.memory_space<hbm>> -> memref<80x128xi32, #tpu.memory_space<hbm>>
      tpu.wait_dma2 semaphore(%run_scoped3A_51 : memref<!tpu.dma_semaphore, #tpu.memory_space<semaphore_mem>>) src(%dma_wait3A_58 : memref<80x128xi32, #tpu.memory_space<hbm>>) dst(%arg7 : memref<80x128xi32, #tpu.memory_space<vmem>>)
      tpu.yield
    }) : () -> ()
    %mul3A_16 = arith.constant 80 : i32
    %mul3A_17 = arith.muli %add3A, %mul3A_16 : i32
    %run_scoped3A = arith.constant 0 : i32
    "tpu.region"() ({
      %run_scoped3A_51 = tpu.sem_alloc : memref<!tpu.dma_semaphore, #tpu.memory_space<semaphore_mem>>
      %dma_start3A_52 = arith.constant 0 : i32
      %dma_start3A_53 = tpu.memref_slice %arg6[%run_scoped3A, %dma_start3A_52] : memref<4x128xi32, #tpu.memory_space<vmem>> -> memref<1x128xi32, #tpu.memory_space<vmem>>
      %dma_start3A_54 = tpu.memref_squeeze %dma_start3A_53 : memref<1x128xi32, #tpu.memory_space<vmem>> -> memref<128xi32, #tpu.memory_space<vmem>>
      %dma_start3A_55 = arith.constant 0 : i32
      %dma_start3A_56 = tpu.memref_slice %arg3[%mul3A_17, %dma_start3A_55] : memref<2560x128xi32, #tpu.memory_space<hbm>> -> memref<1x128xi32, #tpu.memory_space<hbm>>
      %dma_start3A_57 = tpu.memref_squeeze %dma_start3A_56 : memref<1x128xi32, #tpu.memory_space<hbm>> -> memref<128xi32, #tpu.memory_space<hbm>>
      %dma_start3A_58 = arith.constant 0 : i32
      %dma_start3A_59 = tpu.memref_slice %arg6[%run_scoped3A, %dma_start3A_58] : memref<4x128xi32, #tpu.memory_space<vmem>> -> memref<1x128xi32, #tpu.memory_space<vmem>>
      %dma_start3A_60 = tpu.memref_squeeze %dma_start3A_59 : memref<1x128xi32, #tpu.memory_space<vmem>> -> memref<128xi32, #tpu.memory_space<vmem>>
      %dma_start3A_61 = arith.constant 0 : i32
      %dma_start3A_62 = tpu.memref_slice %arg3[%mul3A_17, %dma_start3A_61] : memref<2560x128xi32, #tpu.memory_space<hbm>> -> memref<1x128xi32, #tpu.memory_space<hbm>>
      %dma_start3A_63 = tpu.memref_squeeze %dma_start3A_62 : memref<1x128xi32, #tpu.memory_space<hbm>> -> memref<128xi32, #tpu.memory_space<hbm>>
      tpu.enqueue_dma source(%dma_start3A_63 : memref<128xi32, #tpu.memory_space<hbm>>) target(%dma_start3A_60 : memref<128xi32, #tpu.memory_space<vmem>>) target_semaphore(%run_scoped3A_51 : memref<!tpu.dma_semaphore, #tpu.memory_space<semaphore_mem>>)
      %dma_wait3A = arith.constant 0 : i32
      %dma_wait3A_64 = tpu.memref_slice %arg6[%run_scoped3A, %dma_wait3A] : memref<4x128xi32, #tpu.memory_space<vmem>> -> memref<1x128xi32, #tpu.memory_space<vmem>>
      %dma_wait3A_65 = tpu.memref_squeeze %dma_wait3A_64 : memref<1x128xi32, #tpu.memory_space<vmem>> -> memref<128xi32, #tpu.memory_space<vmem>>
      %dma_wait3A_66 = arith.constant 0 : i32
      %dma_wait3A_67 = tpu.memref_slice %arg3[%mul3A_17, %dma_wait3A_66] : memref<2560x128xi32, #tpu.memory_space<hbm>> -> memref<1x128xi32, #tpu.memory_space<hbm>>
      %dma_wait3A_68 = tpu.memref_squeeze %dma_wait3A_67 : memref<1x128xi32, #tpu.memory_space<hbm>> -> memref<128xi32, #tpu.memory_space<hbm>>
      %dma_wait3A_69 = arith.constant 0 : i32
      %dma_wait3A_70 = tpu.memref_slice %arg6[%run_scoped3A, %dma_wait3A_69] : memref<4x128xi32, #tpu.memory_space<vmem>> -> memref<1x128xi32, #tpu.memory_space<vmem>>
      %dma_wait3A_71 = tpu.memref_squeeze %dma_wait3A_70 : memref<1x128xi32, #tpu.memory_space<vmem>> -> memref<128xi32, #tpu.memory_space<vmem>>
      %dma_wait3A_72 = arith.constant 0 : i32
      %dma_wait3A_73 = tpu.memref_slice %arg3[%mul3A_17, %dma_wait3A_72] : memref<2560x128xi32, #tpu.memory_space<hbm>> -> memref<1x128xi32, #tpu.memory_space<hbm>>
      %dma_wait3A_74 = tpu.memref_squeeze %dma_wait3A_73 : memref<1x128xi32, #tpu.memory_space<hbm>> -> memref<128xi32, #tpu.memory_space<hbm>>
      tpu.wait_dma2 semaphore(%run_scoped3A_51 : memref<!tpu.dma_semaphore, #tpu.memory_space<semaphore_mem>>) src(%dma_wait3A_74 : memref<128xi32, #tpu.memory_space<hbm>>) dst(%dma_wait3A_71 : memref<128xi32, #tpu.memory_space<vmem>>)
      tpu.yield
    }) : () -> ()
    %mul3A_18 = arith.constant 80 : i32
    %mul3A_19 = arith.muli %add3A, %mul3A_18 : i32
    %add3A_20 = arith.constant 1 : i32
    %add3A_21 = arith.addi %mul3A_19, %add3A_20 : i32
    %run_scoped3A_22 = arith.constant 1 : i32
    "tpu.region"() ({
      %run_scoped3A_51 = tpu.sem_alloc : memref<!tpu.dma_semaphore, #tpu.memory_space<semaphore_mem>>
      %dma_start3A_52 = arith.constant 0 : i32
      %dma_start3A_53 = tpu.memref_slice %arg6[%run_scoped3A_22, %dma_start3A_52] : memref<4x128xi32, #tpu.memory_space<vmem>> -> memref<1x128xi32, #tpu.memory_space<vmem>>
      %dma_start3A_54 = tpu.memref_squeeze %dma_start3A_53 : memref<1x128xi32, #tpu.memory_space<vmem>> -> memref<128xi32, #tpu.memory_space<vmem>>
      %dma_start3A_55 = arith.constant 0 : i32
      %dma_start3A_56 = tpu.memref_slice %arg3[%add3A_21, %dma_start3A_55] : memref<2560x128xi32, #tpu.memory_space<hbm>> -> memref<1x128xi32, #tpu.memory_space<hbm>>
      %dma_start3A_57 = tpu.memref_squeeze %dma_start3A_56 : memref<1x128xi32, #tpu.memory_space<hbm>> -> memref<128xi32, #tpu.memory_space<hbm>>
      %dma_start3A_58 = arith.constant 0 : i32
      %dma_start3A_59 = tpu.memref_slice %arg6[%run_scoped3A_22, %dma_start3A_58] : memref<4x128xi32, #tpu.memory_space<vmem>> -> memref<1x128xi32, #tpu.memory_space<vmem>>
      %dma_start3A_60 = tpu.memref_squeeze %dma_start3A_59 : memref<1x128xi32, #tpu.memory_space<vmem>> -> memref<128xi32, #tpu.memory_space<vmem>>
      %dma_start3A_61 = arith.constant 0 : i32
      %dma_start3A_62 = tpu.memref_slice %arg3[%add3A_21, %dma_start3A_61] : memref<2560x128xi32, #tpu.memory_space<hbm>> -> memref<1x128xi32, #tpu.memory_space<hbm>>
      %dma_start3A_63 = tpu.memref_squeeze %dma_start3A_62 : memref<1x128xi32, #tpu.memory_space<hbm>> -> memref<128xi32, #tpu.memory_space<hbm>>
      tpu.enqueue_dma source(%dma_start3A_63 : memref<128xi32, #tpu.memory_space<hbm>>) target(%dma_start3A_60 : memref<128xi32, #tpu.memory_space<vmem>>) target_semaphore(%run_scoped3A_51 : memref<!tpu.dma_semaphore, #tpu.memory_space<semaphore_mem>>)
      %dma_wait3A = arith.constant 0 : i32
      %dma_wait3A_64 = tpu.memref_slice %arg6[%run_scoped3A_22, %dma_wait3A] : memref<4x128xi32, #tpu.memory_space<vmem>> -> memref<1x128xi32, #tpu.memory_space<vmem>>
      %dma_wait3A_65 = tpu.memref_squeeze %dma_wait3A_64 : memref<1x128xi32, #tpu.memory_space<vmem>> -> memref<128xi32, #tpu.memory_space<vmem>>
      %dma_wait3A_66 = arith.constant 0 : i32
      %dma_wait3A_67 = tpu.memref_slice %arg3[%add3A_21, %dma_wait3A_66] : memref<2560x128xi32, #tpu.memory_space<hbm>> -> memref<1x128xi32, #tpu.memory_space<hbm>>
      %dma_wait3A_68 = tpu.memref_squeeze %dma_wait3A_67 : memref<1x128xi32, #tpu.memory_space<hbm>> -> memref<128xi32, #tpu.memory_space<hbm>>
      %dma_wait3A_69 = arith.constant 0 : i32
      %dma_wait3A_70 = tpu.memref_slice %arg6[%run_scoped3A_22, %dma_wait3A_69] : memref<4x128xi32, #tpu.memory_space<vmem>> -> memref<1x128xi32, #tpu.memory_space<vmem>>
      %dma_wait3A_71 = tpu.memref_squeeze %dma_wait3A_70 : memref<1x128xi32, #tpu.memory_space<vmem>> -> memref<128xi32, #tpu.memory_space<vmem>>
      %dma_wait3A_72 = arith.constant 0 : i32
      %dma_wait3A_73 = tpu.memref_slice %arg3[%add3A_21, %dma_wait3A_72] : memref<2560x128xi32, #tpu.memory_space<hbm>> -> memref<1x128xi32, #tpu.memory_space<hbm>>
      %dma_wait3A_74 = tpu.memref_squeeze %dma_wait3A_73 : memref<1x128xi32, #tpu.memory_space<hbm>> -> memref<128xi32, #tpu.memory_space<hbm>>
      tpu.wait_dma2 semaphore(%run_scoped3A_51 : memref<!tpu.dma_semaphore, #tpu.memory_space<semaphore_mem>>) src(%dma_wait3A_74 : memref<128xi32, #tpu.memory_space<hbm>>) dst(%dma_wait3A_71 : memref<128xi32, #tpu.memory_space<vmem>>)
      tpu.yield
    }) : () -> ()
    %dma_start3A = arith.constant 0 : i32
    %dma_start3A_23 = arith.constant 0 : i32
    %dma_start3A_24 = tpu.memref_slice %arg6[%dma_start3A, %dma_start3A_23] : memref<4x128xi32, #tpu.memory_space<vmem>> -> memref<1x128xi32, #tpu.memory_space<vmem>>
    %dma_start3A_25 = tpu.memref_squeeze %dma_start3A_24 : memref<1x128xi32, #tpu.memory_space<vmem>> -> memref<128xi32, #tpu.memory_space<vmem>>
    %dma_start3A_26 = arith.constant 0 : i32
    %dma_start3A_27 = arith.constant 0 : i32
    %dma_start3A_28 = tpu.memref_slice %arg2[%dma_start3A_26, %dma_start3A_27] : memref<10240x128xf32, #tpu.memory_space<hbm>> -> memref<10240x128xf32, #tpu.memory_space<hbm>>
    tpu.enqueue_indirect_dma source(%dma_start3A_28 : memref<10240x128xf32, #tpu.memory_space<hbm>>) target(%arg8 : memref<128x128xf32, #tpu.memory_space<vmem>>) offsets(%dma_start3A_25 : memref<128xi32, #tpu.memory_space<vmem>>) semaphore(%arg10 : memref<!tpu.dma_semaphore, #tpu.memory_space<semaphore_mem>>)
    %dma_start3A_29 = arith.constant 1 : i32
    %dma_start3A_30 = arith.constant 0 : i32
    %dma_start3A_31 = tpu.memref_slice %arg6[%dma_start3A_29, %dma_start3A_30] : memref<4x128xi32, #tpu.memory_space<vmem>> -> memref<1x128xi32, #tpu.memory_space<vmem>>
    %dma_start3A_32 = tpu.memref_squeeze %dma_start3A_31 : memref<1x128xi32, #tpu.memory_space<vmem>> -> memref<128xi32, #tpu.memory_space<vmem>>
    %dma_start3A_33 = arith.constant 0 : i32
    %dma_start3A_34 = arith.constant 0 : i32
    %dma_start3A_35 = tpu.memref_slice %arg2[%dma_start3A_33, %dma_start3A_34] : memref<10240x128xf32, #tpu.memory_space<hbm>> -> memref<10240x128xf32, #tpu.memory_space<hbm>>
    tpu.enqueue_indirect_dma source(%dma_start3A_35 : memref<10240x128xf32, #tpu.memory_space<hbm>>) target(%arg9 : memref<128x128xf32, #tpu.memory_space<vmem>>) offsets(%dma_start3A_32 : memref<128xi32, #tpu.memory_space<vmem>>) semaphore(%arg11 : memref<!tpu.dma_semaphore, #tpu.memory_space<semaphore_mem>>)
    %barrier3A = arith.constant 0 : index
    tpu.barrier barrier_id(%barrier3A)
    %scan3A_36 = arith.constant 0 : i32
    %scan3A_37 = arith.constant 0 : i32
    %scan3A_38 = arith.constant 20 : i32
    %scan3A_39 = arith.addi %scan3A_37, %scan3A_38 : i32
    %scan3A_40 = arith.constant 1 : i32
    %scan3A_41 = scf.for %scan3A_51 = %scan3A_37 to %scan3A_39 step %scan3A_40 iter_args(%scan3A_52 = %scan3A_36) -> (i32)  : i32 {
      %mul3A_53 = arith.constant 4 : i32
      %mul3A_54 = arith.muli %mul3A_53, %scan3A_51 : i32
      %add3A_55 = arith.constant 0 : i32
      %add3A_56 = arith.addi %mul3A_54, %add3A_55 : i32
      %add3A_57 = arith.constant 2 : i32
      %add3A_58 = arith.addi %add3A_56, %add3A_57 : i32
      %lt3A = arith.constant 80 : i32
      %lt3A_59 = arith.cmpi slt, %add3A_58, %lt3A : i32
      %convert_element_type3A = arith.extui %lt3A_59 : i1 to i32
      %cond3A = arith.constant 0 : i32
      %cond3A_60 = arith.cmpi ne, %convert_element_type3A, %cond3A : i32
      scf.if %cond3A_60 {
        %mul3A_144 = arith.constant 80 : i32
        %mul3A_145 = arith.muli %add3A, %mul3A_144 : i32
        %add3A_146 = arith.addi %mul3A_145, %add3A_56 : i32
        %add3A_147 = arith.constant 2 : i32
        %add3A_148 = arith.addi %add3A_146, %add3A_147 : i32
        %dma_start3A_149 = arith.constant 2 : i32
        %dma_start3A_150 = arith.constant 0 : i32
        %dma_start3A_151 = tpu.memref_slice %arg6[%dma_start3A_149, %dma_start3A_150] : memref<4x128xi32, #tpu.memory_space<vmem>> -> memref<1x128xi32, #tpu.memory_space<vmem>>
        %dma_start3A_152 = tpu.memref_squeeze %dma_start3A_151 : memref<1x128xi32, #tpu.memory_space<vmem>> -> memref<128xi32, #tpu.memory_space<vmem>>
        %dma_start3A_153 = arith.constant 0 : i32
        %dma_start3A_154 = tpu.memref_slice %arg3[%add3A_148, %dma_start3A_153] : memref<2560x128xi32, #tpu.memory_space<hbm>> -> memref<1x128xi32, #tpu.memory_space<hbm>>
        %dma_start3A_155 = tpu.memref_squeeze %dma_start3A_154 : memref<1x128xi32, #tpu.memory_space<hbm>> -> memref<128xi32, #tpu.memory_space<hbm>>
        %dma_start3A_156 = arith.constant 0 : i32
        %dma_start3A_157 = tpu.memref_slice %arg6[%dma_start3A_149, %dma_start3A_156] : memref<4x128xi32, #tpu.memory_space<vmem>> -> memref<1x128xi32, #tpu.memory_space<vmem>>
        %dma_start3A_158 = tpu.memref_squeeze %dma_start3A_157 : memref<1x128xi32, #tpu.memory_space<vmem>> -> memref<128xi32, #tpu.memory_space<vmem>>
        %dma_start3A_159 = arith.constant 0 : i32
        %dma_start3A_160 = tpu.memref_slice %arg3[%add3A_148, %dma_start3A_159] : memref<2560x128xi32, #tpu.memory_space<hbm>> -> memref<1x128xi32, #tpu.memory_space<hbm>>
        %dma_start3A_161 = tpu.memref_squeeze %dma_start3A_160 : memref<1x128xi32, #tpu.memory_space<hbm>> -> memref<128xi32, #tpu.memory_space<hbm>>
        tpu.enqueue_dma source(%dma_start3A_161 : memref<128xi32, #tpu.memory_space<hbm>>) target(%dma_start3A_158 : memref<128xi32, #tpu.memory_space<vmem>>) target_semaphore(%arg14 : memref<!tpu.dma_semaphore, #tpu.memory_space<semaphore_mem>>)
      } else {
      }
      %dma_wait3A = arith.constant 0 : i32
      %dma_wait3A_61 = arith.constant 0 : i32
      %dma_wait3A_62 = tpu.memref_slice %arg6[%dma_wait3A, %dma_wait3A_61] : memref<4x128xi32, #tpu.memory_space<vmem>> -> memref<1x128xi32, #tpu.memory_space<vmem>>
      %dma_wait3A_63 = tpu.memref_squeeze %dma_wait3A_62 : memref<1x128xi32, #tpu.memory_space<vmem>> -> memref<128xi32, #tpu.memory_space<vmem>>
      %dma_wait3A_64 = arith.constant 0 : i32
      %dma_wait3A_65 = arith.constant 0 : i32
      %dma_wait3A_66 = tpu.memref_slice %arg2[%dma_wait3A_64, %dma_wait3A_65] : memref<10240x128xf32, #tpu.memory_space<hbm>> -> memref<10240x128xf32, #tpu.memory_space<hbm>>
      tpu.wait_indirect_dma semaphore(%arg10 : memref<!tpu.dma_semaphore, #tpu.memory_space<semaphore_mem>>) src(%dma_wait3A_66 : memref<10240x128xf32, #tpu.memory_space<hbm>>) dst(%arg8 : memref<128x128xf32, #tpu.memory_space<vmem>>)
      "tpu.region"() ({
        %run_scoped3A_144 = tpu.sem_alloc : memref<!tpu.dma_semaphore, #tpu.memory_space<semaphore_mem>>
        %dma_start3A_145 = arith.constant 0 : i32
        %dma_start3A_146 = tpu.memref_slice %arg7[%add3A_56, %dma_start3A_145] : memref<80x128xi32, #tpu.memory_space<vmem>> -> memref<1x128xi32, #tpu.memory_space<vmem>>
        %dma_start3A_147 = tpu.memref_squeeze %dma_start3A_146 : memref<1x128xi32, #tpu.memory_space<vmem>> -> memref<128xi32, #tpu.memory_space<vmem>>
        %dma_start3A_148 = arith.constant 0 : i32
        %dma_start3A_149 = arith.constant 0 : i32
        %dma_start3A_150 = tpu.memref_slice %arg16[%dma_start3A_148, %dma_start3A_149] : memref<10240x128xf32, #tpu.memory_space<vmem_shared>> -> memref<10240x128xf32, #tpu.memory_space<vmem_shared>>
        tpu.enqueue_indirect_dma source(%arg8 : memref<128x128xf32, #tpu.memory_space<vmem>>) target(%dma_start3A_150 : memref<10240x128xf32, #tpu.memory_space<vmem_shared>>) offsets(%dma_start3A_147 : memref<128xi32, #tpu.memory_space<vmem>>) semaphore(%run_scoped3A_144 : memref<!tpu.dma_semaphore, #tpu.memory_space<semaphore_mem>>) {add = true}
        %dma_wait3A_151 = arith.constant 0 : i32
        %dma_wait3A_152 = tpu.memref_slice %arg7[%add3A_56, %dma_wait3A_151] : memref<80x128xi32, #tpu.memory_space<vmem>> -> memref<1x128xi32, #tpu.memory_space<vmem>>
        %dma_wait3A_153 = tpu.memref_squeeze %dma_wait3A_152 : memref<1x128xi32, #tpu.memory_space<vmem>> -> memref<128xi32, #tpu.memory_space<vmem>>
        %dma_wait3A_154 = arith.constant 0 : i32
        %dma_wait3A_155 = arith.constant 0 : i32
        %dma_wait3A_156 = tpu.memref_slice %arg16[%dma_wait3A_154, %dma_wait3A_155] : memref<10240x128xf32, #tpu.memory_space<vmem_shared>> -> memref<10240x128xf32, #tpu.memory_space<vmem_shared>>
        tpu.wait_indirect_dma semaphore(%run_scoped3A_144 : memref<!tpu.dma_semaphore, #tpu.memory_space<semaphore_mem>>) src(%arg8 : memref<128x128xf32, #tpu.memory_space<vmem>>) dst(%dma_wait3A_156 : memref<10240x128xf32, #tpu.memory_space<vmem_shared>>)
        tpu.yield
      }) : () -> ()
      %add3A_67 = arith.constant 2 : i32
      %add3A_68 = arith.addi %add3A_56, %add3A_67 : i32
      %lt3A_69 = arith.constant 80 : i32
      %lt3A_70 = arith.cmpi slt, %add3A_68, %lt3A_69 : i32
      %convert_element_type3A_71 = arith.extui %lt3A_70 : i1 to i32
      %cond3A_72 = arith.constant 0 : i32
      %cond3A_73 = arith.cmpi ne, %convert_element_type3A_71, %cond3A_72 : i32
      scf.if %cond3A_73 {
        %mul3A_144 = arith.constant 80 : i32
        %mul3A_145 = arith.muli %add3A, %mul3A_144 : i32
        %add3A_146 = arith.addi %mul3A_145, %add3A_56 : i32
        %add3A_147 = arith.constant 2 : i32
        %add3A_148 = arith.addi %add3A_146, %add3A_147 : i32
        %dma_wait3A_149 = arith.constant 2 : i32
        %dma_wait3A_150 = arith.constant 0 : i32
        %dma_wait3A_151 = tpu.memref_slice %arg6[%dma_wait3A_149, %dma_wait3A_150] : memref<4x128xi32, #tpu.memory_space<vmem>> -> memref<1x128xi32, #tpu.memory_space<vmem>>
        %dma_wait3A_152 = tpu.memref_squeeze %dma_wait3A_151 : memref<1x128xi32, #tpu.memory_space<vmem>> -> memref<128xi32, #tpu.memory_space<vmem>>
        %dma_wait3A_153 = arith.constant 0 : i32
        %dma_wait3A_154 = tpu.memref_slice %arg3[%add3A_148, %dma_wait3A_153] : memref<2560x128xi32, #tpu.memory_space<hbm>> -> memref<1x128xi32, #tpu.memory_space<hbm>>
        %dma_wait3A_155 = tpu.memref_squeeze %dma_wait3A_154 : memref<1x128xi32, #tpu.memory_space<hbm>> -> memref<128xi32, #tpu.memory_space<hbm>>
        %dma_wait3A_156 = arith.constant 0 : i32
        %dma_wait3A_157 = tpu.memref_slice %arg6[%dma_wait3A_149, %dma_wait3A_156] : memref<4x128xi32, #tpu.memory_space<vmem>> -> memref<1x128xi32, #tpu.memory_space<vmem>>
        %dma_wait3A_158 = tpu.memref_squeeze %dma_wait3A_157 : memref<1x128xi32, #tpu.memory_space<vmem>> -> memref<128xi32, #tpu.memory_space<vmem>>
        %dma_wait3A_159 = arith.constant 0 : i32
        %dma_wait3A_160 = tpu.memref_slice %arg3[%add3A_148, %dma_wait3A_159] : memref<2560x128xi32, #tpu.memory_space<hbm>> -> memref<1x128xi32, #tpu.memory_space<hbm>>
        %dma_wait3A_161 = tpu.memref_squeeze %dma_wait3A_160 : memref<1x128xi32, #tpu.memory_space<hbm>> -> memref<128xi32, #tpu.memory_space<hbm>>
        tpu.wait_dma2 semaphore(%arg14 : memref<!tpu.dma_semaphore, #tpu.memory_space<semaphore_mem>>) src(%dma_wait3A_161 : memref<128xi32, #tpu.memory_space<hbm>>) dst(%dma_wait3A_158 : memref<128xi32, #tpu.memory_space<vmem>>)
        %dma_start3A_162 = arith.constant 2 : i32
        %dma_start3A_163 = arith.constant 0 : i32
        %dma_start3A_164 = tpu.memref_slice %arg6[%dma_start3A_162, %dma_start3A_163] : memref<4x128xi32, #tpu.memory_space<vmem>> -> memref<1x128xi32, #tpu.memory_space<vmem>>
        %dma_start3A_165 = tpu.memref_squeeze %dma_start3A_164 : memref<1x128xi32, #tpu.memory_space<vmem>> -> memref<128xi32, #tpu.memory_space<vmem>>
        %dma_start3A_166 = arith.constant 0 : i32
        %dma_start3A_167 = arith.constant 0 : i32
        %dma_start3A_168 = tpu.memref_slice %arg2[%dma_start3A_166, %dma_start3A_167] : memref<10240x128xf32, #tpu.memory_space<hbm>> -> memref<10240x128xf32, #tpu.memory_space<hbm>>
        tpu.enqueue_indirect_dma source(%dma_start3A_168 : memref<10240x128xf32, #tpu.memory_space<hbm>>) target(%arg8 : memref<128x128xf32, #tpu.memory_space<vmem>>) offsets(%dma_start3A_165 : memref<128xi32, #tpu.memory_space<vmem>>) semaphore(%arg10 : memref<!tpu.dma_semaphore, #tpu.memory_space<semaphore_mem>>)
      } else {
      }
      %add3A_74 = arith.constant 1 : i32
      %add3A_75 = arith.addi %mul3A_54, %add3A_74 : i32
      %add3A_76 = arith.constant 2 : i32
      %add3A_77 = arith.addi %add3A_75, %add3A_76 : i32
      %lt3A_78 = arith.constant 80 : i32
      %lt3A_79 = arith.cmpi slt, %add3A_77, %lt3A_78 : i32
      %convert_element_type3A_80 = arith.extui %lt3A_79 : i1 to i32
      %cond3A_81 = arith.constant 0 : i32
      %cond3A_82 = arith.cmpi ne, %convert_element_type3A_80, %cond3A_81 : i32
      scf.if %cond3A_82 {
        %mul3A_144 = arith.constant 80 : i32
        %mul3A_145 = arith.muli %add3A, %mul3A_144 : i32
        %add3A_146 = arith.addi %mul3A_145, %add3A_75 : i32
        %add3A_147 = arith.constant 2 : i32
        %add3A_148 = arith.addi %add3A_146, %add3A_147 : i32
        %dma_start3A_149 = arith.constant 3 : i32
        %dma_start3A_150 = arith.constant 0 : i32
        %dma_start3A_151 = tpu.memref_slice %arg6[%dma_start3A_149, %dma_start3A_150] : memref<4x128xi32, #tpu.memory_space<vmem>> -> memref<1x128xi32, #tpu.memory_space<vmem>>
        %dma_start3A_152 = tpu.memref_squeeze %dma_start3A_151 : memref<1x128xi32, #tpu.memory_space<vmem>> -> memref<128xi32, #tpu.memory_space<vmem>>
        %dma_start3A_153 = arith.constant 0 : i32
        %dma_start3A_154 = tpu.memref_slice %arg3[%add3A_148, %dma_start3A_153] : memref<2560x128xi32, #tpu.memory_space<hbm>> -> memref<1x128xi32, #tpu.memory_space<hbm>>
        %dma_start3A_155 = tpu.memref_squeeze %dma_start3A_154 : memref<1x128xi32, #tpu.memory_space<hbm>> -> memref<128xi32, #tpu.memory_space<hbm>>
        %dma_start3A_156 = arith.constant 0 : i32
        %dma_start3A_157 = tpu.memref_slice %arg6[%dma_start3A_149, %dma_start3A_156] : memref<4x128xi32, #tpu.memory_space<vmem>> -> memref<1x128xi32, #tpu.memory_space<vmem>>
        %dma_start3A_158 = tpu.memref_squeeze %dma_start3A_157 : memref<1x128xi32, #tpu.memory_space<vmem>> -> memref<128xi32, #tpu.memory_space<vmem>>
        %dma_start3A_159 = arith.constant 0 : i32
        %dma_start3A_160 = tpu.memref_slice %arg3[%add3A_148, %dma_start3A_159] : memref<2560x128xi32, #tpu.memory_space<hbm>> -> memref<1x128xi32, #tpu.memory_space<hbm>>
        %dma_start3A_161 = tpu.memref_squeeze %dma_start3A_160 : memref<1x128xi32, #tpu.memory_space<hbm>> -> memref<128xi32, #tpu.memory_space<hbm>>
        tpu.enqueue_dma source(%dma_start3A_161 : memref<128xi32, #tpu.memory_space<hbm>>) target(%dma_start3A_158 : memref<128xi32, #tpu.memory_space<vmem>>) target_semaphore(%arg15 : memref<!tpu.dma_semaphore, #tpu.memory_space<semaphore_mem>>)
      } else {
      }
      %dma_wait3A_83 = arith.constant 1 : i32
      %dma_wait3A_84 = arith.constant 0 : i32
      %dma_wait3A_85 = tpu.memref_slice %arg6[%dma_wait3A_83, %dma_wait3A_84] : memref<4x128xi32, #tpu.memory_space<vmem>> -> memref<1x128xi32, #tpu.memory_space<vmem>>
      %dma_wait3A_86 = tpu.memref_squeeze %dma_wait3A_85 : memref<1x128xi32, #tpu.memory_space<vmem>> -> memref<128xi32, #tpu.memory_space<vmem>>
      %dma_wait3A_87 = arith.constant 0 : i32
      %dma_wait3A_88 = arith.constant 0 : i32
      %dma_wait3A_89 = tpu.memref_slice %arg2[%dma_wait3A_87, %dma_wait3A_88] : memref<10240x128xf32, #tpu.memory_space<hbm>> -> memref<10240x128xf32, #tpu.memory_space<hbm>>
      tpu.wait_indirect_dma semaphore(%arg11 : memref<!tpu.dma_semaphore, #tpu.memory_space<semaphore_mem>>) src(%dma_wait3A_89 : memref<10240x128xf32, #tpu.memory_space<hbm>>) dst(%arg9 : memref<128x128xf32, #tpu.memory_space<vmem>>)
      "tpu.region"() ({
        %run_scoped3A_144 = tpu.sem_alloc : memref<!tpu.dma_semaphore, #tpu.memory_space<semaphore_mem>>
        %dma_start3A_145 = arith.constant 0 : i32
        %dma_start3A_146 = tpu.memref_slice %arg7[%add3A_75, %dma_start3A_145] : memref<80x128xi32, #tpu.memory_space<vmem>> -> memref<1x128xi32, #tpu.memory_space<vmem>>
        %dma_start3A_147 = tpu.memref_squeeze %dma_start3A_146 : memref<1x128xi32, #tpu.memory_space<vmem>> -> memref<128xi32, #tpu.memory_space<vmem>>
        %dma_start3A_148 = arith.constant 0 : i32
        %dma_start3A_149 = arith.constant 0 : i32
        %dma_start3A_150 = tpu.memref_slice %arg16[%dma_start3A_148, %dma_start3A_149] : memref<10240x128xf32, #tpu.memory_space<vmem_shared>> -> memref<10240x128xf32, #tpu.memory_space<vmem_shared>>
        tpu.enqueue_indirect_dma source(%arg9 : memref<128x128xf32, #tpu.memory_space<vmem>>) target(%dma_start3A_150 : memref<10240x128xf32, #tpu.memory_space<vmem_shared>>) offsets(%dma_start3A_147 : memref<128xi32, #tpu.memory_space<vmem>>) semaphore(%run_scoped3A_144 : memref<!tpu.dma_semaphore, #tpu.memory_space<semaphore_mem>>) {add = true}
        %dma_wait3A_151 = arith.constant 0 : i32
        %dma_wait3A_152 = tpu.memref_slice %arg7[%add3A_75, %dma_wait3A_151] : memref<80x128xi32, #tpu.memory_space<vmem>> -> memref<1x128xi32, #tpu.memory_space<vmem>>
        %dma_wait3A_153 = tpu.memref_squeeze %dma_wait3A_152 : memref<1x128xi32, #tpu.memory_space<vmem>> -> memref<128xi32, #tpu.memory_space<vmem>>
        %dma_wait3A_154 = arith.constant 0 : i32
        %dma_wait3A_155 = arith.constant 0 : i32
        %dma_wait3A_156 = tpu.memref_slice %arg16[%dma_wait3A_154, %dma_wait3A_155] : memref<10240x128xf32, #tpu.memory_space<vmem_shared>> -> memref<10240x128xf32, #tpu.memory_space<vmem_shared>>
        tpu.wait_indirect_dma semaphore(%run_scoped3A_144 : memref<!tpu.dma_semaphore, #tpu.memory_space<semaphore_mem>>) src(%arg9 : memref<128x128xf32, #tpu.memory_space<vmem>>) dst(%dma_wait3A_156 : memref<10240x128xf32, #tpu.memory_space<vmem_shared>>)
        tpu.yield
      }) : () -> ()
      %add3A_90 = arith.constant 2 : i32
      %add3A_91 = arith.addi %add3A_75, %add3A_90 : i32
      %lt3A_92 = arith.constant 80 : i32
      %lt3A_93 = arith.cmpi slt, %add3A_91, %lt3A_92 : i32
      %convert_element_type3A_94 = arith.extui %lt3A_93 : i1 to i32
      %cond3A_95 = arith.constant 0 : i32
      %cond3A_96 = arith.cmpi ne, %convert_element_type3A_94, %cond3A_95 : i32
      scf.if %cond3A_96 {
        %mul3A_144 = arith.constant 80 : i32
        %mul3A_145 = arith.muli %add3A, %mul3A_144 : i32
        %add3A_146 = arith.addi %mul3A_145, %add3A_75 : i32
        %add3A_147 = arith.constant 2 : i32
        %add3A_148 = arith.addi %add3A_146, %add3A_147 : i32
        %dma_wait3A_149 = arith.constant 3 : i32
        %dma_wait3A_150 = arith.constant 0 : i32
        %dma_wait3A_151 = tpu.memref_slice %arg6[%dma_wait3A_149, %dma_wait3A_150] : memref<4x128xi32, #tpu.memory_space<vmem>> -> memref<1x128xi32, #tpu.memory_space<vmem>>
        %dma_wait3A_152 = tpu.memref_squeeze %dma_wait3A_151 : memref<1x128xi32, #tpu.memory_space<vmem>> -> memref<128xi32, #tpu.memory_space<vmem>>
        %dma_wait3A_153 = arith.constant 0 : i32
        %dma_wait3A_154 = tpu.memref_slice %arg3[%add3A_148, %dma_wait3A_153] : memref<2560x128xi32, #tpu.memory_space<hbm>> -> memref<1x128xi32, #tpu.memory_space<hbm>>
        %dma_wait3A_155 = tpu.memref_squeeze %dma_wait3A_154 : memref<1x128xi32, #tpu.memory_space<hbm>> -> memref<128xi32, #tpu.memory_space<hbm>>
        %dma_wait3A_156 = arith.constant 0 : i32
        %dma_wait3A_157 = tpu.memref_slice %arg6[%dma_wait3A_149, %dma_wait3A_156] : memref<4x128xi32, #tpu.memory_space<vmem>> -> memref<1x128xi32, #tpu.memory_space<vmem>>
        %dma_wait3A_158 = tpu.memref_squeeze %dma_wait3A_157 : memref<1x128xi32, #tpu.memory_space<vmem>> -> memref<128xi32, #tpu.memory_space<vmem>>
        %dma_wait3A_159 = arith.constant 0 : i32
        %dma_wait3A_160 = tpu.memref_slice %arg3[%add3A_148, %dma_wait3A_159] : memref<2560x128xi32, #tpu.memory_space<hbm>> -> memref<1x128xi32, #tpu.memory_space<hbm>>
        %dma_wait3A_161 = tpu.memref_squeeze %dma_wait3A_160 : memref<1x128xi32, #tpu.memory_space<hbm>> -> memref<128xi32, #tpu.memory_space<hbm>>
        tpu.wait_dma2 semaphore(%arg15 : memref<!tpu.dma_semaphore, #tpu.memory_space<semaphore_mem>>) src(%dma_wait3A_161 : memref<128xi32, #tpu.memory_space<hbm>>) dst(%dma_wait3A_158 : memref<128xi32, #tpu.memory_space<vmem>>)
        %dma_start3A_162 = arith.constant 3 : i32
        %dma_start3A_163 = arith.constant 0 : i32
        %dma_start3A_164 = tpu.memref_slice %arg6[%dma_start3A_162, %dma_start3A_163] : memref<4x128xi32, #tpu.memory_space<vmem>> -> memref<1x128xi32, #tpu.memory_space<vmem>>
        %dma_start3A_165 = tpu.memref_squeeze %dma_start3A_164 : memref<1x128xi32, #tpu.memory_space<vmem>> -> memref<128xi32, #tpu.memory_space<vmem>>
        %dma_start3A_166 = arith.constant 0 : i32
        %dma_start3A_167 = arith.constant 0 : i32
        %dma_start3A_168 = tpu.memref_slice %arg2[%dma_start3A_166, %dma_start3A_167] : memref<10240x128xf32, #tpu.memory_space<hbm>> -> memref<10240x128xf32, #tpu.memory_space<hbm>>
        tpu.enqueue_indirect_dma source(%dma_start3A_168 : memref<10240x128xf32, #tpu.memory_space<hbm>>) target(%arg9 : memref<128x128xf32, #tpu.memory_space<vmem>>) offsets(%dma_start3A_165 : memref<128xi32, #tpu.memory_space<vmem>>) semaphore(%arg11 : memref<!tpu.dma_semaphore, #tpu.memory_space<semaphore_mem>>)
      } else {
      }
      %add3A_97 = arith.constant 2 : i32
      %add3A_98 = arith.addi %mul3A_54, %add3A_97 : i32
      %add3A_99 = arith.constant 2 : i32
      %add3A_100 = arith.addi %add3A_98, %add3A_99 : i32
      %lt3A_101 = arith.constant 80 : i32
      %lt3A_102 = arith.cmpi slt, %add3A_100, %lt3A_101 : i32
      %convert_element_type3A_103 = arith.extui %lt3A_102 : i1 to i32
      %cond3A_104 = arith.constant 0 : i32
      %cond3A_105 = arith.cmpi ne, %convert_element_type3A_103, %cond3A_104 : i32
      scf.if %cond3A_105 {
        %mul3A_144 = arith.constant 80 : i32
        %mul3A_145 = arith.muli %add3A, %mul3A_144 : i32
        %add3A_146 = arith.addi %mul3A_145, %add3A_98 : i32
        %add3A_147 = arith.constant 2 : i32
        %add3A_148 = arith.addi %add3A_146, %add3A_147 : i32
        %dma_start3A_149 = arith.constant 0 : i32
        %dma_start3A_150 = arith.constant 0 : i32
        %dma_start3A_151 = tpu.memref_slice %arg6[%dma_start3A_149, %dma_start3A_150] : memref<4x128xi32, #tpu.memory_space<vmem>> -> memref<1x128xi32, #tpu.memory_space<vmem>>
        %dma_start3A_152 = tpu.memref_squeeze %dma_start3A_151 : memref<1x128xi32, #tpu.memory_space<vmem>> -> memref<128xi32, #tpu.memory_space<vmem>>
        %dma_start3A_153 = arith.constant 0 : i32
        %dma_start3A_154 = tpu.memref_slice %arg3[%add3A_148, %dma_start3A_153] : memref<2560x128xi32, #tpu.memory_space<hbm>> -> memref<1x128xi32, #tpu.memory_space<hbm>>
        %dma_start3A_155 = tpu.memref_squeeze %dma_start3A_154 : memref<1x128xi32, #tpu.memory_space<hbm>> -> memref<128xi32, #tpu.memory_space<hbm>>
        %dma_start3A_156 = arith.constant 0 : i32
        %dma_start3A_157 = tpu.memref_slice %arg6[%dma_start3A_149, %dma_start3A_156] : memref<4x128xi32, #tpu.memory_space<vmem>> -> memref<1x128xi32, #tpu.memory_space<vmem>>
        %dma_start3A_158 = tpu.memref_squeeze %dma_start3A_157 : memref<1x128xi32, #tpu.memory_space<vmem>> -> memref<128xi32, #tpu.memory_space<vmem>>
        %dma_start3A_159 = arith.constant 0 : i32
        %dma_start3A_160 = tpu.memref_slice %arg3[%add3A_148, %dma_start3A_159] : memref<2560x128xi32, #tpu.memory_space<hbm>> -> memref<1x128xi32, #tpu.memory_space<hbm>>
        %dma_start3A_161 = tpu.memref_squeeze %dma_start3A_160 : memref<1x128xi32, #tpu.memory_space<hbm>> -> memref<128xi32, #tpu.memory_space<hbm>>
        tpu.enqueue_dma source(%dma_start3A_161 : memref<128xi32, #tpu.memory_space<hbm>>) target(%dma_start3A_158 : memref<128xi32, #tpu.memory_space<vmem>>) target_semaphore(%arg12 : memref<!tpu.dma_semaphore, #tpu.memory_space<semaphore_mem>>)
      } else {
      }
      %dma_wait3A_106 = arith.constant 2 : i32
      %dma_wait3A_107 = arith.constant 0 : i32
      %dma_wait3A_108 = tpu.memref_slice %arg6[%dma_wait3A_106, %dma_wait3A_107] : memref<4x128xi32, #tpu.memory_space<vmem>> -> memref<1x128xi32, #tpu.memory_space<vmem>>
      %dma_wait3A_109 = tpu.memref_squeeze %dma_wait3A_108 : memref<1x128xi32, #tpu.memory_space<vmem>> -> memref<128xi32, #tpu.memory_space<vmem>>
      %dma_wait3A_110 = arith.constant 0 : i32
      %dma_wait3A_111 = arith.constant 0 : i32
      %dma_wait3A_112 = tpu.memref_slice %arg2[%dma_wait3A_110, %dma_wait3A_111] : memref<10240x128xf32, #tpu.memory_space<hbm>> -> memref<10240x128xf32, #tpu.memory_space<hbm>>
      tpu.wait_indirect_dma semaphore(%arg10 : memref<!tpu.dma_semaphore, #tpu.memory_space<semaphore_mem>>) src(%dma_wait3A_112 : memref<10240x128xf32, #tpu.memory_space<hbm>>) dst(%arg8 : memref<128x128xf32, #tpu.memory_space<vmem>>)
      "tpu.region"() ({
        %run_scoped3A_144 = tpu.sem_alloc : memref<!tpu.dma_semaphore, #tpu.memory_space<semaphore_mem>>
        %dma_start3A_145 = arith.constant 0 : i32
        %dma_start3A_146 = tpu.memref_slice %arg7[%add3A_98, %dma_start3A_145] : memref<80x128xi32, #tpu.memory_space<vmem>> -> memref<1x128xi32, #tpu.memory_space<vmem>>
        %dma_start3A_147 = tpu.memref_squeeze %dma_start3A_146 : memref<1x128xi32, #tpu.memory_space<vmem>> -> memref<128xi32, #tpu.memory_space<vmem>>
        %dma_start3A_148 = arith.constant 0 : i32
        %dma_start3A_149 = arith.constant 0 : i32
        %dma_start3A_150 = tpu.memref_slice %arg16[%dma_start3A_148, %dma_start3A_149] : memref<10240x128xf32, #tpu.memory_space<vmem_shared>> -> memref<10240x128xf32, #tpu.memory_space<vmem_shared>>
        tpu.enqueue_indirect_dma source(%arg8 : memref<128x128xf32, #tpu.memory_space<vmem>>) target(%dma_start3A_150 : memref<10240x128xf32, #tpu.memory_space<vmem_shared>>) offsets(%dma_start3A_147 : memref<128xi32, #tpu.memory_space<vmem>>) semaphore(%run_scoped3A_144 : memref<!tpu.dma_semaphore, #tpu.memory_space<semaphore_mem>>) {add = true}
        %dma_wait3A_151 = arith.constant 0 : i32
        %dma_wait3A_152 = tpu.memref_slice %arg7[%add3A_98, %dma_wait3A_151] : memref<80x128xi32, #tpu.memory_space<vmem>> -> memref<1x128xi32, #tpu.memory_space<vmem>>
        %dma_wait3A_153 = tpu.memref_squeeze %dma_wait3A_152 : memref<1x128xi32, #tpu.memory_space<vmem>> -> memref<128xi32, #tpu.memory_space<vmem>>
        %dma_wait3A_154 = arith.constant 0 : i32
        %dma_wait3A_155 = arith.constant 0 : i32
        %dma_wait3A_156 = tpu.memref_slice %arg16[%dma_wait3A_154, %dma_wait3A_155] : memref<10240x128xf32, #tpu.memory_space<vmem_shared>> -> memref<10240x128xf32, #tpu.memory_space<vmem_shared>>
        tpu.wait_indirect_dma semaphore(%run_scoped3A_144 : memref<!tpu.dma_semaphore, #tpu.memory_space<semaphore_mem>>) src(%arg8 : memref<128x128xf32, #tpu.memory_space<vmem>>) dst(%dma_wait3A_156 : memref<10240x128xf32, #tpu.memory_space<vmem_shared>>)
        tpu.yield
      }) : () -> ()
      %add3A_113 = arith.constant 2 : i32
      %add3A_114 = arith.addi %add3A_98, %add3A_113 : i32
      %lt3A_115 = arith.constant 80 : i32
      %lt3A_116 = arith.cmpi slt, %add3A_114, %lt3A_115 : i32
      %convert_element_type3A_117 = arith.extui %lt3A_116 : i1 to i32
      %cond3A_118 = arith.constant 0 : i32
      %cond3A_119 = arith.cmpi ne, %convert_element_type3A_117, %cond3A_118 : i32
      scf.if %cond3A_119 {
        %mul3A_144 = arith.constant 80 : i32
        %mul3A_145 = arith.muli %add3A, %mul3A_144 : i32
        %add3A_146 = arith.addi %mul3A_145, %add3A_98 : i32
        %add3A_147 = arith.constant 2 : i32
        %add3A_148 = arith.addi %add3A_146, %add3A_147 : i32
        %dma_wait3A_149 = arith.constant 0 : i32
        %dma_wait3A_150 = arith.constant 0 : i32
        %dma_wait3A_151 = tpu.memref_slice %arg6[%dma_wait3A_149, %dma_wait3A_150] : memref<4x128xi32, #tpu.memory_space<vmem>> -> memref<1x128xi32, #tpu.memory_space<vmem>>
        %dma_wait3A_152 = tpu.memref_squeeze %dma_wait3A_151 : memref<1x128xi32, #tpu.memory_space<vmem>> -> memref<128xi32, #tpu.memory_space<vmem>>
        %dma_wait3A_153 = arith.constant 0 : i32
        %dma_wait3A_154 = tpu.memref_slice %arg3[%add3A_148, %dma_wait3A_153] : memref<2560x128xi32, #tpu.memory_space<hbm>> -> memref<1x128xi32, #tpu.memory_space<hbm>>
        %dma_wait3A_155 = tpu.memref_squeeze %dma_wait3A_154 : memref<1x128xi32, #tpu.memory_space<hbm>> -> memref<128xi32, #tpu.memory_space<hbm>>
        %dma_wait3A_156 = arith.constant 0 : i32
        %dma_wait3A_157 = tpu.memref_slice %arg6[%dma_wait3A_149, %dma_wait3A_156] : memref<4x128xi32, #tpu.memory_space<vmem>> -> memref<1x128xi32, #tpu.memory_space<vmem>>
        %dma_wait3A_158 = tpu.memref_squeeze %dma_wait3A_157 : memref<1x128xi32, #tpu.memory_space<vmem>> -> memref<128xi32, #tpu.memory_space<vmem>>
        %dma_wait3A_159 = arith.constant 0 : i32
        %dma_wait3A_160 = tpu.memref_slice %arg3[%add3A_148, %dma_wait3A_159] : memref<2560x128xi32, #tpu.memory_space<hbm>> -> memref<1x128xi32, #tpu.memory_space<hbm>>
        %dma_wait3A_161 = tpu.memref_squeeze %dma_wait3A_160 : memref<1x128xi32, #tpu.memory_space<hbm>> -> memref<128xi32, #tpu.memory_space<hbm>>
        tpu.wait_dma2 semaphore(%arg12 : memref<!tpu.dma_semaphore, #tpu.memory_space<semaphore_mem>>) src(%dma_wait3A_161 : memref<128xi32, #tpu.memory_space<hbm>>) dst(%dma_wait3A_158 : memref<128xi32, #tpu.memory_space<vmem>>)
        %dma_start3A_162 = arith.constant 0 : i32
        %dma_start3A_163 = arith.constant 0 : i32
        %dma_start3A_164 = tpu.memref_slice %arg6[%dma_start3A_162, %dma_start3A_163] : memref<4x128xi32, #tpu.memory_space<vmem>> -> memref<1x128xi32, #tpu.memory_space<vmem>>
        %dma_start3A_165 = tpu.memref_squeeze %dma_start3A_164 : memref<1x128xi32, #tpu.memory_space<vmem>> -> memref<128xi32, #tpu.memory_space<vmem>>
        %dma_start3A_166 = arith.constant 0 : i32
        %dma_start3A_167 = arith.constant 0 : i32
        %dma_start3A_168 = tpu.memref_slice %arg2[%dma_start3A_166, %dma_start3A_167] : memref<10240x128xf32, #tpu.memory_space<hbm>> -> memref<10240x128xf32, #tpu.memory_space<hbm>>
        tpu.enqueue_indirect_dma source(%dma_start3A_168 : memref<10240x128xf32, #tpu.memory_space<hbm>>) target(%arg8 : memref<128x128xf32, #tpu.memory_space<vmem>>) offsets(%dma_start3A_165 : memref<128xi32, #tpu.memory_space<vmem>>) semaphore(%arg10 : memref<!tpu.dma_semaphore, #tpu.memory_space<semaphore_mem>>)
      } else {
      }
      %add3A_120 = arith.constant 3 : i32
      %add3A_121 = arith.addi %mul3A_54, %add3A_120 : i32
      %add3A_122 = arith.constant 2 : i32
      %add3A_123 = arith.addi %add3A_121, %add3A_122 : i32
      %lt3A_124 = arith.constant 80 : i32
      %lt3A_125 = arith.cmpi slt, %add3A_123, %lt3A_124 : i32
      %convert_element_type3A_126 = arith.extui %lt3A_125 : i1 to i32
      %cond3A_127 = arith.constant 0 : i32
      %cond3A_128 = arith.cmpi ne, %convert_element_type3A_126, %cond3A_127 : i32
      scf.if %cond3A_128 {
        %mul3A_144 = arith.constant 80 : i32
        %mul3A_145 = arith.muli %add3A, %mul3A_144 : i32
        %add3A_146 = arith.addi %mul3A_145, %add3A_121 : i32
        %add3A_147 = arith.constant 2 : i32
        %add3A_148 = arith.addi %add3A_146, %add3A_147 : i32
        %dma_start3A_149 = arith.constant 1 : i32
        %dma_start3A_150 = arith.constant 0 : i32
        %dma_start3A_151 = tpu.memref_slice %arg6[%dma_start3A_149, %dma_start3A_150] : memref<4x128xi32, #tpu.memory_space<vmem>> -> memref<1x128xi32, #tpu.memory_space<vmem>>
        %dma_start3A_152 = tpu.memref_squeeze %dma_start3A_151 : memref<1x128xi32, #tpu.memory_space<vmem>> -> memref<128xi32, #tpu.memory_space<vmem>>
        %dma_start3A_153 = arith.constant 0 : i32
        %dma_start3A_154 = tpu.memref_slice %arg3[%add3A_148, %dma_start3A_153] : memref<2560x128xi32, #tpu.memory_space<hbm>> -> memref<1x128xi32, #tpu.memory_space<hbm>>
        %dma_start3A_155 = tpu.memref_squeeze %dma_start3A_154 : memref<1x128xi32, #tpu.memory_space<hbm>> -> memref<128xi32, #tpu.memory_space<hbm>>
        %dma_start3A_156 = arith.constant 0 : i32
        %dma_start3A_157 = tpu.memref_slice %arg6[%dma_start3A_149, %dma_start3A_156] : memref<4x128xi32, #tpu.memory_space<vmem>> -> memref<1x128xi32, #tpu.memory_space<vmem>>
        %dma_start3A_158 = tpu.memref_squeeze %dma_start3A_157 : memref<1x128xi32, #tpu.memory_space<vmem>> -> memref<128xi32, #tpu.memory_space<vmem>>
        %dma_start3A_159 = arith.constant 0 : i32
        %dma_start3A_160 = tpu.memref_slice %arg3[%add3A_148, %dma_start3A_159] : memref<2560x128xi32, #tpu.memory_space<hbm>> -> memref<1x128xi32, #tpu.memory_space<hbm>>
        %dma_start3A_161 = tpu.memref_squeeze %dma_start3A_160 : memref<1x128xi32, #tpu.memory_space<hbm>> -> memref<128xi32, #tpu.memory_space<hbm>>
        tpu.enqueue_dma source(%dma_start3A_161 : memref<128xi32, #tpu.memory_space<hbm>>) target(%dma_start3A_158 : memref<128xi32, #tpu.memory_space<vmem>>) target_semaphore(%arg13 : memref<!tpu.dma_semaphore, #tpu.memory_space<semaphore_mem>>)
      } else {
      }
      %dma_wait3A_129 = arith.constant 3 : i32
      %dma_wait3A_130 = arith.constant 0 : i32
      %dma_wait3A_131 = tpu.memref_slice %arg6[%dma_wait3A_129, %dma_wait3A_130] : memref<4x128xi32, #tpu.memory_space<vmem>> -> memref<1x128xi32, #tpu.memory_space<vmem>>
      %dma_wait3A_132 = tpu.memref_squeeze %dma_wait3A_131 : memref<1x128xi32, #tpu.memory_space<vmem>> -> memref<128xi32, #tpu.memory_space<vmem>>
      %dma_wait3A_133 = arith.constant 0 : i32
      %dma_wait3A_134 = arith.constant 0 : i32
      %dma_wait3A_135 = tpu.memref_slice %arg2[%dma_wait3A_133, %dma_wait3A_134] : memref<10240x128xf32, #tpu.memory_space<hbm>> -> memref<10240x128xf32, #tpu.memory_space<hbm>>
      tpu.wait_indirect_dma semaphore(%arg11 : memref<!tpu.dma_semaphore, #tpu.memory_space<semaphore_mem>>) src(%dma_wait3A_135 : memref<10240x128xf32, #tpu.memory_space<hbm>>) dst(%arg9 : memref<128x128xf32, #tpu.memory_space<vmem>>)
      "tpu.region"() ({
        %run_scoped3A_144 = tpu.sem_alloc : memref<!tpu.dma_semaphore, #tpu.memory_space<semaphore_mem>>
        %dma_start3A_145 = arith.constant 0 : i32
        %dma_start3A_146 = tpu.memref_slice %arg7[%add3A_121, %dma_start3A_145] : memref<80x128xi32, #tpu.memory_space<vmem>> -> memref<1x128xi32, #tpu.memory_space<vmem>>
        %dma_start3A_147 = tpu.memref_squeeze %dma_start3A_146 : memref<1x128xi32, #tpu.memory_space<vmem>> -> memref<128xi32, #tpu.memory_space<vmem>>
        %dma_start3A_148 = arith.constant 0 : i32
        %dma_start3A_149 = arith.constant 0 : i32
        %dma_start3A_150 = tpu.memref_slice %arg16[%dma_start3A_148, %dma_start3A_149] : memref<10240x128xf32, #tpu.memory_space<vmem_shared>> -> memref<10240x128xf32, #tpu.memory_space<vmem_shared>>
        tpu.enqueue_indirect_dma source(%arg9 : memref<128x128xf32, #tpu.memory_space<vmem>>) target(%dma_start3A_150 : memref<10240x128xf32, #tpu.memory_space<vmem_shared>>) offsets(%dma_start3A_147 : memref<128xi32, #tpu.memory_space<vmem>>) semaphore(%run_scoped3A_144 : memref<!tpu.dma_semaphore, #tpu.memory_space<semaphore_mem>>) {add = true}
        %dma_wait3A_151 = arith.constant 0 : i32
        %dma_wait3A_152 = tpu.memref_slice %arg7[%add3A_121, %dma_wait3A_151] : memref<80x128xi32, #tpu.memory_space<vmem>> -> memref<1x128xi32, #tpu.memory_space<vmem>>
        %dma_wait3A_153 = tpu.memref_squeeze %dma_wait3A_152 : memref<1x128xi32, #tpu.memory_space<vmem>> -> memref<128xi32, #tpu.memory_space<vmem>>
        %dma_wait3A_154 = arith.constant 0 : i32
        %dma_wait3A_155 = arith.constant 0 : i32
        %dma_wait3A_156 = tpu.memref_slice %arg16[%dma_wait3A_154, %dma_wait3A_155] : memref<10240x128xf32, #tpu.memory_space<vmem_shared>> -> memref<10240x128xf32, #tpu.memory_space<vmem_shared>>
        tpu.wait_indirect_dma semaphore(%run_scoped3A_144 : memref<!tpu.dma_semaphore, #tpu.memory_space<semaphore_mem>>) src(%arg9 : memref<128x128xf32, #tpu.memory_space<vmem>>) dst(%dma_wait3A_156 : memref<10240x128xf32, #tpu.memory_space<vmem_shared>>)
        tpu.yield
      }) : () -> ()
      %add3A_136 = arith.constant 2 : i32
      %add3A_137 = arith.addi %add3A_121, %add3A_136 : i32
      %lt3A_138 = arith.constant 80 : i32
      %lt3A_139 = arith.cmpi slt, %add3A_137, %lt3A_138 : i32
      %convert_element_type3A_140 = arith.extui %lt3A_139 : i1 to i32
      %cond3A_141 = arith.constant 0 : i32
      %cond3A_142 = arith.cmpi ne, %convert_element_type3A_140, %cond3A_141 : i32
      scf.if %cond3A_142 {
        %mul3A_144 = arith.constant 80 : i32
        %mul3A_145 = arith.muli %add3A, %mul3A_144 : i32
        %add3A_146 = arith.addi %mul3A_145, %add3A_121 : i32
        %add3A_147 = arith.constant 2 : i32
        %add3A_148 = arith.addi %add3A_146, %add3A_147 : i32
        %dma_wait3A_149 = arith.constant 1 : i32
        %dma_wait3A_150 = arith.constant 0 : i32
        %dma_wait3A_151 = tpu.memref_slice %arg6[%dma_wait3A_149, %dma_wait3A_150] : memref<4x128xi32, #tpu.memory_space<vmem>> -> memref<1x128xi32, #tpu.memory_space<vmem>>
        %dma_wait3A_152 = tpu.memref_squeeze %dma_wait3A_151 : memref<1x128xi32, #tpu.memory_space<vmem>> -> memref<128xi32, #tpu.memory_space<vmem>>
        %dma_wait3A_153 = arith.constant 0 : i32
        %dma_wait3A_154 = tpu.memref_slice %arg3[%add3A_148, %dma_wait3A_153] : memref<2560x128xi32, #tpu.memory_space<hbm>> -> memref<1x128xi32, #tpu.memory_space<hbm>>
        %dma_wait3A_155 = tpu.memref_squeeze %dma_wait3A_154 : memref<1x128xi32, #tpu.memory_space<hbm>> -> memref<128xi32, #tpu.memory_space<hbm>>
        %dma_wait3A_156 = arith.constant 0 : i32
        %dma_wait3A_157 = tpu.memref_slice %arg6[%dma_wait3A_149, %dma_wait3A_156] : memref<4x128xi32, #tpu.memory_space<vmem>> -> memref<1x128xi32, #tpu.memory_space<vmem>>
        %dma_wait3A_158 = tpu.memref_squeeze %dma_wait3A_157 : memref<1x128xi32, #tpu.memory_space<vmem>> -> memref<128xi32, #tpu.memory_space<vmem>>
        %dma_wait3A_159 = arith.constant 0 : i32
        %dma_wait3A_160 = tpu.memref_slice %arg3[%add3A_148, %dma_wait3A_159] : memref<2560x128xi32, #tpu.memory_space<hbm>> -> memref<1x128xi32, #tpu.memory_space<hbm>>
        %dma_wait3A_161 = tpu.memref_squeeze %dma_wait3A_160 : memref<1x128xi32, #tpu.memory_space<hbm>> -> memref<128xi32, #tpu.memory_space<hbm>>
        tpu.wait_dma2 semaphore(%arg13 : memref<!tpu.dma_semaphore, #tpu.memory_space<semaphore_mem>>) src(%dma_wait3A_161 : memref<128xi32, #tpu.memory_space<hbm>>) dst(%dma_wait3A_158 : memref<128xi32, #tpu.memory_space<vmem>>)
        %dma_start3A_162 = arith.constant 1 : i32
        %dma_start3A_163 = arith.constant 0 : i32
        %dma_start3A_164 = tpu.memref_slice %arg6[%dma_start3A_162, %dma_start3A_163] : memref<4x128xi32, #tpu.memory_space<vmem>> -> memref<1x128xi32, #tpu.memory_space<vmem>>
        %dma_start3A_165 = tpu.memref_squeeze %dma_start3A_164 : memref<1x128xi32, #tpu.memory_space<vmem>> -> memref<128xi32, #tpu.memory_space<vmem>>
        %dma_start3A_166 = arith.constant 0 : i32
        %dma_start3A_167 = arith.constant 0 : i32
        %dma_start3A_168 = tpu.memref_slice %arg2[%dma_start3A_166, %dma_start3A_167] : memref<10240x128xf32, #tpu.memory_space<hbm>> -> memref<10240x128xf32, #tpu.memory_space<hbm>>
        tpu.enqueue_indirect_dma source(%dma_start3A_168 : memref<10240x128xf32, #tpu.memory_space<hbm>>) target(%arg9 : memref<128x128xf32, #tpu.memory_space<vmem>>) offsets(%dma_start3A_165 : memref<128xi32, #tpu.memory_space<vmem>>) semaphore(%arg11 : memref<!tpu.dma_semaphore, #tpu.memory_space<semaphore_mem>>)
      } else {
      }
      %scan3A_143 = arith.constant 0 : i32
      scf.yield %scan3A_143 : i32
    }
    %scan3A_42 = arith.constant 20 : i32
    %barrier3A_43 = arith.constant 0 : index
    tpu.barrier barrier_id(%barrier3A_43)
    %scan3A_44 = arith.constant 0 : i32
    %scan3A_45 = arith.constant 0 : i32
    %scan3A_46 = arith.constant 5 : i32
    %scan3A_47 = arith.addi %scan3A_45, %scan3A_46 : i32
    %scan3A_48 = arith.constant 1 : i32
    %scan3A_49 = scf.for %scan3A_51 = %scan3A_45 to %scan3A_47 step %scan3A_48 iter_args(%scan3A_52 = %scan3A_44) -> (i32)  : i32 {
      %mul3A_53 = arith.constant 640 : i32
      %mul3A_54 = arith.muli %arg1, %mul3A_53 : i32
      %mul3A_55 = arith.constant 128 : i32
      %mul3A_56 = arith.muli %scan3A_51, %mul3A_55 : i32
      %add3A_57 = arith.addi %mul3A_54, %mul3A_56 : i32
      "tpu.region"() ({
        %run_scoped3A_59 = tpu.sem_alloc : memref<!tpu.dma_semaphore, #tpu.memory_space<semaphore_mem>>
        %dma_start3A_60 = arith.constant 0 : i32
        %dma_start3A_61 = tpu.memref_slice %arg16[%add3A_57, %dma_start3A_60] : memref<10240x128xf32, #tpu.memory_space<vmem_shared>> -> memref<128x128xf32, #tpu.memory_space<vmem_shared>>
        %dma_start3A_62 = arith.constant 0 : i32
        %dma_start3A_63 = tpu.memref_slice %arg16[%add3A_57, %dma_start3A_62] : memref<10240x128xf32, #tpu.memory_space<vmem_shared>> -> memref<128x128xf32, #tpu.memory_space<vmem_shared>>
        tpu.enqueue_dma source(%dma_start3A_63 : memref<128x128xf32, #tpu.memory_space<vmem_shared>>) target(%arg8 : memref<128x128xf32, #tpu.memory_space<vmem>>) target_semaphore(%run_scoped3A_59 : memref<!tpu.dma_semaphore, #tpu.memory_space<semaphore_mem>>)
        %dma_wait3A = arith.constant 0 : i32
        %dma_wait3A_64 = tpu.memref_slice %arg16[%add3A_57, %dma_wait3A] : memref<10240x128xf32, #tpu.memory_space<vmem_shared>> -> memref<128x128xf32, #tpu.memory_space<vmem_shared>>
        %dma_wait3A_65 = arith.constant 0 : i32
        %dma_wait3A_66 = tpu.memref_slice %arg16[%add3A_57, %dma_wait3A_65] : memref<10240x128xf32, #tpu.memory_space<vmem_shared>> -> memref<128x128xf32, #tpu.memory_space<vmem_shared>>
        tpu.wait_dma2 semaphore(%run_scoped3A_59 : memref<!tpu.dma_semaphore, #tpu.memory_space<semaphore_mem>>) src(%dma_wait3A_66 : memref<128x128xf32, #tpu.memory_space<vmem_shared>>) dst(%arg8 : memref<128x128xf32, #tpu.memory_space<vmem>>)
        tpu.yield
      }) : () -> ()
      "tpu.region"() ({
        %run_scoped3A_59 = tpu.sem_alloc : memref<!tpu.dma_semaphore, #tpu.memory_space<semaphore_mem>>
        %dma_start3A_60 = arith.constant 0 : i32
        %dma_start3A_61 = tpu.memref_slice %arg5[%arg0, %add3A_57, %dma_start3A_60] : memref<2x10240x128xf32, #tpu.memory_space<hbm>> -> memref<1x128x128xf32, #tpu.memory_space<hbm>>
        %dma_start3A_62 = tpu.memref_squeeze %dma_start3A_61 : memref<1x128x128xf32, #tpu.memory_space<hbm>> -> memref<128x128xf32, #tpu.memory_space<hbm>>
        %dma_start3A_63 = arith.constant 0 : i32
        %dma_start3A_64 = tpu.memref_slice %arg5[%arg0, %add3A_57, %dma_start3A_63] : memref<2x10240x128xf32, #tpu.memory_space<hbm>> -> memref<1x128x128xf32, #tpu.memory_space<hbm>>
        %dma_start3A_65 = tpu.memref_squeeze %dma_start3A_64 : memref<1x128x128xf32, #tpu.memory_space<hbm>> -> memref<128x128xf32, #tpu.memory_space<hbm>>
        tpu.enqueue_dma source(%arg8 : memref<128x128xf32, #tpu.memory_space<vmem>>) target(%dma_start3A_65 : memref<128x128xf32, #tpu.memory_space<hbm>>) target_semaphore(%run_scoped3A_59 : memref<!tpu.dma_semaphore, #tpu.memory_space<semaphore_mem>>)
        %dma_wait3A = arith.constant 0 : i32
        %dma_wait3A_66 = tpu.memref_slice %arg5[%arg0, %add3A_57, %dma_wait3A] : memref<2x10240x128xf32, #tpu.memory_space<hbm>> -> memref<1x128x128xf32, #tpu.memory_space<hbm>>
        %dma_wait3A_67 = tpu.memref_squeeze %dma_wait3A_66 : memref<1x128x128xf32, #tpu.memory_space<hbm>> -> memref<128x128xf32, #tpu.memory_space<hbm>>
        %dma_wait3A_68 = arith.constant 0 : i32
        %dma_wait3A_69 = tpu.memref_slice %arg5[%arg0, %add3A_57, %dma_wait3A_68] : memref<2x10240x128xf32, #tpu.memory_space<hbm>> -> memref<1x128x128xf32, #tpu.memory_space<hbm>>
        %dma_wait3A_70 = tpu.memref_squeeze %dma_wait3A_69 : memref<1x128x128xf32, #tpu.memory_space<hbm>> -> memref<128x128xf32, #tpu.memory_space<hbm>>
        tpu.wait_dma2 semaphore(%run_scoped3A_59 : memref<!tpu.dma_semaphore, #tpu.memory_space<semaphore_mem>>) src(%arg8 : memref<128x128xf32, #tpu.memory_space<vmem>>) dst(%dma_wait3A_70 : memref<128x128xf32, #tpu.memory_space<hbm>>)
        tpu.yield
      }) : () -> ()
      %scan3A_58 = arith.constant 0 : i32
      scf.yield %scan3A_58 : i32
    }
    %scan3A_50 = arith.constant 5 : i32
    return
  }
}

#map = affine_map<(d0, d1) -> (0, 0)>
#map1 = affine_map<(d0, d1) -> (0, 0, 0)>
module attributes {stable_mosaic.version = 14 : i64} {
  func.func @_sc_deg(%arg0: i32, %arg1: i32, %arg2: memref<2560x128xi32, #tpu.memory_space<hbm>>, %arg3: memref<2x10240x128xf32, #tpu.memory_space<hbm>>, %arg4: memref<80x128xi32, #tpu.memory_space<vmem>>, %arg5: memref<128x128xf32, #tpu.memory_space<vmem>>, %arg6: memref<!tpu.dma_semaphore, #tpu.memory_space<semaphore_mem>>, %arg7: memref<!tpu.dma_semaphore, #tpu.memory_space<semaphore_mem>>, %arg8: memref<10240x128xf32, #tpu.memory_space<vmem_shared>>) attributes {dimension_semantics = [#tpu.dimension_semantics<core_parallel>, #tpu.dimension_semantics<subcore_parallel>], iteration_bounds = array<i64: 2, 16>, scalar_prefetch = 0 : i64, scratch_operands = 5 : i64, tpu.core_type = #tpu.core_type<sc_vector_subcore>, window_params = [{transform_indices = #map}, {transform_indices = #map1}]} {
    %mul3A = arith.constant 16 : i32
    %mul3A_0 = arith.muli %arg0, %mul3A : i32
    %add3A = arith.addi %mul3A_0, %arg1 : i32
    %scan3A = arith.constant 0 : i32
    %scan3A_1 = arith.constant 0 : i32
    %scan3A_2 = arith.constant 1024 : i32
    %scan3A_3 = arith.addi %scan3A_1, %scan3A_2 : i32
    %scan3A_4 = arith.constant 1 : i32
    %scan3A_5 = scf.for %scan3A_51 = %scan3A_1 to %scan3A_3 step %scan3A_4 iter_args(%scan3A_52 = %scan3A) -> (i32)  : i32 {
      %broadcast_in_dim3A = arith.constant 0.000000e+00 : f32
      %broadcast_in_dim3A_53 = vector.broadcast %broadcast_in_dim3A : f32 to vector<16xf32>
      %jit3A = arith.constant 8 : i32
      %div3A = arith.divsi %scan3A_51, %jit3A : i32
      %sign3A = arith.constant 0 : i32
      %sign3A_54 = arith.cmpi sgt, %scan3A_51, %sign3A : i32
      %sign3A_55 = arith.extui %sign3A_54 : i1 to i32
      %sign3A_56 = arith.constant 0 : i32
      %sign3A_57 = arith.cmpi slt, %scan3A_51, %sign3A_56 : i32
      %sign3A_58 = arith.extui %sign3A_57 : i1 to i32
      %sign3A_59 = arith.subi %sign3A_55, %sign3A_58 : i32
      %sign3A_60 = arith.constant 0 : i32
      %sign3A_61 = arith.cmpi sgt, %jit3A, %sign3A_60 : i32
      %sign3A_62 = arith.extui %sign3A_61 : i1 to i32
      %sign3A_63 = arith.constant 0 : i32
      %sign3A_64 = arith.cmpi slt, %jit3A, %sign3A_63 : i32
      %sign3A_65 = arith.extui %sign3A_64 : i1 to i32
      %sign3A_66 = arith.subi %sign3A_62, %sign3A_65 : i32
      %ne3A = arith.cmpi ne, %sign3A_59, %sign3A_66 : i32
      %rem3A = arith.remsi %scan3A_51, %jit3A : i32
      %ne3A_67 = arith.constant 0 : i32
      %ne3A_68 = arith.cmpi ne, %rem3A, %ne3A_67 : i32
      %and3A = arith.andi %ne3A, %ne3A_68 : i1
      %sub3A = arith.constant 1 : i32
      %sub3A_69 = arith.subi %div3A, %sub3A : i32
      %select_n3A = arith.select %and3A, %sub3A_69, %div3A : i32
      %jit3A_70 = arith.constant 8 : i32
      %eq3A = arith.constant 0 : i32
      %eq3A_71 = arith.cmpi eq, %jit3A_70, %eq3A : i32
      %jit3A_72 = arith.constant 1 : i32
      %select_n3A_73 = arith.select %eq3A_71, %jit3A_72, %jit3A_70 : i32
      %rem3A_74 = arith.remsi %scan3A_51, %select_n3A_73 : i32
      %ne3A_75 = arith.constant 0 : i32
      %ne3A_76 = arith.cmpi ne, %rem3A_74, %ne3A_75 : i32
      %lt3A = arith.constant 0 : i32
      %lt3A_77 = arith.cmpi slt, %rem3A_74, %lt3A : i32
      %lt3A_78 = arith.constant 0 : i32
      %lt3A_79 = arith.cmpi slt, %select_n3A_73, %lt3A_78 : i32
      %ne3A_80 = arith.xori %lt3A_77, %lt3A_79 : i1
      %and3A_81 = arith.andi %ne3A_80, %ne3A_76 : i1
      %add3A_82 = arith.addi %rem3A_74, %select_n3A_73 : i32
      %select_n3A_83 = arith.select %and3A_81, %add3A_82, %rem3A_74 : i32
      %mul3A_84 = arith.constant 16 : i32
      %mul3A_85 = arith.muli %select_n3A_83, %mul3A_84 : i32
      %swap3A = arith.index_cast %select_n3A : i32 to index
      %swap3A_86 = arith.index_cast %mul3A_85 : i32 to index
      %swap3A_87 = tpu.vector_load %arg5[%swap3A, %swap3A_86] {strides = array<i32>} : memref<128x128xf32, #tpu.memory_space<vmem>>, vector<1x16xf32>,
      %swap3A_88 = vector.shape_cast %swap3A_87 : vector<1x16xf32> to vector<16xf32>
      %swap3A_89 = vector.shape_cast %broadcast_in_dim3A_53 : vector<16xf32> to vector<1x16xf32>
      tpu.vector_store %arg5[%swap3A, %swap3A_86], %swap3A_89 {strides = array<i32>} : memref<128x128xf32, #tpu.memory_space<vmem>>, vector<1x16xf32>,
      %scan3A_90 = arith.constant 0 : i32
      scf.yield %scan3A_90 : i32
    }
    %scan3A_6 = arith.constant 1024 : i32
    %scan3A_7 = arith.constant 0 : i32
    %scan3A_8 = arith.constant 0 : i32
    %scan3A_9 = arith.constant 5 : i32
    %scan3A_10 = arith.addi %scan3A_8, %scan3A_9 : i32
    %scan3A_11 = arith.constant 1 : i32
    %scan3A_12 = scf.for %scan3A_51 = %scan3A_8 to %scan3A_10 step %scan3A_11 iter_args(%scan3A_52 = %scan3A_7) -> (i32)  : i32 {
      %mul3A_53 = arith.constant 640 : i32
      %mul3A_54 = arith.muli %arg1, %mul3A_53 : i32
      %mul3A_55 = arith.constant 128 : i32
      %mul3A_56 = arith.muli %scan3A_51, %mul3A_55 : i32
      %add3A_57 = arith.addi %mul3A_54, %mul3A_56 : i32
      "tpu.region"() ({
        %run_scoped3A = tpu.sem_alloc : memref<!tpu.dma_semaphore, #tpu.memory_space<semaphore_mem>>
        %dma_start3A = arith.constant 0 : i32
        %dma_start3A_59 = tpu.memref_slice %arg8[%add3A_57, %dma_start3A] : memref<10240x128xf32, #tpu.memory_space<vmem_shared>> -> memref<128x128xf32, #tpu.memory_space<vmem_shared>>
        %dma_start3A_60 = arith.constant 0 : i32
        %dma_start3A_61 = tpu.memref_slice %arg8[%add3A_57, %dma_start3A_60] : memref<10240x128xf32, #tpu.memory_space<vmem_shared>> -> memref<128x128xf32, #tpu.memory_space<vmem_shared>>
        tpu.enqueue_dma source(%arg5 : memref<128x128xf32, #tpu.memory_space<vmem>>) target(%dma_start3A_61 : memref<128x128xf32, #tpu.memory_space<vmem_shared>>) target_semaphore(%run_scoped3A : memref<!tpu.dma_semaphore, #tpu.memory_space<semaphore_mem>>)
        %dma_wait3A_62 = arith.constant 0 : i32
        %dma_wait3A_63 = tpu.memref_slice %arg8[%add3A_57, %dma_wait3A_62] : memref<10240x128xf32, #tpu.memory_space<vmem_shared>> -> memref<128x128xf32, #tpu.memory_space<vmem_shared>>
        %dma_wait3A_64 = arith.constant 0 : i32
        %dma_wait3A_65 = tpu.memref_slice %arg8[%add3A_57, %dma_wait3A_64] : memref<10240x128xf32, #tpu.memory_space<vmem_shared>> -> memref<128x128xf32, #tpu.memory_space<vmem_shared>>
        tpu.wait_dma2 semaphore(%run_scoped3A : memref<!tpu.dma_semaphore, #tpu.memory_space<semaphore_mem>>) src(%arg5 : memref<128x128xf32, #tpu.memory_space<vmem>>) dst(%dma_wait3A_65 : memref<128x128xf32, #tpu.memory_space<vmem_shared>>)
        tpu.yield
      }) : () -> ()
      %scan3A_58 = arith.constant 0 : i32
      scf.yield %scan3A_58 : i32
    }
    %scan3A_13 = arith.constant 5 : i32
    %scan3A_14 = arith.constant 0 : i32
    %scan3A_15 = arith.constant 0 : i32
    %scan3A_16 = arith.constant 1024 : i32
    %scan3A_17 = arith.addi %scan3A_15, %scan3A_16 : i32
    %scan3A_18 = arith.constant 1 : i32
    %scan3A_19 = scf.for %scan3A_51 = %scan3A_15 to %scan3A_17 step %scan3A_18 iter_args(%scan3A_52 = %scan3A_14) -> (i32)  : i32 {
      %broadcast_in_dim3A = arith.constant 1.000000e+00 : f32
      %broadcast_in_dim3A_53 = vector.broadcast %broadcast_in_dim3A : f32 to vector<16xf32>
      %jit3A = arith.constant 8 : i32
      %div3A = arith.divsi %scan3A_51, %jit3A : i32
      %sign3A = arith.constant 0 : i32
      %sign3A_54 = arith.cmpi sgt, %scan3A_51, %sign3A : i32
      %sign3A_55 = arith.extui %sign3A_54 : i1 to i32
      %sign3A_56 = arith.constant 0 : i32
      %sign3A_57 = arith.cmpi slt, %scan3A_51, %sign3A_56 : i32
      %sign3A_58 = arith.extui %sign3A_57 : i1 to i32
      %sign3A_59 = arith.subi %sign3A_55, %sign3A_58 : i32
      %sign3A_60 = arith.constant 0 : i32
      %sign3A_61 = arith.cmpi sgt, %jit3A, %sign3A_60 : i32
      %sign3A_62 = arith.extui %sign3A_61 : i1 to i32
      %sign3A_63 = arith.constant 0 : i32
      %sign3A_64 = arith.cmpi slt, %jit3A, %sign3A_63 : i32
      %sign3A_65 = arith.extui %sign3A_64 : i1 to i32
      %sign3A_66 = arith.subi %sign3A_62, %sign3A_65 : i32
      %ne3A = arith.cmpi ne, %sign3A_59, %sign3A_66 : i32
      %rem3A = arith.remsi %scan3A_51, %jit3A : i32
      %ne3A_67 = arith.constant 0 : i32
      %ne3A_68 = arith.cmpi ne, %rem3A, %ne3A_67 : i32
      %and3A = arith.andi %ne3A, %ne3A_68 : i1
      %sub3A = arith.constant 1 : i32
      %sub3A_69 = arith.subi %div3A, %sub3A : i32
      %select_n3A = arith.select %and3A, %sub3A_69, %div3A : i32
      %jit3A_70 = arith.constant 8 : i32
      %eq3A = arith.constant 0 : i32
      %eq3A_71 = arith.cmpi eq, %jit3A_70, %eq3A : i32
      %jit3A_72 = arith.constant 1 : i32
      %select_n3A_73 = arith.select %eq3A_71, %jit3A_72, %jit3A_70 : i32
      %rem3A_74 = arith.remsi %scan3A_51, %select_n3A_73 : i32
      %ne3A_75 = arith.constant 0 : i32
      %ne3A_76 = arith.cmpi ne, %rem3A_74, %ne3A_75 : i32
      %lt3A = arith.constant 0 : i32
      %lt3A_77 = arith.cmpi slt, %rem3A_74, %lt3A : i32
      %lt3A_78 = arith.constant 0 : i32
      %lt3A_79 = arith.cmpi slt, %select_n3A_73, %lt3A_78 : i32
      %ne3A_80 = arith.xori %lt3A_77, %lt3A_79 : i1
      %and3A_81 = arith.andi %ne3A_80, %ne3A_76 : i1
      %add3A_82 = arith.addi %rem3A_74, %select_n3A_73 : i32
      %select_n3A_83 = arith.select %and3A_81, %add3A_82, %rem3A_74 : i32
      %mul3A_84 = arith.constant 16 : i32
      %mul3A_85 = arith.muli %select_n3A_83, %mul3A_84 : i32
      %swap3A = arith.index_cast %select_n3A : i32 to index
      %swap3A_86 = arith.index_cast %mul3A_85 : i32 to index
      %swap3A_87 = tpu.vector_load %arg5[%swap3A, %swap3A_86] {strides = array<i32>} : memref<128x128xf32, #tpu.memory_space<vmem>>, vector<1x16xf32>,
      %swap3A_88 = vector.shape_cast %swap3A_87 : vector<1x16xf32> to vector<16xf32>
      %swap3A_89 = vector.shape_cast %broadcast_in_dim3A_53 : vector<16xf32> to vector<1x16xf32>
      tpu.vector_store %arg5[%swap3A, %swap3A_86], %swap3A_89 {strides = array<i32>} : memref<128x128xf32, #tpu.memory_space<vmem>>, vector<1x16xf32>,
      %scan3A_90 = arith.constant 0 : i32
      scf.yield %scan3A_90 : i32
    }
    %scan3A_20 = arith.constant 1024 : i32
    %mul3A_21 = arith.constant 80 : i32
    %mul3A_22 = arith.muli %add3A, %mul3A_21 : i32
    "tpu.region"() ({
      %run_scoped3A = tpu.sem_alloc : memref<!tpu.dma_semaphore, #tpu.memory_space<semaphore_mem>>
      %dma_start3A = arith.constant 0 : i32
      %dma_start3A_51 = tpu.memref_slice %arg2[%mul3A_22, %dma_start3A] : memref<2560x128xi32, #tpu.memory_space<hbm>> -> memref<80x128xi32, #tpu.memory_space<hbm>>
      %dma_start3A_52 = arith.constant 0 : i32
      %dma_start3A_53 = tpu.memref_slice %arg2[%mul3A_22, %dma_start3A_52] : memref<2560x128xi32, #tpu.memory_space<hbm>> -> memref<80x128xi32, #tpu.memory_space<hbm>>
      tpu.enqueue_dma source(%dma_start3A_53 : memref<80x128xi32, #tpu.memory_space<hbm>>) target(%arg4 : memref<80x128xi32, #tpu.memory_space<vmem>>) target_semaphore(%run_scoped3A : memref<!tpu.dma_semaphore, #tpu.memory_space<semaphore_mem>>)
      %dma_wait3A_54 = arith.constant 0 : i32
      %dma_wait3A_55 = tpu.memref_slice %arg2[%mul3A_22, %dma_wait3A_54] : memref<2560x128xi32, #tpu.memory_space<hbm>> -> memref<80x128xi32, #tpu.memory_space<hbm>>
      %dma_wait3A_56 = arith.constant 0 : i32
      %dma_wait3A_57 = tpu.memref_slice %arg2[%mul3A_22, %dma_wait3A_56] : memref<2560x128xi32, #tpu.memory_space<hbm>> -> memref<80x128xi32, #tpu.memory_space<hbm>>
      tpu.wait_dma2 semaphore(%run_scoped3A : memref<!tpu.dma_semaphore, #tpu.memory_space<semaphore_mem>>) src(%dma_wait3A_57 : memref<80x128xi32, #tpu.memory_space<hbm>>) dst(%arg4 : memref<80x128xi32, #tpu.memory_space<vmem>>)
      tpu.yield
    }) : () -> ()
    %barrier3A = arith.constant 0 : index
    tpu.barrier barrier_id(%barrier3A)
    %scan3A_23 = arith.constant 0 : i32
    %scan3A_24 = arith.constant 0 : i32
    %scan3A_25 = arith.constant 40 : i32
    %scan3A_26 = arith.addi %scan3A_24, %scan3A_25 : i32
    %scan3A_27 = arith.constant 1 : i32
    %scan3A_28 = scf.for %scan3A_51 = %scan3A_24 to %scan3A_26 step %scan3A_27 iter_args(%scan3A_52 = %scan3A_23) -> (i32)  : i32 {
      %mul3A_53 = arith.constant 2 : i32
      %mul3A_54 = arith.muli %mul3A_53, %scan3A_51 : i32
      %add3A_55 = arith.constant 0 : i32
      %add3A_56 = arith.addi %mul3A_54, %add3A_55 : i32
      %ge3A = arith.constant 2 : i32
      %ge3A_57 = arith.cmpi sge, %add3A_56, %ge3A : i32
      %convert_element_type3A = arith.extui %ge3A_57 : i1 to i32
      %cond3A = arith.constant 0 : i32
      %cond3A_58 = arith.cmpi ne, %convert_element_type3A, %cond3A : i32
      scf.if %cond3A_58 {
        %sub3A = arith.constant 2 : i32
        %sub3A_80 = arith.subi %add3A_56, %sub3A : i32
        %dma_wait3A_81 = arith.constant 0 : i32
        %dma_wait3A_82 = tpu.memref_slice %arg4[%sub3A_80, %dma_wait3A_81] : memref<80x128xi32, #tpu.memory_space<vmem>> -> memref<1x128xi32, #tpu.memory_space<vmem>>
        %dma_wait3A_83 = tpu.memref_squeeze %dma_wait3A_82 : memref<1x128xi32, #tpu.memory_space<vmem>> -> memref<128xi32, #tpu.memory_space<vmem>>
        %dma_wait3A_84 = arith.constant 0 : i32
        %dma_wait3A_85 = arith.constant 0 : i32
        %dma_wait3A_86 = tpu.memref_slice %arg8[%dma_wait3A_84, %dma_wait3A_85] : memref<10240x128xf32, #tpu.memory_space<vmem_shared>> -> memref<10240x128xf32, #tpu.memory_space<vmem_shared>>
        tpu.wait_indirect_dma semaphore(%arg6 : memref<!tpu.dma_semaphore, #tpu.memory_space<semaphore_mem>>) src(%arg5 : memref<128x128xf32, #tpu.memory_space<vmem>>) dst(%dma_wait3A_86 : memref<10240x128xf32, #tpu.memory_space<vmem_shared>>)
      } else {
      }
      %dma_start3A = arith.constant 0 : i32
      %dma_start3A_59 = tpu.memref_slice %arg4[%add3A_56, %dma_start3A] : memref<80x128xi32, #tpu.memory_space<vmem>> -> memref<1x128xi32, #tpu.memory_space<vmem>>
      %dma_start3A_60 = tpu.memref_squeeze %dma_start3A_59 : memref<1x128xi32, #tpu.memory_space<vmem>> -> memref<128xi32, #tpu.memory_space<vmem>>
      %dma_start3A_61 = arith.constant 0 : i32
      %dma_start3A_62 = arith.constant 0 : i32
      %dma_start3A_63 = tpu.memref_slice %arg8[%dma_start3A_61, %dma_start3A_62] : memref<10240x128xf32, #tpu.memory_space<vmem_shared>> -> memref<10240x128xf32, #tpu.memory_space<vmem_shared>>
      tpu.enqueue_indirect_dma source(%arg5 : memref<128x128xf32, #tpu.memory_space<vmem>>) target(%dma_start3A_63 : memref<10240x128xf32, #tpu.memory_space<vmem_shared>>) offsets(%dma_start3A_60 : memref<128xi32, #tpu.memory_space<vmem>>) semaphore(%arg6 : memref<!tpu.dma_semaphore, #tpu.memory_space<semaphore_mem>>) {add = true}
      %mul3A_64 = arith.constant 2 : i32
      %mul3A_65 = arith.muli %mul3A_64, %scan3A_51 : i32
      %add3A_66 = arith.constant 1 : i32
      %add3A_67 = arith.addi %mul3A_65, %add3A_66 : i32
      %ge3A_68 = arith.constant 2 : i32
      %ge3A_69 = arith.cmpi sge, %add3A_67, %ge3A_68 : i32
      %convert_element_type3A_70 = arith.extui %ge3A_69 : i1 to i32
      %cond3A_71 = arith.constant 0 : i32
      %cond3A_72 = arith.cmpi ne, %convert_element_type3A_70, %cond3A_71 : i32
      scf.if %cond3A_72 {
        %sub3A = arith.constant 2 : i32
        %sub3A_80 = arith.subi %add3A_67, %sub3A : i32
        %dma_wait3A_81 = arith.constant 0 : i32
        %dma_wait3A_82 = tpu.memref_slice %arg4[%sub3A_80, %dma_wait3A_81] : memref<80x128xi32, #tpu.memory_space<vmem>> -> memref<1x128xi32, #tpu.memory_space<vmem>>
        %dma_wait3A_83 = tpu.memref_squeeze %dma_wait3A_82 : memref<1x128xi32, #tpu.memory_space<vmem>> -> memref<128xi32, #tpu.memory_space<vmem>>
        %dma_wait3A_84 = arith.constant 0 : i32
        %dma_wait3A_85 = arith.constant 0 : i32
        %dma_wait3A_86 = tpu.memref_slice %arg8[%dma_wait3A_84, %dma_wait3A_85] : memref<10240x128xf32, #tpu.memory_space<vmem_shared>> -> memref<10240x128xf32, #tpu.memory_space<vmem_shared>>
        tpu.wait_indirect_dma semaphore(%arg7 : memref<!tpu.dma_semaphore, #tpu.memory_space<semaphore_mem>>) src(%arg5 : memref<128x128xf32, #tpu.memory_space<vmem>>) dst(%dma_wait3A_86 : memref<10240x128xf32, #tpu.memory_space<vmem_shared>>)
      } else {
      }
      %dma_start3A_73 = arith.constant 0 : i32
      %dma_start3A_74 = tpu.memref_slice %arg4[%add3A_67, %dma_start3A_73] : memref<80x128xi32, #tpu.memory_space<vmem>> -> memref<1x128xi32, #tpu.memory_space<vmem>>
      %dma_start3A_75 = tpu.memref_squeeze %dma_start3A_74 : memref<1x128xi32, #tpu.memory_space<vmem>> -> memref<128xi32, #tpu.memory_space<vmem>>
      %dma_start3A_76 = arith.constant 0 : i32
      %dma_start3A_77 = arith.constant 0 : i32
      %dma_start3A_78 = tpu.memref_slice %arg8[%dma_start3A_76, %dma_start3A_77] : memref<10240x128xf32, #tpu.memory_space<vmem_shared>> -> memref<10240x128xf32, #tpu.memory_space<vmem_shared>>
      tpu.enqueue_indirect_dma source(%arg5 : memref<128x128xf32, #tpu.memory_space<vmem>>) target(%dma_start3A_78 : memref<10240x128xf32, #tpu.memory_space<vmem_shared>>) offsets(%dma_start3A_75 : memref<128xi32, #tpu.memory_space<vmem>>) semaphore(%arg7 : memref<!tpu.dma_semaphore, #tpu.memory_space<semaphore_mem>>) {add = true}
      %scan3A_79 = arith.constant 0 : i32
      scf.yield %scan3A_79 : i32
    }
    %scan3A_29 = arith.constant 40 : i32
    %dma_wait3A = arith.constant 78 : i32
    %dma_wait3A_30 = arith.constant 0 : i32
    %dma_wait3A_31 = tpu.memref_slice %arg4[%dma_wait3A, %dma_wait3A_30] : memref<80x128xi32, #tpu.memory_space<vmem>> -> memref<1x128xi32, #tpu.memory_space<vmem>>
    %dma_wait3A_32 = tpu.memref_squeeze %dma_wait3A_31 : memref<1x128xi32, #tpu.memory_space<vmem>> -> memref<128xi32, #tpu.memory_space<vmem>>
    %dma_wait3A_33 = arith.constant 0 : i32
    %dma_wait3A_34 = arith.constant 0 : i32
    %dma_wait3A_35 = tpu.memref_slice %arg8[%dma_wait3A_33, %dma_wait3A_34] : memref<10240x128xf32, #tpu.memory_space<vmem_shared>> -> memref<10240x128xf32, #tpu.memory_space<vmem_shared>>
    tpu.wait_indirect_dma semaphore(%arg6 : memref<!tpu.dma_semaphore, #tpu.memory_space<semaphore_mem>>) src(%arg5 : memref<128x128xf32, #tpu.memory_space<vmem>>) dst(%dma_wait3A_35 : memref<10240x128xf32, #tpu.memory_space<vmem_shared>>)
    %dma_wait3A_36 = arith.constant 79 : i32
    %dma_wait3A_37 = arith.constant 0 : i32
    %dma_wait3A_38 = tpu.memref_slice %arg4[%dma_wait3A_36, %dma_wait3A_37] : memref<80x128xi32, #tpu.memory_space<vmem>> -> memref<1x128xi32, #tpu.memory_space<vmem>>
    %dma_wait3A_39 = tpu.memref_squeeze %dma_wait3A_38 : memref<1x128xi32, #tpu.memory_space<vmem>> -> memref<128xi32, #tpu.memory_space<vmem>>
    %dma_wait3A_40 = arith.constant 0 : i32
    %dma_wait3A_41 = arith.constant 0 : i32
    %dma_wait3A_42 = tpu.memref_slice %arg8[%dma_wait3A_40, %dma_wait3A_41] : memref<10240x128xf32, #tpu.memory_space<vmem_shared>> -> memref<10240x128xf32, #tpu.memory_space<vmem_shared>>
    tpu.wait_indirect_dma semaphore(%arg7 : memref<!tpu.dma_semaphore, #tpu.memory_space<semaphore_mem>>) src(%arg5 : memref<128x128xf32, #tpu.memory_space<vmem>>) dst(%dma_wait3A_42 : memref<10240x128xf32, #tpu.memory_space<vmem_shared>>)
    %barrier3A_43 = arith.constant 0 : index
    tpu.barrier barrier_id(%barrier3A_43)
    %scan3A_44 = arith.constant 0 : i32
    %scan3A_45 = arith.constant 0 : i32
    %scan3A_46 = arith.constant 5 : i32
    %scan3A_47 = arith.addi %scan3A_45, %scan3A_46 : i32
    %scan3A_48 = arith.constant 1 : i32
    %scan3A_49 = scf.for %scan3A_51 = %scan3A_45 to %scan3A_47 step %scan3A_48 iter_args(%scan3A_52 = %scan3A_44) -> (i32)  : i32 {
      %mul3A_53 = arith.constant 640 : i32
      %mul3A_54 = arith.muli %arg1, %mul3A_53 : i32
      %mul3A_55 = arith.constant 128 : i32
      %mul3A_56 = arith.muli %scan3A_51, %mul3A_55 : i32
      %add3A_57 = arith.addi %mul3A_54, %mul3A_56 : i32
      "tpu.region"() ({
        %run_scoped3A = tpu.sem_alloc : memref<!tpu.dma_semaphore, #tpu.memory_space<semaphore_mem>>
        %dma_start3A = arith.constant 0 : i32
        %dma_start3A_59 = tpu.memref_slice %arg8[%add3A_57, %dma_start3A] : memref<10240x128xf32, #tpu.memory_space<vmem_shared>> -> memref<128x128xf32, #tpu.memory_space<vmem_shared>>
        %dma_start3A_60 = arith.constant 0 : i32
        %dma_start3A_61 = tpu.memref_slice %arg8[%add3A_57, %dma_start3A_60] : memref<10240x128xf32, #tpu.memory_space<vmem_shared>> -> memref<128x128xf32, #tpu.memory_space<vmem_shared>>
        tpu.enqueue_dma source(%dma_start3A_61 : memref<128x128xf32, #tpu.memory_space<vmem_shared>>) target(%arg5 : memref<128x128xf32, #tpu.memory_space<vmem>>) target_semaphore(%run_scoped3A : memref<!tpu.dma_semaphore, #tpu.memory_space<semaphore_mem>>)
        %dma_wait3A_62 = arith.constant 0 : i32
        %dma_wait3A_63 = tpu.memref_slice %arg8[%add3A_57, %dma_wait3A_62] : memref<10240x128xf32, #tpu.memory_space<vmem_shared>> -> memref<128x128xf32, #tpu.memory_space<vmem_shared>>
        %dma_wait3A_64 = arith.constant 0 : i32
        %dma_wait3A_65 = tpu.memref_slice %arg8[%add3A_57, %dma_wait3A_64] : memref<10240x128xf32, #tpu.memory_space<vmem_shared>> -> memref<128x128xf32, #tpu.memory_space<vmem_shared>>
        tpu.wait_dma2 semaphore(%run_scoped3A : memref<!tpu.dma_semaphore, #tpu.memory_space<semaphore_mem>>) src(%dma_wait3A_65 : memref<128x128xf32, #tpu.memory_space<vmem_shared>>) dst(%arg5 : memref<128x128xf32, #tpu.memory_space<vmem>>)
        tpu.yield
      }) : () -> ()
      "tpu.region"() ({
        %run_scoped3A = tpu.sem_alloc : memref<!tpu.dma_semaphore, #tpu.memory_space<semaphore_mem>>
        %dma_start3A = arith.constant 0 : i32
        %dma_start3A_59 = tpu.memref_slice %arg3[%arg0, %add3A_57, %dma_start3A] : memref<2x10240x128xf32, #tpu.memory_space<hbm>> -> memref<1x128x128xf32, #tpu.memory_space<hbm>>
        %dma_start3A_60 = tpu.memref_squeeze %dma_start3A_59 : memref<1x128x128xf32, #tpu.memory_space<hbm>> -> memref<128x128xf32, #tpu.memory_space<hbm>>
        %dma_start3A_61 = arith.constant 0 : i32
        %dma_start3A_62 = tpu.memref_slice %arg3[%arg0, %add3A_57, %dma_start3A_61] : memref<2x10240x128xf32, #tpu.memory_space<hbm>> -> memref<1x128x128xf32, #tpu.memory_space<hbm>>
        %dma_start3A_63 = tpu.memref_squeeze %dma_start3A_62 : memref<1x128x128xf32, #tpu.memory_space<hbm>> -> memref<128x128xf32, #tpu.memory_space<hbm>>
        tpu.enqueue_dma source(%arg5 : memref<128x128xf32, #tpu.memory_space<vmem>>) target(%dma_start3A_63 : memref<128x128xf32, #tpu.memory_space<hbm>>) target_semaphore(%run_scoped3A : memref<!tpu.dma_semaphore, #tpu.memory_space<semaphore_mem>>)
        %dma_wait3A_64 = arith.constant 0 : i32
        %dma_wait3A_65 = tpu.memref_slice %arg3[%arg0, %add3A_57, %dma_wait3A_64] : memref<2x10240x128xf32, #tpu.memory_space<hbm>> -> memref<1x128x128xf32, #tpu.memory_space<hbm>>
        %dma_wait3A_66 = tpu.memref_squeeze %dma_wait3A_65 : memref<1x128x128xf32, #tpu.memory_space<hbm>> -> memref<128x128xf32, #tpu.memory_space<hbm>>
        %dma_wait3A_67 = arith.constant 0 : i32
        %dma_wait3A_68 = tpu.memref_slice %arg3[%arg0, %add3A_57, %dma_wait3A_67] : memref<2x10240x128xf32, #tpu.memory_space<hbm>> -> memref<1x128x128xf32, #tpu.memory_space<hbm>>
        %dma_wait3A_69 = tpu.memref_squeeze %dma_wait3A_68 : memref<1x128x128xf32, #tpu.memory_space<hbm>> -> memref<128x128xf32, #tpu.memory_space<hbm>>
        tpu.wait_dma2 semaphore(%run_scoped3A : memref<!tpu.dma_semaphore, #tpu.memory_space<semaphore_mem>>) src(%arg5 : memref<128x128xf32, #tpu.memory_space<vmem>>) dst(%dma_wait3A_69 : memref<128x128xf32, #tpu.memory_space<hbm>>)
        tpu.yield
      }) : () -> ()
      %scan3A_58 = arith.constant 0 : i32
      scf.yield %scan3A_58 : i32
    }
    %scan3A_50 = arith.constant 5 : i32
    return
  }
}

#map = affine_map<(d0, d1) -> (0, 0)>
#map1 = affine_map<(d0, d1) -> (0, 0, 0)>
module attributes {stable_mosaic.version = 14 : i64} {
  func.func @_sc_agg(%arg0: i32, %arg1: i32, %arg2: memref<10240x128xf32, #tpu.memory_space<hbm>>, %arg3: memref<2560x128xi32, #tpu.memory_space<hbm>>, %arg4: memref<2560x128xi32, #tpu.memory_space<hbm>>, %arg5: memref<2x10240x128xf32, #tpu.memory_space<hbm>>, %arg6: memref<4x128xi32, #tpu.memory_space<vmem>>, %arg7: memref<80x128xi32, #tpu.memory_space<vmem>>, %arg8: memref<128x128xf32, #tpu.memory_space<vmem>>, %arg9: memref<128x128xf32, #tpu.memory_space<vmem>>, %arg10: memref<!tpu.dma_semaphore, #tpu.memory_space<semaphore_mem>>, %arg11: memref<!tpu.dma_semaphore, #tpu.memory_space<semaphore_mem>>, %arg12: memref<!tpu.dma_semaphore, #tpu.memory_space<semaphore_mem>>, %arg13: memref<!tpu.dma_semaphore, #tpu.memory_space<semaphore_mem>>, %arg14: memref<!tpu.dma_semaphore, #tpu.memory_space<semaphore_mem>>, %arg15: memref<!tpu.dma_semaphore, #tpu.memory_space<semaphore_mem>>, %arg16: memref<10240x128xf32, #tpu.memory_space<vmem_shared>>) attributes {dimension_semantics = [#tpu.dimension_semantics<core_parallel>, #tpu.dimension_semantics<subcore_parallel>], iteration_bounds = array<i64: 2, 16>, scalar_prefetch = 0 : i64, scratch_operands = 11 : i64, tpu.core_type = #tpu.core_type<sc_vector_subcore>, window_params = [{transform_indices = #map}, {transform_indices = #map}, {transform_indices = #map}, {transform_indices = #map1}]} {
    %mul3A = arith.constant 16 : i32
    %mul3A_0 = arith.muli %arg0, %mul3A : i32
    %add3A = arith.addi %mul3A_0, %arg1 : i32
    %scan3A = arith.constant 0 : i32
    %scan3A_1 = arith.constant 0 : i32
    %scan3A_2 = arith.constant 1024 : i32
    %scan3A_3 = arith.addi %scan3A_1, %scan3A_2 : i32
    %scan3A_4 = arith.constant 1 : i32
    %scan3A_5 = scf.for %scan3A_51 = %scan3A_1 to %scan3A_3 step %scan3A_4 iter_args(%scan3A_52 = %scan3A) -> (i32)  : i32 {
      %broadcast_in_dim3A = arith.constant 0.000000e+00 : f32
      %broadcast_in_dim3A_53 = vector.broadcast %broadcast_in_dim3A : f32 to vector<16xf32>
      %jit3A = arith.constant 8 : i32
      %div3A = arith.divsi %scan3A_51, %jit3A : i32
      %sign3A = arith.constant 0 : i32
      %sign3A_54 = arith.cmpi sgt, %scan3A_51, %sign3A : i32
      %sign3A_55 = arith.extui %sign3A_54 : i1 to i32
      %sign3A_56 = arith.constant 0 : i32
      %sign3A_57 = arith.cmpi slt, %scan3A_51, %sign3A_56 : i32
      %sign3A_58 = arith.extui %sign3A_57 : i1 to i32
      %sign3A_59 = arith.subi %sign3A_55, %sign3A_58 : i32
      %sign3A_60 = arith.constant 0 : i32
      %sign3A_61 = arith.cmpi sgt, %jit3A, %sign3A_60 : i32
      %sign3A_62 = arith.extui %sign3A_61 : i1 to i32
      %sign3A_63 = arith.constant 0 : i32
      %sign3A_64 = arith.cmpi slt, %jit3A, %sign3A_63 : i32
      %sign3A_65 = arith.extui %sign3A_64 : i1 to i32
      %sign3A_66 = arith.subi %sign3A_62, %sign3A_65 : i32
      %ne3A = arith.cmpi ne, %sign3A_59, %sign3A_66 : i32
      %rem3A = arith.remsi %scan3A_51, %jit3A : i32
      %ne3A_67 = arith.constant 0 : i32
      %ne3A_68 = arith.cmpi ne, %rem3A, %ne3A_67 : i32
      %and3A = arith.andi %ne3A, %ne3A_68 : i1
      %sub3A = arith.constant 1 : i32
      %sub3A_69 = arith.subi %div3A, %sub3A : i32
      %select_n3A = arith.select %and3A, %sub3A_69, %div3A : i32
      %jit3A_70 = arith.constant 8 : i32
      %eq3A = arith.constant 0 : i32
      %eq3A_71 = arith.cmpi eq, %jit3A_70, %eq3A : i32
      %jit3A_72 = arith.constant 1 : i32
      %select_n3A_73 = arith.select %eq3A_71, %jit3A_72, %jit3A_70 : i32
      %rem3A_74 = arith.remsi %scan3A_51, %select_n3A_73 : i32
      %ne3A_75 = arith.constant 0 : i32
      %ne3A_76 = arith.cmpi ne, %rem3A_74, %ne3A_75 : i32
      %lt3A = arith.constant 0 : i32
      %lt3A_77 = arith.cmpi slt, %rem3A_74, %lt3A : i32
      %lt3A_78 = arith.constant 0 : i32
      %lt3A_79 = arith.cmpi slt, %select_n3A_73, %lt3A_78 : i32
      %ne3A_80 = arith.xori %lt3A_77, %lt3A_79 : i1
      %and3A_81 = arith.andi %ne3A_80, %ne3A_76 : i1
      %add3A_82 = arith.addi %rem3A_74, %select_n3A_73 : i32
      %select_n3A_83 = arith.select %and3A_81, %add3A_82, %rem3A_74 : i32
      %mul3A_84 = arith.constant 16 : i32
      %mul3A_85 = arith.muli %select_n3A_83, %mul3A_84 : i32
      %swap3A = arith.index_cast %select_n3A : i32 to index
      %swap3A_86 = arith.index_cast %mul3A_85 : i32 to index
      %swap3A_87 = tpu.vector_load %arg8[%swap3A, %swap3A_86] {strides = array<i32>} : memref<128x128xf32, #tpu.memory_space<vmem>>, vector<1x16xf32>,
      %swap3A_88 = vector.shape_cast %swap3A_87 : vector<1x16xf32> to vector<16xf32>
      %swap3A_89 = vector.shape_cast %broadcast_in_dim3A_53 : vector<16xf32> to vector<1x16xf32>
      tpu.vector_store %arg8[%swap3A, %swap3A_86], %swap3A_89 {strides = array<i32>} : memref<128x128xf32, #tpu.memory_space<vmem>>, vector<1x16xf32>,
      %scan3A_90 = arith.constant 0 : i32
      scf.yield %scan3A_90 : i32
    }
    %scan3A_6 = arith.constant 1024 : i32
    %scan3A_7 = arith.constant 0 : i32
    %scan3A_8 = arith.constant 0 : i32
    %scan3A_9 = arith.constant 5 : i32
    %scan3A_10 = arith.addi %scan3A_8, %scan3A_9 : i32
    %scan3A_11 = arith.constant 1 : i32
    %scan3A_12 = scf.for %scan3A_51 = %scan3A_8 to %scan3A_10 step %scan3A_11 iter_args(%scan3A_52 = %scan3A_7) -> (i32)  : i32 {
      %mul3A_53 = arith.constant 640 : i32
      %mul3A_54 = arith.muli %arg1, %mul3A_53 : i32
      %mul3A_55 = arith.constant 128 : i32
      %mul3A_56 = arith.muli %scan3A_51, %mul3A_55 : i32
      %add3A_57 = arith.addi %mul3A_54, %mul3A_56 : i32
      "tpu.region"() ({
        %run_scoped3A_59 = tpu.sem_alloc : memref<!tpu.dma_semaphore, #tpu.memory_space<semaphore_mem>>
        %dma_start3A_60 = arith.constant 0 : i32
        %dma_start3A_61 = tpu.memref_slice %arg16[%add3A_57, %dma_start3A_60] : memref<10240x128xf32, #tpu.memory_space<vmem_shared>> -> memref<128x128xf32, #tpu.memory_space<vmem_shared>>
        %dma_start3A_62 = arith.constant 0 : i32
        %dma_start3A_63 = tpu.memref_slice %arg16[%add3A_57, %dma_start3A_62] : memref<10240x128xf32, #tpu.memory_space<vmem_shared>> -> memref<128x128xf32, #tpu.memory_space<vmem_shared>>
        tpu.enqueue_dma source(%arg8 : memref<128x128xf32, #tpu.memory_space<vmem>>) target(%dma_start3A_63 : memref<128x128xf32, #tpu.memory_space<vmem_shared>>) target_semaphore(%run_scoped3A_59 : memref<!tpu.dma_semaphore, #tpu.memory_space<semaphore_mem>>)
        %dma_wait3A = arith.constant 0 : i32
        %dma_wait3A_64 = tpu.memref_slice %arg16[%add3A_57, %dma_wait3A] : memref<10240x128xf32, #tpu.memory_space<vmem_shared>> -> memref<128x128xf32, #tpu.memory_space<vmem_shared>>
        %dma_wait3A_65 = arith.constant 0 : i32
        %dma_wait3A_66 = tpu.memref_slice %arg16[%add3A_57, %dma_wait3A_65] : memref<10240x128xf32, #tpu.memory_space<vmem_shared>> -> memref<128x128xf32, #tpu.memory_space<vmem_shared>>
        tpu.wait_dma2 semaphore(%run_scoped3A_59 : memref<!tpu.dma_semaphore, #tpu.memory_space<semaphore_mem>>) src(%arg8 : memref<128x128xf32, #tpu.memory_space<vmem>>) dst(%dma_wait3A_66 : memref<128x128xf32, #tpu.memory_space<vmem_shared>>)
        tpu.yield
      }) : () -> ()
      %scan3A_58 = arith.constant 0 : i32
      scf.yield %scan3A_58 : i32
    }
    %scan3A_13 = arith.constant 5 : i32
    %mul3A_14 = arith.constant 80 : i32
    %mul3A_15 = arith.muli %add3A, %mul3A_14 : i32
    "tpu.region"() ({
      %run_scoped3A_51 = tpu.sem_alloc : memref<!tpu.dma_semaphore, #tpu.memory_space<semaphore_mem>>
      %dma_start3A_52 = arith.constant 0 : i32
      %dma_start3A_53 = tpu.memref_slice %arg4[%mul3A_15, %dma_start3A_52] : memref<2560x128xi32, #tpu.memory_space<hbm>> -> memref<80x128xi32, #tpu.memory_space<hbm>>
      %dma_start3A_54 = arith.constant 0 : i32
      %dma_start3A_55 = tpu.memref_slice %arg4[%mul3A_15, %dma_start3A_54] : memref<2560x128xi32, #tpu.memory_space<hbm>> -> memref<80x128xi32, #tpu.memory_space<hbm>>
      tpu.enqueue_dma source(%dma_start3A_55 : memref<80x128xi32, #tpu.memory_space<hbm>>) target(%arg7 : memref<80x128xi32, #tpu.memory_space<vmem>>) target_semaphore(%run_scoped3A_51 : memref<!tpu.dma_semaphore, #tpu.memory_space<semaphore_mem>>)
      %dma_wait3A = arith.constant 0 : i32
      %dma_wait3A_56 = tpu.memref_slice %arg4[%mul3A_15, %dma_wait3A] : memref<2560x128xi32, #tpu.memory_space<hbm>> -> memref<80x128xi32, #tpu.memory_space<hbm>>
      %dma_wait3A_57 = arith.constant 0 : i32
      %dma_wait3A_58 = tpu.memref_slice %arg4[%mul3A_15, %dma_wait3A_57] : memref<2560x128xi32, #tpu.memory_space<hbm>> -> memref<80x128xi32, #tpu.memory_space<hbm>>
      tpu.wait_dma2 semaphore(%run_scoped3A_51 : memref<!tpu.dma_semaphore, #tpu.memory_space<semaphore_mem>>) src(%dma_wait3A_58 : memref<80x128xi32, #tpu.memory_space<hbm>>) dst(%arg7 : memref<80x128xi32, #tpu.memory_space<vmem>>)
      tpu.yield
    }) : () -> ()
    %mul3A_16 = arith.constant 80 : i32
    %mul3A_17 = arith.muli %add3A, %mul3A_16 : i32
    %run_scoped3A = arith.constant 0 : i32
    "tpu.region"() ({
      %run_scoped3A_51 = tpu.sem_alloc : memref<!tpu.dma_semaphore, #tpu.memory_space<semaphore_mem>>
      %dma_start3A_52 = arith.constant 0 : i32
      %dma_start3A_53 = tpu.memref_slice %arg6[%run_scoped3A, %dma_start3A_52] : memref<4x128xi32, #tpu.memory_space<vmem>> -> memref<1x128xi32, #tpu.memory_space<vmem>>
      %dma_start3A_54 = tpu.memref_squeeze %dma_start3A_53 : memref<1x128xi32, #tpu.memory_space<vmem>> -> memref<128xi32, #tpu.memory_space<vmem>>
      %dma_start3A_55 = arith.constant 0 : i32
      %dma_start3A_56 = tpu.memref_slice %arg3[%mul3A_17, %dma_start3A_55] : memref<2560x128xi32, #tpu.memory_space<hbm>> -> memref<1x128xi32, #tpu.memory_space<hbm>>
      %dma_start3A_57 = tpu.memref_squeeze %dma_start3A_56 : memref<1x128xi32, #tpu.memory_space<hbm>> -> memref<128xi32, #tpu.memory_space<hbm>>
      %dma_start3A_58 = arith.constant 0 : i32
      %dma_start3A_59 = tpu.memref_slice %arg6[%run_scoped3A, %dma_start3A_58] : memref<4x128xi32, #tpu.memory_space<vmem>> -> memref<1x128xi32, #tpu.memory_space<vmem>>
      %dma_start3A_60 = tpu.memref_squeeze %dma_start3A_59 : memref<1x128xi32, #tpu.memory_space<vmem>> -> memref<128xi32, #tpu.memory_space<vmem>>
      %dma_start3A_61 = arith.constant 0 : i32
      %dma_start3A_62 = tpu.memref_slice %arg3[%mul3A_17, %dma_start3A_61] : memref<2560x128xi32, #tpu.memory_space<hbm>> -> memref<1x128xi32, #tpu.memory_space<hbm>>
      %dma_start3A_63 = tpu.memref_squeeze %dma_start3A_62 : memref<1x128xi32, #tpu.memory_space<hbm>> -> memref<128xi32, #tpu.memory_space<hbm>>
      tpu.enqueue_dma source(%dma_start3A_63 : memref<128xi32, #tpu.memory_space<hbm>>) target(%dma_start3A_60 : memref<128xi32, #tpu.memory_space<vmem>>) target_semaphore(%run_scoped3A_51 : memref<!tpu.dma_semaphore, #tpu.memory_space<semaphore_mem>>)
      %dma_wait3A = arith.constant 0 : i32
      %dma_wait3A_64 = tpu.memref_slice %arg6[%run_scoped3A, %dma_wait3A] : memref<4x128xi32, #tpu.memory_space<vmem>> -> memref<1x128xi32, #tpu.memory_space<vmem>>
      %dma_wait3A_65 = tpu.memref_squeeze %dma_wait3A_64 : memref<1x128xi32, #tpu.memory_space<vmem>> -> memref<128xi32, #tpu.memory_space<vmem>>
      %dma_wait3A_66 = arith.constant 0 : i32
      %dma_wait3A_67 = tpu.memref_slice %arg3[%mul3A_17, %dma_wait3A_66] : memref<2560x128xi32, #tpu.memory_space<hbm>> -> memref<1x128xi32, #tpu.memory_space<hbm>>
      %dma_wait3A_68 = tpu.memref_squeeze %dma_wait3A_67 : memref<1x128xi32, #tpu.memory_space<hbm>> -> memref<128xi32, #tpu.memory_space<hbm>>
      %dma_wait3A_69 = arith.constant 0 : i32
      %dma_wait3A_70 = tpu.memref_slice %arg6[%run_scoped3A, %dma_wait3A_69] : memref<4x128xi32, #tpu.memory_space<vmem>> -> memref<1x128xi32, #tpu.memory_space<vmem>>
      %dma_wait3A_71 = tpu.memref_squeeze %dma_wait3A_70 : memref<1x128xi32, #tpu.memory_space<vmem>> -> memref<128xi32, #tpu.memory_space<vmem>>
      %dma_wait3A_72 = arith.constant 0 : i32
      %dma_wait3A_73 = tpu.memref_slice %arg3[%mul3A_17, %dma_wait3A_72] : memref<2560x128xi32, #tpu.memory_space<hbm>> -> memref<1x128xi32, #tpu.memory_space<hbm>>
      %dma_wait3A_74 = tpu.memref_squeeze %dma_wait3A_73 : memref<1x128xi32, #tpu.memory_space<hbm>> -> memref<128xi32, #tpu.memory_space<hbm>>
      tpu.wait_dma2 semaphore(%run_scoped3A_51 : memref<!tpu.dma_semaphore, #tpu.memory_space<semaphore_mem>>) src(%dma_wait3A_74 : memref<128xi32, #tpu.memory_space<hbm>>) dst(%dma_wait3A_71 : memref<128xi32, #tpu.memory_space<vmem>>)
      tpu.yield
    }) : () -> ()
    %mul3A_18 = arith.constant 80 : i32
    %mul3A_19 = arith.muli %add3A, %mul3A_18 : i32
    %add3A_20 = arith.constant 1 : i32
    %add3A_21 = arith.addi %mul3A_19, %add3A_20 : i32
    %run_scoped3A_22 = arith.constant 1 : i32
    "tpu.region"() ({
      %run_scoped3A_51 = tpu.sem_alloc : memref<!tpu.dma_semaphore, #tpu.memory_space<semaphore_mem>>
      %dma_start3A_52 = arith.constant 0 : i32
      %dma_start3A_53 = tpu.memref_slice %arg6[%run_scoped3A_22, %dma_start3A_52] : memref<4x128xi32, #tpu.memory_space<vmem>> -> memref<1x128xi32, #tpu.memory_space<vmem>>
      %dma_start3A_54 = tpu.memref_squeeze %dma_start3A_53 : memref<1x128xi32, #tpu.memory_space<vmem>> -> memref<128xi32, #tpu.memory_space<vmem>>
      %dma_start3A_55 = arith.constant 0 : i32
      %dma_start3A_56 = tpu.memref_slice %arg3[%add3A_21, %dma_start3A_55] : memref<2560x128xi32, #tpu.memory_space<hbm>> -> memref<1x128xi32, #tpu.memory_space<hbm>>
      %dma_start3A_57 = tpu.memref_squeeze %dma_start3A_56 : memref<1x128xi32, #tpu.memory_space<hbm>> -> memref<128xi32, #tpu.memory_space<hbm>>
      %dma_start3A_58 = arith.constant 0 : i32
      %dma_start3A_59 = tpu.memref_slice %arg6[%run_scoped3A_22, %dma_start3A_58] : memref<4x128xi32, #tpu.memory_space<vmem>> -> memref<1x128xi32, #tpu.memory_space<vmem>>
      %dma_start3A_60 = tpu.memref_squeeze %dma_start3A_59 : memref<1x128xi32, #tpu.memory_space<vmem>> -> memref<128xi32, #tpu.memory_space<vmem>>
      %dma_start3A_61 = arith.constant 0 : i32
      %dma_start3A_62 = tpu.memref_slice %arg3[%add3A_21, %dma_start3A_61] : memref<2560x128xi32, #tpu.memory_space<hbm>> -> memref<1x128xi32, #tpu.memory_space<hbm>>
      %dma_start3A_63 = tpu.memref_squeeze %dma_start3A_62 : memref<1x128xi32, #tpu.memory_space<hbm>> -> memref<128xi32, #tpu.memory_space<hbm>>
      tpu.enqueue_dma source(%dma_start3A_63 : memref<128xi32, #tpu.memory_space<hbm>>) target(%dma_start3A_60 : memref<128xi32, #tpu.memory_space<vmem>>) target_semaphore(%run_scoped3A_51 : memref<!tpu.dma_semaphore, #tpu.memory_space<semaphore_mem>>)
      %dma_wait3A = arith.constant 0 : i32
      %dma_wait3A_64 = tpu.memref_slice %arg6[%run_scoped3A_22, %dma_wait3A] : memref<4x128xi32, #tpu.memory_space<vmem>> -> memref<1x128xi32, #tpu.memory_space<vmem>>
      %dma_wait3A_65 = tpu.memref_squeeze %dma_wait3A_64 : memref<1x128xi32, #tpu.memory_space<vmem>> -> memref<128xi32, #tpu.memory_space<vmem>>
      %dma_wait3A_66 = arith.constant 0 : i32
      %dma_wait3A_67 = tpu.memref_slice %arg3[%add3A_21, %dma_wait3A_66] : memref<2560x128xi32, #tpu.memory_space<hbm>> -> memref<1x128xi32, #tpu.memory_space<hbm>>
      %dma_wait3A_68 = tpu.memref_squeeze %dma_wait3A_67 : memref<1x128xi32, #tpu.memory_space<hbm>> -> memref<128xi32, #tpu.memory_space<hbm>>
      %dma_wait3A_69 = arith.constant 0 : i32
      %dma_wait3A_70 = tpu.memref_slice %arg6[%run_scoped3A_22, %dma_wait3A_69] : memref<4x128xi32, #tpu.memory_space<vmem>> -> memref<1x128xi32, #tpu.memory_space<vmem>>
      %dma_wait3A_71 = tpu.memref_squeeze %dma_wait3A_70 : memref<1x128xi32, #tpu.memory_space<vmem>> -> memref<128xi32, #tpu.memory_space<vmem>>
      %dma_wait3A_72 = arith.constant 0 : i32
      %dma_wait3A_73 = tpu.memref_slice %arg3[%add3A_21, %dma_wait3A_72] : memref<2560x128xi32, #tpu.memory_space<hbm>> -> memref<1x128xi32, #tpu.memory_space<hbm>>
      %dma_wait3A_74 = tpu.memref_squeeze %dma_wait3A_73 : memref<1x128xi32, #tpu.memory_space<hbm>> -> memref<128xi32, #tpu.memory_space<hbm>>
      tpu.wait_dma2 semaphore(%run_scoped3A_51 : memref<!tpu.dma_semaphore, #tpu.memory_space<semaphore_mem>>) src(%dma_wait3A_74 : memref<128xi32, #tpu.memory_space<hbm>>) dst(%dma_wait3A_71 : memref<128xi32, #tpu.memory_space<vmem>>)
      tpu.yield
    }) : () -> ()
    %dma_start3A = arith.constant 0 : i32
    %dma_start3A_23 = arith.constant 0 : i32
    %dma_start3A_24 = tpu.memref_slice %arg6[%dma_start3A, %dma_start3A_23] : memref<4x128xi32, #tpu.memory_space<vmem>> -> memref<1x128xi32, #tpu.memory_space<vmem>>
    %dma_start3A_25 = tpu.memref_squeeze %dma_start3A_24 : memref<1x128xi32, #tpu.memory_space<vmem>> -> memref<128xi32, #tpu.memory_space<vmem>>
    %dma_start3A_26 = arith.constant 0 : i32
    %dma_start3A_27 = arith.constant 0 : i32
    %dma_start3A_28 = tpu.memref_slice %arg2[%dma_start3A_26, %dma_start3A_27] : memref<10240x128xf32, #tpu.memory_space<hbm>> -> memref<10240x128xf32, #tpu.memory_space<hbm>>
    tpu.enqueue_indirect_dma source(%dma_start3A_28 : memref<10240x128xf32, #tpu.memory_space<hbm>>) target(%arg8 : memref<128x128xf32, #tpu.memory_space<vmem>>) offsets(%dma_start3A_25 : memref<128xi32, #tpu.memory_space<vmem>>) semaphore(%arg10 : memref<!tpu.dma_semaphore, #tpu.memory_space<semaphore_mem>>)
    %dma_start3A_29 = arith.constant 1 : i32
    %dma_start3A_30 = arith.constant 0 : i32
    %dma_start3A_31 = tpu.memref_slice %arg6[%dma_start3A_29, %dma_start3A_30] : memref<4x128xi32, #tpu.memory_space<vmem>> -> memref<1x128xi32, #tpu.memory_space<vmem>>
    %dma_start3A_32 = tpu.memref_squeeze %dma_start3A_31 : memref<1x128xi32, #tpu.memory_space<vmem>> -> memref<128xi32, #tpu.memory_space<vmem>>
    %dma_start3A_33 = arith.constant 0 : i32
    %dma_start3A_34 = arith.constant 0 : i32
    %dma_start3A_35 = tpu.memref_slice %arg2[%dma_start3A_33, %dma_start3A_34] : memref<10240x128xf32, #tpu.memory_space<hbm>> -> memref<10240x128xf32, #tpu.memory_space<hbm>>
    tpu.enqueue_indirect_dma source(%dma_start3A_35 : memref<10240x128xf32, #tpu.memory_space<hbm>>) target(%arg9 : memref<128x128xf32, #tpu.memory_space<vmem>>) offsets(%dma_start3A_32 : memref<128xi32, #tpu.memory_space<vmem>>) semaphore(%arg11 : memref<!tpu.dma_semaphore, #tpu.memory_space<semaphore_mem>>)
    %barrier3A = arith.constant 0 : index
    tpu.barrier barrier_id(%barrier3A)
    %scan3A_36 = arith.constant 0 : i32
    %scan3A_37 = arith.constant 0 : i32
    %scan3A_38 = arith.constant 20 : i32
    %scan3A_39 = arith.addi %scan3A_37, %scan3A_38 : i32
    %scan3A_40 = arith.constant 1 : i32
    %scan3A_41 = scf.for %scan3A_51 = %scan3A_37 to %scan3A_39 step %scan3A_40 iter_args(%scan3A_52 = %scan3A_36) -> (i32)  : i32 {
      %mul3A_53 = arith.constant 4 : i32
      %mul3A_54 = arith.muli %mul3A_53, %scan3A_51 : i32
      %add3A_55 = arith.constant 0 : i32
      %add3A_56 = arith.addi %mul3A_54, %add3A_55 : i32
      %add3A_57 = arith.constant 2 : i32
      %add3A_58 = arith.addi %add3A_56, %add3A_57 : i32
      %lt3A = arith.constant 80 : i32
      %lt3A_59 = arith.cmpi slt, %add3A_58, %lt3A : i32
      %convert_element_type3A = arith.extui %lt3A_59 : i1 to i32
      %cond3A = arith.constant 0 : i32
      %cond3A_60 = arith.cmpi ne, %convert_element_type3A, %cond3A : i32
      scf.if %cond3A_60 {
        %mul3A_144 = arith.constant 80 : i32
        %mul3A_145 = arith.muli %add3A, %mul3A_144 : i32
        %add3A_146 = arith.addi %mul3A_145, %add3A_56 : i32
        %add3A_147 = arith.constant 2 : i32
        %add3A_148 = arith.addi %add3A_146, %add3A_147 : i32
        %dma_start3A_149 = arith.constant 2 : i32
        %dma_start3A_150 = arith.constant 0 : i32
        %dma_start3A_151 = tpu.memref_slice %arg6[%dma_start3A_149, %dma_start3A_150] : memref<4x128xi32, #tpu.memory_space<vmem>> -> memref<1x128xi32, #tpu.memory_space<vmem>>
        %dma_start3A_152 = tpu.memref_squeeze %dma_start3A_151 : memref<1x128xi32, #tpu.memory_space<vmem>> -> memref<128xi32, #tpu.memory_space<vmem>>
        %dma_start3A_153 = arith.constant 0 : i32
        %dma_start3A_154 = tpu.memref_slice %arg3[%add3A_148, %dma_start3A_153] : memref<2560x128xi32, #tpu.memory_space<hbm>> -> memref<1x128xi32, #tpu.memory_space<hbm>>
        %dma_start3A_155 = tpu.memref_squeeze %dma_start3A_154 : memref<1x128xi32, #tpu.memory_space<hbm>> -> memref<128xi32, #tpu.memory_space<hbm>>
        %dma_start3A_156 = arith.constant 0 : i32
        %dma_start3A_157 = tpu.memref_slice %arg6[%dma_start3A_149, %dma_start3A_156] : memref<4x128xi32, #tpu.memory_space<vmem>> -> memref<1x128xi32, #tpu.memory_space<vmem>>
        %dma_start3A_158 = tpu.memref_squeeze %dma_start3A_157 : memref<1x128xi32, #tpu.memory_space<vmem>> -> memref<128xi32, #tpu.memory_space<vmem>>
        %dma_start3A_159 = arith.constant 0 : i32
        %dma_start3A_160 = tpu.memref_slice %arg3[%add3A_148, %dma_start3A_159] : memref<2560x128xi32, #tpu.memory_space<hbm>> -> memref<1x128xi32, #tpu.memory_space<hbm>>
        %dma_start3A_161 = tpu.memref_squeeze %dma_start3A_160 : memref<1x128xi32, #tpu.memory_space<hbm>> -> memref<128xi32, #tpu.memory_space<hbm>>
        tpu.enqueue_dma source(%dma_start3A_161 : memref<128xi32, #tpu.memory_space<hbm>>) target(%dma_start3A_158 : memref<128xi32, #tpu.memory_space<vmem>>) target_semaphore(%arg14 : memref<!tpu.dma_semaphore, #tpu.memory_space<semaphore_mem>>)
      } else {
      }
      %dma_wait3A = arith.constant 0 : i32
      %dma_wait3A_61 = arith.constant 0 : i32
      %dma_wait3A_62 = tpu.memref_slice %arg6[%dma_wait3A, %dma_wait3A_61] : memref<4x128xi32, #tpu.memory_space<vmem>> -> memref<1x128xi32, #tpu.memory_space<vmem>>
      %dma_wait3A_63 = tpu.memref_squeeze %dma_wait3A_62 : memref<1x128xi32, #tpu.memory_space<vmem>> -> memref<128xi32, #tpu.memory_space<vmem>>
      %dma_wait3A_64 = arith.constant 0 : i32
      %dma_wait3A_65 = arith.constant 0 : i32
      %dma_wait3A_66 = tpu.memref_slice %arg2[%dma_wait3A_64, %dma_wait3A_65] : memref<10240x128xf32, #tpu.memory_space<hbm>> -> memref<10240x128xf32, #tpu.memory_space<hbm>>
      tpu.wait_indirect_dma semaphore(%arg10 : memref<!tpu.dma_semaphore, #tpu.memory_space<semaphore_mem>>) src(%dma_wait3A_66 : memref<10240x128xf32, #tpu.memory_space<hbm>>) dst(%arg8 : memref<128x128xf32, #tpu.memory_space<vmem>>)
      "tpu.region"() ({
        %run_scoped3A_144 = tpu.sem_alloc : memref<!tpu.dma_semaphore, #tpu.memory_space<semaphore_mem>>
        %dma_start3A_145 = arith.constant 0 : i32
        %dma_start3A_146 = tpu.memref_slice %arg7[%add3A_56, %dma_start3A_145] : memref<80x128xi32, #tpu.memory_space<vmem>> -> memref<1x128xi32, #tpu.memory_space<vmem>>
        %dma_start3A_147 = tpu.memref_squeeze %dma_start3A_146 : memref<1x128xi32, #tpu.memory_space<vmem>> -> memref<128xi32, #tpu.memory_space<vmem>>
        %dma_start3A_148 = arith.constant 0 : i32
        %dma_start3A_149 = arith.constant 0 : i32
        %dma_start3A_150 = tpu.memref_slice %arg16[%dma_start3A_148, %dma_start3A_149] : memref<10240x128xf32, #tpu.memory_space<vmem_shared>> -> memref<10240x128xf32, #tpu.memory_space<vmem_shared>>
        tpu.enqueue_indirect_dma source(%arg8 : memref<128x128xf32, #tpu.memory_space<vmem>>) target(%dma_start3A_150 : memref<10240x128xf32, #tpu.memory_space<vmem_shared>>) offsets(%dma_start3A_147 : memref<128xi32, #tpu.memory_space<vmem>>) semaphore(%run_scoped3A_144 : memref<!tpu.dma_semaphore, #tpu.memory_space<semaphore_mem>>) {add = true}
        %dma_wait3A_151 = arith.constant 0 : i32
        %dma_wait3A_152 = tpu.memref_slice %arg7[%add3A_56, %dma_wait3A_151] : memref<80x128xi32, #tpu.memory_space<vmem>> -> memref<1x128xi32, #tpu.memory_space<vmem>>
        %dma_wait3A_153 = tpu.memref_squeeze %dma_wait3A_152 : memref<1x128xi32, #tpu.memory_space<vmem>> -> memref<128xi32, #tpu.memory_space<vmem>>
        %dma_wait3A_154 = arith.constant 0 : i32
        %dma_wait3A_155 = arith.constant 0 : i32
        %dma_wait3A_156 = tpu.memref_slice %arg16[%dma_wait3A_154, %dma_wait3A_155] : memref<10240x128xf32, #tpu.memory_space<vmem_shared>> -> memref<10240x128xf32, #tpu.memory_space<vmem_shared>>
        tpu.wait_indirect_dma semaphore(%run_scoped3A_144 : memref<!tpu.dma_semaphore, #tpu.memory_space<semaphore_mem>>) src(%arg8 : memref<128x128xf32, #tpu.memory_space<vmem>>) dst(%dma_wait3A_156 : memref<10240x128xf32, #tpu.memory_space<vmem_shared>>)
        tpu.yield
      }) : () -> ()
      %add3A_67 = arith.constant 2 : i32
      %add3A_68 = arith.addi %add3A_56, %add3A_67 : i32
      %lt3A_69 = arith.constant 80 : i32
      %lt3A_70 = arith.cmpi slt, %add3A_68, %lt3A_69 : i32
      %convert_element_type3A_71 = arith.extui %lt3A_70 : i1 to i32
      %cond3A_72 = arith.constant 0 : i32
      %cond3A_73 = arith.cmpi ne, %convert_element_type3A_71, %cond3A_72 : i32
      scf.if %cond3A_73 {
        %mul3A_144 = arith.constant 80 : i32
        %mul3A_145 = arith.muli %add3A, %mul3A_144 : i32
        %add3A_146 = arith.addi %mul3A_145, %add3A_56 : i32
        %add3A_147 = arith.constant 2 : i32
        %add3A_148 = arith.addi %add3A_146, %add3A_147 : i32
        %dma_wait3A_149 = arith.constant 2 : i32
        %dma_wait3A_150 = arith.constant 0 : i32
        %dma_wait3A_151 = tpu.memref_slice %arg6[%dma_wait3A_149, %dma_wait3A_150] : memref<4x128xi32, #tpu.memory_space<vmem>> -> memref<1x128xi32, #tpu.memory_space<vmem>>
        %dma_wait3A_152 = tpu.memref_squeeze %dma_wait3A_151 : memref<1x128xi32, #tpu.memory_space<vmem>> -> memref<128xi32, #tpu.memory_space<vmem>>
        %dma_wait3A_153 = arith.constant 0 : i32
        %dma_wait3A_154 = tpu.memref_slice %arg3[%add3A_148, %dma_wait3A_153] : memref<2560x128xi32, #tpu.memory_space<hbm>> -> memref<1x128xi32, #tpu.memory_space<hbm>>
        %dma_wait3A_155 = tpu.memref_squeeze %dma_wait3A_154 : memref<1x128xi32, #tpu.memory_space<hbm>> -> memref<128xi32, #tpu.memory_space<hbm>>
        %dma_wait3A_156 = arith.constant 0 : i32
        %dma_wait3A_157 = tpu.memref_slice %arg6[%dma_wait3A_149, %dma_wait3A_156] : memref<4x128xi32, #tpu.memory_space<vmem>> -> memref<1x128xi32, #tpu.memory_space<vmem>>
        %dma_wait3A_158 = tpu.memref_squeeze %dma_wait3A_157 : memref<1x128xi32, #tpu.memory_space<vmem>> -> memref<128xi32, #tpu.memory_space<vmem>>
        %dma_wait3A_159 = arith.constant 0 : i32
        %dma_wait3A_160 = tpu.memref_slice %arg3[%add3A_148, %dma_wait3A_159] : memref<2560x128xi32, #tpu.memory_space<hbm>> -> memref<1x128xi32, #tpu.memory_space<hbm>>
        %dma_wait3A_161 = tpu.memref_squeeze %dma_wait3A_160 : memref<1x128xi32, #tpu.memory_space<hbm>> -> memref<128xi32, #tpu.memory_space<hbm>>
        tpu.wait_dma2 semaphore(%arg14 : memref<!tpu.dma_semaphore, #tpu.memory_space<semaphore_mem>>) src(%dma_wait3A_161 : memref<128xi32, #tpu.memory_space<hbm>>) dst(%dma_wait3A_158 : memref<128xi32, #tpu.memory_space<vmem>>)
        %dma_start3A_162 = arith.constant 2 : i32
        %dma_start3A_163 = arith.constant 0 : i32
        %dma_start3A_164 = tpu.memref_slice %arg6[%dma_start3A_162, %dma_start3A_163] : memref<4x128xi32, #tpu.memory_space<vmem>> -> memref<1x128xi32, #tpu.memory_space<vmem>>
        %dma_start3A_165 = tpu.memref_squeeze %dma_start3A_164 : memref<1x128xi32, #tpu.memory_space<vmem>> -> memref<128xi32, #tpu.memory_space<vmem>>
        %dma_start3A_166 = arith.constant 0 : i32
        %dma_start3A_167 = arith.constant 0 : i32
        %dma_start3A_168 = tpu.memref_slice %arg2[%dma_start3A_166, %dma_start3A_167] : memref<10240x128xf32, #tpu.memory_space<hbm>> -> memref<10240x128xf32, #tpu.memory_space<hbm>>
        tpu.enqueue_indirect_dma source(%dma_start3A_168 : memref<10240x128xf32, #tpu.memory_space<hbm>>) target(%arg8 : memref<128x128xf32, #tpu.memory_space<vmem>>) offsets(%dma_start3A_165 : memref<128xi32, #tpu.memory_space<vmem>>) semaphore(%arg10 : memref<!tpu.dma_semaphore, #tpu.memory_space<semaphore_mem>>)
      } else {
      }
      %add3A_74 = arith.constant 1 : i32
      %add3A_75 = arith.addi %mul3A_54, %add3A_74 : i32
      %add3A_76 = arith.constant 2 : i32
      %add3A_77 = arith.addi %add3A_75, %add3A_76 : i32
      %lt3A_78 = arith.constant 80 : i32
      %lt3A_79 = arith.cmpi slt, %add3A_77, %lt3A_78 : i32
      %convert_element_type3A_80 = arith.extui %lt3A_79 : i1 to i32
      %cond3A_81 = arith.constant 0 : i32
      %cond3A_82 = arith.cmpi ne, %convert_element_type3A_80, %cond3A_81 : i32
      scf.if %cond3A_82 {
        %mul3A_144 = arith.constant 80 : i32
        %mul3A_145 = arith.muli %add3A, %mul3A_144 : i32
        %add3A_146 = arith.addi %mul3A_145, %add3A_75 : i32
        %add3A_147 = arith.constant 2 : i32
        %add3A_148 = arith.addi %add3A_146, %add3A_147 : i32
        %dma_start3A_149 = arith.constant 3 : i32
        %dma_start3A_150 = arith.constant 0 : i32
        %dma_start3A_151 = tpu.memref_slice %arg6[%dma_start3A_149, %dma_start3A_150] : memref<4x128xi32, #tpu.memory_space<vmem>> -> memref<1x128xi32, #tpu.memory_space<vmem>>
        %dma_start3A_152 = tpu.memref_squeeze %dma_start3A_151 : memref<1x128xi32, #tpu.memory_space<vmem>> -> memref<128xi32, #tpu.memory_space<vmem>>
        %dma_start3A_153 = arith.constant 0 : i32
        %dma_start3A_154 = tpu.memref_slice %arg3[%add3A_148, %dma_start3A_153] : memref<2560x128xi32, #tpu.memory_space<hbm>> -> memref<1x128xi32, #tpu.memory_space<hbm>>
        %dma_start3A_155 = tpu.memref_squeeze %dma_start3A_154 : memref<1x128xi32, #tpu.memory_space<hbm>> -> memref<128xi32, #tpu.memory_space<hbm>>
        %dma_start3A_156 = arith.constant 0 : i32
        %dma_start3A_157 = tpu.memref_slice %arg6[%dma_start3A_149, %dma_start3A_156] : memref<4x128xi32, #tpu.memory_space<vmem>> -> memref<1x128xi32, #tpu.memory_space<vmem>>
        %dma_start3A_158 = tpu.memref_squeeze %dma_start3A_157 : memref<1x128xi32, #tpu.memory_space<vmem>> -> memref<128xi32, #tpu.memory_space<vmem>>
        %dma_start3A_159 = arith.constant 0 : i32
        %dma_start3A_160 = tpu.memref_slice %arg3[%add3A_148, %dma_start3A_159] : memref<2560x128xi32, #tpu.memory_space<hbm>> -> memref<1x128xi32, #tpu.memory_space<hbm>>
        %dma_start3A_161 = tpu.memref_squeeze %dma_start3A_160 : memref<1x128xi32, #tpu.memory_space<hbm>> -> memref<128xi32, #tpu.memory_space<hbm>>
        tpu.enqueue_dma source(%dma_start3A_161 : memref<128xi32, #tpu.memory_space<hbm>>) target(%dma_start3A_158 : memref<128xi32, #tpu.memory_space<vmem>>) target_semaphore(%arg15 : memref<!tpu.dma_semaphore, #tpu.memory_space<semaphore_mem>>)
      } else {
      }
      %dma_wait3A_83 = arith.constant 1 : i32
      %dma_wait3A_84 = arith.constant 0 : i32
      %dma_wait3A_85 = tpu.memref_slice %arg6[%dma_wait3A_83, %dma_wait3A_84] : memref<4x128xi32, #tpu.memory_space<vmem>> -> memref<1x128xi32, #tpu.memory_space<vmem>>
      %dma_wait3A_86 = tpu.memref_squeeze %dma_wait3A_85 : memref<1x128xi32, #tpu.memory_space<vmem>> -> memref<128xi32, #tpu.memory_space<vmem>>
      %dma_wait3A_87 = arith.constant 0 : i32
      %dma_wait3A_88 = arith.constant 0 : i32
      %dma_wait3A_89 = tpu.memref_slice %arg2[%dma_wait3A_87, %dma_wait3A_88] : memref<10240x128xf32, #tpu.memory_space<hbm>> -> memref<10240x128xf32, #tpu.memory_space<hbm>>
      tpu.wait_indirect_dma semaphore(%arg11 : memref<!tpu.dma_semaphore, #tpu.memory_space<semaphore_mem>>) src(%dma_wait3A_89 : memref<10240x128xf32, #tpu.memory_space<hbm>>) dst(%arg9 : memref<128x128xf32, #tpu.memory_space<vmem>>)
      "tpu.region"() ({
        %run_scoped3A_144 = tpu.sem_alloc : memref<!tpu.dma_semaphore, #tpu.memory_space<semaphore_mem>>
        %dma_start3A_145 = arith.constant 0 : i32
        %dma_start3A_146 = tpu.memref_slice %arg7[%add3A_75, %dma_start3A_145] : memref<80x128xi32, #tpu.memory_space<vmem>> -> memref<1x128xi32, #tpu.memory_space<vmem>>
        %dma_start3A_147 = tpu.memref_squeeze %dma_start3A_146 : memref<1x128xi32, #tpu.memory_space<vmem>> -> memref<128xi32, #tpu.memory_space<vmem>>
        %dma_start3A_148 = arith.constant 0 : i32
        %dma_start3A_149 = arith.constant 0 : i32
        %dma_start3A_150 = tpu.memref_slice %arg16[%dma_start3A_148, %dma_start3A_149] : memref<10240x128xf32, #tpu.memory_space<vmem_shared>> -> memref<10240x128xf32, #tpu.memory_space<vmem_shared>>
        tpu.enqueue_indirect_dma source(%arg9 : memref<128x128xf32, #tpu.memory_space<vmem>>) target(%dma_start3A_150 : memref<10240x128xf32, #tpu.memory_space<vmem_shared>>) offsets(%dma_start3A_147 : memref<128xi32, #tpu.memory_space<vmem>>) semaphore(%run_scoped3A_144 : memref<!tpu.dma_semaphore, #tpu.memory_space<semaphore_mem>>) {add = true}
        %dma_wait3A_151 = arith.constant 0 : i32
        %dma_wait3A_152 = tpu.memref_slice %arg7[%add3A_75, %dma_wait3A_151] : memref<80x128xi32, #tpu.memory_space<vmem>> -> memref<1x128xi32, #tpu.memory_space<vmem>>
        %dma_wait3A_153 = tpu.memref_squeeze %dma_wait3A_152 : memref<1x128xi32, #tpu.memory_space<vmem>> -> memref<128xi32, #tpu.memory_space<vmem>>
        %dma_wait3A_154 = arith.constant 0 : i32
        %dma_wait3A_155 = arith.constant 0 : i32
        %dma_wait3A_156 = tpu.memref_slice %arg16[%dma_wait3A_154, %dma_wait3A_155] : memref<10240x128xf32, #tpu.memory_space<vmem_shared>> -> memref<10240x128xf32, #tpu.memory_space<vmem_shared>>
        tpu.wait_indirect_dma semaphore(%run_scoped3A_144 : memref<!tpu.dma_semaphore, #tpu.memory_space<semaphore_mem>>) src(%arg9 : memref<128x128xf32, #tpu.memory_space<vmem>>) dst(%dma_wait3A_156 : memref<10240x128xf32, #tpu.memory_space<vmem_shared>>)
        tpu.yield
      }) : () -> ()
      %add3A_90 = arith.constant 2 : i32
      %add3A_91 = arith.addi %add3A_75, %add3A_90 : i32
      %lt3A_92 = arith.constant 80 : i32
      %lt3A_93 = arith.cmpi slt, %add3A_91, %lt3A_92 : i32
      %convert_element_type3A_94 = arith.extui %lt3A_93 : i1 to i32
      %cond3A_95 = arith.constant 0 : i32
      %cond3A_96 = arith.cmpi ne, %convert_element_type3A_94, %cond3A_95 : i32
      scf.if %cond3A_96 {
        %mul3A_144 = arith.constant 80 : i32
        %mul3A_145 = arith.muli %add3A, %mul3A_144 : i32
        %add3A_146 = arith.addi %mul3A_145, %add3A_75 : i32
        %add3A_147 = arith.constant 2 : i32
        %add3A_148 = arith.addi %add3A_146, %add3A_147 : i32
        %dma_wait3A_149 = arith.constant 3 : i32
        %dma_wait3A_150 = arith.constant 0 : i32
        %dma_wait3A_151 = tpu.memref_slice %arg6[%dma_wait3A_149, %dma_wait3A_150] : memref<4x128xi32, #tpu.memory_space<vmem>> -> memref<1x128xi32, #tpu.memory_space<vmem>>
        %dma_wait3A_152 = tpu.memref_squeeze %dma_wait3A_151 : memref<1x128xi32, #tpu.memory_space<vmem>> -> memref<128xi32, #tpu.memory_space<vmem>>
        %dma_wait3A_153 = arith.constant 0 : i32
        %dma_wait3A_154 = tpu.memref_slice %arg3[%add3A_148, %dma_wait3A_153] : memref<2560x128xi32, #tpu.memory_space<hbm>> -> memref<1x128xi32, #tpu.memory_space<hbm>>
        %dma_wait3A_155 = tpu.memref_squeeze %dma_wait3A_154 : memref<1x128xi32, #tpu.memory_space<hbm>> -> memref<128xi32, #tpu.memory_space<hbm>>
        %dma_wait3A_156 = arith.constant 0 : i32
        %dma_wait3A_157 = tpu.memref_slice %arg6[%dma_wait3A_149, %dma_wait3A_156] : memref<4x128xi32, #tpu.memory_space<vmem>> -> memref<1x128xi32, #tpu.memory_space<vmem>>
        %dma_wait3A_158 = tpu.memref_squeeze %dma_wait3A_157 : memref<1x128xi32, #tpu.memory_space<vmem>> -> memref<128xi32, #tpu.memory_space<vmem>>
        %dma_wait3A_159 = arith.constant 0 : i32
        %dma_wait3A_160 = tpu.memref_slice %arg3[%add3A_148, %dma_wait3A_159] : memref<2560x128xi32, #tpu.memory_space<hbm>> -> memref<1x128xi32, #tpu.memory_space<hbm>>
        %dma_wait3A_161 = tpu.memref_squeeze %dma_wait3A_160 : memref<1x128xi32, #tpu.memory_space<hbm>> -> memref<128xi32, #tpu.memory_space<hbm>>
        tpu.wait_dma2 semaphore(%arg15 : memref<!tpu.dma_semaphore, #tpu.memory_space<semaphore_mem>>) src(%dma_wait3A_161 : memref<128xi32, #tpu.memory_space<hbm>>) dst(%dma_wait3A_158 : memref<128xi32, #tpu.memory_space<vmem>>)
        %dma_start3A_162 = arith.constant 3 : i32
        %dma_start3A_163 = arith.constant 0 : i32
        %dma_start3A_164 = tpu.memref_slice %arg6[%dma_start3A_162, %dma_start3A_163] : memref<4x128xi32, #tpu.memory_space<vmem>> -> memref<1x128xi32, #tpu.memory_space<vmem>>
        %dma_start3A_165 = tpu.memref_squeeze %dma_start3A_164 : memref<1x128xi32, #tpu.memory_space<vmem>> -> memref<128xi32, #tpu.memory_space<vmem>>
        %dma_start3A_166 = arith.constant 0 : i32
        %dma_start3A_167 = arith.constant 0 : i32
        %dma_start3A_168 = tpu.memref_slice %arg2[%dma_start3A_166, %dma_start3A_167] : memref<10240x128xf32, #tpu.memory_space<hbm>> -> memref<10240x128xf32, #tpu.memory_space<hbm>>
        tpu.enqueue_indirect_dma source(%dma_start3A_168 : memref<10240x128xf32, #tpu.memory_space<hbm>>) target(%arg9 : memref<128x128xf32, #tpu.memory_space<vmem>>) offsets(%dma_start3A_165 : memref<128xi32, #tpu.memory_space<vmem>>) semaphore(%arg11 : memref<!tpu.dma_semaphore, #tpu.memory_space<semaphore_mem>>)
      } else {
      }
      %add3A_97 = arith.constant 2 : i32
      %add3A_98 = arith.addi %mul3A_54, %add3A_97 : i32
      %add3A_99 = arith.constant 2 : i32
      %add3A_100 = arith.addi %add3A_98, %add3A_99 : i32
      %lt3A_101 = arith.constant 80 : i32
      %lt3A_102 = arith.cmpi slt, %add3A_100, %lt3A_101 : i32
      %convert_element_type3A_103 = arith.extui %lt3A_102 : i1 to i32
      %cond3A_104 = arith.constant 0 : i32
      %cond3A_105 = arith.cmpi ne, %convert_element_type3A_103, %cond3A_104 : i32
      scf.if %cond3A_105 {
        %mul3A_144 = arith.constant 80 : i32
        %mul3A_145 = arith.muli %add3A, %mul3A_144 : i32
        %add3A_146 = arith.addi %mul3A_145, %add3A_98 : i32
        %add3A_147 = arith.constant 2 : i32
        %add3A_148 = arith.addi %add3A_146, %add3A_147 : i32
        %dma_start3A_149 = arith.constant 0 : i32
        %dma_start3A_150 = arith.constant 0 : i32
        %dma_start3A_151 = tpu.memref_slice %arg6[%dma_start3A_149, %dma_start3A_150] : memref<4x128xi32, #tpu.memory_space<vmem>> -> memref<1x128xi32, #tpu.memory_space<vmem>>
        %dma_start3A_152 = tpu.memref_squeeze %dma_start3A_151 : memref<1x128xi32, #tpu.memory_space<vmem>> -> memref<128xi32, #tpu.memory_space<vmem>>
        %dma_start3A_153 = arith.constant 0 : i32
        %dma_start3A_154 = tpu.memref_slice %arg3[%add3A_148, %dma_start3A_153] : memref<2560x128xi32, #tpu.memory_space<hbm>> -> memref<1x128xi32, #tpu.memory_space<hbm>>
        %dma_start3A_155 = tpu.memref_squeeze %dma_start3A_154 : memref<1x128xi32, #tpu.memory_space<hbm>> -> memref<128xi32, #tpu.memory_space<hbm>>
        %dma_start3A_156 = arith.constant 0 : i32
        %dma_start3A_157 = tpu.memref_slice %arg6[%dma_start3A_149, %dma_start3A_156] : memref<4x128xi32, #tpu.memory_space<vmem>> -> memref<1x128xi32, #tpu.memory_space<vmem>>
        %dma_start3A_158 = tpu.memref_squeeze %dma_start3A_157 : memref<1x128xi32, #tpu.memory_space<vmem>> -> memref<128xi32, #tpu.memory_space<vmem>>
        %dma_start3A_159 = arith.constant 0 : i32
        %dma_start3A_160 = tpu.memref_slice %arg3[%add3A_148, %dma_start3A_159] : memref<2560x128xi32, #tpu.memory_space<hbm>> -> memref<1x128xi32, #tpu.memory_space<hbm>>
        %dma_start3A_161 = tpu.memref_squeeze %dma_start3A_160 : memref<1x128xi32, #tpu.memory_space<hbm>> -> memref<128xi32, #tpu.memory_space<hbm>>
        tpu.enqueue_dma source(%dma_start3A_161 : memref<128xi32, #tpu.memory_space<hbm>>) target(%dma_start3A_158 : memref<128xi32, #tpu.memory_space<vmem>>) target_semaphore(%arg12 : memref<!tpu.dma_semaphore, #tpu.memory_space<semaphore_mem>>)
      } else {
      }
      %dma_wait3A_106 = arith.constant 2 : i32
      %dma_wait3A_107 = arith.constant 0 : i32
      %dma_wait3A_108 = tpu.memref_slice %arg6[%dma_wait3A_106, %dma_wait3A_107] : memref<4x128xi32, #tpu.memory_space<vmem>> -> memref<1x128xi32, #tpu.memory_space<vmem>>
      %dma_wait3A_109 = tpu.memref_squeeze %dma_wait3A_108 : memref<1x128xi32, #tpu.memory_space<vmem>> -> memref<128xi32, #tpu.memory_space<vmem>>
      %dma_wait3A_110 = arith.constant 0 : i32
      %dma_wait3A_111 = arith.constant 0 : i32
      %dma_wait3A_112 = tpu.memref_slice %arg2[%dma_wait3A_110, %dma_wait3A_111] : memref<10240x128xf32, #tpu.memory_space<hbm>> -> memref<10240x128xf32, #tpu.memory_space<hbm>>
      tpu.wait_indirect_dma semaphore(%arg10 : memref<!tpu.dma_semaphore, #tpu.memory_space<semaphore_mem>>) src(%dma_wait3A_112 : memref<10240x128xf32, #tpu.memory_space<hbm>>) dst(%arg8 : memref<128x128xf32, #tpu.memory_space<vmem>>)
      "tpu.region"() ({
        %run_scoped3A_144 = tpu.sem_alloc : memref<!tpu.dma_semaphore, #tpu.memory_space<semaphore_mem>>
        %dma_start3A_145 = arith.constant 0 : i32
        %dma_start3A_146 = tpu.memref_slice %arg7[%add3A_98, %dma_start3A_145] : memref<80x128xi32, #tpu.memory_space<vmem>> -> memref<1x128xi32, #tpu.memory_space<vmem>>
        %dma_start3A_147 = tpu.memref_squeeze %dma_start3A_146 : memref<1x128xi32, #tpu.memory_space<vmem>> -> memref<128xi32, #tpu.memory_space<vmem>>
        %dma_start3A_148 = arith.constant 0 : i32
        %dma_start3A_149 = arith.constant 0 : i32
        %dma_start3A_150 = tpu.memref_slice %arg16[%dma_start3A_148, %dma_start3A_149] : memref<10240x128xf32, #tpu.memory_space<vmem_shared>> -> memref<10240x128xf32, #tpu.memory_space<vmem_shared>>
        tpu.enqueue_indirect_dma source(%arg8 : memref<128x128xf32, #tpu.memory_space<vmem>>) target(%dma_start3A_150 : memref<10240x128xf32, #tpu.memory_space<vmem_shared>>) offsets(%dma_start3A_147 : memref<128xi32, #tpu.memory_space<vmem>>) semaphore(%run_scoped3A_144 : memref<!tpu.dma_semaphore, #tpu.memory_space<semaphore_mem>>) {add = true}
        %dma_wait3A_151 = arith.constant 0 : i32
        %dma_wait3A_152 = tpu.memref_slice %arg7[%add3A_98, %dma_wait3A_151] : memref<80x128xi32, #tpu.memory_space<vmem>> -> memref<1x128xi32, #tpu.memory_space<vmem>>
        %dma_wait3A_153 = tpu.memref_squeeze %dma_wait3A_152 : memref<1x128xi32, #tpu.memory_space<vmem>> -> memref<128xi32, #tpu.memory_space<vmem>>
        %dma_wait3A_154 = arith.constant 0 : i32
        %dma_wait3A_155 = arith.constant 0 : i32
        %dma_wait3A_156 = tpu.memref_slice %arg16[%dma_wait3A_154, %dma_wait3A_155] : memref<10240x128xf32, #tpu.memory_space<vmem_shared>> -> memref<10240x128xf32, #tpu.memory_space<vmem_shared>>
        tpu.wait_indirect_dma semaphore(%run_scoped3A_144 : memref<!tpu.dma_semaphore, #tpu.memory_space<semaphore_mem>>) src(%arg8 : memref<128x128xf32, #tpu.memory_space<vmem>>) dst(%dma_wait3A_156 : memref<10240x128xf32, #tpu.memory_space<vmem_shared>>)
        tpu.yield
      }) : () -> ()
      %add3A_113 = arith.constant 2 : i32
      %add3A_114 = arith.addi %add3A_98, %add3A_113 : i32
      %lt3A_115 = arith.constant 80 : i32
      %lt3A_116 = arith.cmpi slt, %add3A_114, %lt3A_115 : i32
      %convert_element_type3A_117 = arith.extui %lt3A_116 : i1 to i32
      %cond3A_118 = arith.constant 0 : i32
      %cond3A_119 = arith.cmpi ne, %convert_element_type3A_117, %cond3A_118 : i32
      scf.if %cond3A_119 {
        %mul3A_144 = arith.constant 80 : i32
        %mul3A_145 = arith.muli %add3A, %mul3A_144 : i32
        %add3A_146 = arith.addi %mul3A_145, %add3A_98 : i32
        %add3A_147 = arith.constant 2 : i32
        %add3A_148 = arith.addi %add3A_146, %add3A_147 : i32
        %dma_wait3A_149 = arith.constant 0 : i32
        %dma_wait3A_150 = arith.constant 0 : i32
        %dma_wait3A_151 = tpu.memref_slice %arg6[%dma_wait3A_149, %dma_wait3A_150] : memref<4x128xi32, #tpu.memory_space<vmem>> -> memref<1x128xi32, #tpu.memory_space<vmem>>
        %dma_wait3A_152 = tpu.memref_squeeze %dma_wait3A_151 : memref<1x128xi32, #tpu.memory_space<vmem>> -> memref<128xi32, #tpu.memory_space<vmem>>
        %dma_wait3A_153 = arith.constant 0 : i32
        %dma_wait3A_154 = tpu.memref_slice %arg3[%add3A_148, %dma_wait3A_153] : memref<2560x128xi32, #tpu.memory_space<hbm>> -> memref<1x128xi32, #tpu.memory_space<hbm>>
        %dma_wait3A_155 = tpu.memref_squeeze %dma_wait3A_154 : memref<1x128xi32, #tpu.memory_space<hbm>> -> memref<128xi32, #tpu.memory_space<hbm>>
        %dma_wait3A_156 = arith.constant 0 : i32
        %dma_wait3A_157 = tpu.memref_slice %arg6[%dma_wait3A_149, %dma_wait3A_156] : memref<4x128xi32, #tpu.memory_space<vmem>> -> memref<1x128xi32, #tpu.memory_space<vmem>>
        %dma_wait3A_158 = tpu.memref_squeeze %dma_wait3A_157 : memref<1x128xi32, #tpu.memory_space<vmem>> -> memref<128xi32, #tpu.memory_space<vmem>>
        %dma_wait3A_159 = arith.constant 0 : i32
        %dma_wait3A_160 = tpu.memref_slice %arg3[%add3A_148, %dma_wait3A_159] : memref<2560x128xi32, #tpu.memory_space<hbm>> -> memref<1x128xi32, #tpu.memory_space<hbm>>
        %dma_wait3A_161 = tpu.memref_squeeze %dma_wait3A_160 : memref<1x128xi32, #tpu.memory_space<hbm>> -> memref<128xi32, #tpu.memory_space<hbm>>
        tpu.wait_dma2 semaphore(%arg12 : memref<!tpu.dma_semaphore, #tpu.memory_space<semaphore_mem>>) src(%dma_wait3A_161 : memref<128xi32, #tpu.memory_space<hbm>>) dst(%dma_wait3A_158 : memref<128xi32, #tpu.memory_space<vmem>>)
        %dma_start3A_162 = arith.constant 0 : i32
        %dma_start3A_163 = arith.constant 0 : i32
        %dma_start3A_164 = tpu.memref_slice %arg6[%dma_start3A_162, %dma_start3A_163] : memref<4x128xi32, #tpu.memory_space<vmem>> -> memref<1x128xi32, #tpu.memory_space<vmem>>
        %dma_start3A_165 = tpu.memref_squeeze %dma_start3A_164 : memref<1x128xi32, #tpu.memory_space<vmem>> -> memref<128xi32, #tpu.memory_space<vmem>>
        %dma_start3A_166 = arith.constant 0 : i32
        %dma_start3A_167 = arith.constant 0 : i32
        %dma_start3A_168 = tpu.memref_slice %arg2[%dma_start3A_166, %dma_start3A_167] : memref<10240x128xf32, #tpu.memory_space<hbm>> -> memref<10240x128xf32, #tpu.memory_space<hbm>>
        tpu.enqueue_indirect_dma source(%dma_start3A_168 : memref<10240x128xf32, #tpu.memory_space<hbm>>) target(%arg8 : memref<128x128xf32, #tpu.memory_space<vmem>>) offsets(%dma_start3A_165 : memref<128xi32, #tpu.memory_space<vmem>>) semaphore(%arg10 : memref<!tpu.dma_semaphore, #tpu.memory_space<semaphore_mem>>)
      } else {
      }
      %add3A_120 = arith.constant 3 : i32
      %add3A_121 = arith.addi %mul3A_54, %add3A_120 : i32
      %add3A_122 = arith.constant 2 : i32
      %add3A_123 = arith.addi %add3A_121, %add3A_122 : i32
      %lt3A_124 = arith.constant 80 : i32
      %lt3A_125 = arith.cmpi slt, %add3A_123, %lt3A_124 : i32
      %convert_element_type3A_126 = arith.extui %lt3A_125 : i1 to i32
      %cond3A_127 = arith.constant 0 : i32
      %cond3A_128 = arith.cmpi ne, %convert_element_type3A_126, %cond3A_127 : i32
      scf.if %cond3A_128 {
        %mul3A_144 = arith.constant 80 : i32
        %mul3A_145 = arith.muli %add3A, %mul3A_144 : i32
        %add3A_146 = arith.addi %mul3A_145, %add3A_121 : i32
        %add3A_147 = arith.constant 2 : i32
        %add3A_148 = arith.addi %add3A_146, %add3A_147 : i32
        %dma_start3A_149 = arith.constant 1 : i32
        %dma_start3A_150 = arith.constant 0 : i32
        %dma_start3A_151 = tpu.memref_slice %arg6[%dma_start3A_149, %dma_start3A_150] : memref<4x128xi32, #tpu.memory_space<vmem>> -> memref<1x128xi32, #tpu.memory_space<vmem>>
        %dma_start3A_152 = tpu.memref_squeeze %dma_start3A_151 : memref<1x128xi32, #tpu.memory_space<vmem>> -> memref<128xi32, #tpu.memory_space<vmem>>
        %dma_start3A_153 = arith.constant 0 : i32
        %dma_start3A_154 = tpu.memref_slice %arg3[%add3A_148, %dma_start3A_153] : memref<2560x128xi32, #tpu.memory_space<hbm>> -> memref<1x128xi32, #tpu.memory_space<hbm>>
        %dma_start3A_155 = tpu.memref_squeeze %dma_start3A_154 : memref<1x128xi32, #tpu.memory_space<hbm>> -> memref<128xi32, #tpu.memory_space<hbm>>
        %dma_start3A_156 = arith.constant 0 : i32
        %dma_start3A_157 = tpu.memref_slice %arg6[%dma_start3A_149, %dma_start3A_156] : memref<4x128xi32, #tpu.memory_space<vmem>> -> memref<1x128xi32, #tpu.memory_space<vmem>>
        %dma_start3A_158 = tpu.memref_squeeze %dma_start3A_157 : memref<1x128xi32, #tpu.memory_space<vmem>> -> memref<128xi32, #tpu.memory_space<vmem>>
        %dma_start3A_159 = arith.constant 0 : i32
        %dma_start3A_160 = tpu.memref_slice %arg3[%add3A_148, %dma_start3A_159] : memref<2560x128xi32, #tpu.memory_space<hbm>> -> memref<1x128xi32, #tpu.memory_space<hbm>>
        %dma_start3A_161 = tpu.memref_squeeze %dma_start3A_160 : memref<1x128xi32, #tpu.memory_space<hbm>> -> memref<128xi32, #tpu.memory_space<hbm>>
        tpu.enqueue_dma source(%dma_start3A_161 : memref<128xi32, #tpu.memory_space<hbm>>) target(%dma_start3A_158 : memref<128xi32, #tpu.memory_space<vmem>>) target_semaphore(%arg13 : memref<!tpu.dma_semaphore, #tpu.memory_space<semaphore_mem>>)
      } else {
      }
      %dma_wait3A_129 = arith.constant 3 : i32
      %dma_wait3A_130 = arith.constant 0 : i32
      %dma_wait3A_131 = tpu.memref_slice %arg6[%dma_wait3A_129, %dma_wait3A_130] : memref<4x128xi32, #tpu.memory_space<vmem>> -> memref<1x128xi32, #tpu.memory_space<vmem>>
      %dma_wait3A_132 = tpu.memref_squeeze %dma_wait3A_131 : memref<1x128xi32, #tpu.memory_space<vmem>> -> memref<128xi32, #tpu.memory_space<vmem>>
      %dma_wait3A_133 = arith.constant 0 : i32
      %dma_wait3A_134 = arith.constant 0 : i32
      %dma_wait3A_135 = tpu.memref_slice %arg2[%dma_wait3A_133, %dma_wait3A_134] : memref<10240x128xf32, #tpu.memory_space<hbm>> -> memref<10240x128xf32, #tpu.memory_space<hbm>>
      tpu.wait_indirect_dma semaphore(%arg11 : memref<!tpu.dma_semaphore, #tpu.memory_space<semaphore_mem>>) src(%dma_wait3A_135 : memref<10240x128xf32, #tpu.memory_space<hbm>>) dst(%arg9 : memref<128x128xf32, #tpu.memory_space<vmem>>)
      "tpu.region"() ({
        %run_scoped3A_144 = tpu.sem_alloc : memref<!tpu.dma_semaphore, #tpu.memory_space<semaphore_mem>>
        %dma_start3A_145 = arith.constant 0 : i32
        %dma_start3A_146 = tpu.memref_slice %arg7[%add3A_121, %dma_start3A_145] : memref<80x128xi32, #tpu.memory_space<vmem>> -> memref<1x128xi32, #tpu.memory_space<vmem>>
        %dma_start3A_147 = tpu.memref_squeeze %dma_start3A_146 : memref<1x128xi32, #tpu.memory_space<vmem>> -> memref<128xi32, #tpu.memory_space<vmem>>
        %dma_start3A_148 = arith.constant 0 : i32
        %dma_start3A_149 = arith.constant 0 : i32
        %dma_start3A_150 = tpu.memref_slice %arg16[%dma_start3A_148, %dma_start3A_149] : memref<10240x128xf32, #tpu.memory_space<vmem_shared>> -> memref<10240x128xf32, #tpu.memory_space<vmem_shared>>
        tpu.enqueue_indirect_dma source(%arg9 : memref<128x128xf32, #tpu.memory_space<vmem>>) target(%dma_start3A_150 : memref<10240x128xf32, #tpu.memory_space<vmem_shared>>) offsets(%dma_start3A_147 : memref<128xi32, #tpu.memory_space<vmem>>) semaphore(%run_scoped3A_144 : memref<!tpu.dma_semaphore, #tpu.memory_space<semaphore_mem>>) {add = true}
        %dma_wait3A_151 = arith.constant 0 : i32
        %dma_wait3A_152 = tpu.memref_slice %arg7[%add3A_121, %dma_wait3A_151] : memref<80x128xi32, #tpu.memory_space<vmem>> -> memref<1x128xi32, #tpu.memory_space<vmem>>
        %dma_wait3A_153 = tpu.memref_squeeze %dma_wait3A_152 : memref<1x128xi32, #tpu.memory_space<vmem>> -> memref<128xi32, #tpu.memory_space<vmem>>
        %dma_wait3A_154 = arith.constant 0 : i32
        %dma_wait3A_155 = arith.constant 0 : i32
        %dma_wait3A_156 = tpu.memref_slice %arg16[%dma_wait3A_154, %dma_wait3A_155] : memref<10240x128xf32, #tpu.memory_space<vmem_shared>> -> memref<10240x128xf32, #tpu.memory_space<vmem_shared>>
        tpu.wait_indirect_dma semaphore(%run_scoped3A_144 : memref<!tpu.dma_semaphore, #tpu.memory_space<semaphore_mem>>) src(%arg9 : memref<128x128xf32, #tpu.memory_space<vmem>>) dst(%dma_wait3A_156 : memref<10240x128xf32, #tpu.memory_space<vmem_shared>>)
        tpu.yield
      }) : () -> ()
      %add3A_136 = arith.constant 2 : i32
      %add3A_137 = arith.addi %add3A_121, %add3A_136 : i32
      %lt3A_138 = arith.constant 80 : i32
      %lt3A_139 = arith.cmpi slt, %add3A_137, %lt3A_138 : i32
      %convert_element_type3A_140 = arith.extui %lt3A_139 : i1 to i32
      %cond3A_141 = arith.constant 0 : i32
      %cond3A_142 = arith.cmpi ne, %convert_element_type3A_140, %cond3A_141 : i32
      scf.if %cond3A_142 {
        %mul3A_144 = arith.constant 80 : i32
        %mul3A_145 = arith.muli %add3A, %mul3A_144 : i32
        %add3A_146 = arith.addi %mul3A_145, %add3A_121 : i32
        %add3A_147 = arith.constant 2 : i32
        %add3A_148 = arith.addi %add3A_146, %add3A_147 : i32
        %dma_wait3A_149 = arith.constant 1 : i32
        %dma_wait3A_150 = arith.constant 0 : i32
        %dma_wait3A_151 = tpu.memref_slice %arg6[%dma_wait3A_149, %dma_wait3A_150] : memref<4x128xi32, #tpu.memory_space<vmem>> -> memref<1x128xi32, #tpu.memory_space<vmem>>
        %dma_wait3A_152 = tpu.memref_squeeze %dma_wait3A_151 : memref<1x128xi32, #tpu.memory_space<vmem>> -> memref<128xi32, #tpu.memory_space<vmem>>
        %dma_wait3A_153 = arith.constant 0 : i32
        %dma_wait3A_154 = tpu.memref_slice %arg3[%add3A_148, %dma_wait3A_153] : memref<2560x128xi32, #tpu.memory_space<hbm>> -> memref<1x128xi32, #tpu.memory_space<hbm>>
        %dma_wait3A_155 = tpu.memref_squeeze %dma_wait3A_154 : memref<1x128xi32, #tpu.memory_space<hbm>> -> memref<128xi32, #tpu.memory_space<hbm>>
        %dma_wait3A_156 = arith.constant 0 : i32
        %dma_wait3A_157 = tpu.memref_slice %arg6[%dma_wait3A_149, %dma_wait3A_156] : memref<4x128xi32, #tpu.memory_space<vmem>> -> memref<1x128xi32, #tpu.memory_space<vmem>>
        %dma_wait3A_158 = tpu.memref_squeeze %dma_wait3A_157 : memref<1x128xi32, #tpu.memory_space<vmem>> -> memref<128xi32, #tpu.memory_space<vmem>>
        %dma_wait3A_159 = arith.constant 0 : i32
        %dma_wait3A_160 = tpu.memref_slice %arg3[%add3A_148, %dma_wait3A_159] : memref<2560x128xi32, #tpu.memory_space<hbm>> -> memref<1x128xi32, #tpu.memory_space<hbm>>
        %dma_wait3A_161 = tpu.memref_squeeze %dma_wait3A_160 : memref<1x128xi32, #tpu.memory_space<hbm>> -> memref<128xi32, #tpu.memory_space<hbm>>
        tpu.wait_dma2 semaphore(%arg13 : memref<!tpu.dma_semaphore, #tpu.memory_space<semaphore_mem>>) src(%dma_wait3A_161 : memref<128xi32, #tpu.memory_space<hbm>>) dst(%dma_wait3A_158 : memref<128xi32, #tpu.memory_space<vmem>>)
        %dma_start3A_162 = arith.constant 1 : i32
        %dma_start3A_163 = arith.constant 0 : i32
        %dma_start3A_164 = tpu.memref_slice %arg6[%dma_start3A_162, %dma_start3A_163] : memref<4x128xi32, #tpu.memory_space<vmem>> -> memref<1x128xi32, #tpu.memory_space<vmem>>
        %dma_start3A_165 = tpu.memref_squeeze %dma_start3A_164 : memref<1x128xi32, #tpu.memory_space<vmem>> -> memref<128xi32, #tpu.memory_space<vmem>>
        %dma_start3A_166 = arith.constant 0 : i32
        %dma_start3A_167 = arith.constant 0 : i32
        %dma_start3A_168 = tpu.memref_slice %arg2[%dma_start3A_166, %dma_start3A_167] : memref<10240x128xf32, #tpu.memory_space<hbm>> -> memref<10240x128xf32, #tpu.memory_space<hbm>>
        tpu.enqueue_indirect_dma source(%dma_start3A_168 : memref<10240x128xf32, #tpu.memory_space<hbm>>) target(%arg9 : memref<128x128xf32, #tpu.memory_space<vmem>>) offsets(%dma_start3A_165 : memref<128xi32, #tpu.memory_space<vmem>>) semaphore(%arg11 : memref<!tpu.dma_semaphore, #tpu.memory_space<semaphore_mem>>)
      } else {
      }
      %scan3A_143 = arith.constant 0 : i32
      scf.yield %scan3A_143 : i32
    }
    %scan3A_42 = arith.constant 20 : i32
    %barrier3A_43 = arith.constant 0 : index
    tpu.barrier barrier_id(%barrier3A_43)
    %scan3A_44 = arith.constant 0 : i32
    %scan3A_45 = arith.constant 0 : i32
    %scan3A_46 = arith.constant 5 : i32
    %scan3A_47 = arith.addi %scan3A_45, %scan3A_46 : i32
    %scan3A_48 = arith.constant 1 : i32
    %scan3A_49 = scf.for %scan3A_51 = %scan3A_45 to %scan3A_47 step %scan3A_48 iter_args(%scan3A_52 = %scan3A_44) -> (i32)  : i32 {
      %mul3A_53 = arith.constant 640 : i32
      %mul3A_54 = arith.muli %arg1, %mul3A_53 : i32
      %mul3A_55 = arith.constant 128 : i32
      %mul3A_56 = arith.muli %scan3A_51, %mul3A_55 : i32
      %add3A_57 = arith.addi %mul3A_54, %mul3A_56 : i32
      "tpu.region"() ({
        %run_scoped3A_59 = tpu.sem_alloc : memref<!tpu.dma_semaphore, #tpu.memory_space<semaphore_mem>>
        %dma_start3A_60 = arith.constant 0 : i32
        %dma_start3A_61 = tpu.memref_slice %arg16[%add3A_57, %dma_start3A_60] : memref<10240x128xf32, #tpu.memory_space<vmem_shared>> -> memref<128x128xf32, #tpu.memory_space<vmem_shared>>
        %dma_start3A_62 = arith.constant 0 : i32
        %dma_start3A_63 = tpu.memref_slice %arg16[%add3A_57, %dma_start3A_62] : memref<10240x128xf32, #tpu.memory_space<vmem_shared>> -> memref<128x128xf32, #tpu.memory_space<vmem_shared>>
        tpu.enqueue_dma source(%dma_start3A_63 : memref<128x128xf32, #tpu.memory_space<vmem_shared>>) target(%arg8 : memref<128x128xf32, #tpu.memory_space<vmem>>) target_semaphore(%run_scoped3A_59 : memref<!tpu.dma_semaphore, #tpu.memory_space<semaphore_mem>>)
        %dma_wait3A = arith.constant 0 : i32
        %dma_wait3A_64 = tpu.memref_slice %arg16[%add3A_57, %dma_wait3A] : memref<10240x128xf32, #tpu.memory_space<vmem_shared>> -> memref<128x128xf32, #tpu.memory_space<vmem_shared>>
        %dma_wait3A_65 = arith.constant 0 : i32
        %dma_wait3A_66 = tpu.memref_slice %arg16[%add3A_57, %dma_wait3A_65] : memref<10240x128xf32, #tpu.memory_space<vmem_shared>> -> memref<128x128xf32, #tpu.memory_space<vmem_shared>>
        tpu.wait_dma2 semaphore(%run_scoped3A_59 : memref<!tpu.dma_semaphore, #tpu.memory_space<semaphore_mem>>) src(%dma_wait3A_66 : memref<128x128xf32, #tpu.memory_space<vmem_shared>>) dst(%arg8 : memref<128x128xf32, #tpu.memory_space<vmem>>)
        tpu.yield
      }) : () -> ()
      "tpu.region"() ({
        %run_scoped3A_59 = tpu.sem_alloc : memref<!tpu.dma_semaphore, #tpu.memory_space<semaphore_mem>>
        %dma_start3A_60 = arith.constant 0 : i32
        %dma_start3A_61 = tpu.memref_slice %arg5[%arg0, %add3A_57, %dma_start3A_60] : memref<2x10240x128xf32, #tpu.memory_space<hbm>> -> memref<1x128x128xf32, #tpu.memory_space<hbm>>
        %dma_start3A_62 = tpu.memref_squeeze %dma_start3A_61 : memref<1x128x128xf32, #tpu.memory_space<hbm>> -> memref<128x128xf32, #tpu.memory_space<hbm>>
        %dma_start3A_63 = arith.constant 0 : i32
        %dma_start3A_64 = tpu.memref_slice %arg5[%arg0, %add3A_57, %dma_start3A_63] : memref<2x10240x128xf32, #tpu.memory_space<hbm>> -> memref<1x128x128xf32, #tpu.memory_space<hbm>>
        %dma_start3A_65 = tpu.memref_squeeze %dma_start3A_64 : memref<1x128x128xf32, #tpu.memory_space<hbm>> -> memref<128x128xf32, #tpu.memory_space<hbm>>
        tpu.enqueue_dma source(%arg8 : memref<128x128xf32, #tpu.memory_space<vmem>>) target(%dma_start3A_65 : memref<128x128xf32, #tpu.memory_space<hbm>>) target_semaphore(%run_scoped3A_59 : memref<!tpu.dma_semaphore, #tpu.memory_space<semaphore_mem>>)
        %dma_wait3A = arith.constant 0 : i32
        %dma_wait3A_66 = tpu.memref_slice %arg5[%arg0, %add3A_57, %dma_wait3A] : memref<2x10240x128xf32, #tpu.memory_space<hbm>> -> memref<1x128x128xf32, #tpu.memory_space<hbm>>
        %dma_wait3A_67 = tpu.memref_squeeze %dma_wait3A_66 : memref<1x128x128xf32, #tpu.memory_space<hbm>> -> memref<128x128xf32, #tpu.memory_space<hbm>>
        %dma_wait3A_68 = arith.constant 0 : i32
        %dma_wait3A_69 = tpu.memref_slice %arg5[%arg0, %add3A_57, %dma_wait3A_68] : memref<2x10240x128xf32, #tpu.memory_space<hbm>> -> memref<1x128x128xf32, #tpu.memory_space<hbm>>
        %dma_wait3A_70 = tpu.memref_squeeze %dma_wait3A_69 : memref<1x128x128xf32, #tpu.memory_space<hbm>> -> memref<128x128xf32, #tpu.memory_space<hbm>>
        tpu.wait_dma2 semaphore(%run_scoped3A_59 : memref<!tpu.dma_semaphore, #tpu.memory_space<semaphore_mem>>) src(%arg8 : memref<128x128xf32, #tpu.memory_space<vmem>>) dst(%dma_wait3A_70 : memref<128x128xf32, #tpu.memory_space<hbm>>)
        tpu.yield
      }) : () -> ()
      %scan3A_58 = arith.constant 0 : i32
      scf.yield %scan3A_58 : i32
    }
    %scan3A_50 = arith.constant 5 : i32
    return
  }
}

module attributes {stable_mosaic.version = 14 : i64} {
  func.func @_tc_mm_body(%arg0: i32, %arg1: memref<1024x128xf32, #tpu.memory_space<vmem>>, %arg2: memref<128x128xf32, #tpu.memory_space<vmem>>, %arg3: memref<1024x128xf32, #tpu.memory_space<vmem>>) attributes {dimension_semantics = [#tpu.dimension_semantics<arbitrary>], iteration_bounds = array<i64: 10>, scalar_prefetch = 0 : i64, scratch_operands = 0 : i64, tpu.core_type = #tpu.core_type<tc>, window_params = [{transform_indices = @transform_0, window_bounds = array<i64: 1024, 128>}, {pipeline_mode = #tpu.pipeline_mode<synchronous>, transform_indices = @transform_1, window_bounds = array<i64: 128, 128>}, {transform_indices = @transform_2, window_bounds = array<i64: 1024, 128>}]} {
    %get3A = arith.constant 0 : index
    %get3A_0 = arith.constant 0 : index
    %get3A_1 = vector.load %arg1[%get3A, %get3A_0] : memref<1024x128xf32, #tpu.memory_space<vmem>>, vector<1024x128xf32>
    %get3A_2 = arith.constant 0 : index
    %get3A_3 = arith.constant 0 : index
    %get3A_4 = vector.load %arg2[%get3A_2, %get3A_3] : memref<128x128xf32, #tpu.memory_space<vmem>>, vector<128x128xf32>
    %dot_general3A = arith.constant dense<0.000000e+00> : vector<1024x128xf32>
    %dot_general3A_5 = tpu.matmul %get3A_1, %get3A_4, %dot_general3A {dimension_numbers = #tpu.dot_dimension_numbers<[1], [0], [0], [1], [0, 0, 1, 1], [], []>, transpose_lhs_hint = false} : vector<1024x128xf32>, vector<128x128xf32>, vector<1024x128xf32> -> vector<1024x128xf32>
    %swap3A = arith.constant 0 : index
    %swap3A_6 = arith.constant 0 : index
    %swap3A_7 = vector.load %arg3[%swap3A, %swap3A_6] : memref<1024x128xf32, #tpu.memory_space<vmem>>, vector<1024x128xf32>
    tpu.vector_store %arg3[%swap3A, %swap3A_6], %dot_general3A_5 {strides = array<i32>} : memref<1024x128xf32, #tpu.memory_space<vmem>>, vector<1024x128xf32>,
    return
  }
  func.func @transform_0(%arg0: i32) -> (i32, i32) {
    %c0_i32 = arith.constant 0 : i32
    %c0_i32_0 = arith.constant 0 : i32
    return %arg0, %c0_i32 : i32, i32
  }
  func.func @transform_1(%arg0: i32) -> (i32, i32) {
    %c0_i32 = arith.constant 0 : i32
    %c0_i32_0 = arith.constant 0 : i32
    %c0_i32_1 = arith.constant 0 : i32
    return %c0_i32, %c0_i32_0 : i32, i32
  }
  func.func @transform_2(%arg0: i32) -> (i32, i32) {
    %c0_i32 = arith.constant 0 : i32
    %c0_i32_0 = arith.constant 0 : i32
    return %arg0, %c0_i32 : i32, i32
  }
}

module attributes {stable_mosaic.version = 14 : i64} {
  func.func @_tc1_body(%arg0: i32, %arg1: memref<1024x128xf32, #tpu.memory_space<vmem>>, %arg2: memref<1024x1xf32, #tpu.memory_space<vmem>>, %arg3: memref<1024x1xf32, #tpu.memory_space<vmem>>, %arg4: memref<1024x128xf32, #tpu.memory_space<vmem>>, %arg5: memref<1024x1xf32, #tpu.memory_space<vmem>>) attributes {dimension_semantics = [#tpu.dimension_semantics<arbitrary>], iteration_bounds = array<i64: 10>, scalar_prefetch = 0 : i64, scratch_operands = 0 : i64, tpu.core_type = #tpu.core_type<tc>, window_params = [{transform_indices = @transform_0, window_bounds = array<i64: 1024, 128>}, {transform_indices = @transform_1, window_bounds = array<i64: 1024, 1>}, {transform_indices = @transform_2, window_bounds = array<i64: 1024, 1>}, {transform_indices = @transform_3, window_bounds = array<i64: 1024, 128>}, {transform_indices = @transform_4, window_bounds = array<i64: 1024, 1>}]} {
    %get3A = arith.constant 0 : index
    %get3A_0 = arith.constant 0 : index
    %get3A_1 = vector.load %arg2[%get3A, %get3A_0] : memref<1024x1xf32, #tpu.memory_space<vmem>>, vector<1024x1xf32>
    %get3A_2 = arith.constant 0 : index
    %get3A_3 = arith.constant 0 : index
    %get3A_4 = vector.load %arg3[%get3A_2, %get3A_3] : memref<1024x1xf32, #tpu.memory_space<vmem>>, vector<1024x1xf32>
    %add3A = arith.addf %get3A_1, %get3A_4 : vector<1024x1xf32>
    %add3A_5 = arith.constant 1.000000e+00 : f32
    %add3A_6 = vector.broadcast %add3A_5 : f32 to vector<1024x1xf32>
    %add3A_7 = arith.addf %add3A, %add3A_6 : vector<1024x1xf32>
    %rsqrt3A = math.rsqrt %add3A_7 : vector<1024x1xf32>
    %get3A_8 = arith.constant 0 : index
    %get3A_9 = arith.constant 0 : index
    %get3A_10 = vector.load %arg1[%get3A_8, %get3A_9] : memref<1024x128xf32, #tpu.memory_space<vmem>>, vector<1024x128xf32>
    %mul3A = vector.broadcast %rsqrt3A : vector<1024x1xf32> to vector<1024x128xf32>
    %mul3A_11 = arith.mulf %get3A_10, %mul3A : vector<1024x128xf32>
    %swap3A = arith.constant 0 : index
    %swap3A_12 = arith.constant 0 : index
    %swap3A_13 = vector.load %arg4[%swap3A, %swap3A_12] : memref<1024x128xf32, #tpu.memory_space<vmem>>, vector<1024x128xf32>
    tpu.vector_store %arg4[%swap3A, %swap3A_12], %mul3A_11 {strides = array<i32>} : memref<1024x128xf32, #tpu.memory_space<vmem>>, vector<1024x128xf32>,
    %swap3A_14 = arith.constant 0 : index
    %swap3A_15 = arith.constant 0 : index
    %swap3A_16 = vector.load %arg5[%swap3A_14, %swap3A_15] : memref<1024x1xf32, #tpu.memory_space<vmem>>, vector<1024x1xf32>
    tpu.vector_store %arg5[%swap3A_14, %swap3A_15], %rsqrt3A {strides = array<i32>} : memref<1024x1xf32, #tpu.memory_space<vmem>>, vector<1024x1xf32>,
    return
  }
  func.func @transform_0(%arg0: i32) -> (i32, i32) {
    %c0_i32 = arith.constant 0 : i32
    %c0_i32_0 = arith.constant 0 : i32
    return %arg0, %c0_i32 : i32, i32
  }
  func.func @transform_1(%arg0: i32) -> (i32, i32) {
    %c0_i32 = arith.constant 0 : i32
    %c0_i32_0 = arith.constant 0 : i32
    return %arg0, %c0_i32 : i32, i32
  }
  func.func @transform_2(%arg0: i32) -> (i32, i32) {
    %c0_i32 = arith.constant 0 : i32
    %c0_i32_0 = arith.constant 0 : i32
    return %arg0, %c0_i32 : i32, i32
  }
  func.func @transform_3(%arg0: i32) -> (i32, i32) {
    %c0_i32 = arith.constant 0 : i32
    %c0_i32_0 = arith.constant 0 : i32
    return %arg0, %c0_i32 : i32, i32
  }
  func.func @transform_4(%arg0: i32) -> (i32, i32) {
    %c0_i32 = arith.constant 0 : i32
    %c0_i32_0 = arith.constant 0 : i32
    return %arg0, %c0_i32 : i32, i32
  }
}

module attributes {stable_mosaic.version = 14 : i64} {
  func.func @_tc_mid_body(%arg0: i32, %arg1: memref<1024x128xf32, #tpu.memory_space<vmem>>, %arg2: memref<1024x128xf32, #tpu.memory_space<vmem>>, %arg3: memref<1024x128xf32, #tpu.memory_space<vmem>>, %arg4: memref<1024x1xf32, #tpu.memory_space<vmem>>, %arg5: memref<128x128xf32, #tpu.memory_space<vmem>>, %arg6: memref<1x128xf32, #tpu.memory_space<vmem>>, %arg7: memref<1024x128xf32, #tpu.memory_space<vmem>>) attributes {dimension_semantics = [#tpu.dimension_semantics<arbitrary>], iteration_bounds = array<i64: 10>, scalar_prefetch = 0 : i64, scratch_operands = 0 : i64, tpu.core_type = #tpu.core_type<tc>, window_params = [{transform_indices = @transform_0, window_bounds = array<i64: 1024, 128>}, {transform_indices = @transform_1, window_bounds = array<i64: 1024, 128>}, {transform_indices = @transform_2, window_bounds = array<i64: 1024, 128>}, {transform_indices = @transform_3, window_bounds = array<i64: 1024, 1>}, {pipeline_mode = #tpu.pipeline_mode<synchronous>, transform_indices = @transform_4, window_bounds = array<i64: 128, 128>}, {pipeline_mode = #tpu.pipeline_mode<synchronous>, transform_indices = @transform_5, window_bounds = array<i64: 1, 128>}, {transform_indices = @transform_6, window_bounds = array<i64: 1024, 128>}]} {
    %get3A = arith.constant 0 : index
    %get3A_0 = arith.constant 0 : index
    %get3A_1 = vector.load %arg4[%get3A, %get3A_0] : memref<1024x1xf32, #tpu.memory_space<vmem>>, vector<1024x1xf32>
    %get3A_2 = arith.constant 0 : index
    %get3A_3 = arith.constant 0 : index
    %get3A_4 = vector.load %arg1[%get3A_2, %get3A_3] : memref<1024x128xf32, #tpu.memory_space<vmem>>, vector<1024x128xf32>
    %get3A_5 = arith.constant 0 : index
    %get3A_6 = arith.constant 0 : index
    %get3A_7 = vector.load %arg2[%get3A_5, %get3A_6] : memref<1024x128xf32, #tpu.memory_space<vmem>>, vector<1024x128xf32>
    %add3A = arith.addf %get3A_4, %get3A_7 : vector<1024x128xf32>
    %get3A_8 = arith.constant 0 : index
    %get3A_9 = arith.constant 0 : index
    %get3A_10 = vector.load %arg3[%get3A_8, %get3A_9] : memref<1024x128xf32, #tpu.memory_space<vmem>>, vector<1024x128xf32>
    %add3A_11 = arith.addf %add3A, %get3A_10 : vector<1024x128xf32>
    %mul3A = vector.broadcast %get3A_1 : vector<1024x1xf32> to vector<1024x128xf32>
    %mul3A_12 = arith.mulf %mul3A, %add3A_11 : vector<1024x128xf32>
    %get3A_13 = arith.constant 0 : index
    %get3A_14 = arith.constant 0 : index
    %get3A_15 = vector.load %arg6[%get3A_13, %get3A_14] : memref<1x128xf32, #tpu.memory_space<vmem>>, vector<1x128xf32>
    %add3A_16 = vector.broadcast %get3A_15 : vector<1x128xf32> to vector<1024x128xf32>
    %add3A_17 = arith.addf %mul3A_12, %add3A_16 : vector<1024x128xf32>
    %max3A = arith.constant 0.000000e+00 : f32
    %max3A_18 = vector.broadcast %max3A : f32 to vector<1024x128xf32>
    %max3A_19 = arith.maximumf %add3A_17, %max3A_18 : vector<1024x128xf32>
    %get3A_20 = arith.constant 0 : index
    %get3A_21 = arith.constant 0 : index
    %get3A_22 = vector.load %arg5[%get3A_20, %get3A_21] : memref<128x128xf32, #tpu.memory_space<vmem>>, vector<128x128xf32>
    %dot_general3A = arith.constant dense<0.000000e+00> : vector<1024x128xf32>
    %dot_general3A_23 = tpu.matmul %max3A_19, %get3A_22, %dot_general3A {dimension_numbers = #tpu.dot_dimension_numbers<[1], [0], [0], [1], [0, 0, 1, 1], [], []>, transpose_lhs_hint = false} : vector<1024x128xf32>, vector<128x128xf32>, vector<1024x128xf32> -> vector<1024x128xf32>
    %mul3A_24 = vector.broadcast %get3A_1 : vector<1024x1xf32> to vector<1024x128xf32>
    %mul3A_25 = arith.mulf %mul3A_24, %dot_general3A_23 : vector<1024x128xf32>
    %swap3A = arith.constant 0 : index
    %swap3A_26 = arith.constant 0 : index
    %swap3A_27 = vector.load %arg7[%swap3A, %swap3A_26] : memref<1024x128xf32, #tpu.memory_space<vmem>>, vector<1024x128xf32>
    tpu.vector_store %arg7[%swap3A, %swap3A_26], %mul3A_25 {strides = array<i32>} : memref<1024x128xf32, #tpu.memory_space<vmem>>, vector<1024x128xf32>,
    return
  }
  func.func @transform_0(%arg0: i32) -> (i32, i32) {
    %c0_i32 = arith.constant 0 : i32
    %c0_i32_0 = arith.constant 0 : i32
    return %arg0, %c0_i32 : i32, i32
  }
  func.func @transform_1(%arg0: i32) -> (i32, i32) {
    %c0_i32 = arith.constant 0 : i32
    %c0_i32_0 = arith.constant 0 : i32
    return %arg0, %c0_i32 : i32, i32
  }
  func.func @transform_2(%arg0: i32) -> (i32, i32) {
    %c0_i32 = arith.constant 0 : i32
    %c0_i32_0 = arith.constant 0 : i32
    return %arg0, %c0_i32 : i32, i32
  }
  func.func @transform_3(%arg0: i32) -> (i32, i32) {
    %c0_i32 = arith.constant 0 : i32
    %c0_i32_0 = arith.constant 0 : i32
    return %arg0, %c0_i32 : i32, i32
  }
  func.func @transform_4(%arg0: i32) -> (i32, i32) {
    %c0_i32 = arith.constant 0 : i32
    %c0_i32_0 = arith.constant 0 : i32
    %c0_i32_1 = arith.constant 0 : i32
    return %c0_i32, %c0_i32_0 : i32, i32
  }
  func.func @transform_5(%arg0: i32) -> (i32, i32) {
    %c0_i32 = arith.constant 0 : i32
    %c0_i32_0 = arith.constant 0 : i32
    %c0_i32_1 = arith.constant 0 : i32
    return %c0_i32, %c0_i32_0 : i32, i32
  }
  func.func @transform_6(%arg0: i32) -> (i32, i32) {
    %c0_i32 = arith.constant 0 : i32
    %c0_i32_0 = arith.constant 0 : i32
    return %arg0, %c0_i32 : i32, i32
  }
}

module attributes {stable_mosaic.version = 14 : i64} {
  func.func @_tc_final_body(%arg0: i32, %arg1: memref<1024x128xf32, #tpu.memory_space<vmem>>, %arg2: memref<1024x128xf32, #tpu.memory_space<vmem>>, %arg3: memref<1024x128xf32, #tpu.memory_space<vmem>>, %arg4: memref<1024x1xf32, #tpu.memory_space<vmem>>, %arg5: memref<1x128xf32, #tpu.memory_space<vmem>>, %arg6: memref<1024x1xi32, #tpu.memory_space<vmem>>, %arg7: memref<128x8xf32, #tpu.memory_space<vmem>>, %arg8: memref<1x8xf32, #tpu.memory_space<vmem>>, %arg9: memref<64x8xf32, #tpu.memory_space<vmem>>, %arg10: memref<64x128xf32, #tpu.memory_space<vmem>>, %arg11: memref<64x128xf32, #tpu.memory_space<vmem>>) attributes {dimension_semantics = [#tpu.dimension_semantics<arbitrary>], iteration_bounds = array<i64: 10>, scalar_prefetch = 0 : i64, scratch_operands = 2 : i64, tpu.core_type = #tpu.core_type<tc>, window_params = [{transform_indices = @transform_0, window_bounds = array<i64: 1024, 128>}, {transform_indices = @transform_1, window_bounds = array<i64: 1024, 128>}, {transform_indices = @transform_2, window_bounds = array<i64: 1024, 128>}, {transform_indices = @transform_3, window_bounds = array<i64: 1024, 1>}, {pipeline_mode = #tpu.pipeline_mode<synchronous>, transform_indices = @transform_4, window_bounds = array<i64: 1, 128>}, {transform_indices = @transform_5, window_bounds = array<i64: 1024, 1>}, {pipeline_mode = #tpu.pipeline_mode<synchronous>, transform_indices = @transform_6, window_bounds = array<i64: 128, 8>}, {pipeline_mode = #tpu.pipeline_mode<synchronous>, transform_indices = @transform_7, window_bounds = array<i64: 1, 8>}, {pipeline_mode = #tpu.pipeline_mode<synchronous>, transform_indices = @transform_8, window_bounds = array<i64: 64, 8>}]} {
    %eq3A = arith.constant 0 : i32
    %eq3A_0 = arith.cmpi eq, %arg0, %eq3A : i32
    %convert_element_type3A = arith.extui %eq3A_0 : i1 to i32
    %cond3A = arith.constant 0 : i32
    %cond3A_1 = arith.cmpi ne, %convert_element_type3A, %cond3A : i32
    scf.if %cond3A_1 {
      %broadcast_in_dim3A_49 = arith.constant 0.000000e+00 : f32
      %broadcast_in_dim3A_50 = vector.broadcast %broadcast_in_dim3A_49 : f32 to vector<64x128xf32>
      %swap3A_51 = arith.constant 0 : index
      %swap3A_52 = arith.constant 0 : index
      %swap3A_53 = vector.load %arg10[%swap3A_51, %swap3A_52] : memref<64x128xf32, #tpu.memory_space<vmem>>, vector<64x128xf32>
      tpu.vector_store %arg10[%swap3A_51, %swap3A_52], %broadcast_in_dim3A_50 {strides = array<i32>} : memref<64x128xf32, #tpu.memory_space<vmem>>, vector<64x128xf32>,
      %broadcast_in_dim3A_54 = arith.constant 0.000000e+00 : f32
      %broadcast_in_dim3A_55 = vector.broadcast %broadcast_in_dim3A_54 : f32 to vector<64x128xf32>
      %swap3A_56 = arith.constant 0 : index
      %swap3A_57 = arith.constant 0 : index
      %swap3A_58 = vector.load %arg11[%swap3A_56, %swap3A_57] : memref<64x128xf32, #tpu.memory_space<vmem>>, vector<64x128xf32>
      tpu.vector_store %arg11[%swap3A_56, %swap3A_57], %broadcast_in_dim3A_55 {strides = array<i32>} : memref<64x128xf32, #tpu.memory_space<vmem>>, vector<64x128xf32>,
    } else {
    }
    %get3A = arith.constant 0 : index
    %get3A_2 = arith.constant 0 : index
    %get3A_3 = vector.load %arg4[%get3A, %get3A_2] : memref<1024x1xf32, #tpu.memory_space<vmem>>, vector<1024x1xf32>
    %get3A_4 = arith.constant 0 : index
    %get3A_5 = arith.constant 0 : index
    %get3A_6 = vector.load %arg1[%get3A_4, %get3A_5] : memref<1024x128xf32, #tpu.memory_space<vmem>>, vector<1024x128xf32>
    %get3A_7 = arith.constant 0 : index
    %get3A_8 = arith.constant 0 : index
    %get3A_9 = vector.load %arg2[%get3A_7, %get3A_8] : memref<1024x128xf32, #tpu.memory_space<vmem>>, vector<1024x128xf32>
    %add3A = arith.addf %get3A_6, %get3A_9 : vector<1024x128xf32>
    %get3A_10 = arith.constant 0 : index
    %get3A_11 = arith.constant 0 : index
    %get3A_12 = vector.load %arg3[%get3A_10, %get3A_11] : memref<1024x128xf32, #tpu.memory_space<vmem>>, vector<1024x128xf32>
    %add3A_13 = arith.addf %add3A, %get3A_12 : vector<1024x128xf32>
    %mul3A = vector.broadcast %get3A_3 : vector<1024x1xf32> to vector<1024x128xf32>
    %mul3A_14 = arith.mulf %mul3A, %add3A_13 : vector<1024x128xf32>
    %get3A_15 = arith.constant 0 : index
    %get3A_16 = arith.constant 0 : index
    %get3A_17 = vector.load %arg5[%get3A_15, %get3A_16] : memref<1x128xf32, #tpu.memory_space<vmem>>, vector<1x128xf32>
    %add3A_18 = vector.broadcast %get3A_17 : vector<1x128xf32> to vector<1024x128xf32>
    %add3A_19 = arith.addf %mul3A_14, %add3A_18 : vector<1024x128xf32>
    %get3A_20 = arith.constant 0 : index
    %get3A_21 = arith.constant 0 : index
    %get3A_22 = vector.load %arg6[%get3A_20, %get3A_21] : memref<1024x1xi32, #tpu.memory_space<vmem>>, vector<1024x1xi32>
    %iota3A = tpu.iota {dimensions = array<i32: 1>} : vector<1024x64xi32>
    %eq3A_23 = vector.broadcast %get3A_22 : vector<1024x1xi32> to vector<1024x64xi32>
    %eq3A_24 = arith.cmpi eq, %eq3A_23, %iota3A : vector<1024x64xi32>
    %convert_element_type3A_25 = arith.extui %eq3A_24 : vector<1024x64xi1> to vector<1024x64xi32>
    %convert_element_type3A_26 = arith.sitofp %convert_element_type3A_25 : vector<1024x64xi32> to vector<1024x64xf32>
    %get3A_27 = arith.constant 0 : index
    %get3A_28 = arith.constant 0 : index
    %get3A_29 = vector.load %arg10[%get3A_27, %get3A_28] : memref<64x128xf32, #tpu.memory_space<vmem>>, vector<64x128xf32>
    %dot_general3A = arith.constant dense<0.000000e+00> : vector<64x128xf32>
    %dot_general3A_30 = tpu.matmul %convert_element_type3A_26, %add3A_19, %dot_general3A {dimension_numbers = #tpu.dot_dimension_numbers<[0], [0], [1], [1], [0, 1, 1, 1], [], []>, transpose_lhs_hint = false} : vector<1024x64xf32>, vector<1024x128xf32>, vector<64x128xf32> -> vector<64x128xf32>
    %add3A_31 = arith.addf %get3A_29, %dot_general3A_30 : vector<64x128xf32>
    %swap3A = arith.constant 0 : index
    %swap3A_32 = arith.constant 0 : index
    %swap3A_33 = vector.load %arg10[%swap3A, %swap3A_32] : memref<64x128xf32, #tpu.memory_space<vmem>>, vector<64x128xf32>
    tpu.vector_store %arg10[%swap3A, %swap3A_32], %add3A_31 {strides = array<i32>} : memref<64x128xf32, #tpu.memory_space<vmem>>, vector<64x128xf32>,
    %get3A_34 = arith.constant 0 : index
    %get3A_35 = arith.constant 0 : index
    %get3A_36 = vector.load %arg11[%get3A_34, %get3A_35] : memref<64x128xf32, #tpu.memory_space<vmem>>, vector<64x128xf32>
    %broadcast_in_dim3A = arith.constant 1.000000e+00 : f32
    %broadcast_in_dim3A_37 = vector.broadcast %broadcast_in_dim3A : f32 to vector<1024x128xf32>
    %dot_general3A_38 = arith.constant dense<0.000000e+00> : vector<64x128xf32>
    %dot_general3A_39 = tpu.matmul %convert_element_type3A_26, %broadcast_in_dim3A_37, %dot_general3A_38 {dimension_numbers = #tpu.dot_dimension_numbers<[0], [0], [1], [1], [0, 1, 1, 1], [], []>, transpose_lhs_hint = false} : vector<1024x64xf32>, vector<1024x128xf32>, vector<64x128xf32> -> vector<64x128xf32>
    %add3A_40 = arith.addf %get3A_36, %dot_general3A_39 : vector<64x128xf32>
    %swap3A_41 = arith.constant 0 : index
    %swap3A_42 = arith.constant 0 : index
    %swap3A_43 = vector.load %arg11[%swap3A_41, %swap3A_42] : memref<64x128xf32, #tpu.memory_space<vmem>>, vector<64x128xf32>
    tpu.vector_store %arg11[%swap3A_41, %swap3A_42], %add3A_40 {strides = array<i32>} : memref<64x128xf32, #tpu.memory_space<vmem>>, vector<64x128xf32>,
    %eq3A_44 = arith.constant 9 : i32
    %eq3A_45 = arith.cmpi eq, %arg0, %eq3A_44 : i32
    %convert_element_type3A_46 = arith.extui %eq3A_45 : i1 to i32
    %cond3A_47 = arith.constant 0 : i32
    %cond3A_48 = arith.cmpi ne, %convert_element_type3A_46, %cond3A_47 : i32
    scf.if %cond3A_48 {
      %get3A_49 = arith.constant 0 : index
      %get3A_50 = arith.constant 0 : index
      %get3A_51 = vector.load %arg10[%get3A_49, %get3A_50] : memref<64x128xf32, #tpu.memory_space<vmem>>, vector<64x128xf32>
      %get3A_52 = arith.constant 0 : index
      %get3A_53 = arith.constant 0 : index
      %get3A_54 = vector.load %arg11[%get3A_52, %get3A_53] : memref<64x128xf32, #tpu.memory_space<vmem>>, vector<64x128xf32>
      %max3A = arith.constant 1.000000e+00 : f32
      %max3A_55 = vector.broadcast %max3A : f32 to vector<64x128xf32>
      %max3A_56 = arith.maximumf %get3A_54, %max3A_55 : vector<64x128xf32>
      %div3A = arith.divf %get3A_51, %max3A_56 : vector<64x128xf32>
      %get3A_57 = arith.constant 0 : index
      %get3A_58 = arith.constant 0 : index
      %get3A_59 = vector.load %arg7[%get3A_57, %get3A_58] : memref<128x8xf32, #tpu.memory_space<vmem>>, vector<128x8xf32>
      %dot_general3A_60 = arith.constant dense<0.000000e+00> : vector<64x8xf32>
      %dot_general3A_61 = tpu.matmul %div3A, %get3A_59, %dot_general3A_60 {dimension_numbers = #tpu.dot_dimension_numbers<[1], [0], [0], [1], [0, 0, 1, 1], [], []>, transpose_lhs_hint = false} : vector<64x128xf32>, vector<128x8xf32>, vector<64x8xf32> -> vector<64x8xf32>
      %get3A_62 = arith.constant 0 : index
      %get3A_63 = arith.constant 0 : index
      %get3A_64 = vector.load %arg8[%get3A_62, %get3A_63] : memref<1x8xf32, #tpu.memory_space<vmem>>, vector<1x8xf32>
      %add3A_65 = vector.broadcast %get3A_64 : vector<1x8xf32> to vector<64x8xf32>
      %add3A_66 = arith.addf %dot_general3A_61, %add3A_65 : vector<64x8xf32>
      %swap3A_67 = arith.constant 0 : index
      %swap3A_68 = arith.constant 0 : index
      %swap3A_69 = vector.load %arg9[%swap3A_67, %swap3A_68] : memref<64x8xf32, #tpu.memory_space<vmem>>, vector<64x8xf32>
      tpu.vector_store %arg9[%swap3A_67, %swap3A_68], %add3A_66 {strides = array<i32>} : memref<64x8xf32, #tpu.memory_space<vmem>>, vector<64x8xf32>,
    } else {
    }
    return
  }
  func.func @transform_0(%arg0: i32) -> (i32, i32) {
    %c0_i32 = arith.constant 0 : i32
    %c0_i32_0 = arith.constant 0 : i32
    return %arg0, %c0_i32 : i32, i32
  }
  func.func @transform_1(%arg0: i32) -> (i32, i32) {
    %c0_i32 = arith.constant 0 : i32
    %c0_i32_0 = arith.constant 0 : i32
    return %arg0, %c0_i32 : i32, i32
  }
  func.func @transform_2(%arg0: i32) -> (i32, i32) {
    %c0_i32 = arith.constant 0 : i32
    %c0_i32_0 = arith.constant 0 : i32
    return %arg0, %c0_i32 : i32, i32
  }
  func.func @transform_3(%arg0: i32) -> (i32, i32) {
    %c0_i32 = arith.constant 0 : i32
    %c0_i32_0 = arith.constant 0 : i32
    return %arg0, %c0_i32 : i32, i32
  }
  func.func @transform_4(%arg0: i32) -> (i32, i32) {
    %c0_i32 = arith.constant 0 : i32
    %c0_i32_0 = arith.constant 0 : i32
    %c0_i32_1 = arith.constant 0 : i32
    return %c0_i32, %c0_i32_0 : i32, i32
  }
  func.func @transform_5(%arg0: i32) -> (i32, i32) {
    %c0_i32 = arith.constant 0 : i32
    %c0_i32_0 = arith.constant 0 : i32
    return %arg0, %c0_i32 : i32, i32
  }
  func.func @transform_6(%arg0: i32) -> (i32, i32) {
    %c0_i32 = arith.constant 0 : i32
    %c0_i32_0 = arith.constant 0 : i32
    %c0_i32_1 = arith.constant 0 : i32
    return %c0_i32, %c0_i32_0 : i32, i32
  }
  func.func @transform_7(%arg0: i32) -> (i32, i32) {
    %c0_i32 = arith.constant 0 : i32
    %c0_i32_0 = arith.constant 0 : i32
    %c0_i32_1 = arith.constant 0 : i32
    return %c0_i32, %c0_i32_0 : i32, i32
  }
  func.func @transform_8(%arg0: i32) -> (i32, i32) {
    %c0_i32 = arith.constant 0 : i32
    %c0_i32_0 = arith.constant 0 : i32
    %c0_i32_1 = arith.constant 0 : i32
    return %c0_i32, %c0_i32_0 : i32, i32
  }
}

</mosaic_0001>

<sc_bundles>
// kernel: kernel.11.cloned.1.call-start
scs
__scs_entry_jumppad:
0x0: {  	(pc) =	sbr.rel $0x88, $3  }
0x1: {  	(tag) =	ssettag $0x0;
	lr =	simm.s32 $0x1  }
0x2: {  	[smem:$0x3F96] =	sst lr;
	_ =	strace $0xD0000000  }
0x3: {  	_ = 	snop  }
0x4: {  	_ = 	snop  }
0x5: {  	_ = 	snop  }
0x6: {  	_ = 	snop  }
0x7: {  	_ = 	snop  }
__scs_overlays_trampoline_lowered:
0x8: {  	[smem:$0x3FA5] =	sst s0  }
0x9: {  	[smem:$0x3FA6] =	sst s1  }
0xa: {  	[smem:$0x3FA7] =	sst s2  }
0xb: {  	[smem:$0x3FA8] =	sst s3  }
0xc: {  	[smem:$0x3FA9] =	sst s4  }
0xd: {  	[smem:$0x3FAA] =	sst s5  }
0xe: {  	[smem:$0x3FAB] =	sst s6  }
0xf: {  	[smem:$0x3FAC] =	sst s7  }
0x10: {  	[smem:$0x3FAD] =	sst s8  }
0x11: {  	[smem:$0x3FAE] =	sst s9;
	s0 =	simm.s32 @!p0 $0x0  }
0x12: {  	s1 =	sld [smem:$0x3F94];
	s0 =	simm.s32 @p0 $0x1  }
0x13: {  	[smem:$0x3FAF] =	sst s0;
	s0 =	simm.s32 @!p1 $0x0  }
0x14: {  	s2 =	sld [smem:$0x3F93];
	s0 =	simm.s32 @p1 $0x1  }
0x15: {  	[smem:$0x3FB0] =	sst s0;
	s0 =	simm.s32 @!p2 $0x0  }
0x16: {  	s3 =	sld [smem:$0x3FDB];
	s0 =	simm.s32 @p2 $0x1  }
0x17: {  	s4 =	simm.s32 $0x1BF5;
	[smem:$0x3FB2] =	sst s0  }
0x18: {  	s0 =	sld [smem:$0x3F95];
	_ =	swait.ge [sflag:s4], $0x0  }
0x19: {  	s7 =	sld [smem:$0x3F96]  }
0x1a: {  	s8 =	sadd.s32 $0xFFFFE003, lr  }
0x1b: {  	s9 =	sadd.s32 $0xFFFFFEF7, lr;
	s5 =	simm.s32 $0xFFFFFFFF;
	p2 =	slt.u32 s8, $0xFFFFF086  }
0x1c: {  	p1 =	slt.u32 s9, $0xF7A;
	s5 =	simm.s32 @!p2 $0x0  }
0x1d: {  	s5 =	simm.s32 @p1 $0x1;
	p0 =	seq.s32 s7, s2  }
0x1e: {  	s7 =	smul.u32 @!p0 $0xF7A, s2;
	p2 =	seq.s32 @!p0 s5, $0x0  }
0x1f: {  	s9 =	smul.u32 $0xF7A, s1;
	s8 =	simm.s32 @!p0 $0x1BF5;
	p2 =	por !p2, p0  }
0x20: {  	[sflag:s8] =	ssyncset.s32 @!p0 $0xFFFFF086;
	s6 =	sadd.s32 @!p0 s3, s7;
	s7 =	simm.s32 @!p0 $0x108  }
0x21: {  	s3 =	sadd.s32 s3, s9;
	s6 =	sadd.s32 @!p0 $0x88, s6;
	s7 =	simm.s32 @p2 $0x1082  }
0x22: {  	[simem:s7], [sflag:s8] =	dma.local @!p0 [hbm:s6], $0xF7A  }
0x23: {  	s9 =	sor.u32 $0xD0000000, s2;
	s6 =	simm.s32 $0x108;
	_ =	swait.ge @!p0 [sflag:s8], $0x0  }
0x24: {  	s3 =	sadd.s32 $0x88, s3;
	s6 =	simm.s32 @!p1 $0x1082;
	[sflag:s4] =	ssyncset.s32 $0xFFFFF086  }
0x25: {  	[simem:s6], [sflag:s4] =	dma.local [hbm:s3], $0xF7A  }
0x26: {  	[smem:$0x3F96] =	sst s1;
	(tag) =	ssettag s2;
	_ =	strace s9  }
0x27: {  	s1 =	sld [smem:$0x3FA6]  }
0x28: {  	s2 =	sld [smem:$0x3FA7]  }
0x29: {  	s4 =	sld [smem:$0x3FA9]  }
0x2a: {  	p0 =	seq.s32 s5, $0x0;
	s5 =	sld [smem:$0x3FAA]  }
0x2b: {  	s6 =	sld [smem:$0x3FAB]  }
0x2c: {  	s7 =	sld [smem:$0x3FAC]  }
0x2d: {  	s3 =	simm.s32 $0x108;
	s8 =	sld [smem:$0x3FAD]  }
0x2e: {  	s3 =	simm.s32 @!p0 $0x1082;
	s9 =	sld [smem:$0x3FAE]  }
0x2f: {  	lr =	sadd.s32 s0, s3;
	s0 =	sld [smem:$0x3FA5]  }
0x30: {  	s3 =	sld [smem:$0x3FA8]  }
0x31: {  	[smem:$0x3FB1] =	sst s10  }
0x32: {  	s10 =	sld [smem:$0x3FAF];
	_ =	sdelay $0x3  }
0x33: {  	p0 =	seq.s32 s10, $0x1;
	s10 =	sld [smem:$0x3FB1];
	_ =	sdelay $0x3  }
0x34: {  	[smem:$0x3FB1] =	sst s10  }
0x35: {  	s10 =	sld [smem:$0x3FB0];
	_ =	sdelay $0x3  }
0x36: {  	p1 =	seq.s32 s10, $0x1;
	s10 =	sld [smem:$0x3FB1];
	_ =	sdelay $0x3  }
0x37: {  	[smem:$0x3FB1] =	sst s10  }
0x38: {  	s10 =	sld [smem:$0x3FB2]  }
0x39: {  	_ = 	snop;
	(pc) =	sbr.ind lr, $3  }
0x3a: {  	_ = 	snop  }
0x3b: {  	_ = 	snop  }
0x3c: {  	p2 =	seq.s32 s10, $0x1;
	s10 =	sld [smem:$0x3FB1]  }
0x3d: {  	_ =	shalt  }
0x3e: {  	_ =	shalt  }
0x3f: {  	_ =	shalt  }
0x40: {  	_ =	shalt  }
0x41: {  	_ =	shalt  }
0x42: {  	_ =	shalt  }
0x43: {  	_ =	shalt  }
0x44: {  	_ =	shalt  }
0x45: {  	_ =	shalt  }
0x46: {  	_ =	shalt  }
0x47: {  	_ =	shalt  }
0x48: {  	_ =	shalt  }
0x49: {  	_ =	shalt  }
0x4a: {  	_ =	shalt  }
0x4b: {  	_ =	shalt  }
0x4c: {  	_ =	shalt  }
0x4d: {  	_ =	shalt  }
0x4e: {  	_ =	shalt  }
0x4f: {  	_ =	shalt  }
0x50: {  	_ =	shalt  }
0x51: {  	_ =	shalt  }
0x52: {  	_ =	shalt  }
0x53: {  	_ =	shalt  }
0x54: {  	_ =	shalt  }
0x55: {  	_ =	shalt  }
0x56: {  	_ =	shalt  }
0x57: {  	_ =	shalt  }
0x58: {  	_ =	shalt  }
0x59: {  	_ =	shalt  }
0x5a: {  	_ =	shalt  }
0x5b: {  	_ =	shalt  }
0x5c: {  	_ =	shalt  }
0x5d: {  	_ =	shalt  }
0x5e: {  	_ =	shalt  }
0x5f: {  	_ =	shalt  }
0x60: {  	_ =	shalt  }
0x61: {  	_ =	shalt  }
0x62: {  	_ =	shalt  }
0x63: {  	_ =	shalt  }
0x64: {  	_ =	shalt  }
0x65: {  	_ =	shalt  }
0x66: {  	_ =	shalt  }
0x67: {  	_ =	shalt  }
0x68: {  	_ =	shalt  }
0x69: {  	_ =	shalt  }
0x6a: {  	_ =	shalt  }
0x6b: {  	_ =	shalt  }
0x6c: {  	_ =	shalt  }
0x6d: {  	_ =	shalt  }
0x6e: {  	_ =	shalt  }
0x6f: {  	_ =	shalt  }
0x70: {  	_ =	shalt  }
0x71: {  	_ =	shalt  }
0x72: {  	_ =	shalt  }
0x73: {  	_ =	shalt  }
0x74: {  	_ =	shalt  }
0x75: {  	_ =	shalt  }
0x76: {  	_ =	shalt  }
0x77: {  	_ =	shalt  }
0x78: {  	_ =	shalt  }
0x79: {  	_ =	shalt  }
0x7a: {  	_ =	shalt  }
0x7b: {  	_ =	shalt  }
0x7c: {  	_ =	shalt  }
0x7d: {  	_ =	shalt  }
0x7e: {  	_ =	shalt  }
0x7f: {  	_ =	shalt  }
0x80: {  	_ =	shalt  }
0x81: {  	_ =	shalt  }
0x82: {  	_ =	shalt  }
0x83: {  	_ =	shalt  }
0x84: {  	_ =	shalt  }
0x85: {  	_ =	shalt  }
0x86: {  	_ =	shalt  }
0x87: {  	_ =	shalt  }
.Lfunc_end0:
.L_simem_size_0:
called_computation_lowered:
.L_overlay_start_0:
0x88: {  	s2 =	sld [smem:$0x3FD9]  }
0x89: {  	s3 =	sld [smem:$0x3FFE];
	_ =	sdelay $0x1  }
0x8a: {  	s1 =	srdreg.scid  }
0x8b: {  	s0 =	sand.u32 $0x1, s1  }
0x8c: {  	s16 =	sshll.u32 s0, $0xA;
	s2 =	sadd.s32 s3, s2  }
0x8d: {  	s2 =	sadd.s32 s2, s16  }
0x8e: {  	[smem:$0x3FBD] =	sst s2  }
0x8f: {  	_ = 	snop  }
0x90: {  	(tm) =	ssettm $0x1  }
0x91: {  	s17 =	sld [smem:$0x3FFB];
	_ =	sdelay $0x3  }
0x92: {  	_ =	strace s17  }
0x93: {  	s2 =	sld [smem:$0x3FFC];
	_ =	sdelay $0x3  }
0x94: {  	_ =	strace s2  }
0x95: {  	s2 =	sld [smem:$0x3FFD];
	_ =	sdelay $0x3  }
0x96: {  	_ =	strace s2  }
0x97: {  	_ =	strace $0x8FFFFFFF  }
0x98: {  	s18 =	sld [smem:$0x3FDB];
	_ =	sdelay $0x1  }
0x99: {  	s19 =	simm.s32 $_scs_section_size  }
0x9a: {  	s4 =	simm.s32 $_size__tile_overlayer_lowered;
	s5 =	simm.s32 $_tile_overlayer_lowered  }
0x9b: {  	s22 =	simm.s32 $0x1BFF;
	s21 =	sshll.u32 s5, $0x1;
	s2 =	sadd.s32 s19, s18  }
0x9c: {  	s6 =	simm.s32 $0x0;
	s20 =	sshll.u32 s4, $0x1;
	s4 =	sadd.s32 s21, s2  }
0x9d: {  	[timem:s6], [sflag:s22] =	dma.local [hbm:s4], s20  }
0x9e: {  	_ =	swait.ge [sflag:s22], s20  }
0x9f: {  	s3 =	ssub.s32 $0x0, s20;
	[sflag:s22] =	ssyncset.done $0x0  }
0xa0: {  	[sflag:s22] =	ssyncadd.s32 s3;
	_ =	sdelay $0x1  }
0xa1: {  	s23 =	simm.s32 $0x1B8B  }
0xa2: {  	_ =	swait.ge [sflag:s23], $0x1  }
0xa3: {  	[sflag:s23] =	ssyncset.done $0x0  }
0xa4: {  	s25 =	simm.s32 $0x1B8E;
	s24 =	sld [smem:$0x3FFE];
	[sflag:s23] =	ssyncadd.s32 $0xFFFFFFFF  }
0xa5: {  	s26 =	simm.s32 $execute0_lowered;
	[smem:$0x3FD2] =	sst s25  }
0xa6: {  	s4 =	sshll.u32 s26, $0x1;
	_ =	strace $0x80000046;
	[dreg:$0x1] =	wrdreg $0xFFFFFFFF  }
0xa7: {  	s28 =	simm.s32 $_size_execute0_lowered;
	s2 =	sadd.s32 s2, s4;
	[dreg:$0x0] =	wrdreg $0x0  }
0xa8: {  	s4 =	sshll.u32 s28, $0x1;
	[dreg:$0x2] =	wrdreg s2  }
0xa9: {  	[dreg:$0x3] =	wrdreg s4  }
0xaa: {  	[dreg:$0x4] =	wrdreg $0xC0  }
0xab: {  	_ =	task [dreg:s6], $0x5FFFF  }
0xac: {  	[dreg:$0x1] =	wrdreg $0xFFFFFFFF  }
0xad: {  	[dreg:$0x0] =	wrdreg $0x60  }
0xae: {  	[dreg:$0x2] =	wrdreg s24  }
0xaf: {  	[dreg:$0x3] =	wrdreg $0x68000  }
0xb0: {  	[dreg:$0x4] =	wrdreg $0x9  }
0xb1: {  	_ =	task.clear_ibuf [dreg:s6], $0x5FFFF;
	_ =	strace $0x90000046  }
0xb2: {  	s29 =	simm.s32 $0x9;
	_ =	strace $0x80000048  }
0xb3: {  	_ =	swait.ge [sflag:s29], $0x1  }
0xb4: {  	[sflag:s29] =	ssyncadd.s32 $0xFFFFFFFF  }
0xb5: {  	_ =	strace $0x90000048  }
0xb6: {  	_ =	sfence  }
0xb7: {  	s30 =	sld [smem:$0x0];
	_ =	sdelay $0x2  }
0xb8: {  	s31 =	sshll.u32 s1, $0xD;
	s1 =	sshrl.u32 s1, $0x2  }
0xb9: {  	s3 =	sand.u32 $0x4000, s31;
	s1 =	sadd.s32 s1, s30  }
0xba: {  	s0 =	sor.u32 s3, s0;
	s1 =	sshll.u32 s1, $0x11  }
0xbb: {  	s0 =	sor.u32 s1, s0  }
0xbc: {  	s0 =	sadd.s32 $0x8F2B, s0  }
0xbd: {  	[sflag:s0] =	ssyncadd.remote.s32 $0x1  }
0xbe: {  	_ =	sfence.sel $0xFFFF  }
0xbf: {  	[dreg:$0x0] =	wrdreg $0xFFFFFFFF;
	(pc) =	sbr.abs _section_cstart, $3  }
0xc0: {  	[dreg:$0x1] =	wrdreg $0xFFFFFFFF  }
0xc1: {  	_ =	task.clear_ibuf [dreg:s6], $0x2FFFF;
	_ =	strace $0x9FFFFFFF  }
0xc2: {  	(tm) =	ssettm $0x7FFFFFFF  }
0xc3: {  	_ =	shalt  }
tec
execute0_lowered:
.L_overlay_start_1:
0x0: {  	(tag) =	ssettag $0x1  }
0x1: {  	s4 =	rddreg [dreg:$0x0]  }
0x2: {  	s0 =	srdreg.scid;
	s2 =	rddreg [dreg:$0x1]  }
0x3: {  	s1 =	stileid.u32;
	s3 =	simm.s32 $0x0;
	s22 =	simm.s32 $0x80  }
0x4: {  	s23 =	simm.s32 $0x1;
	s24 =	simm.s32 $0x2;
	s25 =	simm.s32 $0x0  }
0x5: {  	s5 =	sand.u32 $0x1, s0;
	s0 =	rddreg [dreg:$0x2];
	s8 =	smul.u32 $0x50000, s1  }
0x6: {  	[smem:$0x7FF] =	sst s3;
	s19 =	sadd.s32 $0x19600, s4;
	s15 =	smul.u32 $0x14000, s1  }
0x7: {  	s6 =	sshll.u32 s5, $0x4;
	_ =	strace $0x80000047;
	s7 =	ssub.s32 $0x2, s5  }
0x8: {  	s16 =	smul.u32 $0x140000, s5;
	s6 =	sor.u32 s1, s6;
	s29 =	sshrl.u32 s7, $0x1  }
0x9: {  	s30 =	sshrl.u32 s8, $0x2;
	s12 =	sadd.s32 $0x4000, s15;
	s17 =	sadd.s32 $0x8000, s15  }
0xa: {  	s18 =	sadd.s32 $0xC000, s15;
	s20 =	sadd.s32 $0x10000, s15;
	s6 =	smul.u32 $0x500, s6  }
0xb: {  	s7 =	ssub.s32 s7, s29;
	s10 =	sadd.s32 s16, s15;
	s13 =	sadd.s32 s16, s12  }
0xc: {  	s12 =	sadd.s32 s12, s2;
	s14 =	sadd.s32 s17, s2;
	s17 =	sadd.s32 s16, s17  }
0xd: {  	s31 =	sadd.s32 s16, s18;
	s21 =	sadd.s32 s16, s20;
	s16 =	sadd.s32 s18, s2  }
0xe: {  	s18 =	sadd.s32 s20, s2;
	s20 =	simm.s32 $0x2800;
	s11 =	sshrl.u32 s10, $0x3  }
0xf: {  	s13 =	sshrl.u32 s13, $0x3;
	s17 =	sshrl.u32 s17, $0x3;
	s21 =	sshrl.u32 s21, $0x3  }
0x10: {  	s6 =	sadd.s32 s6, s4;
	s4 =	sadd.s32 s30, s2;
	s11 =	sadd.s32 s19, s11  }
0x11: {  	s13 =	sadd.s32 s19, s13;
	s15 =	sadd.s32 s19, s17;
	s17 =	sshrl.u32 s31, $0x3  }
0x12: {  	s5 =	sadd.s32 $0xF600, s6;
	s6 =	smax.u32 s7, $0x1;
	s7 =	sadd.s32 $0x4000, s4  }
0x13: {  	s8 =	sadd.s32 $0x8000, s4;
	s9 =	sadd.s32 $0xC000, s4;
	s10 =	sadd.s32 $0x10000, s4  }
0x14: {  	v0 =	vimm.f32 $0.0e+00;
	v1 =	vimm.f32 $1.000000000e+00;
	s17 =	sadd.s32 s19, s17;
	s19 =	sadd.s32 s19, s21;
	s21 =	simm.s32 $0x3  }
.LBB2_1:
0x15: {  	s26 =	sand.u32 $0xFE00, s3  }
0x16: {  	s28 =	sand.u32 $0x70, s3;
	s29 =	sshrl.u32 s26, $0x2  }
0x17: {  	s26 =	simm.s32 $0x40;
	s29 =	sor.u32 s28, s29;
	s28 =	simm.s32 $0x0  }
.LBB2_2:
0x18: {  	p0 =	sne.s32 s26, $0xFFC0  }
0x19: {  	[tilespmem:s29+$0x2800] =	vst v0;
	s28 =	sadd.s32 $0x10, s28;
	s29 =	smov.u32 s26;
	s26 =	sadd.s32 $0x40, s26  }
.Ltmp0:
0x1a: {  	(pc) =	sbr.rel @p0 .LBB2_2-.Ltmp0, $4  }
0x1b: {  	_ = 	snop  }
0x1c: {  	s29 =	sand.u32 $0xFE00, s29  }
0x1d: {  	s30 =	sand.u32 $0x70, s28;
	s29 =	sshrl.u32 s29, $0x2  }
0x1e: {  	s29 =	sor.u32 s30, s29  }
0x1f: {  	[tilespmem:s29+$0x2800] =	vst v0  }
0x20: {  	[spmem:s4] =	stream.linear.scatter [tilespmem:s20], [sflag:$0x3], $0x4000, $0x38;
	[tilespmem:$0x1A800] =	vst v63  }
0x21: {  	_ =	swait.ge [sflag:s21], $0x4000  }
0x22: {  	[sflag:s21] =	ssyncset.done $0x0  }
0x23: {  	[sflag:s21] =	ssyncadd.s32 $0xFFFFC000  }
0x24: {  	[spmem:s7] =	stream.linear.scatter [tilespmem:s20], [sflag:$0x3], $0x4000, $0x38;
	[tilespmem:$0x1A800] =	vst v63  }
0x25: {  	_ =	swait.ge [sflag:s21], $0x4000  }
0x26: {  	[sflag:s21] =	ssyncset.done $0x0  }
0x27: {  	[sflag:s21] =	ssyncadd.s32 $0xFFFFC000  }
0x28: {  	[spmem:s8] =	stream.linear.scatter [tilespmem:s20], [sflag:$0x3], $0x4000, $0x38;
	[tilespmem:$0x1A800] =	vst v63  }
0x29: {  	_ =	swait.ge [sflag:s21], $0x4000  }
0x2a: {  	[sflag:s21] =	ssyncset.done $0x0  }
0x2b: {  	[sflag:s21] =	ssyncadd.s32 $0xFFFFC000  }
0x2c: {  	[spmem:s9] =	stream.linear.scatter [tilespmem:s20], [sflag:$0x3], $0x4000, $0x38;
	[tilespmem:$0x1A800] =	vst v63  }
0x2d: {  	_ =	swait.ge [sflag:s21], $0x4000  }
0x2e: {  	[sflag:s21] =	ssyncset.done $0x0  }
0x2f: {  	s26 =	simm.s32 $0x0;
	[sflag:s21] =	ssyncadd.s32 $0xFFFFC000  }
0x30: {  	[spmem:s10] =	stream.linear.scatter [tilespmem:s20], [sflag:$0x3], $0x4000, $0x38;
	[tilespmem:$0x1A800] =	vst v63  }
0x31: {  	s28 =	sand.u32 $0xFE00, s26;
	_ =	swait.ge [sflag:s21], $0x4000  }
0x32: {  	s29 =	sand.u32 $0x70, s26;
	s30 =	sshrl.u32 s28, $0x2;
	[sflag:s21] =	ssyncset.done $0x0  }
0x33: {  	s28 =	simm.s32 $0x40;
	s29 =	sor.u32 s29, s30;
	[sflag:s21] =	ssyncadd.s32 $0xFFFFC000  }
.LBB2_4:
0x34: {  	p0 =	sne.s32 s28, $0xFFC0  }
0x35: {  	[tilespmem:s29+$0x2800] =	vst v1;
	s26 =	sadd.s32 $0x10, s26;
	s29 =	smov.u32 s28;
	s28 =	sadd.s32 $0x40, s28  }
.Ltmp1:
0x36: {  	(pc) =	sbr.rel @p0 .LBB2_4-.Ltmp1, $4  }
0x37: {  	_ = 	snop  }
0x38: {  	s29 =	sand.u32 $0xFE00, s29  }
0x39: {  	s30 =	sand.u32 $0x70, s26;
	s29 =	sshrl.u32 s29, $0x2  }
0x3a: {  	s29 =	sor.u32 s30, s29  }
0x3b: {  	[tilespmem:s29+$0x2800] =	vst v1  }
0x3c: {  	[tilespmem:s3], [sflag:$0x3] =	stream.linear.gather [hbm4b:s5+s3], $0x2800, $0x38;
	[tilespmem:$0x1A800] =	vst v63  }
0x3d: {  	_ =	swait.ge [sflag:s21], $0x2800  }
0x3e: {  	[sflag:s21] =	ssyncset.done $0x0  }
0x3f: {  	[sflag:s21] =	ssyncadd.s32 $0xFFFFD800  }
0x40: {  	[bflag:$0x0] =	sbarrier.arrive $0xFFFF  }
0x41: {  	[spmem:s2] =	stream.indirect.scatter.add.f32 [tilespmem:s20], [sflag:$0x1], $0x80, s3, s22, $0xb8;
	[tilespmem:$0x1A800] =	vst v63  }
0x42: {  	_ = 	snop  }
0x43: {  	[spmem:s2] =	stream.indirect.scatter.add.f32 [tilespmem:s20], [sflag:$0x2], $0x80, s22, s22, $0xb8;
	[tilespmem:$0x1A800] =	vst v63  }
0x44: {  	_ =	swait.ge [sflag:s23], $0x4000  }
0x45: {  	[sflag:s23] =	ssyncset.done $0x0  }
0x46: {  	s26 =	simm.s32 $0x100;
	[sflag:s23] =	ssyncadd.s32 $0xFFFFC000  }
0x47: {  	[spmem:s2] =	stream.indirect.scatter.add.f32 [tilespmem:s20], [sflag:$0x1], $0x80, s26, s22, $0xb8;
	[tilespmem:$0x1A800] =	vst v63  }
0x48: {  	_ =	swait.ge [sflag:s24], $0x4000  }
0x49: {  	[sflag:s24] =	ssyncset.done $0x0  }
0x4a: {  	s28 =	simm.s32 $0x180;
	s26 =	simm.s32 $0xFFFF6800;
	[sflag:s24] =	ssyncadd.s32 $0xFFFFC000  }
.LBB2_6:
0x4b: {  	[spmem:s2] =	stream.indirect.scatter.add.f32 [tilespmem:s20], [sflag:$0x2], $0x80, s28, s22, $0xb8;
	[tilespmem:$0x1A800] =	vst v63  }
0x4c: {  	s28 =	smov.u32 s26  }
0x4d: {  	p0 =	sne.s32 s26, $0xFFFFFC00;
	s26 =	sadd.s32 $0x400, s26;
	_ =	swait.ge [sflag:s23], $0x4000  }
0x4e: {  	s28 =	sshra.s32 s28, $0x2;
	[sflag:s23] =	ssyncset.done $0x0  }
.Ltmp2:
0x4f: {  	s29 =	sadd.s32 $0x2800, s28;
	[sflag:s23] =	ssyncadd.s32 $0xFFFFC000;
	(pc) =	sbr.rel @p0 .LBB2_6-.Ltmp2, $4  }
0x50: {  	[spmem:s2] =	stream.indirect.scatter.add.f32 [tilespmem:s20], [sflag:$0x1], $0x80, s29, s22, $0xb8;
	[tilespmem:$0x1A800] =	vst v63  }
0x51: {  	_ =	swait.ge [sflag:s24], $0x4000  }
0x52: {  	[sflag:s24] =	ssyncset.done $0x0  }
0x53: {  	s28 =	sadd.s32 $0x2880, s28;
	[sflag:s24] =	ssyncadd.s32 $0xFFFFC000  }
0x54: {  	[spmem:s2] =	stream.indirect.scatter.add.f32 [tilespmem:s20], [sflag:$0x2], $0x80, s28, s22, $0xb8;
	[tilespmem:$0x1A800] =	vst v63  }
0x55: {  	_ =	swait.ge [sflag:s23], $0x4000  }
0x56: {  	[sflag:s23] =	ssyncset.done $0x0  }
0x57: {  	[sflag:s23] =	ssyncadd.s32 $0xFFFFC000  }
0x58: {  	_ =	swait.ge [sflag:s24], $0x4000  }
0x59: {  	[sflag:s24] =	ssyncset.done $0x0  }
0x5a: {  	[sflag:s24] =	ssyncadd.s32 $0xFFFFC000  }
0x5b: {  	[bflag:$0x0] =	sbarrier.arrive $0xFFFF  }
0x5c: {  	[tilespmem:s20], [sflag:$0x3] =	stream.linear.gather [spmem:s4], $0x4000, $0x38;
	[tilespmem:$0x1A800] =	vst v63  }
0x5d: {  	_ =	swait.ge [sflag:s21], $0x4000  }
0x5e: {  	[sflag:s21] =	ssyncset.done $0x0  }
0x5f: {  	[sflag:s21] =	ssyncadd.s32 $0xFFFFC000  }
0x60: {  	[hbm4b:s11+s3] =	stream.linear.scatter [tilespmem:s20], [sflag:$0x3], $0x4000, $0x38;
	[tilespmem:$0x1A800] =	vst v63  }
0x61: {  	_ =	swait.ge [sflag:s21], $0x4000  }
0x62: {  	[sflag:s21] =	ssyncset.done $0x0  }
0x63: {  	[sflag:s21] =	ssyncadd.s32 $0xFFFFC000  }
0x64: {  	[tilespmem:s20], [sflag:$0x3] =	stream.linear.gather [spmem:s12], $0x4000, $0x38;
	[tilespmem:$0x1A800] =	vst v63  }
0x65: {  	_ =	swait.ge [sflag:s21], $0x4000  }
0x66: {  	[sflag:s21] =	ssyncset.done $0x0  }
0x67: {  	[sflag:s21] =	ssyncadd.s32 $0xFFFFC000  }
0x68: {  	[hbm4b:s13+s3] =	stream.linear.scatter [tilespmem:s20], [sflag:$0x3], $0x4000, $0x38;
	[tilespmem:$0x1A800] =	vst v63  }
0x69: {  	_ =	swait.ge [sflag:s21], $0x4000  }
0x6a: {  	[sflag:s21] =	ssyncset.done $0x0  }
0x6b: {  	[sflag:s21] =	ssyncadd.s32 $0xFFFFC000  }
0x6c: {  	[tilespmem:s20], [sflag:$0x3] =	stream.linear.gather [spmem:s14], $0x4000, $0x38;
	[tilespmem:$0x1A800] =	vst v63  }
0x6d: {  	_ =	swait.ge [sflag:s21], $0x4000  }
0x6e: {  	[sflag:s21] =	ssyncset.done $0x0  }
0x6f: {  	[sflag:s21] =	ssyncadd.s32 $0xFFFFC000  }
0x70: {  	[hbm4b:s15+s3] =	stream.linear.scatter [tilespmem:s20], [sflag:$0x3], $0x4000, $0x38;
	[tilespmem:$0x1A800] =	vst v63  }
0x71: {  	_ =	swait.ge [sflag:s21], $0x4000  }
0x72: {  	[sflag:s21] =	ssyncset.done $0x0  }
0x73: {  	[sflag:s21] =	ssyncadd.s32 $0xFFFFC000  }
0x74: {  	[tilespmem:s20], [sflag:$0x3] =	stream.linear.gather [spmem:s16], $0x4000, $0x38;
	[tilespmem:$0x1A800] =	vst v63  }
0x75: {  	_ =	swait.ge [sflag:s21], $0x4000  }
0x76: {  	[sflag:s21] =	ssyncset.done $0x0  }
0x77: {  	[sflag:s21] =	ssyncadd.s32 $0xFFFFC000  }
0x78: {  	[hbm4b:s17+s3] =	stream.linear.scatter [tilespmem:s20], [sflag:$0x3], $0x4000, $0x38;
	[tilespmem:$0x1A800] =	vst v63  }
0x79: {  	_ =	swait.ge [sflag:s21], $0x4000  }
0x7a: {  	[sflag:s21] =	ssyncset.done $0x0  }
0x7b: {  	[sflag:s21] =	ssyncadd.s32 $0xFFFFC000  }
0x7c: {  	[tilespmem:s20], [sflag:$0x3] =	stream.linear.gather [spmem:s18], $0x4000, $0x38;
	[tilespmem:$0x1A800] =	vst v63  }
0x7d: {  	s25 =	sadd.s32 $0x1, s25;
	_ =	swait.ge [sflag:s21], $0x4000  }
0x7e: {  	p0 =	sne.s32 s25, s6;
	[sflag:s21] =	ssyncset.done $0x0  }
.Ltmp3:
0x7f: {  	[sflag:s21] =	ssyncadd.s32 $0xFFFFC000;
	(pc) =	sbr.rel @p0 .LBB2_1-.Ltmp3, $4  }
0x80: {  	[hbm4b:s19+s3] =	stream.linear.scatter [tilespmem:s20], [sflag:$0x3], $0x4000, $0x38;
	[tilespmem:$0x1A800] =	vst v63  }
0x81: {  	_ =	swait.ge [sflag:s21], $0x4000  }
0x82: {  	[sflag:s21] =	ssyncset.done $0x0  }
0x83: {  	[sflag:s21] =	ssyncadd.s32 $0xFFFFC000  }
0x84: {  	_ =	sfence.sel $0x180000  }
0x85: {  	[bflag:$0x0] =	sbarrier.arrive $0xFFFF  }
0x86: {  	p0 =	sne.s32 s1, $0x0;
	_ =	strace $0x90000047  }
0x87: {  	s0 =	sadd.s32 @!p0 $0x100000, s0;
	[bflag:$0x2] =	sbarrier.arrive $0xFFFF  }
0x88: {  	[sflag:s0] =	ssyncadd.tile.s32 @!p0 $0x1;
	_ =	shalt  }
.Lfunc_end2:
_tile_overlayer_lowered:
.L_overlay_start_2:
0x89: {  	(tag) =	ssettag $0x2  }
0x8a: {  	s0 =	rddreg [dreg:$0x0];
	s2 =	stileid.u32  }
0x8b: {  	s1 =	rddreg [dreg:$0x1];
	p0 =	sne.s32 s2, $0x0  }
0x8c: {  	s3 =	rddreg [dreg:$0x2];
	[bflag:$0x3] =	sbarrier.arrive $0xFFFF;
	s2 =	simm.s32 @!p0 $0x1C03  }
0x8d: {  	[timem:s3], [sflag:s2] =	dma.local @!p0 [hbm:s0], s1  }
0x8e: {  	s0 =	simm.s32 @!p0 $0x3  }
0x8f: {  	_ =	swait.ge @!p0 [sflag:s0], s1  }
0x90: {  	s1 =	ssub.s32 @!p0 $0x0, s1;
	[sflag:s0] =	ssyncset.done @!p0 $0x0  }
0x91: {  	[sflag:s0] =	ssyncadd.s32 @!p0 s1  }
0x92: {  	[bflag:$0x3] =	sbarrier.arrive $0xFFFF  }
0x93: {  	_ =	shalt  }

// kernel: kernel.14.cloned.1.call-start
scs
__scs_entry_jumppad:
0x0: {  	(pc) =	sbr.rel $0x88, $3  }
0x1: {  	(tag) =	ssettag $0x0;
	lr =	simm.s32 $0x1  }
0x2: {  	[smem:$0x3F96] =	sst lr;
	_ =	strace $0xD0000000  }
0x3: {  	_ = 	snop  }
0x4: {  	_ = 	snop  }
0x5: {  	_ = 	snop  }
0x6: {  	_ = 	snop  }
0x7: {  	_ = 	snop  }
__scs_overlays_trampoline_lowered:
0x8: {  	[smem:$0x3FA5] =	sst s0  }
0x9: {  	[smem:$0x3FA6] =	sst s1  }
0xa: {  	[smem:$0x3FA7] =	sst s2  }
0xb: {  	[smem:$0x3FA8] =	sst s3  }
0xc: {  	[smem:$0x3FA9] =	sst s4  }
0xd: {  	[smem:$0x3FAA] =	sst s5  }
0xe: {  	[smem:$0x3FAB] =	sst s6  }
0xf: {  	[smem:$0x3FAC] =	sst s7  }
0x10: {  	[smem:$0x3FAD] =	sst s8  }
0x11: {  	[smem:$0x3FAE] =	sst s9;
	s0 =	simm.s32 @!p0 $0x0  }
0x12: {  	s1 =	sld [smem:$0x3F94];
	s0 =	simm.s32 @p0 $0x1  }
0x13: {  	[smem:$0x3FAF] =	sst s0;
	s0 =	simm.s32 @!p1 $0x0  }
0x14: {  	s2 =	sld [smem:$0x3F93];
	s0 =	simm.s32 @p1 $0x1  }
0x15: {  	[smem:$0x3FB0] =	sst s0;
	s0 =	simm.s32 @!p2 $0x0  }
0x16: {  	s3 =	sld [smem:$0x3FDB];
	s0 =	simm.s32 @p2 $0x1  }
0x17: {  	s4 =	simm.s32 $0x1BF5;
	[smem:$0x3FB2] =	sst s0  }
0x18: {  	s0 =	sld [smem:$0x3F95];
	_ =	swait.ge [sflag:s4], $0x0  }
0x19: {  	s7 =	sld [smem:$0x3F96]  }
0x1a: {  	s8 =	sadd.s32 $0xFFFFE003, lr  }
0x1b: {  	s9 =	sadd.s32 $0xFFFFFEF7, lr;
	s5 =	simm.s32 $0xFFFFFFFF;
	p2 =	slt.u32 s8, $0xFFFFF086  }
0x1c: {  	p1 =	slt.u32 s9, $0xF7A;
	s5 =	simm.s32 @!p2 $0x0  }
0x1d: {  	s5 =	simm.s32 @p1 $0x1;
	p0 =	seq.s32 s7, s2  }
0x1e: {  	s7 =	smul.u32 @!p0 $0xF7A, s2;
	p2 =	seq.s32 @!p0 s5, $0x0  }
0x1f: {  	s9 =	smul.u32 $0xF7A, s1;
	s8 =	simm.s32 @!p0 $0x1BF5;
	p2 =	por !p2, p0  }
0x20: {  	[sflag:s8] =	ssyncset.s32 @!p0 $0xFFFFF086;
	s6 =	sadd.s32 @!p0 s3, s7;
	s7 =	simm.s32 @!p0 $0x108  }
0x21: {  	s3 =	sadd.s32 s3, s9;
	s6 =	sadd.s32 @!p0 $0x88, s6;
	s7 =	simm.s32 @p2 $0x1082  }
0x22: {  	[simem:s7], [sflag:s8] =	dma.local @!p0 [hbm:s6], $0xF7A  }
0x23: {  	s9 =	sor.u32 $0xD0000000, s2;
	s6 =	simm.s32 $0x108;
	_ =	swait.ge @!p0 [sflag:s8], $0x0  }
0x24: {  	s3 =	sadd.s32 $0x88, s3;
	s6 =	simm.s32 @!p1 $0x1082;
	[sflag:s4] =	ssyncset.s32 $0xFFFFF086  }
0x25: {  	[simem:s6], [sflag:s4] =	dma.local [hbm:s3], $0xF7A  }
0x26: {  	[smem:$0x3F96] =	sst s1;
	(tag) =	ssettag s2;
	_ =	strace s9  }
0x27: {  	s1 =	sld [smem:$0x3FA6]  }
0x28: {  	s2 =	sld [smem:$0x3FA7]  }
0x29: {  	s4 =	sld [smem:$0x3FA9]  }
0x2a: {  	p0 =	seq.s32 s5, $0x0;
	s5 =	sld [smem:$0x3FAA]  }
0x2b: {  	s6 =	sld [smem:$0x3FAB]  }
0x2c: {  	s7 =	sld [smem:$0x3FAC]  }
0x2d: {  	s3 =	simm.s32 $0x108;
	s8 =	sld [smem:$0x3FAD]  }
0x2e: {  	s3 =	simm.s32 @!p0 $0x1082;
	s9 =	sld [smem:$0x3FAE]  }
0x2f: {  	lr =	sadd.s32 s0, s3;
	s0 =	sld [smem:$0x3FA5]  }
0x30: {  	s3 =	sld [smem:$0x3FA8]  }
0x31: {  	[smem:$0x3FB1] =	sst s10  }
0x32: {  	s10 =	sld [smem:$0x3FAF];
	_ =	sdelay $0x3  }
0x33: {  	p0 =	seq.s32 s10, $0x1;
	s10 =	sld [smem:$0x3FB1];
	_ =	sdelay $0x3  }
0x34: {  	[smem:$0x3FB1] =	sst s10  }
0x35: {  	s10 =	sld [smem:$0x3FB0];
	_ =	sdelay $0x3  }
0x36: {  	p1 =	seq.s32 s10, $0x1;
	s10 =	sld [smem:$0x3FB1];
	_ =	sdelay $0x3  }
0x37: {  	[smem:$0x3FB1] =	sst s10  }
0x38: {  	s10 =	sld [smem:$0x3FB2]  }
0x39: {  	_ = 	snop;
	(pc) =	sbr.ind lr, $3  }
0x3a: {  	_ = 	snop  }
0x3b: {  	_ = 	snop  }
0x3c: {  	p2 =	seq.s32 s10, $0x1;
	s10 =	sld [smem:$0x3FB1]  }
0x3d: {  	_ =	shalt  }
0x3e: {  	_ =	shalt  }
0x3f: {  	_ =	shalt  }
0x40: {  	_ =	shalt  }
0x41: {  	_ =	shalt  }
0x42: {  	_ =	shalt  }
0x43: {  	_ =	shalt  }
0x44: {  	_ =	shalt  }
0x45: {  	_ =	shalt  }
0x46: {  	_ =	shalt  }
0x47: {  	_ =	shalt  }
0x48: {  	_ =	shalt  }
0x49: {  	_ =	shalt  }
0x4a: {  	_ =	shalt  }
0x4b: {  	_ =	shalt  }
0x4c: {  	_ =	shalt  }
0x4d: {  	_ =	shalt  }
0x4e: {  	_ =	shalt  }
0x4f: {  	_ =	shalt  }
0x50: {  	_ =	shalt  }
0x51: {  	_ =	shalt  }
0x52: {  	_ =	shalt  }
0x53: {  	_ =	shalt  }
0x54: {  	_ =	shalt  }
0x55: {  	_ =	shalt  }
0x56: {  	_ =	shalt  }
0x57: {  	_ =	shalt  }
0x58: {  	_ =	shalt  }
0x59: {  	_ =	shalt  }
0x5a: {  	_ =	shalt  }
0x5b: {  	_ =	shalt  }
0x5c: {  	_ =	shalt  }
0x5d: {  	_ =	shalt  }
0x5e: {  	_ =	shalt  }
0x5f: {  	_ =	shalt  }
0x60: {  	_ =	shalt  }
0x61: {  	_ =	shalt  }
0x62: {  	_ =	shalt  }
0x63: {  	_ =	shalt  }
0x64: {  	_ =	shalt  }
0x65: {  	_ =	shalt  }
0x66: {  	_ =	shalt  }
0x67: {  	_ =	shalt  }
0x68: {  	_ =	shalt  }
0x69: {  	_ =	shalt  }
0x6a: {  	_ =	shalt  }
0x6b: {  	_ =	shalt  }
0x6c: {  	_ =	shalt  }
0x6d: {  	_ =	shalt  }
0x6e: {  	_ =	shalt  }
0x6f: {  	_ =	shalt  }
0x70: {  	_ =	shalt  }
0x71: {  	_ =	shalt  }
0x72: {  	_ =	shalt  }
0x73: {  	_ =	shalt  }
0x74: {  	_ =	shalt  }
0x75: {  	_ =	shalt  }
0x76: {  	_ =	shalt  }
0x77: {  	_ =	shalt  }
0x78: {  	_ =	shalt  }
0x79: {  	_ =	shalt  }
0x7a: {  	_ =	shalt  }
0x7b: {  	_ =	shalt  }
0x7c: {  	_ =	shalt  }
0x7d: {  	_ =	shalt  }
0x7e: {  	_ =	shalt  }
0x7f: {  	_ =	shalt  }
0x80: {  	_ =	shalt  }
0x81: {  	_ =	shalt  }
0x82: {  	_ =	shalt  }
0x83: {  	_ =	shalt  }
0x84: {  	_ =	shalt  }
0x85: {  	_ =	shalt  }
0x86: {  	_ =	shalt  }
0x87: {  	_ =	shalt  }
.Lfunc_end0:
.L_simem_size_0:
called_computation.1_lowered:
.L_overlay_start_0:
0x88: {  	s2 =	sld [smem:$0x3FD9]  }
0x89: {  	s3 =	sld [smem:$0x3FFE];
	_ =	sdelay $0x1  }
0x8a: {  	s1 =	srdreg.scid  }
0x8b: {  	s0 =	sand.u32 $0x1, s1  }
0x8c: {  	s16 =	sshll.u32 s0, $0xA;
	s2 =	sadd.s32 s3, s2  }
0x8d: {  	s2 =	sadd.s32 s2, s16  }
0x8e: {  	[smem:$0x3FBD] =	sst s2  }
0x8f: {  	_ = 	snop  }
0x90: {  	(tm) =	ssettm $0x1  }
0x91: {  	s17 =	sld [smem:$0x3FFB];
	_ =	sdelay $0x3  }
0x92: {  	_ =	strace s17  }
0x93: {  	s2 =	sld [smem:$0x3FFC];
	_ =	sdelay $0x3  }
0x94: {  	_ =	strace s2  }
0x95: {  	s2 =	sld [smem:$0x3FFD];
	_ =	sdelay $0x3  }
0x96: {  	_ =	strace s2  }
0x97: {  	_ =	strace $0x8FFFFFFF  }
0x98: {  	s18 =	sld [smem:$0x3FDB];
	_ =	sdelay $0x1  }
0x99: {  	s19 =	simm.s32 $_scs_section_size  }
0x9a: {  	s4 =	simm.s32 $_size__tile_overlayer_lowered;
	s5 =	simm.s32 $_tile_overlayer_lowered  }
0x9b: {  	s22 =	simm.s32 $0x1BFF;
	s21 =	sshll.u32 s5, $0x1;
	s2 =	sadd.s32 s19, s18  }
0x9c: {  	s6 =	simm.s32 $0x0;
	s20 =	sshll.u32 s4, $0x1;
	s4 =	sadd.s32 s21, s2  }
0x9d: {  	[timem:s6], [sflag:s22] =	dma.local [hbm:s4], s20  }
0x9e: {  	_ =	swait.ge [sflag:s22], s20  }
0x9f: {  	s3 =	ssub.s32 $0x0, s20;
	[sflag:s22] =	ssyncset.done $0x0  }
0xa0: {  	[sflag:s22] =	ssyncadd.s32 s3;
	_ =	sdelay $0x1  }
0xa1: {  	s23 =	simm.s32 $0x1B8B  }
0xa2: {  	_ =	swait.ge [sflag:s23], $0x1  }
0xa3: {  	[sflag:s23] =	ssyncset.done $0x0  }
0xa4: {  	s25 =	simm.s32 $0x1B8E;
	s24 =	sld [smem:$0x3FFE];
	[sflag:s23] =	ssyncadd.s32 $0xFFFFFFFF  }
0xa5: {  	s26 =	simm.s32 $execute0_lowered;
	[smem:$0x3FD2] =	sst s25  }
0xa6: {  	s4 =	sshll.u32 s26, $0x1;
	_ =	strace $0x80000049;
	[dreg:$0x1] =	wrdreg $0xFFFFFFFF  }
0xa7: {  	s28 =	simm.s32 $_size_execute0_lowered;
	s2 =	sadd.s32 s2, s4;
	[dreg:$0x0] =	wrdreg $0x0  }
0xa8: {  	s4 =	sshll.u32 s28, $0x1;
	[dreg:$0x2] =	wrdreg s2  }
0xa9: {  	[dreg:$0x3] =	wrdreg s4  }
0xaa: {  	[dreg:$0x4] =	wrdreg $0xC0  }
0xab: {  	_ =	task [dreg:s6], $0x5FFFF  }
0xac: {  	[dreg:$0x1] =	wrdreg $0xFFFFFFFF  }
0xad: {  	[dreg:$0x0] =	wrdreg $0x60  }
0xae: {  	[dreg:$0x2] =	wrdreg s24  }
0xaf: {  	[dreg:$0x3] =	wrdreg $0xAA000  }
0xb0: {  	[dreg:$0x4] =	wrdreg $0x9  }
0xb1: {  	_ =	task.clear_ibuf [dreg:s6], $0x5FFFF;
	_ =	strace $0x90000049  }
0xb2: {  	s29 =	simm.s32 $0x9;
	_ =	strace $0x8000004B  }
0xb3: {  	_ =	swait.ge [sflag:s29], $0x1  }
0xb4: {  	[sflag:s29] =	ssyncadd.s32 $0xFFFFFFFF  }
0xb5: {  	_ =	strace $0x9000004B  }
0xb6: {  	_ =	sfence  }
0xb7: {  	s30 =	sld [smem:$0x0];
	_ =	sdelay $0x2  }
0xb8: {  	s31 =	sshll.u32 s1, $0xD;
	s1 =	sshrl.u32 s1, $0x2  }
0xb9: {  	s3 =	sand.u32 $0x4000, s31;
	s1 =	sadd.s32 s1, s30  }
0xba: {  	s0 =	sor.u32 s3, s0;
	s1 =	sshll.u32 s1, $0x11  }
0xbb: {  	s0 =	sor.u32 s1, s0  }
0xbc: {  	s0 =	sadd.s32 $0x8F2B, s0  }
0xbd: {  	[sflag:s0] =	ssyncadd.remote.s32 $0x1  }
0xbe: {  	_ =	sfence.sel $0xFFFF  }
0xbf: {  	[dreg:$0x0] =	wrdreg $0xFFFFFFFF;
	(pc) =	sbr.abs _section_cstart, $3  }
0xc0: {  	[dreg:$0x1] =	wrdreg $0xFFFFFFFF  }
0xc1: {  	_ =	task.clear_ibuf [dreg:s6], $0x2FFFF;
	_ =	strace $0x9FFFFFFF  }
0xc2: {  	(tm) =	ssettm $0x7FFFFFFF  }
0xc3: {  	_ =	shalt  }
tec
execute0_lowered:
.L_overlay_start_1:
0x0: {  	(tag) =	ssettag $0x1  }
0x1: {  	s0 =	srdreg.scid;
	s1 =	rddreg [dreg:$0x0]  }
0x2: {  	s2 =	rddreg [dreg:$0x1];
	s11 =	stileid.u32  }
0x3: {  	s3 =	simm.s32 $0x0;
	s28 =	simm.s32 $0x7;
	s29 =	simm.s32 $0x80  }
0x4: {  	s30 =	simm.s32 $0x6A00;
	s31 =	simm.s32 $0x100;
	s0 =	sand.u32 $0x1, s0  }
0x5: {  	[smem:$0x7FF] =	sst s3;
	s6 =	smul.u32 $0x50000, s11;
	s5 =	sadd.s32 $0x5600, s1  }
0x6: {  	s26 =	smul.u32 $0x14000, s11;
	s4 =	sshll.u32 s0, $0x4;
	s9 =	ssub.s32 $0x2, s0  }
0x7: {  	_ =	strace $0x8000004A;
	s4 =	sor.u32 s11, s4;
	s10 =	sshrl.u32 s9, $0x1  }
0x8: {  	s6 =	sshrl.u32 s6, $0x2;
	s18 =	sadd.s32 $0x4000, s26;
	s11 =	smul.u32 $0x500, s11  }
0x9: {  	s21 =	sadd.s32 $0x8000, s26;
	s23 =	sadd.s32 $0xC000, s26;
	s7 =	smul.u32 $0x500, s4  }
0xa: {  	s4 =	sadd.s32 $0x19600, s1;
	s9 =	ssub.s32 s9, s10;
	s10 =	smul.u32 $0x140000, s0  }
0xb: {  	s6 =	sadd.s32 s6, s2;
	s19 =	sadd.s32 s18, s2;
	s0 =	smul.u32 $0x5000, s0  }
0xc: {  	s12 =	smax.u32 s9, $0x1;
	s13 =	sadd.s32 $0x4000, s6;
	[dreg:$0xc] =	wrdreg s19  }
0xd: {  	s14 =	sadd.s32 $0x8000, s6;
	s15 =	sadd.s32 $0xC000, s6;
	[dreg:$0x6] =	wrdreg s12  }
0xe: {  	s17 =	sadd.s32 $0x10000, s6;
	s9 =	simm.s32 $0x2;
	[dreg:$0x7] =	wrdreg s13  }
0xf: {  	s8 =	sadd.s32 s7, s1;
	s1 =	sadd.s32 $0x69600, s1;
	[dreg:$0x8] =	wrdreg s14  }
0x10: {  	s25 =	sadd.s32 s5, s7;
	[dreg:$0x9] =	wrdreg s15;
	s16 =	sadd.s32 s10, s26  }
0x11: {  	[dreg:$0xa] =	wrdreg s17;
	s20 =	sadd.s32 s10, s18;
	s22 =	sadd.s32 s10, s21  }
0x12: {  	s18 =	sadd.s32 s21, s2;
	s19 =	sadd.s32 s11, s0;
	s24 =	sadd.s32 s10, s23  }
0x13: {  	s7 =	sadd.s32 $0x10000, s26;
	s21 =	sadd.s32 s23, s2;
	s11 =	simm.s32 $0x3  }
0x14: {  	s12 =	simm.s32 $0x4;
	s13 =	simm.s32 $0x0;
	s8 =	sadd.s32 $0xF600, s8  }
0x15: {  	[dreg:$0x4] =	wrdreg s25;
	s0 =	sshrl.u32 s24, $0x3;
	s23 =	sadd.s32 s7, s2  }
0x16: {  	[dreg:$0x3] =	wrdreg s8;
	s8 =	sadd.s32 $0x10, s25;
	s25 =	sadd.s32 s10, s7  }
0x17: {  	s7 =	simm.s32 $0x180;
	s10 =	simm.s32 $0x6;
	[dreg:$0x5] =	wrdreg s8  }
.Ltmp0:
0x18: {  	s8 =	sshrl.u32 s16, $0x3;
	s26 =	sshrl.u32 s25, $0x3;
	(pc) =	sbr.rel .LBB2_1-.Ltmp0, $4  }
0x19: {  	s25 =	sadd.s32 s5, s19;
	s8 =	sadd.s32 s1, s8;
	s24 =	sadd.s32 s1, s26  }
0x1a: {  	s26 =	simm.s32 $0x2A00;
	[dreg:$0xb] =	wrdreg s8;
	s8 =	sshrl.u32 s20, $0x3  }
0x1b: {  	s17 =	sadd.s32 s1, s8;
	s8 =	sshrl.u32 s22, $0x3;
	s22 =	sadd.s32 s1, s0  }
0x1c: {  	v0 =	vimm.f32 $0.0e+00;
	s0 =	simm.s32 $0x1;
	s20 =	sadd.s32 s1, s8;
	s1 =	simm.s32 $0x5  }
.LBB2_6:
0x1d: {  	_ =	swait.ge [sflag:s0], $0x4000  }
0x1e: {  	[sflag:s0] =	ssyncset.done $0x0  }
0x1f: {  	s8 =	simm.s32 $0x2900;
	[sflag:s0] =	ssyncadd.s32 $0xFFFFC000  }
0x20: {  	[spmem:s2] =	stream.indirect.scatter.add.f32 [tilespmem:s26], [sflag:$0x7], $0x80, s8, s29, $0xb8;
	[tilespmem:$0x1EA00] =	vst v63  }
0x21: {  	_ =	swait.ge [sflag:s28], $0x4000  }
0x22: {  	[sflag:s28] =	ssyncset.done $0x0  }
0x23: {  	[sflag:s28] =	ssyncadd.s32 $0xFFFFC000  }
0x24: {  	_ =	swait.ge [sflag:s9], $0x4000  }
0x25: {  	[sflag:s9] =	ssyncset.done $0x0  }
0x26: {  	s16 =	simm.s32 $0x2980;
	[sflag:s9] =	ssyncadd.s32 $0xFFFFC000  }
0x27: {  	[spmem:s2] =	stream.indirect.scatter.add.f32 [tilespmem:s30], [sflag:$0x7], $0x80, s16, s29, $0xb8;
	[tilespmem:$0x1EA00] =	vst v63  }
0x28: {  	_ =	swait.ge [sflag:s28], $0x4000  }
0x29: {  	[sflag:s28] =	ssyncset.done $0x0  }
0x2a: {  	[sflag:s28] =	ssyncadd.s32 $0xFFFFC000  }
0x2b: {  	[bflag:$0x0] =	sbarrier.arrive $0xFFFF  }
0x2c: {  	[tilespmem:s26], [sflag:$0x7] =	stream.linear.gather [spmem:s6], $0x4000, $0x38;
	[tilespmem:$0x1EA00] =	vst v63  }
0x2d: {  	_ =	swait.ge [sflag:s28], $0x4000  }
0x2e: {  	[sflag:s28] =	ssyncset.done $0x0  }
0x2f: {  	s14 =	rddreg [dreg:$0xb];
	[sflag:s28] =	ssyncadd.s32 $0xFFFFC000  }
0x30: {  	[hbm4b:s14+s3] =	stream.linear.scatter [tilespmem:s26], [sflag:$0x7], $0x4000, $0x38;
	[tilespmem:$0x1EA00] =	vst v63  }
0x31: {  	_ =	swait.ge [sflag:s28], $0x4000  }
0x32: {  	[sflag:s28] =	ssyncset.done $0x0  }
0x33: {  	s15 =	rddreg [dreg:$0xc];
	[sflag:s28] =	ssyncadd.s32 $0xFFFFC000  }
0x34: {  	[tilespmem:s26], [sflag:$0x7] =	stream.linear.gather [spmem:s15], $0x4000, $0x38;
	[tilespmem:$0x1EA00] =	vst v63  }
0x35: {  	_ =	swait.ge [sflag:s28], $0x4000  }
0x36: {  	[sflag:s28] =	ssyncset.done $0x0  }
0x37: {  	[sflag:s28] =	ssyncadd.s32 $0xFFFFC000  }
0x38: {  	[hbm4b:s17+s3] =	stream.linear.scatter [tilespmem:s26], [sflag:$0x7], $0x4000, $0x38;
	[tilespmem:$0x1EA00] =	vst v63  }
0x39: {  	_ =	swait.ge [sflag:s28], $0x4000  }
0x3a: {  	[sflag:s28] =	ssyncset.done $0x0  }
0x3b: {  	[sflag:s28] =	ssyncadd.s32 $0xFFFFC000  }
0x3c: {  	[tilespmem:s26], [sflag:$0x7] =	stream.linear.gather [spmem:s18], $0x4000, $0x38;
	[tilespmem:$0x1EA00] =	vst v63  }
0x3d: {  	_ =	swait.ge [sflag:s28], $0x4000  }
0x3e: {  	[sflag:s28] =	ssyncset.done $0x0  }
0x3f: {  	[sflag:s28] =	ssyncadd.s32 $0xFFFFC000  }
0x40: {  	[hbm4b:s20+s3] =	stream.linear.scatter [tilespmem:s26], [sflag:$0x7], $0x4000, $0x38;
	[tilespmem:$0x1EA00] =	vst v63  }
0x41: {  	_ =	swait.ge [sflag:s28], $0x4000  }
0x42: {  	[sflag:s28] =	ssyncset.done $0x0  }
0x43: {  	[sflag:s28] =	ssyncadd.s32 $0xFFFFC000  }
0x44: {  	[tilespmem:s26], [sflag:$0x7] =	stream.linear.gather [spmem:s21], $0x4000, $0x38;
	[tilespmem:$0x1EA00] =	vst v63  }
0x45: {  	_ =	swait.ge [sflag:s28], $0x4000  }
0x46: {  	[sflag:s28] =	ssyncset.done $0x0  }
0x47: {  	[sflag:s28] =	ssyncadd.s32 $0xFFFFC000  }
0x48: {  	[hbm4b:s22+s3] =	stream.linear.scatter [tilespmem:s26], [sflag:$0x7], $0x4000, $0x38;
	[tilespmem:$0x1EA00] =	vst v63  }
0x49: {  	_ =	swait.ge [sflag:s28], $0x4000  }
0x4a: {  	[sflag:s28] =	ssyncset.done $0x0  }
0x4b: {  	[sflag:s28] =	ssyncadd.s32 $0xFFFFC000  }
0x4c: {  	[tilespmem:s26], [sflag:$0x7] =	stream.linear.gather [spmem:s23], $0x4000, $0x38;
	[tilespmem:$0x1EA00] =	vst v63  }
0x4d: {  	_ =	swait.ge [sflag:s28], $0x4000  }
0x4e: {  	[sflag:s28] =	ssyncset.done $0x0  }
0x4f: {  	[sflag:s28] =	ssyncadd.s32 $0xFFFFC000  }
0x50: {  	[hbm4b:s24+s3] =	stream.linear.scatter [tilespmem:s26], [sflag:$0x7], $0x4000, $0x38;
	[tilespmem:$0x1EA00] =	vst v63  }
0x51: {  	_ =	swait.ge [sflag:s28], $0x4000  }
0x52: {  	s13 =	sadd.s32 $0x1, s13;
	s16 =	rddreg [dreg:$0x6]  }
0x53: {  	p0 =	sne.s32 s13, s16  }
.Ltmp1:
0x54: {  	_ = 	snop;
	(pc) =	sbr.rel @!p0 .LBB2_7-.Ltmp1, $3  }
0x55: {  	_ =	sdelay $0x1  }
0x56: {  	[sflag:s28] =	ssyncset.done $0x0  }
0x57: {  	[sflag:s28] =	ssyncadd.s32 $0xFFFFC000  }
.LBB2_1:
0x58: {  	s8 =	sand.u32 $0xFE00, s3  }
0x59: {  	s14 =	sand.u32 $0x70, s3;
	s15 =	sshrl.u32 s8, $0x2  }
0x5a: {  	s8 =	simm.s32 $0x40;
	s15 =	sor.u32 s14, s15;
	s14 =	simm.s32 $0x0  }
.LBB2_2:
0x5b: {  	p0 =	sne.s32 s8, $0xFFC0  }
0x5c: {  	[tilespmem:s15+$0x2A00] =	vst v0;
	s14 =	sadd.s32 $0x10, s14;
	s15 =	smov.u32 s8;
	s8 =	sadd.s32 $0x40, s8  }
.Ltmp2:
0x5d: {  	(pc) =	sbr.rel @p0 .LBB2_2-.Ltmp2, $4  }
0x5e: {  	_ = 	snop  }
0x5f: {  	s15 =	sand.u32 $0xFE00, s15  }
0x60: {  	s16 =	sand.u32 $0x70, s14;
	s15 =	sshrl.u32 s15, $0x2  }
0x61: {  	s15 =	sor.u32 s16, s15  }
0x62: {  	[tilespmem:s15+$0x2A00] =	vst v0  }
0x63: {  	[spmem:s6] =	stream.linear.scatter [tilespmem:s26], [sflag:$0x7], $0x4000, $0x38;
	[tilespmem:$0x1EA00] =	vst v63  }
0x64: {  	_ =	swait.ge [sflag:s28], $0x4000  }
0x65: {  	[sflag:s28] =	ssyncset.done $0x0  }
0x66: {  	s8 =	rddreg [dreg:$0x7];
	[sflag:s28] =	ssyncadd.s32 $0xFFFFC000  }
0x67: {  	[spmem:s8] =	stream.linear.scatter [tilespmem:s26], [sflag:$0x7], $0x4000, $0x38;
	[tilespmem:$0x1EA00] =	vst v63  }
0x68: {  	_ =	swait.ge [sflag:s28], $0x4000  }
0x69: {  	[sflag:s28] =	ssyncset.done $0x0  }
0x6a: {  	s16 =	rddreg [dreg:$0x8];
	[sflag:s28] =	ssyncadd.s32 $0xFFFFC000  }
0x6b: {  	[spmem:s16] =	stream.linear.scatter [tilespmem:s26], [sflag:$0x7], $0x4000, $0x38;
	[tilespmem:$0x1EA00] =	vst v63  }
0x6c: {  	_ =	swait.ge [sflag:s28], $0x4000  }
0x6d: {  	[sflag:s28] =	ssyncset.done $0x0  }
0x6e: {  	s14 =	rddreg [dreg:$0x9];
	[sflag:s28] =	ssyncadd.s32 $0xFFFFC000  }
0x6f: {  	[spmem:s14] =	stream.linear.scatter [tilespmem:s26], [sflag:$0x7], $0x4000, $0x38;
	[tilespmem:$0x1EA00] =	vst v63  }
0x70: {  	_ =	swait.ge [sflag:s28], $0x4000  }
0x71: {  	[sflag:s28] =	ssyncset.done $0x0  }
0x72: {  	s15 =	rddreg [dreg:$0xa];
	[sflag:s28] =	ssyncadd.s32 $0xFFFFC000  }
0x73: {  	[spmem:s15] =	stream.linear.scatter [tilespmem:s26], [sflag:$0x7], $0x4000, $0x38;
	[tilespmem:$0x1EA00] =	vst v63  }
0x74: {  	_ =	swait.ge [sflag:s28], $0x4000  }
0x75: {  	s8 =	simm.s32 $0x0;
	[sflag:s28] =	ssyncset.done $0x0  }
0x76: {  	s14 =	simm.s32 $0x200;
	s16 =	rddreg [dreg:$0x3];
	[sflag:s28] =	ssyncadd.s32 $0xFFFFC000  }
0x77: {  	[tilespmem:s14], [sflag:$0x7] =	stream.linear.gather [hbm4b:s16+s8], $0x2800, $0x38;
	[tilespmem:$0x1EA00] =	vst v63  }
0x78: {  	_ =	swait.ge [sflag:s28], $0x2800  }
0x79: {  	[sflag:s28] =	ssyncset.done $0x0  }
0x7a: {  	s16 =	rddreg [dreg:$0x4];
	[sflag:s28] =	ssyncadd.s32 $0xFFFFD800  }
0x7b: {  	[tilespmem:s8], [sflag:$0x7] =	stream.linear.gather [hbm4b:s16+s8], $0x80, $0x38;
	[tilespmem:$0x1EA00] =	vst v63  }
0x7c: {  	_ =	swait.ge [sflag:s28], $0x80  }
0x7d: {  	[sflag:s28] =	ssyncset.done $0x0  }
0x7e: {  	s16 =	rddreg [dreg:$0x5];
	[sflag:s28] =	ssyncadd.s32 $0xFFFFFF80  }
0x7f: {  	[tilespmem:s29], [sflag:$0x7] =	stream.linear.gather [hbm4b:s16+s8], $0x80, $0x38;
	[tilespmem:$0x1EA00] =	vst v63  }
0x80: {  	_ =	swait.ge [sflag:s28], $0x80  }
0x81: {  	[sflag:s28] =	ssyncset.done $0x0  }
0x82: {  	[sflag:s28] =	ssyncadd.s32 $0xFFFFFF80  }
0x83: {  	[tilespmem:s26], [sflag:$0x1] =	stream.indirect.gather [hbm4b:s4+s29], $0x80, s8, s29, $0xb8;
	[tilespmem:$0x1EA00] =	vst v63  }
0x84: {  	_ = 	snop  }
0x85: {  	[tilespmem:s30], [sflag:$0x2] =	stream.indirect.gather [hbm4b:s4+s29], $0x80, s29, s29, $0xb8;
	[tilespmem:$0x1EA00] =	vst v63  }
0x86: {  	[bflag:$0x0] =	sbarrier.arrive $0xFFFF  }
.LBB2_4:
0x87: {  	s15 =	sadd.s32 s8, s19;
	s16 =	sand.u32 $0x40, s8  }
0x88: {  	s15 =	sand.u32 $0xFFFFF80, s15;
	s16 =	sadd.s32 s16, s5  }
0x89: {  	s15 =	sadd.s32 s15, s16  }
0x8a: {  	s16 =	sadd.s32 $0x20, s15  }
0x8b: {  	[tilespmem:s31], [sflag:$0x5] =	stream.linear.gather [hbm4b:s16+s3], $0x80, $0x38;
	[tilespmem:$0x1EA00] =	vst v63  }
0x8c: {  	_ =	swait.ge [sflag:s0], $0x4000  }
0x8d: {  	[sflag:s0] =	ssyncset.done $0x0  }
0x8e: {  	[sflag:s0] =	ssyncadd.s32 $0xFFFFC000  }
0x8f: {  	[spmem:s2] =	stream.indirect.scatter.add.f32 [tilespmem:s26], [sflag:$0x7], $0x80, s14, s29, $0xb8;
	[tilespmem:$0x1EA00] =	vst v63  }
0x90: {  	_ =	swait.ge [sflag:s28], $0x4000  }
0x91: {  	[sflag:s28] =	ssyncset.done $0x0  }
0x92: {  	[sflag:s28] =	ssyncadd.s32 $0xFFFFC000  }
0x93: {  	_ =	swait.ge [sflag:s1], $0x80  }
0x94: {  	[sflag:s1] =	ssyncset.done $0x0  }
0x95: {  	[sflag:s1] =	ssyncadd.s32 $0xFFFFFF80  }
0x96: {  	[tilespmem:s26], [sflag:$0x1] =	stream.indirect.gather [hbm4b:s4+s29], $0x80, s31, s29, $0xb8;
	[tilespmem:$0x1EA00] =	vst v63  }
0x97: {  	s15 =	sadd.s32 $0x30, s15  }
0x98: {  	[tilespmem:s7], [sflag:$0x6] =	stream.linear.gather [hbm4b:s15+s3], $0x80, $0x38;
	[tilespmem:$0x1EA00] =	vst v63  }
0x99: {  	_ =	swait.ge [sflag:s9], $0x4000  }
0x9a: {  	[sflag:s9] =	ssyncset.done $0x0  }
0x9b: {  	s16 =	sadd.s32 $0x80, s14;
	[sflag:s9] =	ssyncadd.s32 $0xFFFFC000  }
0x9c: {  	[spmem:s2] =	stream.indirect.scatter.add.f32 [tilespmem:s30], [sflag:$0x7], $0x80, s16, s29, $0xb8;
	[tilespmem:$0x1EA00] =	vst v63  }
0x9d: {  	_ =	swait.ge [sflag:s28], $0x4000  }
0x9e: {  	p0 =	seq.s32 s8, $0x4C0;
	[sflag:s28] =	ssyncset.done $0x0  }
.Ltmp3:
0x9f: {  	[sflag:s28] =	ssyncadd.s32 $0xFFFFC000;
	(pc) =	sbr.rel @p0 .LBB2_6-.Ltmp3, $4  }
0xa0: {  	_ =	swait.ge [sflag:s10], $0x80  }
0xa1: {  	[sflag:s10] =	ssyncset.done $0x0  }
0xa2: {  	[sflag:s10] =	ssyncadd.s32 $0xFFFFFF80  }
0xa3: {  	[tilespmem:s30], [sflag:$0x2] =	stream.indirect.gather [hbm4b:s4+s29], $0x80, s7, s29, $0xb8;
	[tilespmem:$0x1EA00] =	vst v63  }
0xa4: {  	s15 =	sadd.s32 s8, s25  }
0xa5: {  	s16 =	sadd.s32 $0x40, s15  }
0xa6: {  	[tilespmem:s3], [sflag:$0x3] =	stream.linear.gather [hbm4b:s16+s3], $0x80, $0x38;
	[tilespmem:$0x1EA00] =	vst v63  }
0xa7: {  	_ =	swait.ge [sflag:s0], $0x4000  }
0xa8: {  	[sflag:s0] =	ssyncset.done $0x0  }
0xa9: {  	s16 =	sadd.s32 $0x100, s14;
	[sflag:s0] =	ssyncadd.s32 $0xFFFFC000  }
0xaa: {  	[spmem:s2] =	stream.indirect.scatter.add.f32 [tilespmem:s26], [sflag:$0x7], $0x80, s16, s29, $0xb8;
	[tilespmem:$0x1EA00] =	vst v63  }
0xab: {  	_ =	swait.ge [sflag:s28], $0x4000  }
0xac: {  	[sflag:s28] =	ssyncset.done $0x0  }
0xad: {  	[sflag:s28] =	ssyncadd.s32 $0xFFFFC000  }
0xae: {  	_ =	swait.ge [sflag:s11], $0x80  }
0xaf: {  	[sflag:s11] =	ssyncset.done $0x0  }
0xb0: {  	[sflag:s11] =	ssyncadd.s32 $0xFFFFFF80  }
0xb1: {  	[tilespmem:s26], [sflag:$0x1] =	stream.indirect.gather [hbm4b:s4+s29], $0x80, s3, s29, $0xb8;
	[tilespmem:$0x1EA00] =	vst v63  }
0xb2: {  	s15 =	sadd.s32 $0x50, s15  }
0xb3: {  	[tilespmem:s29], [sflag:$0x4] =	stream.linear.gather [hbm4b:s15+s3], $0x80, $0x38;
	[tilespmem:$0x1EA00] =	vst v63  }
0xb4: {  	_ =	swait.ge [sflag:s9], $0x4000  }
0xb5: {  	[sflag:s9] =	ssyncset.done $0x0  }
0xb6: {  	s16 =	sadd.s32 $0x180, s14;
	[sflag:s9] =	ssyncadd.s32 $0xFFFFC000  }
0xb7: {  	[spmem:s2] =	stream.indirect.scatter.add.f32 [tilespmem:s30], [sflag:$0x7], $0x80, s16, s29, $0xb8;
	[tilespmem:$0x1EA00] =	vst v63  }
0xb8: {  	_ =	swait.ge [sflag:s28], $0x4000  }
0xb9: {  	[sflag:s28] =	ssyncset.done $0x0  }
.Ltmp4:
0xba: {  	[sflag:s28] =	ssyncadd.s32 $0xFFFFC000;
	(pc) =	sbr.rel .LBB2_4-.Ltmp4, $4  }
0xbb: {  	_ =	swait.ge [sflag:s12], $0x80  }
0xbc: {  	[sflag:s12] =	ssyncset.done $0x0  }
0xbd: {  	s8 =	sadd.s32 $0x40, s8;
	s14 =	sadd.s32 $0x200, s14;
	[sflag:s12] =	ssyncadd.s32 $0xFFFFFF80  }
0xbe: {  	[tilespmem:s30], [sflag:$0x2] =	stream.indirect.gather [hbm4b:s4+s29], $0x80, s29, s29, $0xb8;
	[tilespmem:$0x1EA00] =	vst v63  }
.LBB2_7:
0xbf: {  	_ =	sfence.sel $0x180000  }
0xc0: {  	[bflag:$0x0] =	sbarrier.arrive $0xFFFF  }
0xc1: {  	_ =	strace $0x9000004A  }
0xc2: {  	s0 =	stileid.u32;
	[bflag:$0x2] =	sbarrier.arrive $0xFFFF  }
0xc3: {  	p0 =	sne.s32 s0, $0x0;
	s0 =	rddreg [dreg:$0x2]  }
0xc4: {  	s0 =	sadd.s32 @!p0 $0x100000, s0  }
0xc5: {  	[sflag:s0] =	ssyncadd.tile.s32 @!p0 $0x1;
	_ =	shalt  }
.Lfunc_end2:
_tile_overlayer_lowered:
.L_overlay_start_2:
0xc6: {  	(tag) =	ssettag $0x2  }
0xc7: {  	s0 =	rddreg [dreg:$0x0];
	s2 =	stileid.u32  }
0xc8: {  	s1 =	rddreg [dreg:$0x1];
	p0 =	sne.s32 s2, $0x0  }
0xc9: {  	s3 =	rddreg [dreg:$0x2];
	[bflag:$0x3] =	sbarrier.arrive $0xFFFF;
	s2 =	simm.s32 @!p0 $0x1C07  }
0xca: {  	[timem:s3], [sflag:s2] =	dma.local @!p0 [hbm:s0], s1  }
0xcb: {  	s0 =	simm.s32 @!p0 $0x7  }
0xcc: {  	_ =	swait.ge @!p0 [sflag:s0], s1  }
0xcd: {  	s1 =	ssub.s32 @!p0 $0x0, s1;
	[sflag:s0] =	ssyncset.done @!p0 $0x0  }
0xce: {  	[sflag:s0] =	ssyncadd.s32 @!p0 s1  }
0xcf: {  	[bflag:$0x3] =	sbarrier.arrive $0xFFFF  }
0xd0: {  	_ =	shalt  }

// kernel: kernel.17.cloned.1.call-start
scs
__scs_entry_jumppad:
0x0: {  	(pc) =	sbr.rel $0x88, $3  }
0x1: {  	(tag) =	ssettag $0x0;
	lr =	simm.s32 $0x1  }
0x2: {  	[smem:$0x3F96] =	sst lr;
	_ =	strace $0xD0000000  }
0x3: {  	_ = 	snop  }
0x4: {  	_ = 	snop  }
0x5: {  	_ = 	snop  }
0x6: {  	_ = 	snop  }
0x7: {  	_ = 	snop  }
__scs_overlays_trampoline_lowered:
0x8: {  	[smem:$0x3FA5] =	sst s0  }
0x9: {  	[smem:$0x3FA6] =	sst s1  }
0xa: {  	[smem:$0x3FA7] =	sst s2  }
0xb: {  	[smem:$0x3FA8] =	sst s3  }
0xc: {  	[smem:$0x3FA9] =	sst s4  }
0xd: {  	[smem:$0x3FAA] =	sst s5  }
0xe: {  	[smem:$0x3FAB] =	sst s6  }
0xf: {  	[smem:$0x3FAC] =	sst s7  }
0x10: {  	[smem:$0x3FAD] =	sst s8  }
0x11: {  	[smem:$0x3FAE] =	sst s9;
	s0 =	simm.s32 @!p0 $0x0  }
0x12: {  	s1 =	sld [smem:$0x3F94];
	s0 =	simm.s32 @p0 $0x1  }
0x13: {  	[smem:$0x3FAF] =	sst s0;
	s0 =	simm.s32 @!p1 $0x0  }
0x14: {  	s2 =	sld [smem:$0x3F93];
	s0 =	simm.s32 @p1 $0x1  }
0x15: {  	[smem:$0x3FB0] =	sst s0;
	s0 =	simm.s32 @!p2 $0x0  }
0x16: {  	s3 =	sld [smem:$0x3FDB];
	s0 =	simm.s32 @p2 $0x1  }
0x17: {  	s4 =	simm.s32 $0x1BF5;
	[smem:$0x3FB2] =	sst s0  }
0x18: {  	s0 =	sld [smem:$0x3F95];
	_ =	swait.ge [sflag:s4], $0x0  }
0x19: {  	s7 =	sld [smem:$0x3F96]  }
0x1a: {  	s8 =	sadd.s32 $0xFFFFE003, lr  }
0x1b: {  	s9 =	sadd.s32 $0xFFFFFEF7, lr;
	s5 =	simm.s32 $0xFFFFFFFF;
	p2 =	slt.u32 s8, $0xFFFFF086  }
0x1c: {  	p1 =	slt.u32 s9, $0xF7A;
	s5 =	simm.s32 @!p2 $0x0  }
0x1d: {  	s5 =	simm.s32 @p1 $0x1;
	p0 =	seq.s32 s7, s2  }
0x1e: {  	s7 =	smul.u32 @!p0 $0xF7A, s2;
	p2 =	seq.s32 @!p0 s5, $0x0  }
0x1f: {  	s9 =	smul.u32 $0xF7A, s1;
	s8 =	simm.s32 @!p0 $0x1BF5;
	p2 =	por !p2, p0  }
0x20: {  	[sflag:s8] =	ssyncset.s32 @!p0 $0xFFFFF086;
	s6 =	sadd.s32 @!p0 s3, s7;
	s7 =	simm.s32 @!p0 $0x108  }
0x21: {  	s3 =	sadd.s32 s3, s9;
	s6 =	sadd.s32 @!p0 $0x88, s6;
	s7 =	simm.s32 @p2 $0x1082  }
0x22: {  	[simem:s7], [sflag:s8] =	dma.local @!p0 [hbm:s6], $0xF7A  }
0x23: {  	s9 =	sor.u32 $0xD0000000, s2;
	s6 =	simm.s32 $0x108;
	_ =	swait.ge @!p0 [sflag:s8], $0x0  }
0x24: {  	s3 =	sadd.s32 $0x88, s3;
	s6 =	simm.s32 @!p1 $0x1082;
	[sflag:s4] =	ssyncset.s32 $0xFFFFF086  }
0x25: {  	[simem:s6], [sflag:s4] =	dma.local [hbm:s3], $0xF7A  }
0x26: {  	[smem:$0x3F96] =	sst s1;
	(tag) =	ssettag s2;
	_ =	strace s9  }
0x27: {  	s1 =	sld [smem:$0x3FA6]  }
0x28: {  	s2 =	sld [smem:$0x3FA7]  }
0x29: {  	s4 =	sld [smem:$0x3FA9]  }
0x2a: {  	p0 =	seq.s32 s5, $0x0;
	s5 =	sld [smem:$0x3FAA]  }
0x2b: {  	s6 =	sld [smem:$0x3FAB]  }
0x2c: {  	s7 =	sld [smem:$0x3FAC]  }
0x2d: {  	s3 =	simm.s32 $0x108;
	s8 =	sld [smem:$0x3FAD]  }
0x2e: {  	s3 =	simm.s32 @!p0 $0x1082;
	s9 =	sld [smem:$0x3FAE]  }
0x2f: {  	lr =	sadd.s32 s0, s3;
	s0 =	sld [smem:$0x3FA5]  }
0x30: {  	s3 =	sld [smem:$0x3FA8]  }
0x31: {  	[smem:$0x3FB1] =	sst s10  }
0x32: {  	s10 =	sld [smem:$0x3FAF];
	_ =	sdelay $0x3  }
0x33: {  	p0 =	seq.s32 s10, $0x1;
	s10 =	sld [smem:$0x3FB1];
	_ =	sdelay $0x3  }
0x34: {  	[smem:$0x3FB1] =	sst s10  }
0x35: {  	s10 =	sld [smem:$0x3FB0];
	_ =	sdelay $0x3  }
0x36: {  	p1 =	seq.s32 s10, $0x1;
	s10 =	sld [smem:$0x3FB1];
	_ =	sdelay $0x3  }
0x37: {  	[smem:$0x3FB1] =	sst s10  }
0x38: {  	s10 =	sld [smem:$0x3FB2]  }
0x39: {  	_ = 	snop;
	(pc) =	sbr.ind lr, $3  }
0x3a: {  	_ = 	snop  }
0x3b: {  	_ = 	snop  }
0x3c: {  	p2 =	seq.s32 s10, $0x1;
	s10 =	sld [smem:$0x3FB1]  }
0x3d: {  	_ =	shalt  }
0x3e: {  	_ =	shalt  }
0x3f: {  	_ =	shalt  }
0x40: {  	_ =	shalt  }
0x41: {  	_ =	shalt  }
0x42: {  	_ =	shalt  }
0x43: {  	_ =	shalt  }
0x44: {  	_ =	shalt  }
0x45: {  	_ =	shalt  }
0x46: {  	_ =	shalt  }
0x47: {  	_ =	shalt  }
0x48: {  	_ =	shalt  }
0x49: {  	_ =	shalt  }
0x4a: {  	_ =	shalt  }
0x4b: {  	_ =	shalt  }
0x4c: {  	_ =	shalt  }
0x4d: {  	_ =	shalt  }
0x4e: {  	_ =	shalt  }
0x4f: {  	_ =	shalt  }
0x50: {  	_ =	shalt  }
0x51: {  	_ =	shalt  }
0x52: {  	_ =	shalt  }
0x53: {  	_ =	shalt  }
0x54: {  	_ =	shalt  }
0x55: {  	_ =	shalt  }
0x56: {  	_ =	shalt  }
0x57: {  	_ =	shalt  }
0x58: {  	_ =	shalt  }
0x59: {  	_ =	shalt  }
0x5a: {  	_ =	shalt  }
0x5b: {  	_ =	shalt  }
0x5c: {  	_ =	shalt  }
0x5d: {  	_ =	shalt  }
0x5e: {  	_ =	shalt  }
0x5f: {  	_ =	shalt  }
0x60: {  	_ =	shalt  }
0x61: {  	_ =	shalt  }
0x62: {  	_ =	shalt  }
0x63: {  	_ =	shalt  }
0x64: {  	_ =	shalt  }
0x65: {  	_ =	shalt  }
0x66: {  	_ =	shalt  }
0x67: {  	_ =	shalt  }
0x68: {  	_ =	shalt  }
0x69: {  	_ =	shalt  }
0x6a: {  	_ =	shalt  }
0x6b: {  	_ =	shalt  }
0x6c: {  	_ =	shalt  }
0x6d: {  	_ =	shalt  }
0x6e: {  	_ =	shalt  }
0x6f: {  	_ =	shalt  }
0x70: {  	_ =	shalt  }
0x71: {  	_ =	shalt  }
0x72: {  	_ =	shalt  }
0x73: {  	_ =	shalt  }
0x74: {  	_ =	shalt  }
0x75: {  	_ =	shalt  }
0x76: {  	_ =	shalt  }
0x77: {  	_ =	shalt  }
0x78: {  	_ =	shalt  }
0x79: {  	_ =	shalt  }
0x7a: {  	_ =	shalt  }
0x7b: {  	_ =	shalt  }
0x7c: {  	_ =	shalt  }
0x7d: {  	_ =	shalt  }
0x7e: {  	_ =	shalt  }
0x7f: {  	_ =	shalt  }
0x80: {  	_ =	shalt  }
0x81: {  	_ =	shalt  }
0x82: {  	_ =	shalt  }
0x83: {  	_ =	shalt  }
0x84: {  	_ =	shalt  }
0x85: {  	_ =	shalt  }
0x86: {  	_ =	shalt  }
0x87: {  	_ =	shalt  }
.Lfunc_end0:
.L_simem_size_0:
called_computation.2_lowered:
.L_overlay_start_0:
0x88: {  	s2 =	sld [smem:$0x3FD9]  }
0x89: {  	s3 =	sld [smem:$0x3FFE];
	_ =	sdelay $0x1  }
0x8a: {  	s1 =	srdreg.scid  }
0x8b: {  	s0 =	sand.u32 $0x1, s1  }
0x8c: {  	s16 =	sshll.u32 s0, $0xA;
	s2 =	sadd.s32 s3, s2  }
0x8d: {  	s2 =	sadd.s32 s2, s16  }
0x8e: {  	[smem:$0x3FBD] =	sst s2  }
0x8f: {  	_ = 	snop  }
0x90: {  	(tm) =	ssettm $0x1  }
0x91: {  	s17 =	sld [smem:$0x3FFB];
	_ =	sdelay $0x3  }
0x92: {  	_ =	strace s17  }
0x93: {  	s2 =	sld [smem:$0x3FFC];
	_ =	sdelay $0x3  }
0x94: {  	_ =	strace s2  }
0x95: {  	s2 =	sld [smem:$0x3FFD];
	_ =	sdelay $0x3  }
0x96: {  	_ =	strace s2  }
0x97: {  	_ =	strace $0x8FFFFFFF  }
0x98: {  	s18 =	sld [smem:$0x3FDB];
	_ =	sdelay $0x1  }
0x99: {  	s19 =	simm.s32 $_scs_section_size  }
0x9a: {  	s4 =	simm.s32 $_size__tile_overlayer_lowered;
	s5 =	simm.s32 $_tile_overlayer_lowered  }
0x9b: {  	s22 =	simm.s32 $0x1BFF;
	s21 =	sshll.u32 s5, $0x1;
	s2 =	sadd.s32 s19, s18  }
0x9c: {  	s6 =	simm.s32 $0x0;
	s20 =	sshll.u32 s4, $0x1;
	s4 =	sadd.s32 s21, s2  }
0x9d: {  	[timem:s6], [sflag:s22] =	dma.local [hbm:s4], s20  }
0x9e: {  	_ =	swait.ge [sflag:s22], s20  }
0x9f: {  	s3 =	ssub.s32 $0x0, s20;
	[sflag:s22] =	ssyncset.done $0x0  }
0xa0: {  	[sflag:s22] =	ssyncadd.s32 s3;
	_ =	sdelay $0x1  }
0xa1: {  	s23 =	simm.s32 $0x1B8B  }
0xa2: {  	_ =	swait.ge [sflag:s23], $0x1  }
0xa3: {  	[sflag:s23] =	ssyncset.done $0x0  }
0xa4: {  	s25 =	simm.s32 $0x1B8E;
	s24 =	sld [smem:$0x3FFE];
	[sflag:s23] =	ssyncadd.s32 $0xFFFFFFFF  }
0xa5: {  	s26 =	simm.s32 $execute0_lowered;
	[smem:$0x3FD2] =	sst s25  }
0xa6: {  	s4 =	sshll.u32 s26, $0x1;
	_ =	strace $0x8000004C;
	[dreg:$0x1] =	wrdreg $0xFFFFFFFF  }
0xa7: {  	s28 =	simm.s32 $_size_execute0_lowered;
	s2 =	sadd.s32 s2, s4;
	[dreg:$0x0] =	wrdreg $0x0  }
0xa8: {  	s4 =	sshll.u32 s28, $0x1;
	[dreg:$0x2] =	wrdreg s2  }
0xa9: {  	[dreg:$0x3] =	wrdreg s4  }
0xaa: {  	[dreg:$0x4] =	wrdreg $0xC0  }
0xab: {  	_ =	task [dreg:s6], $0x5FFFF  }
0xac: {  	[dreg:$0x1] =	wrdreg $0xFFFFFFFF  }
0xad: {  	[dreg:$0x0] =	wrdreg $0x60  }
0xae: {  	[dreg:$0x2] =	wrdreg s24  }
0xaf: {  	[dreg:$0x3] =	wrdreg $0xAA000  }
0xb0: {  	[dreg:$0x4] =	wrdreg $0x9  }
0xb1: {  	_ =	task.clear_ibuf [dreg:s6], $0x5FFFF;
	_ =	strace $0x9000004C  }
0xb2: {  	s29 =	simm.s32 $0x9;
	_ =	strace $0x8000004E  }
0xb3: {  	_ =	swait.ge [sflag:s29], $0x1  }
0xb4: {  	[sflag:s29] =	ssyncadd.s32 $0xFFFFFFFF  }
0xb5: {  	_ =	strace $0x9000004E  }
0xb6: {  	_ =	sfence  }
0xb7: {  	s30 =	sld [smem:$0x0];
	_ =	sdelay $0x2  }
0xb8: {  	s31 =	sshll.u32 s1, $0xD;
	s1 =	sshrl.u32 s1, $0x2  }
0xb9: {  	s3 =	sand.u32 $0x4000, s31;
	s1 =	sadd.s32 s1, s30  }
0xba: {  	s0 =	sor.u32 s3, s0;
	s1 =	sshll.u32 s1, $0x11  }
0xbb: {  	s0 =	sor.u32 s1, s0  }
0xbc: {  	s0 =	sadd.s32 $0x8F2B, s0  }
0xbd: {  	[sflag:s0] =	ssyncadd.remote.s32 $0x1  }
0xbe: {  	_ =	sfence.sel $0xFFFF  }
0xbf: {  	[dreg:$0x0] =	wrdreg $0xFFFFFFFF;
	(pc) =	sbr.abs _section_cstart, $3  }
0xc0: {  	[dreg:$0x1] =	wrdreg $0xFFFFFFFF  }
0xc1: {  	_ =	task.clear_ibuf [dreg:s6], $0x2FFFF;
	_ =	strace $0x9FFFFFFF  }
0xc2: {  	(tm) =	ssettm $0x7FFFFFFF  }
0xc3: {  	_ =	shalt  }
tec
execute0_lowered:
.L_overlay_start_1:
0x0: {  	(tag) =	ssettag $0x1  }
0x1: {  	s0 =	srdreg.scid;
	s1 =	rddreg [dreg:$0x0]  }
0x2: {  	s2 =	rddreg [dreg:$0x1];
	s11 =	stileid.u32  }
0x3: {  	s3 =	simm.s32 $0x0;
	s28 =	simm.s32 $0x7;
	s29 =	simm.s32 $0x80  }
0x4: {  	s30 =	simm.s32 $0x6A00;
	s31 =	simm.s32 $0x100;
	s0 =	sand.u32 $0x1, s0  }
0x5: {  	[smem:$0x7FF] =	sst s3;
	s6 =	smul.u32 $0x50000, s11;
	s5 =	sadd.s32 $0x5600, s1  }
0x6: {  	s26 =	smul.u32 $0x14000, s11;
	s4 =	sshll.u32 s0, $0x4;
	s9 =	ssub.s32 $0x2, s0  }
0x7: {  	_ =	strace $0x8000004D;
	s4 =	sor.u32 s11, s4;
	s10 =	sshrl.u32 s9, $0x1  }
0x8: {  	s6 =	sshrl.u32 s6, $0x2;
	s18 =	sadd.s32 $0x4000, s26;
	s11 =	smul.u32 $0x500, s11  }
0x9: {  	s21 =	sadd.s32 $0x8000, s26;
	s23 =	sadd.s32 $0xC000, s26;
	s7 =	smul.u32 $0x500, s4  }
0xa: {  	s4 =	sadd.s32 $0x19600, s1;
	s9 =	ssub.s32 s9, s10;
	s10 =	smul.u32 $0x140000, s0  }
0xb: {  	s6 =	sadd.s32 s6, s2;
	s19 =	sadd.s32 s18, s2;
	s0 =	smul.u32 $0x5000, s0  }
0xc: {  	s12 =	smax.u32 s9, $0x1;
	s13 =	sadd.s32 $0x4000, s6;
	[dreg:$0xc] =	wrdreg s19  }
0xd: {  	s14 =	sadd.s32 $0x8000, s6;
	s15 =	sadd.s32 $0xC000, s6;
	[dreg:$0x6] =	wrdreg s12  }
0xe: {  	s17 =	sadd.s32 $0x10000, s6;
	s9 =	simm.s32 $0x2;
	[dreg:$0x7] =	wrdreg s13  }
0xf: {  	s8 =	sadd.s32 s7, s1;
	s1 =	sadd.s32 $0x69600, s1;
	[dreg:$0x8] =	wrdreg s14  }
0x10: {  	s25 =	sadd.s32 s5, s7;
	[dreg:$0x9] =	wrdreg s15;
	s16 =	sadd.s32 s10, s26  }
0x11: {  	[dreg:$0xa] =	wrdreg s17;
	s20 =	sadd.s32 s10, s18;
	s22 =	sadd.s32 s10, s21  }
0x12: {  	s18 =	sadd.s32 s21, s2;
	s19 =	sadd.s32 s11, s0;
	s24 =	sadd.s32 s10, s23  }
0x13: {  	s7 =	sadd.s32 $0x10000, s26;
	s21 =	sadd.s32 s23, s2;
	s11 =	simm.s32 $0x3  }
0x14: {  	s12 =	simm.s32 $0x4;
	s13 =	simm.s32 $0x0;
	s8 =	sadd.s32 $0xF600, s8  }
0x15: {  	[dreg:$0x4] =	wrdreg s25;
	s0 =	sshrl.u32 s24, $0x3;
	s23 =	sadd.s32 s7, s2  }
0x16: {  	[dreg:$0x3] =	wrdreg s8;
	s8 =	sadd.s32 $0x10, s25;
	s25 =	sadd.s32 s10, s7  }
0x17: {  	s7 =	simm.s32 $0x180;
	s10 =	simm.s32 $0x6;
	[dreg:$0x5] =	wrdreg s8  }
.Ltmp0:
0x18: {  	s8 =	sshrl.u32 s16, $0x3;
	s26 =	sshrl.u32 s25, $0x3;
	(pc) =	sbr.rel .LBB2_1-.Ltmp0, $4  }
0x19: {  	s25 =	sadd.s32 s5, s19;
	s8 =	sadd.s32 s1, s8;
	s24 =	sadd.s32 s1, s26  }
0x1a: {  	s26 =	simm.s32 $0x2A00;
	[dreg:$0xb] =	wrdreg s8;
	s8 =	sshrl.u32 s20, $0x3  }
0x1b: {  	s17 =	sadd.s32 s1, s8;
	s8 =	sshrl.u32 s22, $0x3;
	s22 =	sadd.s32 s1, s0  }
0x1c: {  	v0 =	vimm.f32 $0.0e+00;
	s0 =	simm.s32 $0x1;
	s20 =	sadd.s32 s1, s8;
	s1 =	simm.s32 $0x5  }
.LBB2_6:
0x1d: {  	_ =	swait.ge [sflag:s0], $0x4000  }
0x1e: {  	[sflag:s0] =	ssyncset.done $0x0  }
0x1f: {  	s8 =	simm.s32 $0x2900;
	[sflag:s0] =	ssyncadd.s32 $0xFFFFC000  }
0x20: {  	[spmem:s2] =	stream.indirect.scatter.add.f32 [tilespmem:s26], [sflag:$0x7], $0x80, s8, s29, $0xb8;
	[tilespmem:$0x1EA00] =	vst v63  }
0x21: {  	_ =	swait.ge [sflag:s28], $0x4000  }
0x22: {  	[sflag:s28] =	ssyncset.done $0x0  }
0x23: {  	[sflag:s28] =	ssyncadd.s32 $0xFFFFC000  }
0x24: {  	_ =	swait.ge [sflag:s9], $0x4000  }
0x25: {  	[sflag:s9] =	ssyncset.done $0x0  }
0x26: {  	s16 =	simm.s32 $0x2980;
	[sflag:s9] =	ssyncadd.s32 $0xFFFFC000  }
0x27: {  	[spmem:s2] =	stream.indirect.scatter.add.f32 [tilespmem:s30], [sflag:$0x7], $0x80, s16, s29, $0xb8;
	[tilespmem:$0x1EA00] =	vst v63  }
0x28: {  	_ =	swait.ge [sflag:s28], $0x4000  }
0x29: {  	[sflag:s28] =	ssyncset.done $0x0  }
0x2a: {  	[sflag:s28] =	ssyncadd.s32 $0xFFFFC000  }
0x2b: {  	[bflag:$0x0] =	sbarrier.arrive $0xFFFF  }
0x2c: {  	[tilespmem:s26], [sflag:$0x7] =	stream.linear.gather [spmem:s6], $0x4000, $0x38;
	[tilespmem:$0x1EA00] =	vst v63  }
0x2d: {  	_ =	swait.ge [sflag:s28], $0x4000  }
0x2e: {  	[sflag:s28] =	ssyncset.done $0x0  }
0x2f: {  	s14 =	rddreg [dreg:$0xb];
	[sflag:s28] =	ssyncadd.s32 $0xFFFFC000  }
0x30: {  	[hbm4b:s14+s3] =	stream.linear.scatter [tilespmem:s26], [sflag:$0x7], $0x4000, $0x38;
	[tilespmem:$0x1EA00] =	vst v63  }
0x31: {  	_ =	swait.ge [sflag:s28], $0x4000  }
0x32: {  	[sflag:s28] =	ssyncset.done $0x0  }
0x33: {  	s15 =	rddreg [dreg:$0xc];
	[sflag:s28] =	ssyncadd.s32 $0xFFFFC000  }
0x34: {  	[tilespmem:s26], [sflag:$0x7] =	stream.linear.gather [spmem:s15], $0x4000, $0x38;
	[tilespmem:$0x1EA00] =	vst v63  }
0x35: {  	_ =	swait.ge [sflag:s28], $0x4000  }
0x36: {  	[sflag:s28] =	ssyncset.done $0x0  }
0x37: {  	[sflag:s28] =	ssyncadd.s32 $0xFFFFC000  }
0x38: {  	[hbm4b:s17+s3] =	stream.linear.scatter [tilespmem:s26], [sflag:$0x7], $0x4000, $0x38;
	[tilespmem:$0x1EA00] =	vst v63  }
0x39: {  	_ =	swait.ge [sflag:s28], $0x4000  }
0x3a: {  	[sflag:s28] =	ssyncset.done $0x0  }
0x3b: {  	[sflag:s28] =	ssyncadd.s32 $0xFFFFC000  }
0x3c: {  	[tilespmem:s26], [sflag:$0x7] =	stream.linear.gather [spmem:s18], $0x4000, $0x38;
	[tilespmem:$0x1EA00] =	vst v63  }
0x3d: {  	_ =	swait.ge [sflag:s28], $0x4000  }
0x3e: {  	[sflag:s28] =	ssyncset.done $0x0  }
0x3f: {  	[sflag:s28] =	ssyncadd.s32 $0xFFFFC000  }
0x40: {  	[hbm4b:s20+s3] =	stream.linear.scatter [tilespmem:s26], [sflag:$0x7], $0x4000, $0x38;
	[tilespmem:$0x1EA00] =	vst v63  }
0x41: {  	_ =	swait.ge [sflag:s28], $0x4000  }
0x42: {  	[sflag:s28] =	ssyncset.done $0x0  }
0x43: {  	[sflag:s28] =	ssyncadd.s32 $0xFFFFC000  }
0x44: {  	[tilespmem:s26], [sflag:$0x7] =	stream.linear.gather [spmem:s21], $0x4000, $0x38;
	[tilespmem:$0x1EA00] =	vst v63  }
0x45: {  	_ =	swait.ge [sflag:s28], $0x4000  }
0x46: {  	[sflag:s28] =	ssyncset.done $0x0  }
0x47: {  	[sflag:s28] =	ssyncadd.s32 $0xFFFFC000  }
0x48: {  	[hbm4b:s22+s3] =	stream.linear.scatter [tilespmem:s26], [sflag:$0x7], $0x4000, $0x38;
	[tilespmem:$0x1EA00] =	vst v63  }
0x49: {  	_ =	swait.ge [sflag:s28], $0x4000  }
0x4a: {  	[sflag:s28] =	ssyncset.done $0x0  }
0x4b: {  	[sflag:s28] =	ssyncadd.s32 $0xFFFFC000  }
0x4c: {  	[tilespmem:s26], [sflag:$0x7] =	stream.linear.gather [spmem:s23], $0x4000, $0x38;
	[tilespmem:$0x1EA00] =	vst v63  }
0x4d: {  	_ =	swait.ge [sflag:s28], $0x4000  }
0x4e: {  	[sflag:s28] =	ssyncset.done $0x0  }
0x4f: {  	[sflag:s28] =	ssyncadd.s32 $0xFFFFC000  }
0x50: {  	[hbm4b:s24+s3] =	stream.linear.scatter [tilespmem:s26], [sflag:$0x7], $0x4000, $0x38;
	[tilespmem:$0x1EA00] =	vst v63  }
0x51: {  	_ =	swait.ge [sflag:s28], $0x4000  }
0x52: {  	s13 =	sadd.s32 $0x1, s13;
	s16 =	rddreg [dreg:$0x6]  }
0x53: {  	p0 =	sne.s32 s13, s16  }
.Ltmp1:
0x54: {  	_ = 	snop;
	(pc) =	sbr.rel @!p0 .LBB2_7-.Ltmp1, $3  }
0x55: {  	_ =	sdelay $0x1  }
0x56: {  	[sflag:s28] =	ssyncset.done $0x0  }
0x57: {  	[sflag:s28] =	ssyncadd.s32 $0xFFFFC000  }
.LBB2_1:
0x58: {  	s8 =	sand.u32 $0xFE00, s3  }
0x59: {  	s14 =	sand.u32 $0x70, s3;
	s15 =	sshrl.u32 s8, $0x2  }
0x5a: {  	s8 =	simm.s32 $0x40;
	s15 =	sor.u32 s14, s15;
	s14 =	simm.s32 $0x0  }
.LBB2_2:
0x5b: {  	p0 =	sne.s32 s8, $0xFFC0  }
0x5c: {  	[tilespmem:s15+$0x2A00] =	vst v0;
	s14 =	sadd.s32 $0x10, s14;
	s15 =	smov.u32 s8;
	s8 =	sadd.s32 $0x40, s8  }
.Ltmp2:
0x5d: {  	(pc) =	sbr.rel @p0 .LBB2_2-.Ltmp2, $4  }
0x5e: {  	_ = 	snop  }
0x5f: {  	s15 =	sand.u32 $0xFE00, s15  }
0x60: {  	s16 =	sand.u32 $0x70, s14;
	s15 =	sshrl.u32 s15, $0x2  }
0x61: {  	s15 =	sor.u32 s16, s15  }
0x62: {  	[tilespmem:s15+$0x2A00] =	vst v0  }
0x63: {  	[spmem:s6] =	stream.linear.scatter [tilespmem:s26], [sflag:$0x7], $0x4000, $0x38;
	[tilespmem:$0x1EA00] =	vst v63  }
0x64: {  	_ =	swait.ge [sflag:s28], $0x4000  }
0x65: {  	[sflag:s28] =	ssyncset.done $0x0  }
0x66: {  	s8 =	rddreg [dreg:$0x7];
	[sflag:s28] =	ssyncadd.s32 $0xFFFFC000  }
0x67: {  	[spmem:s8] =	stream.linear.scatter [tilespmem:s26], [sflag:$0x7], $0x4000, $0x38;
	[tilespmem:$0x1EA00] =	vst v63  }
0x68: {  	_ =	swait.ge [sflag:s28], $0x4000  }
0x69: {  	[sflag:s28] =	ssyncset.done $0x0  }
0x6a: {  	s16 =	rddreg [dreg:$0x8];
	[sflag:s28] =	ssyncadd.s32 $0xFFFFC000  }
0x6b: {  	[spmem:s16] =	stream.linear.scatter [tilespmem:s26], [sflag:$0x7], $0x4000, $0x38;
	[tilespmem:$0x1EA00] =	vst v63  }
0x6c: {  	_ =	swait.ge [sflag:s28], $0x4000  }
0x6d: {  	[sflag:s28] =	ssyncset.done $0x0  }
0x6e: {  	s14 =	rddreg [dreg:$0x9];
	[sflag:s28] =	ssyncadd.s32 $0xFFFFC000  }
0x6f: {  	[spmem:s14] =	stream.linear.scatter [tilespmem:s26], [sflag:$0x7], $0x4000, $0x38;
	[tilespmem:$0x1EA00] =	vst v63  }
0x70: {  	_ =	swait.ge [sflag:s28], $0x4000  }
0x71: {  	[sflag:s28] =	ssyncset.done $0x0  }
0x72: {  	s15 =	rddreg [dreg:$0xa];
	[sflag:s28] =	ssyncadd.s32 $0xFFFFC000  }
0x73: {  	[spmem:s15] =	stream.linear.scatter [tilespmem:s26], [sflag:$0x7], $0x4000, $0x38;
	[tilespmem:$0x1EA00] =	vst v63  }
0x74: {  	_ =	swait.ge [sflag:s28], $0x4000  }
0x75: {  	s8 =	simm.s32 $0x0;
	[sflag:s28] =	ssyncset.done $0x0  }
0x76: {  	s14 =	simm.s32 $0x200;
	s16 =	rddreg [dreg:$0x3];
	[sflag:s28] =	ssyncadd.s32 $0xFFFFC000  }
0x77: {  	[tilespmem:s14], [sflag:$0x7] =	stream.linear.gather [hbm4b:s16+s8], $0x2800, $0x38;
	[tilespmem:$0x1EA00] =	vst v63  }
0x78: {  	_ =	swait.ge [sflag:s28], $0x2800  }
0x79: {  	[sflag:s28] =	ssyncset.done $0x0  }
0x7a: {  	s16 =	rddreg [dreg:$0x4];
	[sflag:s28] =	ssyncadd.s32 $0xFFFFD800  }
0x7b: {  	[tilespmem:s8], [sflag:$0x7] =	stream.linear.gather [hbm4b:s16+s8], $0x80, $0x38;
	[tilespmem:$0x1EA00] =	vst v63  }
0x7c: {  	_ =	swait.ge [sflag:s28], $0x80  }
0x7d: {  	[sflag:s28] =	ssyncset.done $0x0  }
0x7e: {  	s16 =	rddreg [dreg:$0x5];
	[sflag:s28] =	ssyncadd.s32 $0xFFFFFF80  }
0x7f: {  	[tilespmem:s29], [sflag:$0x7] =	stream.linear.gather [hbm4b:s16+s8], $0x80, $0x38;
	[tilespmem:$0x1EA00] =	vst v63  }
0x80: {  	_ =	swait.ge [sflag:s28], $0x80  }
0x81: {  	[sflag:s28] =	ssyncset.done $0x0  }
0x82: {  	[sflag:s28] =	ssyncadd.s32 $0xFFFFFF80  }
0x83: {  	[tilespmem:s26], [sflag:$0x1] =	stream.indirect.gather [hbm4b:s4+s29], $0x80, s8, s29, $0xb8;
	[tilespmem:$0x1EA00] =	vst v63  }
0x84: {  	_ = 	snop  }
0x85: {  	[tilespmem:s30], [sflag:$0x2] =	stream.indirect.gather [hbm4b:s4+s29], $0x80, s29, s29, $0xb8;
	[tilespmem:$0x1EA00] =	vst v63  }
0x86: {  	[bflag:$0x0] =	sbarrier.arrive $0xFFFF  }
.LBB2_4:
0x87: {  	s15 =	sadd.s32 s8, s19;
	s16 =	sand.u32 $0x40, s8  }
0x88: {  	s15 =	sand.u32 $0xFFFFF80, s15;
	s16 =	sadd.s32 s16, s5  }
0x89: {  	s15 =	sadd.s32 s15, s16  }
0x8a: {  	s16 =	sadd.s32 $0x20, s15  }
0x8b: {  	[tilespmem:s31], [sflag:$0x5] =	stream.linear.gather [hbm4b:s16+s3], $0x80, $0x38;
	[tilespmem:$0x1EA00] =	vst v63  }
0x8c: {  	_ =	swait.ge [sflag:s0], $0x4000  }
0x8d: {  	[sflag:s0] =	ssyncset.done $0x0  }
0x8e: {  	[sflag:s0] =	ssyncadd.s32 $0xFFFFC000  }
0x8f: {  	[spmem:s2] =	stream.indirect.scatter.add.f32 [tilespmem:s26], [sflag:$0x7], $0x80, s14, s29, $0xb8;
	[tilespmem:$0x1EA00] =	vst v63  }
0x90: {  	_ =	swait.ge [sflag:s28], $0x4000  }
0x91: {  	[sflag:s28] =	ssyncset.done $0x0  }
0x92: {  	[sflag:s28] =	ssyncadd.s32 $0xFFFFC000  }
0x93: {  	_ =	swait.ge [sflag:s1], $0x80  }
0x94: {  	[sflag:s1] =	ssyncset.done $0x0  }
0x95: {  	[sflag:s1] =	ssyncadd.s32 $0xFFFFFF80  }
0x96: {  	[tilespmem:s26], [sflag:$0x1] =	stream.indirect.gather [hbm4b:s4+s29], $0x80, s31, s29, $0xb8;
	[tilespmem:$0x1EA00] =	vst v63  }
0x97: {  	s15 =	sadd.s32 $0x30, s15  }
0x98: {  	[tilespmem:s7], [sflag:$0x6] =	stream.linear.gather [hbm4b:s15+s3], $0x80, $0x38;
	[tilespmem:$0x1EA00] =	vst v63  }
0x99: {  	_ =	swait.ge [sflag:s9], $0x4000  }
0x9a: {  	[sflag:s9] =	ssyncset.done $0x0  }
0x9b: {  	s16 =	sadd.s32 $0x80, s14;
	[sflag:s9] =	ssyncadd.s32 $0xFFFFC000  }
0x9c: {  	[spmem:s2] =	stream.indirect.scatter.add.f32 [tilespmem:s30], [sflag:$0x7], $0x80, s16, s29, $0xb8;
	[tilespmem:$0x1EA00] =	vst v63  }
0x9d: {  	_ =	swait.ge [sflag:s28], $0x4000  }
0x9e: {  	p0 =	seq.s32 s8, $0x4C0;
	[sflag:s28] =	ssyncset.done $0x0  }
.Ltmp3:
0x9f: {  	[sflag:s28] =	ssyncadd.s32 $0xFFFFC000;
	(pc) =	sbr.rel @p0 .LBB2_6-.Ltmp3, $4  }
0xa0: {  	_ =	swait.ge [sflag:s10], $0x80  }
0xa1: {  	[sflag:s10] =	ssyncset.done $0x0  }
0xa2: {  	[sflag:s10] =	ssyncadd.s32 $0xFFFFFF80  }
0xa3: {  	[tilespmem:s30], [sflag:$0x2] =	stream.indirect.gather [hbm4b:s4+s29], $0x80, s7, s29, $0xb8;
	[tilespmem:$0x1EA00] =	vst v63  }
0xa4: {  	s15 =	sadd.s32 s8, s25  }
0xa5: {  	s16 =	sadd.s32 $0x40, s15  }
0xa6: {  	[tilespmem:s3], [sflag:$0x3] =	stream.linear.gather [hbm4b:s16+s3], $0x80, $0x38;
	[tilespmem:$0x1EA00] =	vst v63  }
0xa7: {  	_ =	swait.ge [sflag:s0], $0x4000  }
0xa8: {  	[sflag:s0] =	ssyncset.done $0x0  }
0xa9: {  	s16 =	sadd.s32 $0x100, s14;
	[sflag:s0] =	ssyncadd.s32 $0xFFFFC000  }
0xaa: {  	[spmem:s2] =	stream.indirect.scatter.add.f32 [tilespmem:s26], [sflag:$0x7], $0x80, s16, s29, $0xb8;
	[tilespmem:$0x1EA00] =	vst v63  }
0xab: {  	_ =	swait.ge [sflag:s28], $0x4000  }
0xac: {  	[sflag:s28] =	ssyncset.done $0x0  }
0xad: {  	[sflag:s28] =	ssyncadd.s32 $0xFFFFC000  }
0xae: {  	_ =	swait.ge [sflag:s11], $0x80  }
0xaf: {  	[sflag:s11] =	ssyncset.done $0x0  }
0xb0: {  	[sflag:s11] =	ssyncadd.s32 $0xFFFFFF80  }
0xb1: {  	[tilespmem:s26], [sflag:$0x1] =	stream.indirect.gather [hbm4b:s4+s29], $0x80, s3, s29, $0xb8;
	[tilespmem:$0x1EA00] =	vst v63  }
0xb2: {  	s15 =	sadd.s32 $0x50, s15  }
0xb3: {  	[tilespmem:s29], [sflag:$0x4] =	stream.linear.gather [hbm4b:s15+s3], $0x80, $0x38;
	[tilespmem:$0x1EA00] =	vst v63  }
0xb4: {  	_ =	swait.ge [sflag:s9], $0x4000  }
0xb5: {  	[sflag:s9] =	ssyncset.done $0x0  }
0xb6: {  	s16 =	sadd.s32 $0x180, s14;
	[sflag:s9] =	ssyncadd.s32 $0xFFFFC000  }
0xb7: {  	[spmem:s2] =	stream.indirect.scatter.add.f32 [tilespmem:s30], [sflag:$0x7], $0x80, s16, s29, $0xb8;
	[tilespmem:$0x1EA00] =	vst v63  }
0xb8: {  	_ =	swait.ge [sflag:s28], $0x4000  }
0xb9: {  	[sflag:s28] =	ssyncset.done $0x0  }
.Ltmp4:
0xba: {  	[sflag:s28] =	ssyncadd.s32 $0xFFFFC000;
	(pc) =	sbr.rel .LBB2_4-.Ltmp4, $4  }
0xbb: {  	_ =	swait.ge [sflag:s12], $0x80  }
0xbc: {  	[sflag:s12] =	ssyncset.done $0x0  }
0xbd: {  	s8 =	sadd.s32 $0x40, s8;
	s14 =	sadd.s32 $0x200, s14;
	[sflag:s12] =	ssyncadd.s32 $0xFFFFFF80  }
0xbe: {  	[tilespmem:s30], [sflag:$0x2] =	stream.indirect.gather [hbm4b:s4+s29], $0x80, s29, s29, $0xb8;
	[tilespmem:$0x1EA00] =	vst v63  }
.LBB2_7:
0xbf: {  	_ =	sfence.sel $0x180000  }
0xc0: {  	[bflag:$0x0] =	sbarrier.arrive $0xFFFF  }
0xc1: {  	_ =	strace $0x9000004D  }
0xc2: {  	s0 =	stileid.u32;
	[bflag:$0x2] =	sbarrier.arrive $0xFFFF  }
0xc3: {  	p0 =	sne.s32 s0, $0x0;
	s0 =	rddreg [dreg:$0x2]  }
0xc4: {  	s0 =	sadd.s32 @!p0 $0x100000, s0  }
0xc5: {  	[sflag:s0] =	ssyncadd.tile.s32 @!p0 $0x1;
	_ =	shalt  }
.Lfunc_end2:
_tile_overlayer_lowered:
.L_overlay_start_2:
0xc6: {  	(tag) =	ssettag $0x2  }
0xc7: {  	s0 =	rddreg [dreg:$0x0];
	s2 =	stileid.u32  }
0xc8: {  	s1 =	rddreg [dreg:$0x1];
	p0 =	sne.s32 s2, $0x0  }
0xc9: {  	s3 =	rddreg [dreg:$0x2];
	[bflag:$0x3] =	sbarrier.arrive $0xFFFF;
	s2 =	simm.s32 @!p0 $0x1C07  }
0xca: {  	[timem:s3], [sflag:s2] =	dma.local @!p0 [hbm:s0], s1  }
0xcb: {  	s0 =	simm.s32 @!p0 $0x7  }
0xcc: {  	_ =	swait.ge @!p0 [sflag:s0], s1  }
0xcd: {  	s1 =	ssub.s32 @!p0 $0x0, s1;
	[sflag:s0] =	ssyncset.done @!p0 $0x0  }
0xce: {  	[sflag:s0] =	ssyncadd.s32 @!p0 s1  }
0xcf: {  	[bflag:$0x3] =	sbarrier.arrive $0xFFFF  }
0xd0: {  	_ =	shalt  }

// kernel: kernel.20.cloned.1.call-start
scs
__scs_entry_jumppad:
0x0: {  	(pc) =	sbr.rel $0x88, $3  }
0x1: {  	(tag) =	ssettag $0x0;
	lr =	simm.s32 $0x1  }
0x2: {  	[smem:$0x3F96] =	sst lr;
	_ =	strace $0xD0000000  }
0x3: {  	_ = 	snop  }
0x4: {  	_ = 	snop  }
0x5: {  	_ = 	snop  }
0x6: {  	_ = 	snop  }
0x7: {  	_ = 	snop  }
__scs_overlays_trampoline_lowered:
0x8: {  	[smem:$0x3FA5] =	sst s0  }
0x9: {  	[smem:$0x3FA6] =	sst s1  }
0xa: {  	[smem:$0x3FA7] =	sst s2  }
0xb: {  	[smem:$0x3FA8] =	sst s3  }
0xc: {  	[smem:$0x3FA9] =	sst s4  }
0xd: {  	[smem:$0x3FAA] =	sst s5  }
0xe: {  	[smem:$0x3FAB] =	sst s6  }
0xf: {  	[smem:$0x3FAC] =	sst s7  }
0x10: {  	[smem:$0x3FAD] =	sst s8  }
0x11: {  	[smem:$0x3FAE] =	sst s9;
	s0 =	simm.s32 @!p0 $0x0  }
0x12: {  	s1 =	sld [smem:$0x3F94];
	s0 =	simm.s32 @p0 $0x1  }
0x13: {  	[smem:$0x3FAF] =	sst s0;
	s0 =	simm.s32 @!p1 $0x0  }
0x14: {  	s2 =	sld [smem:$0x3F93];
	s0 =	simm.s32 @p1 $0x1  }
0x15: {  	[smem:$0x3FB0] =	sst s0;
	s0 =	simm.s32 @!p2 $0x0  }
0x16: {  	s3 =	sld [smem:$0x3FDB];
	s0 =	simm.s32 @p2 $0x1  }
0x17: {  	s4 =	simm.s32 $0x1BF5;
	[smem:$0x3FB2] =	sst s0  }
0x18: {  	s0 =	sld [smem:$0x3F95];
	_ =	swait.ge [sflag:s4], $0x0  }
0x19: {  	s7 =	sld [smem:$0x3F96]  }
0x1a: {  	s8 =	sadd.s32 $0xFFFFE003, lr  }
0x1b: {  	s9 =	sadd.s32 $0xFFFFFEF7, lr;
	s5 =	simm.s32 $0xFFFFFFFF;
	p2 =	slt.u32 s8, $0xFFFFF086  }
0x1c: {  	p1 =	slt.u32 s9, $0xF7A;
	s5 =	simm.s32 @!p2 $0x0  }
0x1d: {  	s5 =	simm.s32 @p1 $0x1;
	p0 =	seq.s32 s7, s2  }
0x1e: {  	s7 =	smul.u32 @!p0 $0xF7A, s2;
	p2 =	seq.s32 @!p0 s5, $0x0  }
0x1f: {  	s9 =	smul.u32 $0xF7A, s1;
	s8 =	simm.s32 @!p0 $0x1BF5;
	p2 =	por !p2, p0  }
0x20: {  	[sflag:s8] =	ssyncset.s32 @!p0 $0xFFFFF086;
	s6 =	sadd.s32 @!p0 s3, s7;
	s7 =	simm.s32 @!p0 $0x108  }
0x21: {  	s3 =	sadd.s32 s3, s9;
	s6 =	sadd.s32 @!p0 $0x88, s6;
	s7 =	simm.s32 @p2 $0x1082  }
0x22: {  	[simem:s7], [sflag:s8] =	dma.local @!p0 [hbm:s6], $0xF7A  }
0x23: {  	s9 =	sor.u32 $0xD0000000, s2;
	s6 =	simm.s32 $0x108;
	_ =	swait.ge @!p0 [sflag:s8], $0x0  }
0x24: {  	s3 =	sadd.s32 $0x88, s3;
	s6 =	simm.s32 @!p1 $0x1082;
	[sflag:s4] =	ssyncset.s32 $0xFFFFF086  }
0x25: {  	[simem:s6], [sflag:s4] =	dma.local [hbm:s3], $0xF7A  }
0x26: {  	[smem:$0x3F96] =	sst s1;
	(tag) =	ssettag s2;
	_ =	strace s9  }
0x27: {  	s1 =	sld [smem:$0x3FA6]  }
0x28: {  	s2 =	sld [smem:$0x3FA7]  }
0x29: {  	s4 =	sld [smem:$0x3FA9]  }
0x2a: {  	p0 =	seq.s32 s5, $0x0;
	s5 =	sld [smem:$0x3FAA]  }
0x2b: {  	s6 =	sld [smem:$0x3FAB]  }
0x2c: {  	s7 =	sld [smem:$0x3FAC]  }
0x2d: {  	s3 =	simm.s32 $0x108;
	s8 =	sld [smem:$0x3FAD]  }
0x2e: {  	s3 =	simm.s32 @!p0 $0x1082;
	s9 =	sld [smem:$0x3FAE]  }
0x2f: {  	lr =	sadd.s32 s0, s3;
	s0 =	sld [smem:$0x3FA5]  }
0x30: {  	s3 =	sld [smem:$0x3FA8]  }
0x31: {  	[smem:$0x3FB1] =	sst s10  }
0x32: {  	s10 =	sld [smem:$0x3FAF];
	_ =	sdelay $0x3  }
0x33: {  	p0 =	seq.s32 s10, $0x1;
	s10 =	sld [smem:$0x3FB1];
	_ =	sdelay $0x3  }
0x34: {  	[smem:$0x3FB1] =	sst s10  }
0x35: {  	s10 =	sld [smem:$0x3FB0];
	_ =	sdelay $0x3  }
0x36: {  	p1 =	seq.s32 s10, $0x1;
	s10 =	sld [smem:$0x3FB1];
	_ =	sdelay $0x3  }
0x37: {  	[smem:$0x3FB1] =	sst s10  }
0x38: {  	s10 =	sld [smem:$0x3FB2]  }
0x39: {  	_ = 	snop;
	(pc) =	sbr.ind lr, $3  }
0x3a: {  	_ = 	snop  }
0x3b: {  	_ = 	snop  }
0x3c: {  	p2 =	seq.s32 s10, $0x1;
	s10 =	sld [smem:$0x3FB1]  }
0x3d: {  	_ =	shalt  }
0x3e: {  	_ =	shalt  }
0x3f: {  	_ =	shalt  }
0x40: {  	_ =	shalt  }
0x41: {  	_ =	shalt  }
0x42: {  	_ =	shalt  }
0x43: {  	_ =	shalt  }
0x44: {  	_ =	shalt  }
0x45: {  	_ =	shalt  }
0x46: {  	_ =	shalt  }
0x47: {  	_ =	shalt  }
0x48: {  	_ =	shalt  }
0x49: {  	_ =	shalt  }
0x4a: {  	_ =	shalt  }
0x4b: {  	_ =	shalt  }
0x4c: {  	_ =	shalt  }
0x4d: {  	_ =	shalt  }
0x4e: {  	_ =	shalt  }
0x4f: {  	_ =	shalt  }
0x50: {  	_ =	shalt  }
0x51: {  	_ =	shalt  }
0x52: {  	_ =	shalt  }
0x53: {  	_ =	shalt  }
0x54: {  	_ =	shalt  }
0x55: {  	_ =	shalt  }
0x56: {  	_ =	shalt  }
0x57: {  	_ =	shalt  }
0x58: {  	_ =	shalt  }
0x59: {  	_ =	shalt  }
0x5a: {  	_ =	shalt  }
0x5b: {  	_ =	shalt  }
0x5c: {  	_ =	shalt  }
0x5d: {  	_ =	shalt  }
0x5e: {  	_ =	shalt  }
0x5f: {  	_ =	shalt  }
0x60: {  	_ =	shalt  }
0x61: {  	_ =	shalt  }
0x62: {  	_ =	shalt  }
0x63: {  	_ =	shalt  }
0x64: {  	_ =	shalt  }
0x65: {  	_ =	shalt  }
0x66: {  	_ =	shalt  }
0x67: {  	_ =	shalt  }
0x68: {  	_ =	shalt  }
0x69: {  	_ =	shalt  }
0x6a: {  	_ =	shalt  }
0x6b: {  	_ =	shalt  }
0x6c: {  	_ =	shalt  }
0x6d: {  	_ =	shalt  }
0x6e: {  	_ =	shalt  }
0x6f: {  	_ =	shalt  }
0x70: {  	_ =	shalt  }
0x71: {  	_ =	shalt  }
0x72: {  	_ =	shalt  }
0x73: {  	_ =	shalt  }
0x74: {  	_ =	shalt  }
0x75: {  	_ =	shalt  }
0x76: {  	_ =	shalt  }
0x77: {  	_ =	shalt  }
0x78: {  	_ =	shalt  }
0x79: {  	_ =	shalt  }
0x7a: {  	_ =	shalt  }
0x7b: {  	_ =	shalt  }
0x7c: {  	_ =	shalt  }
0x7d: {  	_ =	shalt  }
0x7e: {  	_ =	shalt  }
0x7f: {  	_ =	shalt  }
0x80: {  	_ =	shalt  }
0x81: {  	_ =	shalt  }
0x82: {  	_ =	shalt  }
0x83: {  	_ =	shalt  }
0x84: {  	_ =	shalt  }
0x85: {  	_ =	shalt  }
0x86: {  	_ =	shalt  }
0x87: {  	_ =	shalt  }
.Lfunc_end0:
.L_simem_size_0:
called_computation.3_lowered:
.L_overlay_start_0:
0x88: {  	s2 =	sld [smem:$0x3FD9]  }
0x89: {  	s3 =	sld [smem:$0x3FFE];
	_ =	sdelay $0x1  }
0x8a: {  	s1 =	srdreg.scid  }
0x8b: {  	s0 =	sand.u32 $0x1, s1  }
0x8c: {  	s16 =	sshll.u32 s0, $0xA;
	s2 =	sadd.s32 s3, s2  }
0x8d: {  	s2 =	sadd.s32 s2, s16  }
0x8e: {  	[smem:$0x3FBD] =	sst s2  }
0x8f: {  	_ = 	snop  }
0x90: {  	(tm) =	ssettm $0x1  }
0x91: {  	s17 =	sld [smem:$0x3FFB];
	_ =	sdelay $0x3  }
0x92: {  	_ =	strace s17  }
0x93: {  	s2 =	sld [smem:$0x3FFC];
	_ =	sdelay $0x3  }
0x94: {  	_ =	strace s2  }
0x95: {  	s2 =	sld [smem:$0x3FFD];
	_ =	sdelay $0x3  }
0x96: {  	_ =	strace s2  }
0x97: {  	_ =	strace $0x8FFFFFFF  }
0x98: {  	s18 =	sld [smem:$0x3FDB];
	_ =	sdelay $0x1  }
0x99: {  	s19 =	simm.s32 $_scs_section_size  }
0x9a: {  	s4 =	simm.s32 $_size__tile_overlayer_lowered;
	s5 =	simm.s32 $_tile_overlayer_lowered  }
0x9b: {  	s22 =	simm.s32 $0x1BFF;
	s21 =	sshll.u32 s5, $0x1;
	s2 =	sadd.s32 s19, s18  }
0x9c: {  	s6 =	simm.s32 $0x0;
	s20 =	sshll.u32 s4, $0x1;
	s4 =	sadd.s32 s21, s2  }
0x9d: {  	[timem:s6], [sflag:s22] =	dma.local [hbm:s4], s20  }
0x9e: {  	_ =	swait.ge [sflag:s22], s20  }
0x9f: {  	s3 =	ssub.s32 $0x0, s20;
	[sflag:s22] =	ssyncset.done $0x0  }
0xa0: {  	[sflag:s22] =	ssyncadd.s32 s3;
	_ =	sdelay $0x1  }
0xa1: {  	s23 =	simm.s32 $0x1B8B  }
0xa2: {  	_ =	swait.ge [sflag:s23], $0x1  }
0xa3: {  	[sflag:s23] =	ssyncset.done $0x0  }
0xa4: {  	s25 =	simm.s32 $0x1B8E;
	s24 =	sld [smem:$0x3FFE];
	[sflag:s23] =	ssyncadd.s32 $0xFFFFFFFF  }
0xa5: {  	s26 =	simm.s32 $execute0_lowered;
	[smem:$0x3FD2] =	sst s25  }
0xa6: {  	s4 =	sshll.u32 s26, $0x1;
	_ =	strace $0x8000004F;
	[dreg:$0x1] =	wrdreg $0xFFFFFFFF  }
0xa7: {  	s28 =	simm.s32 $_size_execute0_lowered;
	s2 =	sadd.s32 s2, s4;
	[dreg:$0x0] =	wrdreg $0x0  }
0xa8: {  	s4 =	sshll.u32 s28, $0x1;
	[dreg:$0x2] =	wrdreg s2  }
0xa9: {  	[dreg:$0x3] =	wrdreg s4  }
0xaa: {  	[dreg:$0x4] =	wrdreg $0xC0  }
0xab: {  	_ =	task [dreg:s6], $0x5FFFF  }
0xac: {  	[dreg:$0x1] =	wrdreg $0xFFFFFFFF  }
0xad: {  	[dreg:$0x0] =	wrdreg $0x60  }
0xae: {  	[dreg:$0x2] =	wrdreg s24  }
0xaf: {  	[dreg:$0x3] =	wrdreg $0xAA000  }
0xb0: {  	[dreg:$0x4] =	wrdreg $0x9  }
0xb1: {  	_ =	task.clear_ibuf [dreg:s6], $0x5FFFF;
	_ =	strace $0x9000004F  }
0xb2: {  	s29 =	simm.s32 $0x9;
	_ =	strace $0x80000051  }
0xb3: {  	_ =	swait.ge [sflag:s29], $0x1  }
0xb4: {  	[sflag:s29] =	ssyncadd.s32 $0xFFFFFFFF  }
0xb5: {  	_ =	strace $0x90000051  }
0xb6: {  	_ =	sfence  }
0xb7: {  	s30 =	sld [smem:$0x0];
	_ =	sdelay $0x2  }
0xb8: {  	s31 =	sshll.u32 s1, $0xD;
	s1 =	sshrl.u32 s1, $0x2  }
0xb9: {  	s3 =	sand.u32 $0x4000, s31;
	s1 =	sadd.s32 s1, s30  }
0xba: {  	s0 =	sor.u32 s3, s0;
	s1 =	sshll.u32 s1, $0x11  }
0xbb: {  	s0 =	sor.u32 s1, s0  }
0xbc: {  	s0 =	sadd.s32 $0x8F2B, s0  }
0xbd: {  	[sflag:s0] =	ssyncadd.remote.s32 $0x1  }
0xbe: {  	_ =	sfence.sel $0xFFFF  }
0xbf: {  	[dreg:$0x0] =	wrdreg $0xFFFFFFFF;
	(pc) =	sbr.abs _section_cstart, $3  }
0xc0: {  	[dreg:$0x1] =	wrdreg $0xFFFFFFFF  }
0xc1: {  	_ =	task.clear_ibuf [dreg:s6], $0x2FFFF;
	_ =	strace $0x9FFFFFFF  }
0xc2: {  	(tm) =	ssettm $0x7FFFFFFF  }
0xc3: {  	_ =	shalt  }
tec
execute0_lowered:
.L_overlay_start_1:
0x0: {  	(tag) =	ssettag $0x1  }
0x1: {  	s0 =	srdreg.scid;
	s1 =	rddreg [dreg:$0x0]  }
0x2: {  	s2 =	rddreg [dreg:$0x1];
	s11 =	stileid.u32  }
0x3: {  	s3 =	simm.s32 $0x0;
	s28 =	simm.s32 $0x7;
	s29 =	simm.s32 $0x80  }
0x4: {  	s30 =	simm.s32 $0x6A00;
	s31 =	simm.s32 $0x100;
	s0 =	sand.u32 $0x1, s0  }
0x5: {  	[smem:$0x7FF] =	sst s3;
	s6 =	smul.u32 $0x50000, s11;
	s5 =	sadd.s32 $0x5600, s1  }
0x6: {  	s26 =	smul.u32 $0x14000, s11;
	s4 =	sshll.u32 s0, $0x4;
	s9 =	ssub.s32 $0x2, s0  }
0x7: {  	_ =	strace $0x80000050;
	s4 =	sor.u32 s11, s4;
	s10 =	sshrl.u32 s9, $0x1  }
0x8: {  	s6 =	sshrl.u32 s6, $0x2;
	s18 =	sadd.s32 $0x4000, s26;
	s11 =	smul.u32 $0x500, s11  }
0x9: {  	s21 =	sadd.s32 $0x8000, s26;
	s23 =	sadd.s32 $0xC000, s26;
	s7 =	smul.u32 $0x500, s4  }
0xa: {  	s4 =	sadd.s32 $0x19600, s1;
	s9 =	ssub.s32 s9, s10;
	s10 =	smul.u32 $0x140000, s0  }
0xb: {  	s6 =	sadd.s32 s6, s2;
	s19 =	sadd.s32 s18, s2;
	s0 =	smul.u32 $0x5000, s0  }
0xc: {  	s12 =	smax.u32 s9, $0x1;
	s13 =	sadd.s32 $0x4000, s6;
	[dreg:$0xc] =	wrdreg s19  }
0xd: {  	s14 =	sadd.s32 $0x8000, s6;
	s15 =	sadd.s32 $0xC000, s6;
	[dreg:$0x6] =	wrdreg s12  }
0xe: {  	s17 =	sadd.s32 $0x10000, s6;
	s9 =	simm.s32 $0x2;
	[dreg:$0x7] =	wrdreg s13  }
0xf: {  	s8 =	sadd.s32 s7, s1;
	s1 =	sadd.s32 $0x69600, s1;
	[dreg:$0x8] =	wrdreg s14  }
0x10: {  	s25 =	sadd.s32 s5, s7;
	[dreg:$0x9] =	wrdreg s15;
	s16 =	sadd.s32 s10, s26  }
0x11: {  	[dreg:$0xa] =	wrdreg s17;
	s20 =	sadd.s32 s10, s18;
	s22 =	sadd.s32 s10, s21  }
0x12: {  	s18 =	sadd.s32 s21, s2;
	s19 =	sadd.s32 s11, s0;
	s24 =	sadd.s32 s10, s23  }
0x13: {  	s7 =	sadd.s32 $0x10000, s26;
	s21 =	sadd.s32 s23, s2;
	s11 =	simm.s32 $0x3  }
0x14: {  	s12 =	simm.s32 $0x4;
	s13 =	simm.s32 $0x0;
	s8 =	sadd.s32 $0xF600, s8  }
0x15: {  	[dreg:$0x4] =	wrdreg s25;
	s0 =	sshrl.u32 s24, $0x3;
	s23 =	sadd.s32 s7, s2  }
0x16: {  	[dreg:$0x3] =	wrdreg s8;
	s8 =	sadd.s32 $0x10, s25;
	s25 =	sadd.s32 s10, s7  }
0x17: {  	s7 =	simm.s32 $0x180;
	s10 =	simm.s32 $0x6;
	[dreg:$0x5] =	wrdreg s8  }
.Ltmp0:
0x18: {  	s8 =	sshrl.u32 s16, $0x3;
	s26 =	sshrl.u32 s25, $0x3;
	(pc) =	sbr.rel .LBB2_1-.Ltmp0, $4  }
0x19: {  	s25 =	sadd.s32 s5, s19;
	s8 =	sadd.s32 s1, s8;
	s24 =	sadd.s32 s1, s26  }
0x1a: {  	s26 =	simm.s32 $0x2A00;
	[dreg:$0xb] =	wrdreg s8;
	s8 =	sshrl.u32 s20, $0x3  }
0x1b: {  	s17 =	sadd.s32 s1, s8;
	s8 =	sshrl.u32 s22, $0x3;
	s22 =	sadd.s32 s1, s0  }
0x1c: {  	v0 =	vimm.f32 $0.0e+00;
	s0 =	simm.s32 $0x1;
	s20 =	sadd.s32 s1, s8;
	s1 =	simm.s32 $0x5  }
.LBB2_6:
0x1d: {  	_ =	swait.ge [sflag:s0], $0x4000  }
0x1e: {  	[sflag:s0] =	ssyncset.done $0x0  }
0x1f: {  	s8 =	simm.s32 $0x2900;
	[sflag:s0] =	ssyncadd.s32 $0xFFFFC000  }
0x20: {  	[spmem:s2] =	stream.indirect.scatter.add.f32 [tilespmem:s26], [sflag:$0x7], $0x80, s8, s29, $0xb8;
	[tilespmem:$0x1EA00] =	vst v63  }
0x21: {  	_ =	swait.ge [sflag:s28], $0x4000  }
0x22: {  	[sflag:s28] =	ssyncset.done $0x0  }
0x23: {  	[sflag:s28] =	ssyncadd.s32 $0xFFFFC000  }
0x24: {  	_ =	swait.ge [sflag:s9], $0x4000  }
0x25: {  	[sflag:s9] =	ssyncset.done $0x0  }
0x26: {  	s16 =	simm.s32 $0x2980;
	[sflag:s9] =	ssyncadd.s32 $0xFFFFC000  }
0x27: {  	[spmem:s2] =	stream.indirect.scatter.add.f32 [tilespmem:s30], [sflag:$0x7], $0x80, s16, s29, $0xb8;
	[tilespmem:$0x1EA00] =	vst v63  }
0x28: {  	_ =	swait.ge [sflag:s28], $0x4000  }
0x29: {  	[sflag:s28] =	ssyncset.done $0x0  }
0x2a: {  	[sflag:s28] =	ssyncadd.s32 $0xFFFFC000  }
0x2b: {  	[bflag:$0x0] =	sbarrier.arrive $0xFFFF  }
0x2c: {  	[tilespmem:s26], [sflag:$0x7] =	stream.linear.gather [spmem:s6], $0x4000, $0x38;
	[tilespmem:$0x1EA00] =	vst v63  }
0x2d: {  	_ =	swait.ge [sflag:s28], $0x4000  }
0x2e: {  	[sflag:s28] =	ssyncset.done $0x0  }
0x2f: {  	s14 =	rddreg [dreg:$0xb];
	[sflag:s28] =	ssyncadd.s32 $0xFFFFC000  }
0x30: {  	[hbm4b:s14+s3] =	stream.linear.scatter [tilespmem:s26], [sflag:$0x7], $0x4000, $0x38;
	[tilespmem:$0x1EA00] =	vst v63  }
0x31: {  	_ =	swait.ge [sflag:s28], $0x4000  }
0x32: {  	[sflag:s28] =	ssyncset.done $0x0  }
0x33: {  	s15 =	rddreg [dreg:$0xc];
	[sflag:s28] =	ssyncadd.s32 $0xFFFFC000  }
0x34: {  	[tilespmem:s26], [sflag:$0x7] =	stream.linear.gather [spmem:s15], $0x4000, $0x38;
	[tilespmem:$0x1EA00] =	vst v63  }
0x35: {  	_ =	swait.ge [sflag:s28], $0x4000  }
0x36: {  	[sflag:s28] =	ssyncset.done $0x0  }
0x37: {  	[sflag:s28] =	ssyncadd.s32 $0xFFFFC000  }
0x38: {  	[hbm4b:s17+s3] =	stream.linear.scatter [tilespmem:s26], [sflag:$0x7], $0x4000, $0x38;
	[tilespmem:$0x1EA00] =	vst v63  }
0x39: {  	_ =	swait.ge [sflag:s28], $0x4000  }
0x3a: {  	[sflag:s28] =	ssyncset.done $0x0  }
0x3b: {  	[sflag:s28] =	ssyncadd.s32 $0xFFFFC000  }
0x3c: {  	[tilespmem:s26], [sflag:$0x7] =	stream.linear.gather [spmem:s18], $0x4000, $0x38;
	[tilespmem:$0x1EA00] =	vst v63  }
0x3d: {  	_ =	swait.ge [sflag:s28], $0x4000  }
0x3e: {  	[sflag:s28] =	ssyncset.done $0x0  }
0x3f: {  	[sflag:s28] =	ssyncadd.s32 $0xFFFFC000  }
0x40: {  	[hbm4b:s20+s3] =	stream.linear.scatter [tilespmem:s26], [sflag:$0x7], $0x4000, $0x38;
	[tilespmem:$0x1EA00] =	vst v63  }
0x41: {  	_ =	swait.ge [sflag:s28], $0x4000  }
0x42: {  	[sflag:s28] =	ssyncset.done $0x0  }
0x43: {  	[sflag:s28] =	ssyncadd.s32 $0xFFFFC000  }
0x44: {  	[tilespmem:s26], [sflag:$0x7] =	stream.linear.gather [spmem:s21], $0x4000, $0x38;
	[tilespmem:$0x1EA00] =	vst v63  }
0x45: {  	_ =	swait.ge [sflag:s28], $0x4000  }
0x46: {  	[sflag:s28] =	ssyncset.done $0x0  }
0x47: {  	[sflag:s28] =	ssyncadd.s32 $0xFFFFC000  }
0x48: {  	[hbm4b:s22+s3] =	stream.linear.scatter [tilespmem:s26], [sflag:$0x7], $0x4000, $0x38;
	[tilespmem:$0x1EA00] =	vst v63  }
0x49: {  	_ =	swait.ge [sflag:s28], $0x4000  }
0x4a: {  	[sflag:s28] =	ssyncset.done $0x0  }
0x4b: {  	[sflag:s28] =	ssyncadd.s32 $0xFFFFC000  }
0x4c: {  	[tilespmem:s26], [sflag:$0x7] =	stream.linear.gather [spmem:s23], $0x4000, $0x38;
	[tilespmem:$0x1EA00] =	vst v63  }
0x4d: {  	_ =	swait.ge [sflag:s28], $0x4000  }
0x4e: {  	[sflag:s28] =	ssyncset.done $0x0  }
0x4f: {  	[sflag:s28] =	ssyncadd.s32 $0xFFFFC000  }
0x50: {  	[hbm4b:s24+s3] =	stream.linear.scatter [tilespmem:s26], [sflag:$0x7], $0x4000, $0x38;
	[tilespmem:$0x1EA00] =	vst v63  }
0x51: {  	_ =	swait.ge [sflag:s28], $0x4000  }
0x52: {  	s13 =	sadd.s32 $0x1, s13;
	s16 =	rddreg [dreg:$0x6]  }
0x53: {  	p0 =	sne.s32 s13, s16  }
.Ltmp1:
0x54: {  	_ = 	snop;
	(pc) =	sbr.rel @!p0 .LBB2_7-.Ltmp1, $3  }
0x55: {  	_ =	sdelay $0x1  }
0x56: {  	[sflag:s28] =	ssyncset.done $0x0  }
0x57: {  	[sflag:s28] =	ssyncadd.s32 $0xFFFFC000  }
.LBB2_1:
0x58: {  	s8 =	sand.u32 $0xFE00, s3  }
0x59: {  	s14 =	sand.u32 $0x70, s3;
	s15 =	sshrl.u32 s8, $0x2  }
0x5a: {  	s8 =	simm.s32 $0x40;
	s15 =	sor.u32 s14, s15;
	s14 =	simm.s32 $0x0  }
.LBB2_2:
0x5b: {  	p0 =	sne.s32 s8, $0xFFC0  }
0x5c: {  	[tilespmem:s15+$0x2A00] =	vst v0;
	s14 =	sadd.s32 $0x10, s14;
	s15 =	smov.u32 s8;
	s8 =	sadd.s32 $0x40, s8  }
.Ltmp2:
0x5d: {  	(pc) =	sbr.rel @p0 .LBB2_2-.Ltmp2, $4  }
0x5e: {  	_ = 	snop  }
0x5f: {  	s15 =	sand.u32 $0xFE00, s15  }
0x60: {  	s16 =	sand.u32 $0x70, s14;
	s15 =	sshrl.u32 s15, $0x2  }
0x61: {  	s15 =	sor.u32 s16, s15  }
0x62: {  	[tilespmem:s15+$0x2A00] =	vst v0  }
0x63: {  	[spmem:s6] =	stream.linear.scatter [tilespmem:s26], [sflag:$0x7], $0x4000, $0x38;
	[tilespmem:$0x1EA00] =	vst v63  }
0x64: {  	_ =	swait.ge [sflag:s28], $0x4000  }
0x65: {  	[sflag:s28] =	ssyncset.done $0x0  }
0x66: {  	s8 =	rddreg [dreg:$0x7];
	[sflag:s28] =	ssyncadd.s32 $0xFFFFC000  }
0x67: {  	[spmem:s8] =	stream.linear.scatter [tilespmem:s26], [sflag:$0x7], $0x4000, $0x38;
	[tilespmem:$0x1EA00] =	vst v63  }
0x68: {  	_ =	swait.ge [sflag:s28], $0x4000  }
0x69: {  	[sflag:s28] =	ssyncset.done $0x0  }
0x6a: {  	s16 =	rddreg [dreg:$0x8];
	[sflag:s28] =	ssyncadd.s32 $0xFFFFC000  }
0x6b: {  	[spmem:s16] =	stream.linear.scatter [tilespmem:s26], [sflag:$0x7], $0x4000, $0x38;
	[tilespmem:$0x1EA00] =	vst v63  }
0x6c: {  	_ =	swait.ge [sflag:s28], $0x4000  }
0x6d: {  	[sflag:s28] =	ssyncset.done $0x0  }
0x6e: {  	s14 =	rddreg [dreg:$0x9];
	[sflag:s28] =	ssyncadd.s32 $0xFFFFC000  }
0x6f: {  	[spmem:s14] =	stream.linear.scatter [tilespmem:s26], [sflag:$0x7], $0x4000, $0x38;
	[tilespmem:$0x1EA00] =	vst v63  }
0x70: {  	_ =	swait.ge [sflag:s28], $0x4000  }
0x71: {  	[sflag:s28] =	ssyncset.done $0x0  }
0x72: {  	s15 =	rddreg [dreg:$0xa];
	[sflag:s28] =	ssyncadd.s32 $0xFFFFC000  }
0x73: {  	[spmem:s15] =	stream.linear.scatter [tilespmem:s26], [sflag:$0x7], $0x4000, $0x38;
	[tilespmem:$0x1EA00] =	vst v63  }
0x74: {  	_ =	swait.ge [sflag:s28], $0x4000  }
0x75: {  	s8 =	simm.s32 $0x0;
	[sflag:s28] =	ssyncset.done $0x0  }
0x76: {  	s14 =	simm.s32 $0x200;
	s16 =	rddreg [dreg:$0x3];
	[sflag:s28] =	ssyncadd.s32 $0xFFFFC000  }
0x77: {  	[tilespmem:s14], [sflag:$0x7] =	stream.linear.gather [hbm4b:s16+s8], $0x2800, $0x38;
	[tilespmem:$0x1EA00] =	vst v63  }
0x78: {  	_ =	swait.ge [sflag:s28], $0x2800  }
0x79: {  	[sflag:s28] =	ssyncset.done $0x0  }
0x7a: {  	s16 =	rddreg [dreg:$0x4];
	[sflag:s28] =	ssyncadd.s32 $0xFFFFD800  }
0x7b: {  	[tilespmem:s8], [sflag:$0x7] =	stream.linear.gather [hbm4b:s16+s8], $0x80, $0x38;
	[tilespmem:$0x1EA00] =	vst v63  }
0x7c: {  	_ =	swait.ge [sflag:s28], $0x80  }
0x7d: {  	[sflag:s28] =	ssyncset.done $0x0  }
0x7e: {  	s16 =	rddreg [dreg:$0x5];
	[sflag:s28] =	ssyncadd.s32 $0xFFFFFF80  }
0x7f: {  	[tilespmem:s29], [sflag:$0x7] =	stream.linear.gather [hbm4b:s16+s8], $0x80, $0x38;
	[tilespmem:$0x1EA00] =	vst v63  }
0x80: {  	_ =	swait.ge [sflag:s28], $0x80  }
0x81: {  	[sflag:s28] =	ssyncset.done $0x0  }
0x82: {  	[sflag:s28] =	ssyncadd.s32 $0xFFFFFF80  }
0x83: {  	[tilespmem:s26], [sflag:$0x1] =	stream.indirect.gather [hbm4b:s4+s29], $0x80, s8, s29, $0xb8;
	[tilespmem:$0x1EA00] =	vst v63  }
0x84: {  	_ = 	snop  }
0x85: {  	[tilespmem:s30], [sflag:$0x2] =	stream.indirect.gather [hbm4b:s4+s29], $0x80, s29, s29, $0xb8;
	[tilespmem:$0x1EA00] =	vst v63  }
0x86: {  	[bflag:$0x0] =	sbarrier.arrive $0xFFFF  }
.LBB2_4:
0x87: {  	s15 =	sadd.s32 s8, s19;
	s16 =	sand.u32 $0x40, s8  }
0x88: {  	s15 =	sand.u32 $0xFFFFF80, s15;
	s16 =	sadd.s32 s16, s5  }
0x89: {  	s15 =	sadd.s32 s15, s16  }
0x8a: {  	s16 =	sadd.s32 $0x20, s15  }
0x8b: {  	[tilespmem:s31], [sflag:$0x5] =	stream.linear.gather [hbm4b:s16+s3], $0x80, $0x38;
	[tilespmem:$0x1EA00] =	vst v63  }
0x8c: {  	_ =	swait.ge [sflag:s0], $0x4000  }
0x8d: {  	[sflag:s0] =	ssyncset.done $0x0  }
0x8e: {  	[sflag:s0] =	ssyncadd.s32 $0xFFFFC000  }
0x8f: {  	[spmem:s2] =	stream.indirect.scatter.add.f32 [tilespmem:s26], [sflag:$0x7], $0x80, s14, s29, $0xb8;
	[tilespmem:$0x1EA00] =	vst v63  }
0x90: {  	_ =	swait.ge [sflag:s28], $0x4000  }
0x91: {  	[sflag:s28] =	ssyncset.done $0x0  }
0x92: {  	[sflag:s28] =	ssyncadd.s32 $0xFFFFC000  }
0x93: {  	_ =	swait.ge [sflag:s1], $0x80  }
0x94: {  	[sflag:s1] =	ssyncset.done $0x0  }
0x95: {  	[sflag:s1] =	ssyncadd.s32 $0xFFFFFF80  }
0x96: {  	[tilespmem:s26], [sflag:$0x1] =	stream.indirect.gather [hbm4b:s4+s29], $0x80, s31, s29, $0xb8;
	[tilespmem:$0x1EA00] =	vst v63  }
0x97: {  	s15 =	sadd.s32 $0x30, s15  }
0x98: {  	[tilespmem:s7], [sflag:$0x6] =	stream.linear.gather [hbm4b:s15+s3], $0x80, $0x38;
	[tilespmem:$0x1EA00] =	vst v63  }
0x99: {  	_ =	swait.ge [sflag:s9], $0x4000  }
0x9a: {  	[sflag:s9] =	ssyncset.done $0x0  }
0x9b: {  	s16 =	sadd.s32 $0x80, s14;
	[sflag:s9] =	ssyncadd.s32 $0xFFFFC000  }
0x9c: {  	[spmem:s2] =	stream.indirect.scatter.add.f32 [tilespmem:s30], [sflag:$0x7], $0x80, s16, s29, $0xb8;
	[tilespmem:$0x1EA00] =	vst v63  }
0x9d: {  	_ =	swait.ge [sflag:s28], $0x4000  }
0x9e: {  	p0 =	seq.s32 s8, $0x4C0;
	[sflag:s28] =	ssyncset.done $0x0  }
.Ltmp3:
0x9f: {  	[sflag:s28] =	ssyncadd.s32 $0xFFFFC000;
	(pc) =	sbr.rel @p0 .LBB2_6-.Ltmp3, $4  }
0xa0: {  	_ =	swait.ge [sflag:s10], $0x80  }
0xa1: {  	[sflag:s10] =	ssyncset.done $0x0  }
0xa2: {  	[sflag:s10] =	ssyncadd.s32 $0xFFFFFF80  }
0xa3: {  	[tilespmem:s30], [sflag:$0x2] =	stream.indirect.gather [hbm4b:s4+s29], $0x80, s7, s29, $0xb8;
	[tilespmem:$0x1EA00] =	vst v63  }
0xa4: {  	s15 =	sadd.s32 s8, s25  }
0xa5: {  	s16 =	sadd.s32 $0x40, s15  }
0xa6: {  	[tilespmem:s3], [sflag:$0x3] =	stream.linear.gather [hbm4b:s16+s3], $0x80, $0x38;
	[tilespmem:$0x1EA00] =	vst v63  }
0xa7: {  	_ =	swait.ge [sflag:s0], $0x4000  }
0xa8: {  	[sflag:s0] =	ssyncset.done $0x0  }
0xa9: {  	s16 =	sadd.s32 $0x100, s14;
	[sflag:s0] =	ssyncadd.s32 $0xFFFFC000  }
0xaa: {  	[spmem:s2] =	stream.indirect.scatter.add.f32 [tilespmem:s26], [sflag:$0x7], $0x80, s16, s29, $0xb8;
	[tilespmem:$0x1EA00] =	vst v63  }
0xab: {  	_ =	swait.ge [sflag:s28], $0x4000  }
0xac: {  	[sflag:s28] =	ssyncset.done $0x0  }
0xad: {  	[sflag:s28] =	ssyncadd.s32 $0xFFFFC000  }
0xae: {  	_ =	swait.ge [sflag:s11], $0x80  }
0xaf: {  	[sflag:s11] =	ssyncset.done $0x0  }
0xb0: {  	[sflag:s11] =	ssyncadd.s32 $0xFFFFFF80  }
0xb1: {  	[tilespmem:s26], [sflag:$0x1] =	stream.indirect.gather [hbm4b:s4+s29], $0x80, s3, s29, $0xb8;
	[tilespmem:$0x1EA00] =	vst v63  }
0xb2: {  	s15 =	sadd.s32 $0x50, s15  }
0xb3: {  	[tilespmem:s29], [sflag:$0x4] =	stream.linear.gather [hbm4b:s15+s3], $0x80, $0x38;
	[tilespmem:$0x1EA00] =	vst v63  }
0xb4: {  	_ =	swait.ge [sflag:s9], $0x4000  }
0xb5: {  	[sflag:s9] =	ssyncset.done $0x0  }
0xb6: {  	s16 =	sadd.s32 $0x180, s14;
	[sflag:s9] =	ssyncadd.s32 $0xFFFFC000  }
0xb7: {  	[spmem:s2] =	stream.indirect.scatter.add.f32 [tilespmem:s30], [sflag:$0x7], $0x80, s16, s29, $0xb8;
	[tilespmem:$0x1EA00] =	vst v63  }
0xb8: {  	_ =	swait.ge [sflag:s28], $0x4000  }
0xb9: {  	[sflag:s28] =	ssyncset.done $0x0  }
.Ltmp4:
0xba: {  	[sflag:s28] =	ssyncadd.s32 $0xFFFFC000;
	(pc) =	sbr.rel .LBB2_4-.Ltmp4, $4  }
0xbb: {  	_ =	swait.ge [sflag:s12], $0x80  }
0xbc: {  	[sflag:s12] =	ssyncset.done $0x0  }
0xbd: {  	s8 =	sadd.s32 $0x40, s8;
	s14 =	sadd.s32 $0x200, s14;
	[sflag:s12] =	ssyncadd.s32 $0xFFFFFF80  }
0xbe: {  	[tilespmem:s30], [sflag:$0x2] =	stream.indirect.gather [hbm4b:s4+s29], $0x80, s29, s29, $0xb8;
	[tilespmem:$0x1EA00] =	vst v63  }
.LBB2_7:
0xbf: {  	_ =	sfence.sel $0x180000  }
0xc0: {  	[bflag:$0x0] =	sbarrier.arrive $0xFFFF  }
0xc1: {  	_ =	strace $0x90000050  }
0xc2: {  	s0 =	stileid.u32;
	[bflag:$0x2] =	sbarrier.arrive $0xFFFF  }
0xc3: {  	p0 =	sne.s32 s0, $0x0;
	s0 =	rddreg [dreg:$0x2]  }
0xc4: {  	s0 =	sadd.s32 @!p0 $0x100000, s0  }
0xc5: {  	[sflag:s0] =	ssyncadd.tile.s32 @!p0 $0x1;
	_ =	shalt  }
.Lfunc_end2:
_tile_overlayer_lowered:
.L_overlay_start_2:
0xc6: {  	(tag) =	ssettag $0x2  }
0xc7: {  	s0 =	rddreg [dreg:$0x0];
	s2 =	stileid.u32  }
0xc8: {  	s1 =	rddreg [dreg:$0x1];
	p0 =	sne.s32 s2, $0x0  }
0xc9: {  	s3 =	rddreg [dreg:$0x2];
	[bflag:$0x3] =	sbarrier.arrive $0xFFFF;
	s2 =	simm.s32 @!p0 $0x1C07  }
0xca: {  	[timem:s3], [sflag:s2] =	dma.local @!p0 [hbm:s0], s1  }
0xcb: {  	s0 =	simm.s32 @!p0 $0x7  }
0xcc: {  	_ =	swait.ge @!p0 [sflag:s0], s1  }
0xcd: {  	s1 =	ssub.s32 @!p0 $0x0, s1;
	[sflag:s0] =	ssyncset.done @!p0 $0x0  }
0xce: {  	[sflag:s0] =	ssyncadd.s32 @!p0 s1  }
0xcf: {  	[bflag:$0x3] =	sbarrier.arrive $0xFFFF  }
0xd0: {  	_ =	shalt  }

</sc_bundles>
